<compile_context>
chip_gen: v7x
topology: tpu7x:2x2x1
jax: 0.10.2.dev20260603
libtpu: 0.0.44.dev20260713+nightly
codegen_flags: <defaults>
</compile_context>

<pallas_src>
import functools

import jax
import jax.numpy as jnp
from jax import lax
from jax.experimental import pallas as pl
from jax.experimental.pallas import tpu as pltpu
from jax.experimental.pallas import tpu_sc as plsc

BATCH = 16384
INPUT_DIM = 39
N_CONT = 13
N_CAT = 26
VOCAB = 100000
EMB = 64
OUT_DIM = N_CONT + N_CAT * EMB

NUM_CORES = 2
NUM_SUBCORES = 16
NW = NUM_CORES * NUM_SUBCORES
BPW = BATCH // NW
CB = 64
NCH = BPW // CB
NB = 2
TABW = 2 * EMB
LANES = 16
GRP = CB // LANES


def _body(xt_hbm, tab_hbm, out_hbm, xv, idxv, stage, rows, sems):
    wid = lax.axis_index("s") * NUM_CORES + lax.axis_index("c")
    base = wid * BPW
    lanes = lax.iota(jnp.int32, LANES)

    def place(c, buf):
        col0 = N_CONT + c * EMB

        def place_body(r, icarry):
            rvec = jnp.full((LANES,), r, jnp.int32)
            for k in range(EMB // LANES):
                v = buf[r, pl.ds(k * LANES, LANES)]
                plsc.store_scatter(stage, [rvec, col0 + k * LANES + lanes], v)
            return icarry

        lax.fori_loop(0, CB, place_body, 0)

    def chunk_body(ch, carry):
        row0 = base + ch * CB

        pltpu.sync_copy(xt_hbm.at[:, pl.ds(row0, CB)], xv)

        for c in range(N_CAT):
            def idx_body(g, icarry, c=c):
                v = xv[N_CONT + c, pl.ds(g * LANES, LANES)] + c * VOCAB
                idxv[c, pl.ds(g * LANES, LANES)] = v
                return icarry

            lax.fori_loop(0, GRP, idx_body, 0)

        for j in range(N_CONT):
            def cont_body(g, icarry, j=j):
                v = xv[j, pl.ds(g * LANES, LANES)]
                plsc.store_scatter(
                    stage,
                    [g * LANES + lanes, jnp.full((LANES,), j, jnp.int32)],
                    v.astype(jnp.float32))
                return icarry

            lax.fori_loop(0, GRP, cont_body, 0)

        def gather(c):
            return pltpu.async_copy(
                tab_hbm.at[idxv.at[c]], rows[c % NB], sems[c % NB])

        copies = [gather(c) for c in range(NB)]
        for c in range(N_CAT):
            copies[c % NB].wait()
            place(c, rows[c % NB])
            if c + NB < N_CAT:
                copies[(c + NB) % NB] = gather(c + NB)

        pltpu.sync_copy(stage, out_hbm.at[pl.ds(row0, CB)])
        return carry

    lax.fori_loop(0, NCH, chunk_body, 0)


@jax.jit
def _run(xt, tab_flat):
    mesh = plsc.VectorSubcoreMesh(core_axis_name="c", subcore_axis_name="s")
    kern = functools.partial(
        pl.kernel,
        out_type=jax.ShapeDtypeStruct((BATCH, OUT_DIM), jnp.float32),
        mesh=mesh,
        compiler_params=pltpu.CompilerParams(
            use_tc_tiling_on_sc=False, needs_layout_passes=False),
        scratch_types=[
            pltpu.VMEM((INPUT_DIM, CB), jnp.int32),
            pltpu.VMEM((N_CAT, CB), jnp.int32),
            pltpu.VMEM((CB, OUT_DIM), jnp.float32),
            [pltpu.VMEM((CB, TABW), jnp.float32)] * NB,
            [pltpu.SemaphoreType.DMA] * NB,
        ],
    )(_body)
    return kern(xt, tab_flat)


def kernel(x, tables):
    xt = x.T
    tab128 = jnp.pad(tables.reshape(N_CAT * VOCAB, EMB), ((0, 0), (0, EMB)))
    return _run(xt, tab128)

# --- scband reference (transcript-rebuilt; emitter-appended) ---
"""Pipeline reference for scband-embedding-generator-12455405158794 (READ-ONLY COPY).

The authoritative reference and input builder live on the scoring server;
editing this copy changes nothing except your own understanding.
"""

import jax, jax.numpy as jnp
import numpy as np

BATCH = 16384
INPUT_DIM = 39
N_CONT = 13
N_CAT = 26
VOCAB = 100000
EMB = 64


def setup_inputs(seed: int = 0) -> dict:
    key = jax.random.key(seed)
    k1, k2 = jax.random.split(key)
    x = jax.random.randint(k1, (BATCH, INPUT_DIM), 0, VOCAB, dtype=jnp.int32)
    tables = jax.random.normal(k2, (N_CAT, VOCAB, EMB), dtype=jnp.float32) * 0.02
    return {"x": x, "tables": tables}


def reference(x, tables):
    # Faithful translation of EmbeddingGenerator.forward:
    # columns 0..12 are continuous (cast to float, keep as width-1 cols),
    # columns 13..38 are categorical -> embedding lookup into per-feature tables.
    cols = []
    cat_feat_counter = 0
    for feat_init_idx in range(INPUT_DIM):
        if feat_init_idx < N_CONT:
            cols.append(x[:, feat_init_idx].astype(jnp.float32)[:, None])
        else:
            idx = x[:, feat_init_idx]
            cols.append(jnp.take(tables[cat_feat_counter], idx, axis=0))
            cat_feat_counter += 1
    post_embeddings = jnp.concatenate(cols, axis=1)
    return post_embeddings

if __name__ == "__main__":
    import jax
    _d = setup_inputs()
    print(jax.jit(kernel)(*tuple(_d.values())))

</pallas_src>

<mosaic_0001>
#map = affine_map<(d0, d1) -> (0, 0)>
module attributes {stable_mosaic.version = 14 : i64} {
  func.func @_body(%arg0: i32, %arg1: i32, %arg2: memref<39x16384xi32, #tpu.memory_space<hbm>>, %arg3: memref<2600000x128xf32, #tpu.memory_space<hbm>>, %arg4: memref<16384x1677xf32, #tpu.memory_space<hbm>>, %arg5: memref<39x64xi32, #tpu.memory_space<vmem>>, %arg6: memref<26x64xi32, #tpu.memory_space<vmem>>, %arg7: memref<64x1677xf32, #tpu.memory_space<vmem>>, %arg8: memref<64x128xf32, #tpu.memory_space<vmem>>, %arg9: memref<64x128xf32, #tpu.memory_space<vmem>>, %arg10: memref<!tpu.dma_semaphore, #tpu.memory_space<semaphore_mem>>, %arg11: memref<!tpu.dma_semaphore, #tpu.memory_space<semaphore_mem>>) attributes {dimension_semantics = [#tpu.dimension_semantics<core_parallel>, #tpu.dimension_semantics<subcore_parallel>], iteration_bounds = array<i64: 2, 16>, scalar_prefetch = 0 : i64, scratch_operands = 7 : i64, tpu.core_type = #tpu.core_type<sc_vector_subcore>, window_params = [{transform_indices = #map}, {transform_indices = #map}, {transform_indices = #map}]} {
    %mul3A = arith.constant 2 : i32
    %mul3A_0 = arith.muli %arg1, %mul3A : i32
    %add3A = arith.addi %mul3A_0, %arg0 : i32
    %mul3A_1 = arith.constant 512 : i32
    %mul3A_2 = arith.muli %add3A, %mul3A_1 : i32
    %iota3A = tpu.iota {dimensions = array<i32: 0>} : vector<16xi32>
    %scan3A = arith.constant 0 : i32
    %scan3A_3 = arith.constant 0 : i32
    %scan3A_4 = arith.constant 8 : i32
    %scan3A_5 = arith.addi %scan3A_3, %scan3A_4 : i32
    %scan3A_6 = arith.constant 1 : i32
    scf.for %scan3A_8 = %scan3A_3 to %scan3A_5 step %scan3A_6  : i32 {
      %mul3A_9 = arith.constant 64 : i32
      %mul3A_10 = arith.muli %scan3A_8, %mul3A_9 : i32
      %add3A_11 = arith.addi %mul3A_2, %mul3A_10 : i32
      "tpu.region"() ({
        %run_scoped3A = tpu.sem_alloc : memref<!tpu.dma_semaphore, #tpu.memory_space<semaphore_mem>>
        %dma_start3A_764 = arith.constant 0 : i32
        %dma_start3A_765 = tpu.memref_slice %arg2[%dma_start3A_764, %add3A_11] : memref<39x16384xi32, #tpu.memory_space<hbm>> -> memref<39x64xi32, #tpu.memory_space<hbm>>
        %dma_start3A_766 = arith.constant 0 : i32
        %dma_start3A_767 = tpu.memref_slice %arg2[%dma_start3A_766, %add3A_11] : memref<39x16384xi32, #tpu.memory_space<hbm>> -> memref<39x64xi32, #tpu.memory_space<hbm>>
        tpu.enqueue_dma source(%dma_start3A_767 : memref<39x64xi32, #tpu.memory_space<hbm>>) target(%arg5 : memref<39x64xi32, #tpu.memory_space<vmem>>) target_semaphore(%run_scoped3A : memref<!tpu.dma_semaphore, #tpu.memory_space<semaphore_mem>>)
        %dma_wait3A_768 = arith.constant 0 : i32
        %dma_wait3A_769 = tpu.memref_slice %arg2[%dma_wait3A_768, %add3A_11] : memref<39x16384xi32, #tpu.memory_space<hbm>> -> memref<39x64xi32, #tpu.memory_space<hbm>>
        %dma_wait3A_770 = arith.constant 0 : i32
        %dma_wait3A_771 = tpu.memref_slice %arg2[%dma_wait3A_770, %add3A_11] : memref<39x16384xi32, #tpu.memory_space<hbm>> -> memref<39x64xi32, #tpu.memory_space<hbm>>
        tpu.wait_dma2 semaphore(%run_scoped3A : memref<!tpu.dma_semaphore, #tpu.memory_space<semaphore_mem>>) src(%dma_wait3A_771 : memref<39x64xi32, #tpu.memory_space<hbm>>) dst(%arg5 : memref<39x64xi32, #tpu.memory_space<vmem>>)
        tpu.yield
      }) : () -> ()
      %scan3A_12 = arith.constant 0 : i32
      %scan3A_13 = arith.constant 0 : i32
      %scan3A_14 = arith.constant 4 : i32
      %scan3A_15 = arith.addi %scan3A_13, %scan3A_14 : i32
      %scan3A_16 = arith.constant 1 : i32
      scf.for %scan3A_764 = %scan3A_13 to %scan3A_15 step %scan3A_16  : i32 {
        %mul3A_765 = arith.constant 16 : i32
        %mul3A_766 = arith.muli %scan3A_764, %mul3A_765 : i32
        %get3A = arith.constant 13 : i32
        %get3A_767 = arith.index_cast %get3A : i32 to index
        %get3A_768 = arith.index_cast %mul3A_766 : i32 to index
        %get3A_769 = tpu.vector_load %arg5[%get3A_767, %get3A_768] {strides = array<i32>} : memref<39x64xi32, #tpu.memory_space<vmem>>, vector<16xi32>,
        %add3A_770 = arith.constant 0 : i32
        %add3A_771 = vector.broadcast %add3A_770 : i32 to vector<16xi32>
        %add3A_772 = arith.addi %get3A_769, %add3A_771 : vector<16xi32>
        %mul3A_773 = arith.constant 16 : i32
        %mul3A_774 = arith.muli %scan3A_764, %mul3A_773 : i32
        %swap3A = arith.constant 0 : i32
        %swap3A_775 = arith.index_cast %swap3A : i32 to index
        %swap3A_776 = arith.index_cast %mul3A_774 : i32 to index
        %swap3A_777 = tpu.vector_load %arg6[%swap3A_775, %swap3A_776] {strides = array<i32>} : memref<26x64xi32, #tpu.memory_space<vmem>>, vector<16xi32>,
        tpu.vector_store %arg6[%swap3A_775, %swap3A_776], %add3A_772 {strides = array<i32>} : memref<26x64xi32, #tpu.memory_space<vmem>>, vector<16xi32>,
      }
      %scan3A_17 = arith.constant 4 : i32
      %scan3A_18 = arith.constant 0 : i32
      %scan3A_19 = arith.constant 0 : i32
      %scan3A_20 = arith.constant 4 : i32
      %scan3A_21 = arith.addi %scan3A_19, %scan3A_20 : i32
      %scan3A_22 = arith.constant 1 : i32
      scf.for %scan3A_764 = %scan3A_19 to %scan3A_21 step %scan3A_22  : i32 {
        %mul3A_765 = arith.constant 16 : i32
        %mul3A_766 = arith.muli %scan3A_764, %mul3A_765 : i32
        %get3A = arith.constant 14 : i32
        %get3A_767 = arith.index_cast %get3A : i32 to index
        %get3A_768 = arith.index_cast %mul3A_766 : i32 to index
        %get3A_769 = tpu.vector_load %arg5[%get3A_767, %get3A_768] {strides = array<i32>} : memref<39x64xi32, #tpu.memory_space<vmem>>, vector<16xi32>,
        %add3A_770 = arith.constant 100000 : i32
        %add3A_771 = vector.broadcast %add3A_770 : i32 to vector<16xi32>
        %add3A_772 = arith.addi %get3A_769, %add3A_771 : vector<16xi32>
        %mul3A_773 = arith.constant 16 : i32
        %mul3A_774 = arith.muli %scan3A_764, %mul3A_773 : i32
        %swap3A = arith.constant 1 : i32
        %swap3A_775 = arith.index_cast %swap3A : i32 to index
        %swap3A_776 = arith.index_cast %mul3A_774 : i32 to index
        %swap3A_777 = tpu.vector_load %arg6[%swap3A_775, %swap3A_776] {strides = array<i32>} : memref<26x64xi32, #tpu.memory_space<vmem>>, vector<16xi32>,
        tpu.vector_store %arg6[%swap3A_775, %swap3A_776], %add3A_772 {strides = array<i32>} : memref<26x64xi32, #tpu.memory_space<vmem>>, vector<16xi32>,
      }
      %scan3A_23 = arith.constant 4 : i32
      %scan3A_24 = arith.constant 0 : i32
      %scan3A_25 = arith.constant 0 : i32
      %scan3A_26 = arith.constant 4 : i32
      %scan3A_27 = arith.addi %scan3A_25, %scan3A_26 : i32
      %scan3A_28 = arith.constant 1 : i32
      scf.for %scan3A_764 = %scan3A_25 to %scan3A_27 step %scan3A_28  : i32 {
        %mul3A_765 = arith.constant 16 : i32
        %mul3A_766 = arith.muli %scan3A_764, %mul3A_765 : i32
        %get3A = arith.constant 15 : i32
        %get3A_767 = arith.index_cast %get3A : i32 to index
        %get3A_768 = arith.index_cast %mul3A_766 : i32 to index
        %get3A_769 = tpu.vector_load %arg5[%get3A_767, %get3A_768] {strides = array<i32>} : memref<39x64xi32, #tpu.memory_space<vmem>>, vector<16xi32>,
        %add3A_770 = arith.constant 200000 : i32
        %add3A_771 = vector.broadcast %add3A_770 : i32 to vector<16xi32>
        %add3A_772 = arith.addi %get3A_769, %add3A_771 : vector<16xi32>
        %mul3A_773 = arith.constant 16 : i32
        %mul3A_774 = arith.muli %scan3A_764, %mul3A_773 : i32
        %swap3A = arith.constant 2 : i32
        %swap3A_775 = arith.index_cast %swap3A : i32 to index
        %swap3A_776 = arith.index_cast %mul3A_774 : i32 to index
        %swap3A_777 = tpu.vector_load %arg6[%swap3A_775, %swap3A_776] {strides = array<i32>} : memref<26x64xi32, #tpu.memory_space<vmem>>, vector<16xi32>,
        tpu.vector_store %arg6[%swap3A_775, %swap3A_776], %add3A_772 {strides = array<i32>} : memref<26x64xi32, #tpu.memory_space<vmem>>, vector<16xi32>,
      }
      %scan3A_29 = arith.constant 4 : i32
      %scan3A_30 = arith.constant 0 : i32
      %scan3A_31 = arith.constant 0 : i32
      %scan3A_32 = arith.constant 4 : i32
      %scan3A_33 = arith.addi %scan3A_31, %scan3A_32 : i32
      %scan3A_34 = arith.constant 1 : i32
      scf.for %scan3A_764 = %scan3A_31 to %scan3A_33 step %scan3A_34  : i32 {
        %mul3A_765 = arith.constant 16 : i32
        %mul3A_766 = arith.muli %scan3A_764, %mul3A_765 : i32
        %get3A = arith.constant 16 : i32
        %get3A_767 = arith.index_cast %get3A : i32 to index
        %get3A_768 = arith.index_cast %mul3A_766 : i32 to index
        %get3A_769 = tpu.vector_load %arg5[%get3A_767, %get3A_768] {strides = array<i32>} : memref<39x64xi32, #tpu.memory_space<vmem>>, vector<16xi32>,
        %add3A_770 = arith.constant 300000 : i32
        %add3A_771 = vector.broadcast %add3A_770 : i32 to vector<16xi32>
        %add3A_772 = arith.addi %get3A_769, %add3A_771 : vector<16xi32>
        %mul3A_773 = arith.constant 16 : i32
        %mul3A_774 = arith.muli %scan3A_764, %mul3A_773 : i32
        %swap3A = arith.constant 3 : i32
        %swap3A_775 = arith.index_cast %swap3A : i32 to index
        %swap3A_776 = arith.index_cast %mul3A_774 : i32 to index
        %swap3A_777 = tpu.vector_load %arg6[%swap3A_775, %swap3A_776] {strides = array<i32>} : memref<26x64xi32, #tpu.memory_space<vmem>>, vector<16xi32>,
        tpu.vector_store %arg6[%swap3A_775, %swap3A_776], %add3A_772 {strides = array<i32>} : memref<26x64xi32, #tpu.memory_space<vmem>>, vector<16xi32>,
      }
      %scan3A_35 = arith.constant 4 : i32
      %scan3A_36 = arith.constant 0 : i32
      %scan3A_37 = arith.constant 0 : i32
      %scan3A_38 = arith.constant 4 : i32
      %scan3A_39 = arith.addi %scan3A_37, %scan3A_38 : i32
      %scan3A_40 = arith.constant 1 : i32
      scf.for %scan3A_764 = %scan3A_37 to %scan3A_39 step %scan3A_40  : i32 {
        %mul3A_765 = arith.constant 16 : i32
        %mul3A_766 = arith.muli %scan3A_764, %mul3A_765 : i32
        %get3A = arith.constant 17 : i32
        %get3A_767 = arith.index_cast %get3A : i32 to index
        %get3A_768 = arith.index_cast %mul3A_766 : i32 to index
        %get3A_769 = tpu.vector_load %arg5[%get3A_767, %get3A_768] {strides = array<i32>} : memref<39x64xi32, #tpu.memory_space<vmem>>, vector<16xi32>,
        %add3A_770 = arith.constant 400000 : i32
        %add3A_771 = vector.broadcast %add3A_770 : i32 to vector<16xi32>
        %add3A_772 = arith.addi %get3A_769, %add3A_771 : vector<16xi32>
        %mul3A_773 = arith.constant 16 : i32
        %mul3A_774 = arith.muli %scan3A_764, %mul3A_773 : i32
        %swap3A = arith.constant 4 : i32
        %swap3A_775 = arith.index_cast %swap3A : i32 to index
        %swap3A_776 = arith.index_cast %mul3A_774 : i32 to index
        %swap3A_777 = tpu.vector_load %arg6[%swap3A_775, %swap3A_776] {strides = array<i32>} : memref<26x64xi32, #tpu.memory_space<vmem>>, vector<16xi32>,
        tpu.vector_store %arg6[%swap3A_775, %swap3A_776], %add3A_772 {strides = array<i32>} : memref<26x64xi32, #tpu.memory_space<vmem>>, vector<16xi32>,
      }
      %scan3A_41 = arith.constant 4 : i32
      %scan3A_42 = arith.constant 0 : i32
      %scan3A_43 = arith.constant 0 : i32
      %scan3A_44 = arith.constant 4 : i32
      %scan3A_45 = arith.addi %scan3A_43, %scan3A_44 : i32
      %scan3A_46 = arith.constant 1 : i32
      scf.for %scan3A_764 = %scan3A_43 to %scan3A_45 step %scan3A_46  : i32 {
        %mul3A_765 = arith.constant 16 : i32
        %mul3A_766 = arith.muli %scan3A_764, %mul3A_765 : i32
        %get3A = arith.constant 18 : i32
        %get3A_767 = arith.index_cast %get3A : i32 to index
        %get3A_768 = arith.index_cast %mul3A_766 : i32 to index
        %get3A_769 = tpu.vector_load %arg5[%get3A_767, %get3A_768] {strides = array<i32>} : memref<39x64xi32, #tpu.memory_space<vmem>>, vector<16xi32>,
        %add3A_770 = arith.constant 500000 : i32
        %add3A_771 = vector.broadcast %add3A_770 : i32 to vector<16xi32>
        %add3A_772 = arith.addi %get3A_769, %add3A_771 : vector<16xi32>
        %mul3A_773 = arith.constant 16 : i32
        %mul3A_774 = arith.muli %scan3A_764, %mul3A_773 : i32
        %swap3A = arith.constant 5 : i32
        %swap3A_775 = arith.index_cast %swap3A : i32 to index
        %swap3A_776 = arith.index_cast %mul3A_774 : i32 to index
        %swap3A_777 = tpu.vector_load %arg6[%swap3A_775, %swap3A_776] {strides = array<i32>} : memref<26x64xi32, #tpu.memory_space<vmem>>, vector<16xi32>,
        tpu.vector_store %arg6[%swap3A_775, %swap3A_776], %add3A_772 {strides = array<i32>} : memref<26x64xi32, #tpu.memory_space<vmem>>, vector<16xi32>,
      }
      %scan3A_47 = arith.constant 4 : i32
      %scan3A_48 = arith.constant 0 : i32
      %scan3A_49 = arith.constant 0 : i32
      %scan3A_50 = arith.constant 4 : i32
      %scan3A_51 = arith.addi %scan3A_49, %scan3A_50 : i32
      %scan3A_52 = arith.constant 1 : i32
      scf.for %scan3A_764 = %scan3A_49 to %scan3A_51 step %scan3A_52  : i32 {
        %mul3A_765 = arith.constant 16 : i32
        %mul3A_766 = arith.muli %scan3A_764, %mul3A_765 : i32
        %get3A = arith.constant 19 : i32
        %get3A_767 = arith.index_cast %get3A : i32 to index
        %get3A_768 = arith.index_cast %mul3A_766 : i32 to index
        %get3A_769 = tpu.vector_load %arg5[%get3A_767, %get3A_768] {strides = array<i32>} : memref<39x64xi32, #tpu.memory_space<vmem>>, vector<16xi32>,
        %add3A_770 = arith.constant 600000 : i32
        %add3A_771 = vector.broadcast %add3A_770 : i32 to vector<16xi32>
        %add3A_772 = arith.addi %get3A_769, %add3A_771 : vector<16xi32>
        %mul3A_773 = arith.constant 16 : i32
        %mul3A_774 = arith.muli %scan3A_764, %mul3A_773 : i32
        %swap3A = arith.constant 6 : i32
        %swap3A_775 = arith.index_cast %swap3A : i32 to index
        %swap3A_776 = arith.index_cast %mul3A_774 : i32 to index
        %swap3A_777 = tpu.vector_load %arg6[%swap3A_775, %swap3A_776] {strides = array<i32>} : memref<26x64xi32, #tpu.memory_space<vmem>>, vector<16xi32>,
        tpu.vector_store %arg6[%swap3A_775, %swap3A_776], %add3A_772 {strides = array<i32>} : memref<26x64xi32, #tpu.memory_space<vmem>>, vector<16xi32>,
      }
      %scan3A_53 = arith.constant 4 : i32
      %scan3A_54 = arith.constant 0 : i32
      %scan3A_55 = arith.constant 0 : i32
      %scan3A_56 = arith.constant 4 : i32
      %scan3A_57 = arith.addi %scan3A_55, %scan3A_56 : i32
      %scan3A_58 = arith.constant 1 : i32
      scf.for %scan3A_764 = %scan3A_55 to %scan3A_57 step %scan3A_58  : i32 {
        %mul3A_765 = arith.constant 16 : i32
        %mul3A_766 = arith.muli %scan3A_764, %mul3A_765 : i32
        %get3A = arith.constant 20 : i32
        %get3A_767 = arith.index_cast %get3A : i32 to index
        %get3A_768 = arith.index_cast %mul3A_766 : i32 to index
        %get3A_769 = tpu.vector_load %arg5[%get3A_767, %get3A_768] {strides = array<i32>} : memref<39x64xi32, #tpu.memory_space<vmem>>, vector<16xi32>,
        %add3A_770 = arith.constant 700000 : i32
        %add3A_771 = vector.broadcast %add3A_770 : i32 to vector<16xi32>
        %add3A_772 = arith.addi %get3A_769, %add3A_771 : vector<16xi32>
        %mul3A_773 = arith.constant 16 : i32
        %mul3A_774 = arith.muli %scan3A_764, %mul3A_773 : i32
        %swap3A = arith.constant 7 : i32
        %swap3A_775 = arith.index_cast %swap3A : i32 to index
        %swap3A_776 = arith.index_cast %mul3A_774 : i32 to index
        %swap3A_777 = tpu.vector_load %arg6[%swap3A_775, %swap3A_776] {strides = array<i32>} : memref<26x64xi32, #tpu.memory_space<vmem>>, vector<16xi32>,
        tpu.vector_store %arg6[%swap3A_775, %swap3A_776], %add3A_772 {strides = array<i32>} : memref<26x64xi32, #tpu.memory_space<vmem>>, vector<16xi32>,
      }
      %scan3A_59 = arith.constant 4 : i32
      %scan3A_60 = arith.constant 0 : i32
      %scan3A_61 = arith.constant 0 : i32
      %scan3A_62 = arith.constant 4 : i32
      %scan3A_63 = arith.addi %scan3A_61, %scan3A_62 : i32
      %scan3A_64 = arith.constant 1 : i32
      scf.for %scan3A_764 = %scan3A_61 to %scan3A_63 step %scan3A_64  : i32 {
        %mul3A_765 = arith.constant 16 : i32
        %mul3A_766 = arith.muli %scan3A_764, %mul3A_765 : i32
        %get3A = arith.constant 21 : i32
        %get3A_767 = arith.index_cast %get3A : i32 to index
        %get3A_768 = arith.index_cast %mul3A_766 : i32 to index
        %get3A_769 = tpu.vector_load %arg5[%get3A_767, %get3A_768] {strides = array<i32>} : memref<39x64xi32, #tpu.memory_space<vmem>>, vector<16xi32>,
        %add3A_770 = arith.constant 800000 : i32
        %add3A_771 = vector.broadcast %add3A_770 : i32 to vector<16xi32>
        %add3A_772 = arith.addi %get3A_769, %add3A_771 : vector<16xi32>
        %mul3A_773 = arith.constant 16 : i32
        %mul3A_774 = arith.muli %scan3A_764, %mul3A_773 : i32
        %swap3A = arith.constant 8 : i32
        %swap3A_775 = arith.index_cast %swap3A : i32 to index
        %swap3A_776 = arith.index_cast %mul3A_774 : i32 to index
        %swap3A_777 = tpu.vector_load %arg6[%swap3A_775, %swap3A_776] {strides = array<i32>} : memref<26x64xi32, #tpu.memory_space<vmem>>, vector<16xi32>,
        tpu.vector_store %arg6[%swap3A_775, %swap3A_776], %add3A_772 {strides = array<i32>} : memref<26x64xi32, #tpu.memory_space<vmem>>, vector<16xi32>,
      }
      %scan3A_65 = arith.constant 4 : i32
      %scan3A_66 = arith.constant 0 : i32
      %scan3A_67 = arith.constant 0 : i32
      %scan3A_68 = arith.constant 4 : i32
      %scan3A_69 = arith.addi %scan3A_67, %scan3A_68 : i32
      %scan3A_70 = arith.constant 1 : i32
      scf.for %scan3A_764 = %scan3A_67 to %scan3A_69 step %scan3A_70  : i32 {
        %mul3A_765 = arith.constant 16 : i32
        %mul3A_766 = arith.muli %scan3A_764, %mul3A_765 : i32
        %get3A = arith.constant 22 : i32
        %get3A_767 = arith.index_cast %get3A : i32 to index
        %get3A_768 = arith.index_cast %mul3A_766 : i32 to index
        %get3A_769 = tpu.vector_load %arg5[%get3A_767, %get3A_768] {strides = array<i32>} : memref<39x64xi32, #tpu.memory_space<vmem>>, vector<16xi32>,
        %add3A_770 = arith.constant 900000 : i32
        %add3A_771 = vector.broadcast %add3A_770 : i32 to vector<16xi32>
        %add3A_772 = arith.addi %get3A_769, %add3A_771 : vector<16xi32>
        %mul3A_773 = arith.constant 16 : i32
        %mul3A_774 = arith.muli %scan3A_764, %mul3A_773 : i32
        %swap3A = arith.constant 9 : i32
        %swap3A_775 = arith.index_cast %swap3A : i32 to index
        %swap3A_776 = arith.index_cast %mul3A_774 : i32 to index
        %swap3A_777 = tpu.vector_load %arg6[%swap3A_775, %swap3A_776] {strides = array<i32>} : memref<26x64xi32, #tpu.memory_space<vmem>>, vector<16xi32>,
        tpu.vector_store %arg6[%swap3A_775, %swap3A_776], %add3A_772 {strides = array<i32>} : memref<26x64xi32, #tpu.memory_space<vmem>>, vector<16xi32>,
      }
      %scan3A_71 = arith.constant 4 : i32
      %scan3A_72 = arith.constant 0 : i32
      %scan3A_73 = arith.constant 0 : i32
      %scan3A_74 = arith.constant 4 : i32
      %scan3A_75 = arith.addi %scan3A_73, %scan3A_74 : i32
      %scan3A_76 = arith.constant 1 : i32
      scf.for %scan3A_764 = %scan3A_73 to %scan3A_75 step %scan3A_76  : i32 {
        %mul3A_765 = arith.constant 16 : i32
        %mul3A_766 = arith.muli %scan3A_764, %mul3A_765 : i32
        %get3A = arith.constant 23 : i32
        %get3A_767 = arith.index_cast %get3A : i32 to index
        %get3A_768 = arith.index_cast %mul3A_766 : i32 to index
        %get3A_769 = tpu.vector_load %arg5[%get3A_767, %get3A_768] {strides = array<i32>} : memref<39x64xi32, #tpu.memory_space<vmem>>, vector<16xi32>,
        %add3A_770 = arith.constant 1000000 : i32
        %add3A_771 = vector.broadcast %add3A_770 : i32 to vector<16xi32>
        %add3A_772 = arith.addi %get3A_769, %add3A_771 : vector<16xi32>
        %mul3A_773 = arith.constant 16 : i32
        %mul3A_774 = arith.muli %scan3A_764, %mul3A_773 : i32
        %swap3A = arith.constant 10 : i32
        %swap3A_775 = arith.index_cast %swap3A : i32 to index
        %swap3A_776 = arith.index_cast %mul3A_774 : i32 to index
        %swap3A_777 = tpu.vector_load %arg6[%swap3A_775, %swap3A_776] {strides = array<i32>} : memref<26x64xi32, #tpu.memory_space<vmem>>, vector<16xi32>,
        tpu.vector_store %arg6[%swap3A_775, %swap3A_776], %add3A_772 {strides = array<i32>} : memref<26x64xi32, #tpu.memory_space<vmem>>, vector<16xi32>,
      }
      %scan3A_77 = arith.constant 4 : i32
      %scan3A_78 = arith.constant 0 : i32
      %scan3A_79 = arith.constant 0 : i32
      %scan3A_80 = arith.constant 4 : i32
      %scan3A_81 = arith.addi %scan3A_79, %scan3A_80 : i32
      %scan3A_82 = arith.constant 1 : i32
      scf.for %scan3A_764 = %scan3A_79 to %scan3A_81 step %scan3A_82  : i32 {
        %mul3A_765 = arith.constant 16 : i32
        %mul3A_766 = arith.muli %scan3A_764, %mul3A_765 : i32
        %get3A = arith.constant 24 : i32
        %get3A_767 = arith.index_cast %get3A : i32 to index
        %get3A_768 = arith.index_cast %mul3A_766 : i32 to index
        %get3A_769 = tpu.vector_load %arg5[%get3A_767, %get3A_768] {strides = array<i32>} : memref<39x64xi32, #tpu.memory_space<vmem>>, vector<16xi32>,
        %add3A_770 = arith.constant 1100000 : i32
        %add3A_771 = vector.broadcast %add3A_770 : i32 to vector<16xi32>
        %add3A_772 = arith.addi %get3A_769, %add3A_771 : vector<16xi32>
        %mul3A_773 = arith.constant 16 : i32
        %mul3A_774 = arith.muli %scan3A_764, %mul3A_773 : i32
        %swap3A = arith.constant 11 : i32
        %swap3A_775 = arith.index_cast %swap3A : i32 to index
        %swap3A_776 = arith.index_cast %mul3A_774 : i32 to index
        %swap3A_777 = tpu.vector_load %arg6[%swap3A_775, %swap3A_776] {strides = array<i32>} : memref<26x64xi32, #tpu.memory_space<vmem>>, vector<16xi32>,
        tpu.vector_store %arg6[%swap3A_775, %swap3A_776], %add3A_772 {strides = array<i32>} : memref<26x64xi32, #tpu.memory_space<vmem>>, vector<16xi32>,
      }
      %scan3A_83 = arith.constant 4 : i32
      %scan3A_84 = arith.constant 0 : i32
      %scan3A_85 = arith.constant 0 : i32
      %scan3A_86 = arith.constant 4 : i32
      %scan3A_87 = arith.addi %scan3A_85, %scan3A_86 : i32
      %scan3A_88 = arith.constant 1 : i32
      scf.for %scan3A_764 = %scan3A_85 to %scan3A_87 step %scan3A_88  : i32 {
        %mul3A_765 = arith.constant 16 : i32
        %mul3A_766 = arith.muli %scan3A_764, %mul3A_765 : i32
        %get3A = arith.constant 25 : i32
        %get3A_767 = arith.index_cast %get3A : i32 to index
        %get3A_768 = arith.index_cast %mul3A_766 : i32 to index
        %get3A_769 = tpu.vector_load %arg5[%get3A_767, %get3A_768] {strides = array<i32>} : memref<39x64xi32, #tpu.memory_space<vmem>>, vector<16xi32>,
        %add3A_770 = arith.constant 1200000 : i32
        %add3A_771 = vector.broadcast %add3A_770 : i32 to vector<16xi32>
        %add3A_772 = arith.addi %get3A_769, %add3A_771 : vector<16xi32>
        %mul3A_773 = arith.constant 16 : i32
        %mul3A_774 = arith.muli %scan3A_764, %mul3A_773 : i32
        %swap3A = arith.constant 12 : i32
        %swap3A_775 = arith.index_cast %swap3A : i32 to index
        %swap3A_776 = arith.index_cast %mul3A_774 : i32 to index
        %swap3A_777 = tpu.vector_load %arg6[%swap3A_775, %swap3A_776] {strides = array<i32>} : memref<26x64xi32, #tpu.memory_space<vmem>>, vector<16xi32>,
        tpu.vector_store %arg6[%swap3A_775, %swap3A_776], %add3A_772 {strides = array<i32>} : memref<26x64xi32, #tpu.memory_space<vmem>>, vector<16xi32>,
      }
      %scan3A_89 = arith.constant 4 : i32
      %scan3A_90 = arith.constant 0 : i32
      %scan3A_91 = arith.constant 0 : i32
      %scan3A_92 = arith.constant 4 : i32
      %scan3A_93 = arith.addi %scan3A_91, %scan3A_92 : i32
      %scan3A_94 = arith.constant 1 : i32
      scf.for %scan3A_764 = %scan3A_91 to %scan3A_93 step %scan3A_94  : i32 {
        %mul3A_765 = arith.constant 16 : i32
        %mul3A_766 = arith.muli %scan3A_764, %mul3A_765 : i32
        %get3A = arith.constant 26 : i32
        %get3A_767 = arith.index_cast %get3A : i32 to index
        %get3A_768 = arith.index_cast %mul3A_766 : i32 to index
        %get3A_769 = tpu.vector_load %arg5[%get3A_767, %get3A_768] {strides = array<i32>} : memref<39x64xi32, #tpu.memory_space<vmem>>, vector<16xi32>,
        %add3A_770 = arith.constant 1300000 : i32
        %add3A_771 = vector.broadcast %add3A_770 : i32 to vector<16xi32>
        %add3A_772 = arith.addi %get3A_769, %add3A_771 : vector<16xi32>
        %mul3A_773 = arith.constant 16 : i32
        %mul3A_774 = arith.muli %scan3A_764, %mul3A_773 : i32
        %swap3A = arith.constant 13 : i32
        %swap3A_775 = arith.index_cast %swap3A : i32 to index
        %swap3A_776 = arith.index_cast %mul3A_774 : i32 to index
        %swap3A_777 = tpu.vector_load %arg6[%swap3A_775, %swap3A_776] {strides = array<i32>} : memref<26x64xi32, #tpu.memory_space<vmem>>, vector<16xi32>,
        tpu.vector_store %arg6[%swap3A_775, %swap3A_776], %add3A_772 {strides = array<i32>} : memref<26x64xi32, #tpu.memory_space<vmem>>, vector<16xi32>,
      }
      %scan3A_95 = arith.constant 4 : i32
      %scan3A_96 = arith.constant 0 : i32
      %scan3A_97 = arith.constant 0 : i32
      %scan3A_98 = arith.constant 4 : i32
      %scan3A_99 = arith.addi %scan3A_97, %scan3A_98 : i32
      %scan3A_100 = arith.constant 1 : i32
      scf.for %scan3A_764 = %scan3A_97 to %scan3A_99 step %scan3A_100  : i32 {
        %mul3A_765 = arith.constant 16 : i32
        %mul3A_766 = arith.muli %scan3A_764, %mul3A_765 : i32
        %get3A = arith.constant 27 : i32
        %get3A_767 = arith.index_cast %get3A : i32 to index
        %get3A_768 = arith.index_cast %mul3A_766 : i32 to index
        %get3A_769 = tpu.vector_load %arg5[%get3A_767, %get3A_768] {strides = array<i32>} : memref<39x64xi32, #tpu.memory_space<vmem>>, vector<16xi32>,
        %add3A_770 = arith.constant 1400000 : i32
        %add3A_771 = vector.broadcast %add3A_770 : i32 to vector<16xi32>
        %add3A_772 = arith.addi %get3A_769, %add3A_771 : vector<16xi32>
        %mul3A_773 = arith.constant 16 : i32
        %mul3A_774 = arith.muli %scan3A_764, %mul3A_773 : i32
        %swap3A = arith.constant 14 : i32
        %swap3A_775 = arith.index_cast %swap3A : i32 to index
        %swap3A_776 = arith.index_cast %mul3A_774 : i32 to index
        %swap3A_777 = tpu.vector_load %arg6[%swap3A_775, %swap3A_776] {strides = array<i32>} : memref<26x64xi32, #tpu.memory_space<vmem>>, vector<16xi32>,
        tpu.vector_store %arg6[%swap3A_775, %swap3A_776], %add3A_772 {strides = array<i32>} : memref<26x64xi32, #tpu.memory_space<vmem>>, vector<16xi32>,
      }
      %scan3A_101 = arith.constant 4 : i32
      %scan3A_102 = arith.constant 0 : i32
      %scan3A_103 = arith.constant 0 : i32
      %scan3A_104 = arith.constant 4 : i32
      %scan3A_105 = arith.addi %scan3A_103, %scan3A_104 : i32
      %scan3A_106 = arith.constant 1 : i32
      scf.for %scan3A_764 = %scan3A_103 to %scan3A_105 step %scan3A_106  : i32 {
        %mul3A_765 = arith.constant 16 : i32
        %mul3A_766 = arith.muli %scan3A_764, %mul3A_765 : i32
        %get3A = arith.constant 28 : i32
        %get3A_767 = arith.index_cast %get3A : i32 to index
        %get3A_768 = arith.index_cast %mul3A_766 : i32 to index
        %get3A_769 = tpu.vector_load %arg5[%get3A_767, %get3A_768] {strides = array<i32>} : memref<39x64xi32, #tpu.memory_space<vmem>>, vector<16xi32>,
        %add3A_770 = arith.constant 1500000 : i32
        %add3A_771 = vector.broadcast %add3A_770 : i32 to vector<16xi32>
        %add3A_772 = arith.addi %get3A_769, %add3A_771 : vector<16xi32>
        %mul3A_773 = arith.constant 16 : i32
        %mul3A_774 = arith.muli %scan3A_764, %mul3A_773 : i32
        %swap3A = arith.constant 15 : i32
        %swap3A_775 = arith.index_cast %swap3A : i32 to index
        %swap3A_776 = arith.index_cast %mul3A_774 : i32 to index
        %swap3A_777 = tpu.vector_load %arg6[%swap3A_775, %swap3A_776] {strides = array<i32>} : memref<26x64xi32, #tpu.memory_space<vmem>>, vector<16xi32>,
        tpu.vector_store %arg6[%swap3A_775, %swap3A_776], %add3A_772 {strides = array<i32>} : memref<26x64xi32, #tpu.memory_space<vmem>>, vector<16xi32>,
      }
      %scan3A_107 = arith.constant 4 : i32
      %scan3A_108 = arith.constant 0 : i32
      %scan3A_109 = arith.constant 0 : i32
      %scan3A_110 = arith.constant 4 : i32
      %scan3A_111 = arith.addi %scan3A_109, %scan3A_110 : i32
      %scan3A_112 = arith.constant 1 : i32
      scf.for %scan3A_764 = %scan3A_109 to %scan3A_111 step %scan3A_112  : i32 {
        %mul3A_765 = arith.constant 16 : i32
        %mul3A_766 = arith.muli %scan3A_764, %mul3A_765 : i32
        %get3A = arith.constant 29 : i32
        %get3A_767 = arith.index_cast %get3A : i32 to index
        %get3A_768 = arith.index_cast %mul3A_766 : i32 to index
        %get3A_769 = tpu.vector_load %arg5[%get3A_767, %get3A_768] {strides = array<i32>} : memref<39x64xi32, #tpu.memory_space<vmem>>, vector<16xi32>,
        %add3A_770 = arith.constant 1600000 : i32
        %add3A_771 = vector.broadcast %add3A_770 : i32 to vector<16xi32>
        %add3A_772 = arith.addi %get3A_769, %add3A_771 : vector<16xi32>
        %mul3A_773 = arith.constant 16 : i32
        %mul3A_774 = arith.muli %scan3A_764, %mul3A_773 : i32
        %swap3A = arith.constant 16 : i32
        %swap3A_775 = arith.index_cast %swap3A : i32 to index
        %swap3A_776 = arith.index_cast %mul3A_774 : i32 to index
        %swap3A_777 = tpu.vector_load %arg6[%swap3A_775, %swap3A_776] {strides = array<i32>} : memref<26x64xi32, #tpu.memory_space<vmem>>, vector<16xi32>,
        tpu.vector_store %arg6[%swap3A_775, %swap3A_776], %add3A_772 {strides = array<i32>} : memref<26x64xi32, #tpu.memory_space<vmem>>, vector<16xi32>,
      }
      %scan3A_113 = arith.constant 4 : i32
      %scan3A_114 = arith.constant 0 : i32
      %scan3A_115 = arith.constant 0 : i32
      %scan3A_116 = arith.constant 4 : i32
      %scan3A_117 = arith.addi %scan3A_115, %scan3A_116 : i32
      %scan3A_118 = arith.constant 1 : i32
      scf.for %scan3A_764 = %scan3A_115 to %scan3A_117 step %scan3A_118  : i32 {
        %mul3A_765 = arith.constant 16 : i32
        %mul3A_766 = arith.muli %scan3A_764, %mul3A_765 : i32
        %get3A = arith.constant 30 : i32
        %get3A_767 = arith.index_cast %get3A : i32 to index
        %get3A_768 = arith.index_cast %mul3A_766 : i32 to index
        %get3A_769 = tpu.vector_load %arg5[%get3A_767, %get3A_768] {strides = array<i32>} : memref<39x64xi32, #tpu.memory_space<vmem>>, vector<16xi32>,
        %add3A_770 = arith.constant 1700000 : i32
        %add3A_771 = vector.broadcast %add3A_770 : i32 to vector<16xi32>
        %add3A_772 = arith.addi %get3A_769, %add3A_771 : vector<16xi32>
        %mul3A_773 = arith.constant 16 : i32
        %mul3A_774 = arith.muli %scan3A_764, %mul3A_773 : i32
        %swap3A = arith.constant 17 : i32
        %swap3A_775 = arith.index_cast %swap3A : i32 to index
        %swap3A_776 = arith.index_cast %mul3A_774 : i32 to index
        %swap3A_777 = tpu.vector_load %arg6[%swap3A_775, %swap3A_776] {strides = array<i32>} : memref<26x64xi32, #tpu.memory_space<vmem>>, vector<16xi32>,
        tpu.vector_store %arg6[%swap3A_775, %swap3A_776], %add3A_772 {strides = array<i32>} : memref<26x64xi32, #tpu.memory_space<vmem>>, vector<16xi32>,
      }
      %scan3A_119 = arith.constant 4 : i32
      %scan3A_120 = arith.constant 0 : i32
      %scan3A_121 = arith.constant 0 : i32
      %scan3A_122 = arith.constant 4 : i32
      %scan3A_123 = arith.addi %scan3A_121, %scan3A_122 : i32
      %scan3A_124 = arith.constant 1 : i32
      scf.for %scan3A_764 = %scan3A_121 to %scan3A_123 step %scan3A_124  : i32 {
        %mul3A_765 = arith.constant 16 : i32
        %mul3A_766 = arith.muli %scan3A_764, %mul3A_765 : i32
        %get3A = arith.constant 31 : i32
        %get3A_767 = arith.index_cast %get3A : i32 to index
        %get3A_768 = arith.index_cast %mul3A_766 : i32 to index
        %get3A_769 = tpu.vector_load %arg5[%get3A_767, %get3A_768] {strides = array<i32>} : memref<39x64xi32, #tpu.memory_space<vmem>>, vector<16xi32>,
        %add3A_770 = arith.constant 1800000 : i32
        %add3A_771 = vector.broadcast %add3A_770 : i32 to vector<16xi32>
        %add3A_772 = arith.addi %get3A_769, %add3A_771 : vector<16xi32>
        %mul3A_773 = arith.constant 16 : i32
        %mul3A_774 = arith.muli %scan3A_764, %mul3A_773 : i32
        %swap3A = arith.constant 18 : i32
        %swap3A_775 = arith.index_cast %swap3A : i32 to index
        %swap3A_776 = arith.index_cast %mul3A_774 : i32 to index
        %swap3A_777 = tpu.vector_load %arg6[%swap3A_775, %swap3A_776] {strides = array<i32>} : memref<26x64xi32, #tpu.memory_space<vmem>>, vector<16xi32>,
        tpu.vector_store %arg6[%swap3A_775, %swap3A_776], %add3A_772 {strides = array<i32>} : memref<26x64xi32, #tpu.memory_space<vmem>>, vector<16xi32>,
      }
      %scan3A_125 = arith.constant 4 : i32
      %scan3A_126 = arith.constant 0 : i32
      %scan3A_127 = arith.constant 0 : i32
      %scan3A_128 = arith.constant 4 : i32
      %scan3A_129 = arith.addi %scan3A_127, %scan3A_128 : i32
      %scan3A_130 = arith.constant 1 : i32
      scf.for %scan3A_764 = %scan3A_127 to %scan3A_129 step %scan3A_130  : i32 {
        %mul3A_765 = arith.constant 16 : i32
        %mul3A_766 = arith.muli %scan3A_764, %mul3A_765 : i32
        %get3A = arith.constant 32 : i32
        %get3A_767 = arith.index_cast %get3A : i32 to index
        %get3A_768 = arith.index_cast %mul3A_766 : i32 to index
        %get3A_769 = tpu.vector_load %arg5[%get3A_767, %get3A_768] {strides = array<i32>} : memref<39x64xi32, #tpu.memory_space<vmem>>, vector<16xi32>,
        %add3A_770 = arith.constant 1900000 : i32
        %add3A_771 = vector.broadcast %add3A_770 : i32 to vector<16xi32>
        %add3A_772 = arith.addi %get3A_769, %add3A_771 : vector<16xi32>
        %mul3A_773 = arith.constant 16 : i32
        %mul3A_774 = arith.muli %scan3A_764, %mul3A_773 : i32
        %swap3A = arith.constant 19 : i32
        %swap3A_775 = arith.index_cast %swap3A : i32 to index
        %swap3A_776 = arith.index_cast %mul3A_774 : i32 to index
        %swap3A_777 = tpu.vector_load %arg6[%swap3A_775, %swap3A_776] {strides = array<i32>} : memref<26x64xi32, #tpu.memory_space<vmem>>, vector<16xi32>,
        tpu.vector_store %arg6[%swap3A_775, %swap3A_776], %add3A_772 {strides = array<i32>} : memref<26x64xi32, #tpu.memory_space<vmem>>, vector<16xi32>,
      }
      %scan3A_131 = arith.constant 4 : i32
      %scan3A_132 = arith.constant 0 : i32
      %scan3A_133 = arith.constant 0 : i32
      %scan3A_134 = arith.constant 4 : i32
      %scan3A_135 = arith.addi %scan3A_133, %scan3A_134 : i32
      %scan3A_136 = arith.constant 1 : i32
      scf.for %scan3A_764 = %scan3A_133 to %scan3A_135 step %scan3A_136  : i32 {
        %mul3A_765 = arith.constant 16 : i32
        %mul3A_766 = arith.muli %scan3A_764, %mul3A_765 : i32
        %get3A = arith.constant 33 : i32
        %get3A_767 = arith.index_cast %get3A : i32 to index
        %get3A_768 = arith.index_cast %mul3A_766 : i32 to index
        %get3A_769 = tpu.vector_load %arg5[%get3A_767, %get3A_768] {strides = array<i32>} : memref<39x64xi32, #tpu.memory_space<vmem>>, vector<16xi32>,
        %add3A_770 = arith.constant 2000000 : i32
        %add3A_771 = vector.broadcast %add3A_770 : i32 to vector<16xi32>
        %add3A_772 = arith.addi %get3A_769, %add3A_771 : vector<16xi32>
        %mul3A_773 = arith.constant 16 : i32
        %mul3A_774 = arith.muli %scan3A_764, %mul3A_773 : i32
        %swap3A = arith.constant 20 : i32
        %swap3A_775 = arith.index_cast %swap3A : i32 to index
        %swap3A_776 = arith.index_cast %mul3A_774 : i32 to index
        %swap3A_777 = tpu.vector_load %arg6[%swap3A_775, %swap3A_776] {strides = array<i32>} : memref<26x64xi32, #tpu.memory_space<vmem>>, vector<16xi32>,
        tpu.vector_store %arg6[%swap3A_775, %swap3A_776], %add3A_772 {strides = array<i32>} : memref<26x64xi32, #tpu.memory_space<vmem>>, vector<16xi32>,
      }
      %scan3A_137 = arith.constant 4 : i32
      %scan3A_138 = arith.constant 0 : i32
      %scan3A_139 = arith.constant 0 : i32
      %scan3A_140 = arith.constant 4 : i32
      %scan3A_141 = arith.addi %scan3A_139, %scan3A_140 : i32
      %scan3A_142 = arith.constant 1 : i32
      scf.for %scan3A_764 = %scan3A_139 to %scan3A_141 step %scan3A_142  : i32 {
        %mul3A_765 = arith.constant 16 : i32
        %mul3A_766 = arith.muli %scan3A_764, %mul3A_765 : i32
        %get3A = arith.constant 34 : i32
        %get3A_767 = arith.index_cast %get3A : i32 to index
        %get3A_768 = arith.index_cast %mul3A_766 : i32 to index
        %get3A_769 = tpu.vector_load %arg5[%get3A_767, %get3A_768] {strides = array<i32>} : memref<39x64xi32, #tpu.memory_space<vmem>>, vector<16xi32>,
        %add3A_770 = arith.constant 2100000 : i32
        %add3A_771 = vector.broadcast %add3A_770 : i32 to vector<16xi32>
        %add3A_772 = arith.addi %get3A_769, %add3A_771 : vector<16xi32>
        %mul3A_773 = arith.constant 16 : i32
        %mul3A_774 = arith.muli %scan3A_764, %mul3A_773 : i32
        %swap3A = arith.constant 21 : i32
        %swap3A_775 = arith.index_cast %swap3A : i32 to index
        %swap3A_776 = arith.index_cast %mul3A_774 : i32 to index
        %swap3A_777 = tpu.vector_load %arg6[%swap3A_775, %swap3A_776] {strides = array<i32>} : memref<26x64xi32, #tpu.memory_space<vmem>>, vector<16xi32>,
        tpu.vector_store %arg6[%swap3A_775, %swap3A_776], %add3A_772 {strides = array<i32>} : memref<26x64xi32, #tpu.memory_space<vmem>>, vector<16xi32>,
      }
      %scan3A_143 = arith.constant 4 : i32
      %scan3A_144 = arith.constant 0 : i32
      %scan3A_145 = arith.constant 0 : i32
      %scan3A_146 = arith.constant 4 : i32
      %scan3A_147 = arith.addi %scan3A_145, %scan3A_146 : i32
      %scan3A_148 = arith.constant 1 : i32
      scf.for %scan3A_764 = %scan3A_145 to %scan3A_147 step %scan3A_148  : i32 {
        %mul3A_765 = arith.constant 16 : i32
        %mul3A_766 = arith.muli %scan3A_764, %mul3A_765 : i32
        %get3A = arith.constant 35 : i32
        %get3A_767 = arith.index_cast %get3A : i32 to index
        %get3A_768 = arith.index_cast %mul3A_766 : i32 to index
        %get3A_769 = tpu.vector_load %arg5[%get3A_767, %get3A_768] {strides = array<i32>} : memref<39x64xi32, #tpu.memory_space<vmem>>, vector<16xi32>,
        %add3A_770 = arith.constant 2200000 : i32
        %add3A_771 = vector.broadcast %add3A_770 : i32 to vector<16xi32>
        %add3A_772 = arith.addi %get3A_769, %add3A_771 : vector<16xi32>
        %mul3A_773 = arith.constant 16 : i32
        %mul3A_774 = arith.muli %scan3A_764, %mul3A_773 : i32
        %swap3A = arith.constant 22 : i32
        %swap3A_775 = arith.index_cast %swap3A : i32 to index
        %swap3A_776 = arith.index_cast %mul3A_774 : i32 to index
        %swap3A_777 = tpu.vector_load %arg6[%swap3A_775, %swap3A_776] {strides = array<i32>} : memref<26x64xi32, #tpu.memory_space<vmem>>, vector<16xi32>,
        tpu.vector_store %arg6[%swap3A_775, %swap3A_776], %add3A_772 {strides = array<i32>} : memref<26x64xi32, #tpu.memory_space<vmem>>, vector<16xi32>,
      }
      %scan3A_149 = arith.constant 4 : i32
      %scan3A_150 = arith.constant 0 : i32
      %scan3A_151 = arith.constant 0 : i32
      %scan3A_152 = arith.constant 4 : i32
      %scan3A_153 = arith.addi %scan3A_151, %scan3A_152 : i32
      %scan3A_154 = arith.constant 1 : i32
      scf.for %scan3A_764 = %scan3A_151 to %scan3A_153 step %scan3A_154  : i32 {
        %mul3A_765 = arith.constant 16 : i32
        %mul3A_766 = arith.muli %scan3A_764, %mul3A_765 : i32
        %get3A = arith.constant 36 : i32
        %get3A_767 = arith.index_cast %get3A : i32 to index
        %get3A_768 = arith.index_cast %mul3A_766 : i32 to index
        %get3A_769 = tpu.vector_load %arg5[%get3A_767, %get3A_768] {strides = array<i32>} : memref<39x64xi32, #tpu.memory_space<vmem>>, vector<16xi32>,
        %add3A_770 = arith.constant 2300000 : i32
        %add3A_771 = vector.broadcast %add3A_770 : i32 to vector<16xi32>
        %add3A_772 = arith.addi %get3A_769, %add3A_771 : vector<16xi32>
        %mul3A_773 = arith.constant 16 : i32
        %mul3A_774 = arith.muli %scan3A_764, %mul3A_773 : i32
        %swap3A = arith.constant 23 : i32
        %swap3A_775 = arith.index_cast %swap3A : i32 to index
        %swap3A_776 = arith.index_cast %mul3A_774 : i32 to index
        %swap3A_777 = tpu.vector_load %arg6[%swap3A_775, %swap3A_776] {strides = array<i32>} : memref<26x64xi32, #tpu.memory_space<vmem>>, vector<16xi32>,
        tpu.vector_store %arg6[%swap3A_775, %swap3A_776], %add3A_772 {strides = array<i32>} : memref<26x64xi32, #tpu.memory_space<vmem>>, vector<16xi32>,
      }
      %scan3A_155 = arith.constant 4 : i32
      %scan3A_156 = arith.constant 0 : i32
      %scan3A_157 = arith.constant 0 : i32
      %scan3A_158 = arith.constant 4 : i32
      %scan3A_159 = arith.addi %scan3A_157, %scan3A_158 : i32
      %scan3A_160 = arith.constant 1 : i32
      scf.for %scan3A_764 = %scan3A_157 to %scan3A_159 step %scan3A_160  : i32 {
        %mul3A_765 = arith.constant 16 : i32
        %mul3A_766 = arith.muli %scan3A_764, %mul3A_765 : i32
        %get3A = arith.constant 37 : i32
        %get3A_767 = arith.index_cast %get3A : i32 to index
        %get3A_768 = arith.index_cast %mul3A_766 : i32 to index
        %get3A_769 = tpu.vector_load %arg5[%get3A_767, %get3A_768] {strides = array<i32>} : memref<39x64xi32, #tpu.memory_space<vmem>>, vector<16xi32>,
        %add3A_770 = arith.constant 2400000 : i32
        %add3A_771 = vector.broadcast %add3A_770 : i32 to vector<16xi32>
        %add3A_772 = arith.addi %get3A_769, %add3A_771 : vector<16xi32>
        %mul3A_773 = arith.constant 16 : i32
        %mul3A_774 = arith.muli %scan3A_764, %mul3A_773 : i32
        %swap3A = arith.constant 24 : i32
        %swap3A_775 = arith.index_cast %swap3A : i32 to index
        %swap3A_776 = arith.index_cast %mul3A_774 : i32 to index
        %swap3A_777 = tpu.vector_load %arg6[%swap3A_775, %swap3A_776] {strides = array<i32>} : memref<26x64xi32, #tpu.memory_space<vmem>>, vector<16xi32>,
        tpu.vector_store %arg6[%swap3A_775, %swap3A_776], %add3A_772 {strides = array<i32>} : memref<26x64xi32, #tpu.memory_space<vmem>>, vector<16xi32>,
      }
      %scan3A_161 = arith.constant 4 : i32
      %scan3A_162 = arith.constant 0 : i32
      %scan3A_163 = arith.constant 0 : i32
      %scan3A_164 = arith.constant 4 : i32
      %scan3A_165 = arith.addi %scan3A_163, %scan3A_164 : i32
      %scan3A_166 = arith.constant 1 : i32
      scf.for %scan3A_764 = %scan3A_163 to %scan3A_165 step %scan3A_166  : i32 {
        %mul3A_765 = arith.constant 16 : i32
        %mul3A_766 = arith.muli %scan3A_764, %mul3A_765 : i32
        %get3A = arith.constant 38 : i32
        %get3A_767 = arith.index_cast %get3A : i32 to index
        %get3A_768 = arith.index_cast %mul3A_766 : i32 to index
        %get3A_769 = tpu.vector_load %arg5[%get3A_767, %get3A_768] {strides = array<i32>} : memref<39x64xi32, #tpu.memory_space<vmem>>, vector<16xi32>,
        %add3A_770 = arith.constant 2500000 : i32
        %add3A_771 = vector.broadcast %add3A_770 : i32 to vector<16xi32>
        %add3A_772 = arith.addi %get3A_769, %add3A_771 : vector<16xi32>
        %mul3A_773 = arith.constant 16 : i32
        %mul3A_774 = arith.muli %scan3A_764, %mul3A_773 : i32
        %swap3A = arith.constant 25 : i32
        %swap3A_775 = arith.index_cast %swap3A : i32 to index
        %swap3A_776 = arith.index_cast %mul3A_774 : i32 to index
        %swap3A_777 = tpu.vector_load %arg6[%swap3A_775, %swap3A_776] {strides = array<i32>} : memref<26x64xi32, #tpu.memory_space<vmem>>, vector<16xi32>,
        tpu.vector_store %arg6[%swap3A_775, %swap3A_776], %add3A_772 {strides = array<i32>} : memref<26x64xi32, #tpu.memory_space<vmem>>, vector<16xi32>,
      }
      %scan3A_167 = arith.constant 4 : i32
      %scan3A_168 = arith.constant 0 : i32
      %scan3A_169 = arith.constant 0 : i32
      %scan3A_170 = arith.constant 4 : i32
      %scan3A_171 = arith.addi %scan3A_169, %scan3A_170 : i32
      %scan3A_172 = arith.constant 1 : i32
      scf.for %scan3A_764 = %scan3A_169 to %scan3A_171 step %scan3A_172  : i32 {
        %mul3A_765 = arith.constant 16 : i32
        %mul3A_766 = arith.muli %scan3A_764, %mul3A_765 : i32
        %get3A = arith.constant 0 : i32
        %get3A_767 = arith.index_cast %get3A : i32 to index
        %get3A_768 = arith.index_cast %mul3A_766 : i32 to index
        %get3A_769 = tpu.vector_load %arg5[%get3A_767, %get3A_768] {strides = array<i32>} : memref<39x64xi32, #tpu.memory_space<vmem>>, vector<16xi32>,
        %mul3A_770 = arith.constant 16 : i32
        %mul3A_771 = arith.muli %scan3A_764, %mul3A_770 : i32
        %add3A_772 = vector.broadcast %mul3A_771 : i32 to vector<16xi32>
        %add3A_773 = arith.addi %add3A_772, %iota3A : vector<16xi32>
        %broadcast_in_dim3A = arith.constant 0 : i32
        %broadcast_in_dim3A_774 = vector.broadcast %broadcast_in_dim3A : i32 to vector<16xi32>
        %convert_element_type3A = arith.sitofp %get3A_769 : vector<16xi32> to vector<16xf32>
        tpu.vector_store_idx %arg7[%add3A_773, %broadcast_in_dim3A_774], %convert_element_type3A : memref<64x1677xf32, #tpu.memory_space<vmem>>[vector<16xi32>, vector<16xi32>], vector<16xf32>,
      }
      %scan3A_173 = arith.constant 4 : i32
      %scan3A_174 = arith.constant 0 : i32
      %scan3A_175 = arith.constant 0 : i32
      %scan3A_176 = arith.constant 4 : i32
      %scan3A_177 = arith.addi %scan3A_175, %scan3A_176 : i32
      %scan3A_178 = arith.constant 1 : i32
      scf.for %scan3A_764 = %scan3A_175 to %scan3A_177 step %scan3A_178  : i32 {
        %mul3A_765 = arith.constant 16 : i32
        %mul3A_766 = arith.muli %scan3A_764, %mul3A_765 : i32
        %get3A = arith.constant 1 : i32
        %get3A_767 = arith.index_cast %get3A : i32 to index
        %get3A_768 = arith.index_cast %mul3A_766 : i32 to index
        %get3A_769 = tpu.vector_load %arg5[%get3A_767, %get3A_768] {strides = array<i32>} : memref<39x64xi32, #tpu.memory_space<vmem>>, vector<16xi32>,
        %mul3A_770 = arith.constant 16 : i32
        %mul3A_771 = arith.muli %scan3A_764, %mul3A_770 : i32
        %add3A_772 = vector.broadcast %mul3A_771 : i32 to vector<16xi32>
        %add3A_773 = arith.addi %add3A_772, %iota3A : vector<16xi32>
        %broadcast_in_dim3A = arith.constant 1 : i32
        %broadcast_in_dim3A_774 = vector.broadcast %broadcast_in_dim3A : i32 to vector<16xi32>
        %convert_element_type3A = arith.sitofp %get3A_769 : vector<16xi32> to vector<16xf32>
        tpu.vector_store_idx %arg7[%add3A_773, %broadcast_in_dim3A_774], %convert_element_type3A : memref<64x1677xf32, #tpu.memory_space<vmem>>[vector<16xi32>, vector<16xi32>], vector<16xf32>,
      }
      %scan3A_179 = arith.constant 4 : i32
      %scan3A_180 = arith.constant 0 : i32
      %scan3A_181 = arith.constant 0 : i32
      %scan3A_182 = arith.constant 4 : i32
      %scan3A_183 = arith.addi %scan3A_181, %scan3A_182 : i32
      %scan3A_184 = arith.constant 1 : i32
      scf.for %scan3A_764 = %scan3A_181 to %scan3A_183 step %scan3A_184  : i32 {
        %mul3A_765 = arith.constant 16 : i32
        %mul3A_766 = arith.muli %scan3A_764, %mul3A_765 : i32
        %get3A = arith.constant 2 : i32
        %get3A_767 = arith.index_cast %get3A : i32 to index
        %get3A_768 = arith.index_cast %mul3A_766 : i32 to index
        %get3A_769 = tpu.vector_load %arg5[%get3A_767, %get3A_768] {strides = array<i32>} : memref<39x64xi32, #tpu.memory_space<vmem>>, vector<16xi32>,
        %mul3A_770 = arith.constant 16 : i32
        %mul3A_771 = arith.muli %scan3A_764, %mul3A_770 : i32
        %add3A_772 = vector.broadcast %mul3A_771 : i32 to vector<16xi32>
        %add3A_773 = arith.addi %add3A_772, %iota3A : vector<16xi32>
        %broadcast_in_dim3A = arith.constant 2 : i32
        %broadcast_in_dim3A_774 = vector.broadcast %broadcast_in_dim3A : i32 to vector<16xi32>
        %convert_element_type3A = arith.sitofp %get3A_769 : vector<16xi32> to vector<16xf32>
        tpu.vector_store_idx %arg7[%add3A_773, %broadcast_in_dim3A_774], %convert_element_type3A : memref<64x1677xf32, #tpu.memory_space<vmem>>[vector<16xi32>, vector<16xi32>], vector<16xf32>,
      }
      %scan3A_185 = arith.constant 4 : i32
      %scan3A_186 = arith.constant 0 : i32
      %scan3A_187 = arith.constant 0 : i32
      %scan3A_188 = arith.constant 4 : i32
      %scan3A_189 = arith.addi %scan3A_187, %scan3A_188 : i32
      %scan3A_190 = arith.constant 1 : i32
      scf.for %scan3A_764 = %scan3A_187 to %scan3A_189 step %scan3A_190  : i32 {
        %mul3A_765 = arith.constant 16 : i32
        %mul3A_766 = arith.muli %scan3A_764, %mul3A_765 : i32
        %get3A = arith.constant 3 : i32
        %get3A_767 = arith.index_cast %get3A : i32 to index
        %get3A_768 = arith.index_cast %mul3A_766 : i32 to index
        %get3A_769 = tpu.vector_load %arg5[%get3A_767, %get3A_768] {strides = array<i32>} : memref<39x64xi32, #tpu.memory_space<vmem>>, vector<16xi32>,
        %mul3A_770 = arith.constant 16 : i32
        %mul3A_771 = arith.muli %scan3A_764, %mul3A_770 : i32
        %add3A_772 = vector.broadcast %mul3A_771 : i32 to vector<16xi32>
        %add3A_773 = arith.addi %add3A_772, %iota3A : vector<16xi32>
        %broadcast_in_dim3A = arith.constant 3 : i32
        %broadcast_in_dim3A_774 = vector.broadcast %broadcast_in_dim3A : i32 to vector<16xi32>
        %convert_element_type3A = arith.sitofp %get3A_769 : vector<16xi32> to vector<16xf32>
        tpu.vector_store_idx %arg7[%add3A_773, %broadcast_in_dim3A_774], %convert_element_type3A : memref<64x1677xf32, #tpu.memory_space<vmem>>[vector<16xi32>, vector<16xi32>], vector<16xf32>,
      }
      %scan3A_191 = arith.constant 4 : i32
      %scan3A_192 = arith.constant 0 : i32
      %scan3A_193 = arith.constant 0 : i32
      %scan3A_194 = arith.constant 4 : i32
      %scan3A_195 = arith.addi %scan3A_193, %scan3A_194 : i32
      %scan3A_196 = arith.constant 1 : i32
      scf.for %scan3A_764 = %scan3A_193 to %scan3A_195 step %scan3A_196  : i32 {
        %mul3A_765 = arith.constant 16 : i32
        %mul3A_766 = arith.muli %scan3A_764, %mul3A_765 : i32
        %get3A = arith.constant 4 : i32
        %get3A_767 = arith.index_cast %get3A : i32 to index
        %get3A_768 = arith.index_cast %mul3A_766 : i32 to index
        %get3A_769 = tpu.vector_load %arg5[%get3A_767, %get3A_768] {strides = array<i32>} : memref<39x64xi32, #tpu.memory_space<vmem>>, vector<16xi32>,
        %mul3A_770 = arith.constant 16 : i32
        %mul3A_771 = arith.muli %scan3A_764, %mul3A_770 : i32
        %add3A_772 = vector.broadcast %mul3A_771 : i32 to vector<16xi32>
        %add3A_773 = arith.addi %add3A_772, %iota3A : vector<16xi32>
        %broadcast_in_dim3A = arith.constant 4 : i32
        %broadcast_in_dim3A_774 = vector.broadcast %broadcast_in_dim3A : i32 to vector<16xi32>
        %convert_element_type3A = arith.sitofp %get3A_769 : vector<16xi32> to vector<16xf32>
        tpu.vector_store_idx %arg7[%add3A_773, %broadcast_in_dim3A_774], %convert_element_type3A : memref<64x1677xf32, #tpu.memory_space<vmem>>[vector<16xi32>, vector<16xi32>], vector<16xf32>,
      }
      %scan3A_197 = arith.constant 4 : i32
      %scan3A_198 = arith.constant 0 : i32
      %scan3A_199 = arith.constant 0 : i32
      %scan3A_200 = arith.constant 4 : i32
      %scan3A_201 = arith.addi %scan3A_199, %scan3A_200 : i32
      %scan3A_202 = arith.constant 1 : i32
      scf.for %scan3A_764 = %scan3A_199 to %scan3A_201 step %scan3A_202  : i32 {
        %mul3A_765 = arith.constant 16 : i32
        %mul3A_766 = arith.muli %scan3A_764, %mul3A_765 : i32
        %get3A = arith.constant 5 : i32
        %get3A_767 = arith.index_cast %get3A : i32 to index
        %get3A_768 = arith.index_cast %mul3A_766 : i32 to index
        %get3A_769 = tpu.vector_load %arg5[%get3A_767, %get3A_768] {strides = array<i32>} : memref<39x64xi32, #tpu.memory_space<vmem>>, vector<16xi32>,
        %mul3A_770 = arith.constant 16 : i32
        %mul3A_771 = arith.muli %scan3A_764, %mul3A_770 : i32
        %add3A_772 = vector.broadcast %mul3A_771 : i32 to vector<16xi32>
        %add3A_773 = arith.addi %add3A_772, %iota3A : vector<16xi32>
        %broadcast_in_dim3A = arith.constant 5 : i32
        %broadcast_in_dim3A_774 = vector.broadcast %broadcast_in_dim3A : i32 to vector<16xi32>
        %convert_element_type3A = arith.sitofp %get3A_769 : vector<16xi32> to vector<16xf32>
        tpu.vector_store_idx %arg7[%add3A_773, %broadcast_in_dim3A_774], %convert_element_type3A : memref<64x1677xf32, #tpu.memory_space<vmem>>[vector<16xi32>, vector<16xi32>], vector<16xf32>,
      }
      %scan3A_203 = arith.constant 4 : i32
      %scan3A_204 = arith.constant 0 : i32
      %scan3A_205 = arith.constant 0 : i32
      %scan3A_206 = arith.constant 4 : i32
      %scan3A_207 = arith.addi %scan3A_205, %scan3A_206 : i32
      %scan3A_208 = arith.constant 1 : i32
      scf.for %scan3A_764 = %scan3A_205 to %scan3A_207 step %scan3A_208  : i32 {
        %mul3A_765 = arith.constant 16 : i32
        %mul3A_766 = arith.muli %scan3A_764, %mul3A_765 : i32
        %get3A = arith.constant 6 : i32
        %get3A_767 = arith.index_cast %get3A : i32 to index
        %get3A_768 = arith.index_cast %mul3A_766 : i32 to index
        %get3A_769 = tpu.vector_load %arg5[%get3A_767, %get3A_768] {strides = array<i32>} : memref<39x64xi32, #tpu.memory_space<vmem>>, vector<16xi32>,
        %mul3A_770 = arith.constant 16 : i32
        %mul3A_771 = arith.muli %scan3A_764, %mul3A_770 : i32
        %add3A_772 = vector.broadcast %mul3A_771 : i32 to vector<16xi32>
        %add3A_773 = arith.addi %add3A_772, %iota3A : vector<16xi32>
        %broadcast_in_dim3A = arith.constant 6 : i32
        %broadcast_in_dim3A_774 = vector.broadcast %broadcast_in_dim3A : i32 to vector<16xi32>
        %convert_element_type3A = arith.sitofp %get3A_769 : vector<16xi32> to vector<16xf32>
        tpu.vector_store_idx %arg7[%add3A_773, %broadcast_in_dim3A_774], %convert_element_type3A : memref<64x1677xf32, #tpu.memory_space<vmem>>[vector<16xi32>, vector<16xi32>], vector<16xf32>,
      }
      %scan3A_209 = arith.constant 4 : i32
      %scan3A_210 = arith.constant 0 : i32
      %scan3A_211 = arith.constant 0 : i32
      %scan3A_212 = arith.constant 4 : i32
      %scan3A_213 = arith.addi %scan3A_211, %scan3A_212 : i32
      %scan3A_214 = arith.constant 1 : i32
      scf.for %scan3A_764 = %scan3A_211 to %scan3A_213 step %scan3A_214  : i32 {
        %mul3A_765 = arith.constant 16 : i32
        %mul3A_766 = arith.muli %scan3A_764, %mul3A_765 : i32
        %get3A = arith.constant 7 : i32
        %get3A_767 = arith.index_cast %get3A : i32 to index
        %get3A_768 = arith.index_cast %mul3A_766 : i32 to index
        %get3A_769 = tpu.vector_load %arg5[%get3A_767, %get3A_768] {strides = array<i32>} : memref<39x64xi32, #tpu.memory_space<vmem>>, vector<16xi32>,
        %mul3A_770 = arith.constant 16 : i32
        %mul3A_771 = arith.muli %scan3A_764, %mul3A_770 : i32
        %add3A_772 = vector.broadcast %mul3A_771 : i32 to vector<16xi32>
        %add3A_773 = arith.addi %add3A_772, %iota3A : vector<16xi32>
        %broadcast_in_dim3A = arith.constant 7 : i32
        %broadcast_in_dim3A_774 = vector.broadcast %broadcast_in_dim3A : i32 to vector<16xi32>
        %convert_element_type3A = arith.sitofp %get3A_769 : vector<16xi32> to vector<16xf32>
        tpu.vector_store_idx %arg7[%add3A_773, %broadcast_in_dim3A_774], %convert_element_type3A : memref<64x1677xf32, #tpu.memory_space<vmem>>[vector<16xi32>, vector<16xi32>], vector<16xf32>,
      }
      %scan3A_215 = arith.constant 4 : i32
      %scan3A_216 = arith.constant 0 : i32
      %scan3A_217 = arith.constant 0 : i32
      %scan3A_218 = arith.constant 4 : i32
      %scan3A_219 = arith.addi %scan3A_217, %scan3A_218 : i32
      %scan3A_220 = arith.constant 1 : i32
      scf.for %scan3A_764 = %scan3A_217 to %scan3A_219 step %scan3A_220  : i32 {
        %mul3A_765 = arith.constant 16 : i32
        %mul3A_766 = arith.muli %scan3A_764, %mul3A_765 : i32
        %get3A = arith.constant 8 : i32
        %get3A_767 = arith.index_cast %get3A : i32 to index
        %get3A_768 = arith.index_cast %mul3A_766 : i32 to index
        %get3A_769 = tpu.vector_load %arg5[%get3A_767, %get3A_768] {strides = array<i32>} : memref<39x64xi32, #tpu.memory_space<vmem>>, vector<16xi32>,
        %mul3A_770 = arith.constant 16 : i32
        %mul3A_771 = arith.muli %scan3A_764, %mul3A_770 : i32
        %add3A_772 = vector.broadcast %mul3A_771 : i32 to vector<16xi32>
        %add3A_773 = arith.addi %add3A_772, %iota3A : vector<16xi32>
        %broadcast_in_dim3A = arith.constant 8 : i32
        %broadcast_in_dim3A_774 = vector.broadcast %broadcast_in_dim3A : i32 to vector<16xi32>
        %convert_element_type3A = arith.sitofp %get3A_769 : vector<16xi32> to vector<16xf32>
        tpu.vector_store_idx %arg7[%add3A_773, %broadcast_in_dim3A_774], %convert_element_type3A : memref<64x1677xf32, #tpu.memory_space<vmem>>[vector<16xi32>, vector<16xi32>], vector<16xf32>,
      }
      %scan3A_221 = arith.constant 4 : i32
      %scan3A_222 = arith.constant 0 : i32
      %scan3A_223 = arith.constant 0 : i32
      %scan3A_224 = arith.constant 4 : i32
      %scan3A_225 = arith.addi %scan3A_223, %scan3A_224 : i32
      %scan3A_226 = arith.constant 1 : i32
      scf.for %scan3A_764 = %scan3A_223 to %scan3A_225 step %scan3A_226  : i32 {
        %mul3A_765 = arith.constant 16 : i32
        %mul3A_766 = arith.muli %scan3A_764, %mul3A_765 : i32
        %get3A = arith.constant 9 : i32
        %get3A_767 = arith.index_cast %get3A : i32 to index
        %get3A_768 = arith.index_cast %mul3A_766 : i32 to index
        %get3A_769 = tpu.vector_load %arg5[%get3A_767, %get3A_768] {strides = array<i32>} : memref<39x64xi32, #tpu.memory_space<vmem>>, vector<16xi32>,
        %mul3A_770 = arith.constant 16 : i32
        %mul3A_771 = arith.muli %scan3A_764, %mul3A_770 : i32
        %add3A_772 = vector.broadcast %mul3A_771 : i32 to vector<16xi32>
        %add3A_773 = arith.addi %add3A_772, %iota3A : vector<16xi32>
        %broadcast_in_dim3A = arith.constant 9 : i32
        %broadcast_in_dim3A_774 = vector.broadcast %broadcast_in_dim3A : i32 to vector<16xi32>
        %convert_element_type3A = arith.sitofp %get3A_769 : vector<16xi32> to vector<16xf32>
        tpu.vector_store_idx %arg7[%add3A_773, %broadcast_in_dim3A_774], %convert_element_type3A : memref<64x1677xf32, #tpu.memory_space<vmem>>[vector<16xi32>, vector<16xi32>], vector<16xf32>,
      }
      %scan3A_227 = arith.constant 4 : i32
      %scan3A_228 = arith.constant 0 : i32
      %scan3A_229 = arith.constant 0 : i32
      %scan3A_230 = arith.constant 4 : i32
      %scan3A_231 = arith.addi %scan3A_229, %scan3A_230 : i32
      %scan3A_232 = arith.constant 1 : i32
      scf.for %scan3A_764 = %scan3A_229 to %scan3A_231 step %scan3A_232  : i32 {
        %mul3A_765 = arith.constant 16 : i32
        %mul3A_766 = arith.muli %scan3A_764, %mul3A_765 : i32
        %get3A = arith.constant 10 : i32
        %get3A_767 = arith.index_cast %get3A : i32 to index
        %get3A_768 = arith.index_cast %mul3A_766 : i32 to index
        %get3A_769 = tpu.vector_load %arg5[%get3A_767, %get3A_768] {strides = array<i32>} : memref<39x64xi32, #tpu.memory_space<vmem>>, vector<16xi32>,
        %mul3A_770 = arith.constant 16 : i32
        %mul3A_771 = arith.muli %scan3A_764, %mul3A_770 : i32
        %add3A_772 = vector.broadcast %mul3A_771 : i32 to vector<16xi32>
        %add3A_773 = arith.addi %add3A_772, %iota3A : vector<16xi32>
        %broadcast_in_dim3A = arith.constant 10 : i32
        %broadcast_in_dim3A_774 = vector.broadcast %broadcast_in_dim3A : i32 to vector<16xi32>
        %convert_element_type3A = arith.sitofp %get3A_769 : vector<16xi32> to vector<16xf32>
        tpu.vector_store_idx %arg7[%add3A_773, %broadcast_in_dim3A_774], %convert_element_type3A : memref<64x1677xf32, #tpu.memory_space<vmem>>[vector<16xi32>, vector<16xi32>], vector<16xf32>,
      }
      %scan3A_233 = arith.constant 4 : i32
      %scan3A_234 = arith.constant 0 : i32
      %scan3A_235 = arith.constant 0 : i32
      %scan3A_236 = arith.constant 4 : i32
      %scan3A_237 = arith.addi %scan3A_235, %scan3A_236 : i32
      %scan3A_238 = arith.constant 1 : i32
      scf.for %scan3A_764 = %scan3A_235 to %scan3A_237 step %scan3A_238  : i32 {
        %mul3A_765 = arith.constant 16 : i32
        %mul3A_766 = arith.muli %scan3A_764, %mul3A_765 : i32
        %get3A = arith.constant 11 : i32
        %get3A_767 = arith.index_cast %get3A : i32 to index
        %get3A_768 = arith.index_cast %mul3A_766 : i32 to index
        %get3A_769 = tpu.vector_load %arg5[%get3A_767, %get3A_768] {strides = array<i32>} : memref<39x64xi32, #tpu.memory_space<vmem>>, vector<16xi32>,
        %mul3A_770 = arith.constant 16 : i32
        %mul3A_771 = arith.muli %scan3A_764, %mul3A_770 : i32
        %add3A_772 = vector.broadcast %mul3A_771 : i32 to vector<16xi32>
        %add3A_773 = arith.addi %add3A_772, %iota3A : vector<16xi32>
        %broadcast_in_dim3A = arith.constant 11 : i32
        %broadcast_in_dim3A_774 = vector.broadcast %broadcast_in_dim3A : i32 to vector<16xi32>
        %convert_element_type3A = arith.sitofp %get3A_769 : vector<16xi32> to vector<16xf32>
        tpu.vector_store_idx %arg7[%add3A_773, %broadcast_in_dim3A_774], %convert_element_type3A : memref<64x1677xf32, #tpu.memory_space<vmem>>[vector<16xi32>, vector<16xi32>], vector<16xf32>,
      }
      %scan3A_239 = arith.constant 4 : i32
      %scan3A_240 = arith.constant 0 : i32
      %scan3A_241 = arith.constant 0 : i32
      %scan3A_242 = arith.constant 4 : i32
      %scan3A_243 = arith.addi %scan3A_241, %scan3A_242 : i32
      %scan3A_244 = arith.constant 1 : i32
      scf.for %scan3A_764 = %scan3A_241 to %scan3A_243 step %scan3A_244  : i32 {
        %mul3A_765 = arith.constant 16 : i32
        %mul3A_766 = arith.muli %scan3A_764, %mul3A_765 : i32
        %get3A = arith.constant 12 : i32
        %get3A_767 = arith.index_cast %get3A : i32 to index
        %get3A_768 = arith.index_cast %mul3A_766 : i32 to index
        %get3A_769 = tpu.vector_load %arg5[%get3A_767, %get3A_768] {strides = array<i32>} : memref<39x64xi32, #tpu.memory_space<vmem>>, vector<16xi32>,
        %mul3A_770 = arith.constant 16 : i32
        %mul3A_771 = arith.muli %scan3A_764, %mul3A_770 : i32
        %add3A_772 = vector.broadcast %mul3A_771 : i32 to vector<16xi32>
        %add3A_773 = arith.addi %add3A_772, %iota3A : vector<16xi32>
        %broadcast_in_dim3A = arith.constant 12 : i32
        %broadcast_in_dim3A_774 = vector.broadcast %broadcast_in_dim3A : i32 to vector<16xi32>
        %convert_element_type3A = arith.sitofp %get3A_769 : vector<16xi32> to vector<16xf32>
        tpu.vector_store_idx %arg7[%add3A_773, %broadcast_in_dim3A_774], %convert_element_type3A : memref<64x1677xf32, #tpu.memory_space<vmem>>[vector<16xi32>, vector<16xi32>], vector<16xf32>,
      }
      %scan3A_245 = arith.constant 4 : i32
      %dma_start3A = arith.constant 0 : i32
      %dma_start3A_246 = arith.constant 0 : i32
      %dma_start3A_247 = tpu.memref_slice %arg6[%dma_start3A, %dma_start3A_246] : memref<26x64xi32, #tpu.memory_space<vmem>> -> memref<1x64xi32, #tpu.memory_space<vmem>>
      %dma_start3A_248 = tpu.memref_squeeze %dma_start3A_247 : memref<1x64xi32, #tpu.memory_space<vmem>> -> memref<64xi32, #tpu.memory_space<vmem>>
      %dma_start3A_249 = arith.constant 0 : i32
      %dma_start3A_250 = arith.constant 0 : i32
      %dma_start3A_251 = tpu.memref_slice %arg3[%dma_start3A_249, %dma_start3A_250] : memref<2600000x128xf32, #tpu.memory_space<hbm>> -> memref<2600000x128xf32, #tpu.memory_space<hbm>>
      tpu.enqueue_indirect_dma source(%dma_start3A_251 : memref<2600000x128xf32, #tpu.memory_space<hbm>>) target(%arg8 : memref<64x128xf32, #tpu.memory_space<vmem>>) offsets(%dma_start3A_248 : memref<64xi32, #tpu.memory_space<vmem>>) semaphore(%arg10 : memref<!tpu.dma_semaphore, #tpu.memory_space<semaphore_mem>>)
      %dma_start3A_252 = arith.constant 1 : i32
      %dma_start3A_253 = arith.constant 0 : i32
      %dma_start3A_254 = tpu.memref_slice %arg6[%dma_start3A_252, %dma_start3A_253] : memref<26x64xi32, #tpu.memory_space<vmem>> -> memref<1x64xi32, #tpu.memory_space<vmem>>
      %dma_start3A_255 = tpu.memref_squeeze %dma_start3A_254 : memref<1x64xi32, #tpu.memory_space<vmem>> -> memref<64xi32, #tpu.memory_space<vmem>>
      %dma_start3A_256 = arith.constant 0 : i32
      %dma_start3A_257 = arith.constant 0 : i32
      %dma_start3A_258 = tpu.memref_slice %arg3[%dma_start3A_256, %dma_start3A_257] : memref<2600000x128xf32, #tpu.memory_space<hbm>> -> memref<2600000x128xf32, #tpu.memory_space<hbm>>
      tpu.enqueue_indirect_dma source(%dma_start3A_258 : memref<2600000x128xf32, #tpu.memory_space<hbm>>) target(%arg9 : memref<64x128xf32, #tpu.memory_space<vmem>>) offsets(%dma_start3A_255 : memref<64xi32, #tpu.memory_space<vmem>>) semaphore(%arg11 : memref<!tpu.dma_semaphore, #tpu.memory_space<semaphore_mem>>)
      %dma_wait3A = arith.constant 0 : i32
      %dma_wait3A_259 = arith.constant 0 : i32
      %dma_wait3A_260 = tpu.memref_slice %arg6[%dma_wait3A, %dma_wait3A_259] : memref<26x64xi32, #tpu.memory_space<vmem>> -> memref<1x64xi32, #tpu.memory_space<vmem>>
      %dma_wait3A_261 = tpu.memref_squeeze %dma_wait3A_260 : memref<1x64xi32, #tpu.memory_space<vmem>> -> memref<64xi32, #tpu.memory_space<vmem>>
      %dma_wait3A_262 = arith.constant 0 : i32
      %dma_wait3A_263 = arith.constant 0 : i32
      %dma_wait3A_264 = tpu.memref_slice %arg3[%dma_wait3A_262, %dma_wait3A_263] : memref<2600000x128xf32, #tpu.memory_space<hbm>> -> memref<2600000x128xf32, #tpu.memory_space<hbm>>
      tpu.wait_indirect_dma semaphore(%arg10 : memref<!tpu.dma_semaphore, #tpu.memory_space<semaphore_mem>>) src(%dma_wait3A_264 : memref<2600000x128xf32, #tpu.memory_space<hbm>>) dst(%arg8 : memref<64x128xf32, #tpu.memory_space<vmem>>)
      %scan3A_265 = arith.constant 0 : i32
      %scan3A_266 = arith.constant 0 : i32
      %scan3A_267 = arith.constant 64 : i32
      %scan3A_268 = arith.addi %scan3A_266, %scan3A_267 : i32
      %scan3A_269 = arith.constant 1 : i32
      scf.for %scan3A_764 = %scan3A_266 to %scan3A_268 step %scan3A_269  : i32 {
        %broadcast_in_dim3A = vector.broadcast %scan3A_764 : i32 to vector<16xi32>
        %get3A = arith.index_cast %scan3A_764 : i32 to index
        %get3A_765 = arith.constant 0 : index
        %get3A_766 = tpu.vector_load %arg8[%get3A, %get3A_765] {strides = array<i32>} : memref<64x128xf32, #tpu.memory_space<vmem>>, vector<16xf32>,
        %add3A_767 = arith.constant 13 : i32
        %add3A_768 = vector.broadcast %add3A_767 : i32 to vector<16xi32>
        %add3A_769 = arith.addi %add3A_768, %iota3A : vector<16xi32>
        tpu.vector_store_idx %arg7[%broadcast_in_dim3A, %add3A_769], %get3A_766 : memref<64x1677xf32, #tpu.memory_space<vmem>>[vector<16xi32>, vector<16xi32>], vector<16xf32>,
        %get3A_770 = arith.index_cast %scan3A_764 : i32 to index
        %get3A_771 = arith.constant 16 : index
        %get3A_772 = tpu.vector_load %arg8[%get3A_770, %get3A_771] {strides = array<i32>} : memref<64x128xf32, #tpu.memory_space<vmem>>, vector<16xf32>,
        %add3A_773 = arith.constant 29 : i32
        %add3A_774 = vector.broadcast %add3A_773 : i32 to vector<16xi32>
        %add3A_775 = arith.addi %add3A_774, %iota3A : vector<16xi32>
        tpu.vector_store_idx %arg7[%broadcast_in_dim3A, %add3A_775], %get3A_772 : memref<64x1677xf32, #tpu.memory_space<vmem>>[vector<16xi32>, vector<16xi32>], vector<16xf32>,
        %get3A_776 = arith.index_cast %scan3A_764 : i32 to index
        %get3A_777 = arith.constant 32 : index
        %get3A_778 = tpu.vector_load %arg8[%get3A_776, %get3A_777] {strides = array<i32>} : memref<64x128xf32, #tpu.memory_space<vmem>>, vector<16xf32>,
        %add3A_779 = arith.constant 45 : i32
        %add3A_780 = vector.broadcast %add3A_779 : i32 to vector<16xi32>
        %add3A_781 = arith.addi %add3A_780, %iota3A : vector<16xi32>
        tpu.vector_store_idx %arg7[%broadcast_in_dim3A, %add3A_781], %get3A_778 : memref<64x1677xf32, #tpu.memory_space<vmem>>[vector<16xi32>, vector<16xi32>], vector<16xf32>,
        %get3A_782 = arith.index_cast %scan3A_764 : i32 to index
        %get3A_783 = arith.constant 48 : index
        %get3A_784 = tpu.vector_load %arg8[%get3A_782, %get3A_783] {strides = array<i32>} : memref<64x128xf32, #tpu.memory_space<vmem>>, vector<16xf32>,
        %add3A_785 = arith.constant 61 : i32
        %add3A_786 = vector.broadcast %add3A_785 : i32 to vector<16xi32>
        %add3A_787 = arith.addi %add3A_786, %iota3A : vector<16xi32>
        tpu.vector_store_idx %arg7[%broadcast_in_dim3A, %add3A_787], %get3A_784 : memref<64x1677xf32, #tpu.memory_space<vmem>>[vector<16xi32>, vector<16xi32>], vector<16xf32>,
      }
      %scan3A_270 = arith.constant 64 : i32
      %dma_start3A_271 = arith.constant 2 : i32
      %dma_start3A_272 = arith.constant 0 : i32
      %dma_start3A_273 = tpu.memref_slice %arg6[%dma_start3A_271, %dma_start3A_272] : memref<26x64xi32, #tpu.memory_space<vmem>> -> memref<1x64xi32, #tpu.memory_space<vmem>>
      %dma_start3A_274 = tpu.memref_squeeze %dma_start3A_273 : memref<1x64xi32, #tpu.memory_space<vmem>> -> memref<64xi32, #tpu.memory_space<vmem>>
      %dma_start3A_275 = arith.constant 0 : i32
      %dma_start3A_276 = arith.constant 0 : i32
      %dma_start3A_277 = tpu.memref_slice %arg3[%dma_start3A_275, %dma_start3A_276] : memref<2600000x128xf32, #tpu.memory_space<hbm>> -> memref<2600000x128xf32, #tpu.memory_space<hbm>>
      tpu.enqueue_indirect_dma source(%dma_start3A_277 : memref<2600000x128xf32, #tpu.memory_space<hbm>>) target(%arg8 : memref<64x128xf32, #tpu.memory_space<vmem>>) offsets(%dma_start3A_274 : memref<64xi32, #tpu.memory_space<vmem>>) semaphore(%arg10 : memref<!tpu.dma_semaphore, #tpu.memory_space<semaphore_mem>>)
      %dma_wait3A_278 = arith.constant 1 : i32
      %dma_wait3A_279 = arith.constant 0 : i32
      %dma_wait3A_280 = tpu.memref_slice %arg6[%dma_wait3A_278, %dma_wait3A_279] : memref<26x64xi32, #tpu.memory_space<vmem>> -> memref<1x64xi32, #tpu.memory_space<vmem>>
      %dma_wait3A_281 = tpu.memref_squeeze %dma_wait3A_280 : memref<1x64xi32, #tpu.memory_space<vmem>> -> memref<64xi32, #tpu.memory_space<vmem>>
      %dma_wait3A_282 = arith.constant 0 : i32
      %dma_wait3A_283 = arith.constant 0 : i32
      %dma_wait3A_284 = tpu.memref_slice %arg3[%dma_wait3A_282, %dma_wait3A_283] : memref<2600000x128xf32, #tpu.memory_space<hbm>> -> memref<2600000x128xf32, #tpu.memory_space<hbm>>
      tpu.wait_indirect_dma semaphore(%arg11 : memref<!tpu.dma_semaphore, #tpu.memory_space<semaphore_mem>>) src(%dma_wait3A_284 : memref<2600000x128xf32, #tpu.memory_space<hbm>>) dst(%arg9 : memref<64x128xf32, #tpu.memory_space<vmem>>)
      %scan3A_285 = arith.constant 0 : i32
      %scan3A_286 = arith.constant 0 : i32
      %scan3A_287 = arith.constant 64 : i32
      %scan3A_288 = arith.addi %scan3A_286, %scan3A_287 : i32
      %scan3A_289 = arith.constant 1 : i32
      scf.for %scan3A_764 = %scan3A_286 to %scan3A_288 step %scan3A_289  : i32 {
        %broadcast_in_dim3A = vector.broadcast %scan3A_764 : i32 to vector<16xi32>
        %get3A = arith.index_cast %scan3A_764 : i32 to index
        %get3A_765 = arith.constant 0 : index
        %get3A_766 = tpu.vector_load %arg9[%get3A, %get3A_765] {strides = array<i32>} : memref<64x128xf32, #tpu.memory_space<vmem>>, vector<16xf32>,
        %add3A_767 = arith.constant 77 : i32
        %add3A_768 = vector.broadcast %add3A_767 : i32 to vector<16xi32>
        %add3A_769 = arith.addi %add3A_768, %iota3A : vector<16xi32>
        tpu.vector_store_idx %arg7[%broadcast_in_dim3A, %add3A_769], %get3A_766 : memref<64x1677xf32, #tpu.memory_space<vmem>>[vector<16xi32>, vector<16xi32>], vector<16xf32>,
        %get3A_770 = arith.index_cast %scan3A_764 : i32 to index
        %get3A_771 = arith.constant 16 : index
        %get3A_772 = tpu.vector_load %arg9[%get3A_770, %get3A_771] {strides = array<i32>} : memref<64x128xf32, #tpu.memory_space<vmem>>, vector<16xf32>,
        %add3A_773 = arith.constant 93 : i32
        %add3A_774 = vector.broadcast %add3A_773 : i32 to vector<16xi32>
        %add3A_775 = arith.addi %add3A_774, %iota3A : vector<16xi32>
        tpu.vector_store_idx %arg7[%broadcast_in_dim3A, %add3A_775], %get3A_772 : memref<64x1677xf32, #tpu.memory_space<vmem>>[vector<16xi32>, vector<16xi32>], vector<16xf32>,
        %get3A_776 = arith.index_cast %scan3A_764 : i32 to index
        %get3A_777 = arith.constant 32 : index
        %get3A_778 = tpu.vector_load %arg9[%get3A_776, %get3A_777] {strides = array<i32>} : memref<64x128xf32, #tpu.memory_space<vmem>>, vector<16xf32>,
        %add3A_779 = arith.constant 109 : i32
        %add3A_780 = vector.broadcast %add3A_779 : i32 to vector<16xi32>
        %add3A_781 = arith.addi %add3A_780, %iota3A : vector<16xi32>
        tpu.vector_store_idx %arg7[%broadcast_in_dim3A, %add3A_781], %get3A_778 : memref<64x1677xf32, #tpu.memory_space<vmem>>[vector<16xi32>, vector<16xi32>], vector<16xf32>,
        %get3A_782 = arith.index_cast %scan3A_764 : i32 to index
        %get3A_783 = arith.constant 48 : index
        %get3A_784 = tpu.vector_load %arg9[%get3A_782, %get3A_783] {strides = array<i32>} : memref<64x128xf32, #tpu.memory_space<vmem>>, vector<16xf32>,
        %add3A_785 = arith.constant 125 : i32
        %add3A_786 = vector.broadcast %add3A_785 : i32 to vector<16xi32>
        %add3A_787 = arith.addi %add3A_786, %iota3A : vector<16xi32>
        tpu.vector_store_idx %arg7[%broadcast_in_dim3A, %add3A_787], %get3A_784 : memref<64x1677xf32, #tpu.memory_space<vmem>>[vector<16xi32>, vector<16xi32>], vector<16xf32>,
      }
      %scan3A_290 = arith.constant 64 : i32
      %dma_start3A_291 = arith.constant 3 : i32
      %dma_start3A_292 = arith.constant 0 : i32
      %dma_start3A_293 = tpu.memref_slice %arg6[%dma_start3A_291, %dma_start3A_292] : memref<26x64xi32, #tpu.memory_space<vmem>> -> memref<1x64xi32, #tpu.memory_space<vmem>>
      %dma_start3A_294 = tpu.memref_squeeze %dma_start3A_293 : memref<1x64xi32, #tpu.memory_space<vmem>> -> memref<64xi32, #tpu.memory_space<vmem>>
      %dma_start3A_295 = arith.constant 0 : i32
      %dma_start3A_296 = arith.constant 0 : i32
      %dma_start3A_297 = tpu.memref_slice %arg3[%dma_start3A_295, %dma_start3A_296] : memref<2600000x128xf32, #tpu.memory_space<hbm>> -> memref<2600000x128xf32, #tpu.memory_space<hbm>>
      tpu.enqueue_indirect_dma source(%dma_start3A_297 : memref<2600000x128xf32, #tpu.memory_space<hbm>>) target(%arg9 : memref<64x128xf32, #tpu.memory_space<vmem>>) offsets(%dma_start3A_294 : memref<64xi32, #tpu.memory_space<vmem>>) semaphore(%arg11 : memref<!tpu.dma_semaphore, #tpu.memory_space<semaphore_mem>>)
      %dma_wait3A_298 = arith.constant 2 : i32
      %dma_wait3A_299 = arith.constant 0 : i32
      %dma_wait3A_300 = tpu.memref_slice %arg6[%dma_wait3A_298, %dma_wait3A_299] : memref<26x64xi32, #tpu.memory_space<vmem>> -> memref<1x64xi32, #tpu.memory_space<vmem>>
      %dma_wait3A_301 = tpu.memref_squeeze %dma_wait3A_300 : memref<1x64xi32, #tpu.memory_space<vmem>> -> memref<64xi32, #tpu.memory_space<vmem>>
      %dma_wait3A_302 = arith.constant 0 : i32
      %dma_wait3A_303 = arith.constant 0 : i32
      %dma_wait3A_304 = tpu.memref_slice %arg3[%dma_wait3A_302, %dma_wait3A_303] : memref<2600000x128xf32, #tpu.memory_space<hbm>> -> memref<2600000x128xf32, #tpu.memory_space<hbm>>
      tpu.wait_indirect_dma semaphore(%arg10 : memref<!tpu.dma_semaphore, #tpu.memory_space<semaphore_mem>>) src(%dma_wait3A_304 : memref<2600000x128xf32, #tpu.memory_space<hbm>>) dst(%arg8 : memref<64x128xf32, #tpu.memory_space<vmem>>)
      %scan3A_305 = arith.constant 0 : i32
      %scan3A_306 = arith.constant 0 : i32
      %scan3A_307 = arith.constant 64 : i32
      %scan3A_308 = arith.addi %scan3A_306, %scan3A_307 : i32
      %scan3A_309 = arith.constant 1 : i32
      scf.for %scan3A_764 = %scan3A_306 to %scan3A_308 step %scan3A_309  : i32 {
        %broadcast_in_dim3A = vector.broadcast %scan3A_764 : i32 to vector<16xi32>
        %get3A = arith.index_cast %scan3A_764 : i32 to index
        %get3A_765 = arith.constant 0 : index
        %get3A_766 = tpu.vector_load %arg8[%get3A, %get3A_765] {strides = array<i32>} : memref<64x128xf32, #tpu.memory_space<vmem>>, vector<16xf32>,
        %add3A_767 = arith.constant 141 : i32
        %add3A_768 = vector.broadcast %add3A_767 : i32 to vector<16xi32>
        %add3A_769 = arith.addi %add3A_768, %iota3A : vector<16xi32>
        tpu.vector_store_idx %arg7[%broadcast_in_dim3A, %add3A_769], %get3A_766 : memref<64x1677xf32, #tpu.memory_space<vmem>>[vector<16xi32>, vector<16xi32>], vector<16xf32>,
        %get3A_770 = arith.index_cast %scan3A_764 : i32 to index
        %get3A_771 = arith.constant 16 : index
        %get3A_772 = tpu.vector_load %arg8[%get3A_770, %get3A_771] {strides = array<i32>} : memref<64x128xf32, #tpu.memory_space<vmem>>, vector<16xf32>,
        %add3A_773 = arith.constant 157 : i32
        %add3A_774 = vector.broadcast %add3A_773 : i32 to vector<16xi32>
        %add3A_775 = arith.addi %add3A_774, %iota3A : vector<16xi32>
        tpu.vector_store_idx %arg7[%broadcast_in_dim3A, %add3A_775], %get3A_772 : memref<64x1677xf32, #tpu.memory_space<vmem>>[vector<16xi32>, vector<16xi32>], vector<16xf32>,
        %get3A_776 = arith.index_cast %scan3A_764 : i32 to index
        %get3A_777 = arith.constant 32 : index
        %get3A_778 = tpu.vector_load %arg8[%get3A_776, %get3A_777] {strides = array<i32>} : memref<64x128xf32, #tpu.memory_space<vmem>>, vector<16xf32>,
        %add3A_779 = arith.constant 173 : i32
        %add3A_780 = vector.broadcast %add3A_779 : i32 to vector<16xi32>
        %add3A_781 = arith.addi %add3A_780, %iota3A : vector<16xi32>
        tpu.vector_store_idx %arg7[%broadcast_in_dim3A, %add3A_781], %get3A_778 : memref<64x1677xf32, #tpu.memory_space<vmem>>[vector<16xi32>, vector<16xi32>], vector<16xf32>,
        %get3A_782 = arith.index_cast %scan3A_764 : i32 to index
        %get3A_783 = arith.constant 48 : index
        %get3A_784 = tpu.vector_load %arg8[%get3A_782, %get3A_783] {strides = array<i32>} : memref<64x128xf32, #tpu.memory_space<vmem>>, vector<16xf32>,
        %add3A_785 = arith.constant 189 : i32
        %add3A_786 = vector.broadcast %add3A_785 : i32 to vector<16xi32>
        %add3A_787 = arith.addi %add3A_786, %iota3A : vector<16xi32>
        tpu.vector_store_idx %arg7[%broadcast_in_dim3A, %add3A_787], %get3A_784 : memref<64x1677xf32, #tpu.memory_space<vmem>>[vector<16xi32>, vector<16xi32>], vector<16xf32>,
      }
      %scan3A_310 = arith.constant 64 : i32
      %dma_start3A_311 = arith.constant 4 : i32
      %dma_start3A_312 = arith.constant 0 : i32
      %dma_start3A_313 = tpu.memref_slice %arg6[%dma_start3A_311, %dma_start3A_312] : memref<26x64xi32, #tpu.memory_space<vmem>> -> memref<1x64xi32, #tpu.memory_space<vmem>>
      %dma_start3A_314 = tpu.memref_squeeze %dma_start3A_313 : memref<1x64xi32, #tpu.memory_space<vmem>> -> memref<64xi32, #tpu.memory_space<vmem>>
      %dma_start3A_315 = arith.constant 0 : i32
      %dma_start3A_316 = arith.constant 0 : i32
      %dma_start3A_317 = tpu.memref_slice %arg3[%dma_start3A_315, %dma_start3A_316] : memref<2600000x128xf32, #tpu.memory_space<hbm>> -> memref<2600000x128xf32, #tpu.memory_space<hbm>>
      tpu.enqueue_indirect_dma source(%dma_start3A_317 : memref<2600000x128xf32, #tpu.memory_space<hbm>>) target(%arg8 : memref<64x128xf32, #tpu.memory_space<vmem>>) offsets(%dma_start3A_314 : memref<64xi32, #tpu.memory_space<vmem>>) semaphore(%arg10 : memref<!tpu.dma_semaphore, #tpu.memory_space<semaphore_mem>>)
      %dma_wait3A_318 = arith.constant 3 : i32
      %dma_wait3A_319 = arith.constant 0 : i32
      %dma_wait3A_320 = tpu.memref_slice %arg6[%dma_wait3A_318, %dma_wait3A_319] : memref<26x64xi32, #tpu.memory_space<vmem>> -> memref<1x64xi32, #tpu.memory_space<vmem>>
      %dma_wait3A_321 = tpu.memref_squeeze %dma_wait3A_320 : memref<1x64xi32, #tpu.memory_space<vmem>> -> memref<64xi32, #tpu.memory_space<vmem>>
      %dma_wait3A_322 = arith.constant 0 : i32
      %dma_wait3A_323 = arith.constant 0 : i32
      %dma_wait3A_324 = tpu.memref_slice %arg3[%dma_wait3A_322, %dma_wait3A_323] : memref<2600000x128xf32, #tpu.memory_space<hbm>> -> memref<2600000x128xf32, #tpu.memory_space<hbm>>
      tpu.wait_indirect_dma semaphore(%arg11 : memref<!tpu.dma_semaphore, #tpu.memory_space<semaphore_mem>>) src(%dma_wait3A_324 : memref<2600000x128xf32, #tpu.memory_space<hbm>>) dst(%arg9 : memref<64x128xf32, #tpu.memory_space<vmem>>)
      %scan3A_325 = arith.constant 0 : i32
      %scan3A_326 = arith.constant 0 : i32
      %scan3A_327 = arith.constant 64 : i32
      %scan3A_328 = arith.addi %scan3A_326, %scan3A_327 : i32
      %scan3A_329 = arith.constant 1 : i32
      scf.for %scan3A_764 = %scan3A_326 to %scan3A_328 step %scan3A_329  : i32 {
        %broadcast_in_dim3A = vector.broadcast %scan3A_764 : i32 to vector<16xi32>
        %get3A = arith.index_cast %scan3A_764 : i32 to index
        %get3A_765 = arith.constant 0 : index
        %get3A_766 = tpu.vector_load %arg9[%get3A, %get3A_765] {strides = array<i32>} : memref<64x128xf32, #tpu.memory_space<vmem>>, vector<16xf32>,
        %add3A_767 = arith.constant 205 : i32
        %add3A_768 = vector.broadcast %add3A_767 : i32 to vector<16xi32>
        %add3A_769 = arith.addi %add3A_768, %iota3A : vector<16xi32>
        tpu.vector_store_idx %arg7[%broadcast_in_dim3A, %add3A_769], %get3A_766 : memref<64x1677xf32, #tpu.memory_space<vmem>>[vector<16xi32>, vector<16xi32>], vector<16xf32>,
        %get3A_770 = arith.index_cast %scan3A_764 : i32 to index
        %get3A_771 = arith.constant 16 : index
        %get3A_772 = tpu.vector_load %arg9[%get3A_770, %get3A_771] {strides = array<i32>} : memref<64x128xf32, #tpu.memory_space<vmem>>, vector<16xf32>,
        %add3A_773 = arith.constant 221 : i32
        %add3A_774 = vector.broadcast %add3A_773 : i32 to vector<16xi32>
        %add3A_775 = arith.addi %add3A_774, %iota3A : vector<16xi32>
        tpu.vector_store_idx %arg7[%broadcast_in_dim3A, %add3A_775], %get3A_772 : memref<64x1677xf32, #tpu.memory_space<vmem>>[vector<16xi32>, vector<16xi32>], vector<16xf32>,
        %get3A_776 = arith.index_cast %scan3A_764 : i32 to index
        %get3A_777 = arith.constant 32 : index
        %get3A_778 = tpu.vector_load %arg9[%get3A_776, %get3A_777] {strides = array<i32>} : memref<64x128xf32, #tpu.memory_space<vmem>>, vector<16xf32>,
        %add3A_779 = arith.constant 237 : i32
        %add3A_780 = vector.broadcast %add3A_779 : i32 to vector<16xi32>
        %add3A_781 = arith.addi %add3A_780, %iota3A : vector<16xi32>
        tpu.vector_store_idx %arg7[%broadcast_in_dim3A, %add3A_781], %get3A_778 : memref<64x1677xf32, #tpu.memory_space<vmem>>[vector<16xi32>, vector<16xi32>], vector<16xf32>,
        %get3A_782 = arith.index_cast %scan3A_764 : i32 to index
        %get3A_783 = arith.constant 48 : index
        %get3A_784 = tpu.vector_load %arg9[%get3A_782, %get3A_783] {strides = array<i32>} : memref<64x128xf32, #tpu.memory_space<vmem>>, vector<16xf32>,
        %add3A_785 = arith.constant 253 : i32
        %add3A_786 = vector.broadcast %add3A_785 : i32 to vector<16xi32>
        %add3A_787 = arith.addi %add3A_786, %iota3A : vector<16xi32>
        tpu.vector_store_idx %arg7[%broadcast_in_dim3A, %add3A_787], %get3A_784 : memref<64x1677xf32, #tpu.memory_space<vmem>>[vector<16xi32>, vector<16xi32>], vector<16xf32>,
      }
      %scan3A_330 = arith.constant 64 : i32
      %dma_start3A_331 = arith.constant 5 : i32
      %dma_start3A_332 = arith.constant 0 : i32
      %dma_start3A_333 = tpu.memref_slice %arg6[%dma_start3A_331, %dma_start3A_332] : memref<26x64xi32, #tpu.memory_space<vmem>> -> memref<1x64xi32, #tpu.memory_space<vmem>>
      %dma_start3A_334 = tpu.memref_squeeze %dma_start3A_333 : memref<1x64xi32, #tpu.memory_space<vmem>> -> memref<64xi32, #tpu.memory_space<vmem>>
      %dma_start3A_335 = arith.constant 0 : i32
      %dma_start3A_336 = arith.constant 0 : i32
      %dma_start3A_337 = tpu.memref_slice %arg3[%dma_start3A_335, %dma_start3A_336] : memref<2600000x128xf32, #tpu.memory_space<hbm>> -> memref<2600000x128xf32, #tpu.memory_space<hbm>>
      tpu.enqueue_indirect_dma source(%dma_start3A_337 : memref<2600000x128xf32, #tpu.memory_space<hbm>>) target(%arg9 : memref<64x128xf32, #tpu.memory_space<vmem>>) offsets(%dma_start3A_334 : memref<64xi32, #tpu.memory_space<vmem>>) semaphore(%arg11 : memref<!tpu.dma_semaphore, #tpu.memory_space<semaphore_mem>>)
      %dma_wait3A_338 = arith.constant 4 : i32
      %dma_wait3A_339 = arith.constant 0 : i32
      %dma_wait3A_340 = tpu.memref_slice %arg6[%dma_wait3A_338, %dma_wait3A_339] : memref<26x64xi32, #tpu.memory_space<vmem>> -> memref<1x64xi32, #tpu.memory_space<vmem>>
      %dma_wait3A_341 = tpu.memref_squeeze %dma_wait3A_340 : memref<1x64xi32, #tpu.memory_space<vmem>> -> memref<64xi32, #tpu.memory_space<vmem>>
      %dma_wait3A_342 = arith.constant 0 : i32
      %dma_wait3A_343 = arith.constant 0 : i32
      %dma_wait3A_344 = tpu.memref_slice %arg3[%dma_wait3A_342, %dma_wait3A_343] : memref<2600000x128xf32, #tpu.memory_space<hbm>> -> memref<2600000x128xf32, #tpu.memory_space<hbm>>
      tpu.wait_indirect_dma semaphore(%arg10 : memref<!tpu.dma_semaphore, #tpu.memory_space<semaphore_mem>>) src(%dma_wait3A_344 : memref<2600000x128xf32, #tpu.memory_space<hbm>>) dst(%arg8 : memref<64x128xf32, #tpu.memory_space<vmem>>)
      %scan3A_345 = arith.constant 0 : i32
      %scan3A_346 = arith.constant 0 : i32
      %scan3A_347 = arith.constant 64 : i32
      %scan3A_348 = arith.addi %scan3A_346, %scan3A_347 : i32
      %scan3A_349 = arith.constant 1 : i32
      scf.for %scan3A_764 = %scan3A_346 to %scan3A_348 step %scan3A_349  : i32 {
        %broadcast_in_dim3A = vector.broadcast %scan3A_764 : i32 to vector<16xi32>
        %get3A = arith.index_cast %scan3A_764 : i32 to index
        %get3A_765 = arith.constant 0 : index
        %get3A_766 = tpu.vector_load %arg8[%get3A, %get3A_765] {strides = array<i32>} : memref<64x128xf32, #tpu.memory_space<vmem>>, vector<16xf32>,
        %add3A_767 = arith.constant 269 : i32
        %add3A_768 = vector.broadcast %add3A_767 : i32 to vector<16xi32>
        %add3A_769 = arith.addi %add3A_768, %iota3A : vector<16xi32>
        tpu.vector_store_idx %arg7[%broadcast_in_dim3A, %add3A_769], %get3A_766 : memref<64x1677xf32, #tpu.memory_space<vmem>>[vector<16xi32>, vector<16xi32>], vector<16xf32>,
        %get3A_770 = arith.index_cast %scan3A_764 : i32 to index
        %get3A_771 = arith.constant 16 : index
        %get3A_772 = tpu.vector_load %arg8[%get3A_770, %get3A_771] {strides = array<i32>} : memref<64x128xf32, #tpu.memory_space<vmem>>, vector<16xf32>,
        %add3A_773 = arith.constant 285 : i32
        %add3A_774 = vector.broadcast %add3A_773 : i32 to vector<16xi32>
        %add3A_775 = arith.addi %add3A_774, %iota3A : vector<16xi32>
        tpu.vector_store_idx %arg7[%broadcast_in_dim3A, %add3A_775], %get3A_772 : memref<64x1677xf32, #tpu.memory_space<vmem>>[vector<16xi32>, vector<16xi32>], vector<16xf32>,
        %get3A_776 = arith.index_cast %scan3A_764 : i32 to index
        %get3A_777 = arith.constant 32 : index
        %get3A_778 = tpu.vector_load %arg8[%get3A_776, %get3A_777] {strides = array<i32>} : memref<64x128xf32, #tpu.memory_space<vmem>>, vector<16xf32>,
        %add3A_779 = arith.constant 301 : i32
        %add3A_780 = vector.broadcast %add3A_779 : i32 to vector<16xi32>
        %add3A_781 = arith.addi %add3A_780, %iota3A : vector<16xi32>
        tpu.vector_store_idx %arg7[%broadcast_in_dim3A, %add3A_781], %get3A_778 : memref<64x1677xf32, #tpu.memory_space<vmem>>[vector<16xi32>, vector<16xi32>], vector<16xf32>,
        %get3A_782 = arith.index_cast %scan3A_764 : i32 to index
        %get3A_783 = arith.constant 48 : index
        %get3A_784 = tpu.vector_load %arg8[%get3A_782, %get3A_783] {strides = array<i32>} : memref<64x128xf32, #tpu.memory_space<vmem>>, vector<16xf32>,
        %add3A_785 = arith.constant 317 : i32
        %add3A_786 = vector.broadcast %add3A_785 : i32 to vector<16xi32>
        %add3A_787 = arith.addi %add3A_786, %iota3A : vector<16xi32>
        tpu.vector_store_idx %arg7[%broadcast_in_dim3A, %add3A_787], %get3A_784 : memref<64x1677xf32, #tpu.memory_space<vmem>>[vector<16xi32>, vector<16xi32>], vector<16xf32>,
      }
      %scan3A_350 = arith.constant 64 : i32
      %dma_start3A_351 = arith.constant 6 : i32
      %dma_start3A_352 = arith.constant 0 : i32
      %dma_start3A_353 = tpu.memref_slice %arg6[%dma_start3A_351, %dma_start3A_352] : memref<26x64xi32, #tpu.memory_space<vmem>> -> memref<1x64xi32, #tpu.memory_space<vmem>>
      %dma_start3A_354 = tpu.memref_squeeze %dma_start3A_353 : memref<1x64xi32, #tpu.memory_space<vmem>> -> memref<64xi32, #tpu.memory_space<vmem>>
      %dma_start3A_355 = arith.constant 0 : i32
      %dma_start3A_356 = arith.constant 0 : i32
      %dma_start3A_357 = tpu.memref_slice %arg3[%dma_start3A_355, %dma_start3A_356] : memref<2600000x128xf32, #tpu.memory_space<hbm>> -> memref<2600000x128xf32, #tpu.memory_space<hbm>>
      tpu.enqueue_indirect_dma source(%dma_start3A_357 : memref<2600000x128xf32, #tpu.memory_space<hbm>>) target(%arg8 : memref<64x128xf32, #tpu.memory_space<vmem>>) offsets(%dma_start3A_354 : memref<64xi32, #tpu.memory_space<vmem>>) semaphore(%arg10 : memref<!tpu.dma_semaphore, #tpu.memory_space<semaphore_mem>>)
      %dma_wait3A_358 = arith.constant 5 : i32
      %dma_wait3A_359 = arith.constant 0 : i32
      %dma_wait3A_360 = tpu.memref_slice %arg6[%dma_wait3A_358, %dma_wait3A_359] : memref<26x64xi32, #tpu.memory_space<vmem>> -> memref<1x64xi32, #tpu.memory_space<vmem>>
      %dma_wait3A_361 = tpu.memref_squeeze %dma_wait3A_360 : memref<1x64xi32, #tpu.memory_space<vmem>> -> memref<64xi32, #tpu.memory_space<vmem>>
      %dma_wait3A_362 = arith.constant 0 : i32
      %dma_wait3A_363 = arith.constant 0 : i32
      %dma_wait3A_364 = tpu.memref_slice %arg3[%dma_wait3A_362, %dma_wait3A_363] : memref<2600000x128xf32, #tpu.memory_space<hbm>> -> memref<2600000x128xf32, #tpu.memory_space<hbm>>
      tpu.wait_indirect_dma semaphore(%arg11 : memref<!tpu.dma_semaphore, #tpu.memory_space<semaphore_mem>>) src(%dma_wait3A_364 : memref<2600000x128xf32, #tpu.memory_space<hbm>>) dst(%arg9 : memref<64x128xf32, #tpu.memory_space<vmem>>)
      %scan3A_365 = arith.constant 0 : i32
      %scan3A_366 = arith.constant 0 : i32
      %scan3A_367 = arith.constant 64 : i32
      %scan3A_368 = arith.addi %scan3A_366, %scan3A_367 : i32
      %scan3A_369 = arith.constant 1 : i32
      scf.for %scan3A_764 = %scan3A_366 to %scan3A_368 step %scan3A_369  : i32 {
        %broadcast_in_dim3A = vector.broadcast %scan3A_764 : i32 to vector<16xi32>
        %get3A = arith.index_cast %scan3A_764 : i32 to index
        %get3A_765 = arith.constant 0 : index
        %get3A_766 = tpu.vector_load %arg9[%get3A, %get3A_765] {strides = array<i32>} : memref<64x128xf32, #tpu.memory_space<vmem>>, vector<16xf32>,
        %add3A_767 = arith.constant 333 : i32
        %add3A_768 = vector.broadcast %add3A_767 : i32 to vector<16xi32>
        %add3A_769 = arith.addi %add3A_768, %iota3A : vector<16xi32>
        tpu.vector_store_idx %arg7[%broadcast_in_dim3A, %add3A_769], %get3A_766 : memref<64x1677xf32, #tpu.memory_space<vmem>>[vector<16xi32>, vector<16xi32>], vector<16xf32>,
        %get3A_770 = arith.index_cast %scan3A_764 : i32 to index
        %get3A_771 = arith.constant 16 : index
        %get3A_772 = tpu.vector_load %arg9[%get3A_770, %get3A_771] {strides = array<i32>} : memref<64x128xf32, #tpu.memory_space<vmem>>, vector<16xf32>,
        %add3A_773 = arith.constant 349 : i32
        %add3A_774 = vector.broadcast %add3A_773 : i32 to vector<16xi32>
        %add3A_775 = arith.addi %add3A_774, %iota3A : vector<16xi32>
        tpu.vector_store_idx %arg7[%broadcast_in_dim3A, %add3A_775], %get3A_772 : memref<64x1677xf32, #tpu.memory_space<vmem>>[vector<16xi32>, vector<16xi32>], vector<16xf32>,
        %get3A_776 = arith.index_cast %scan3A_764 : i32 to index
        %get3A_777 = arith.constant 32 : index
        %get3A_778 = tpu.vector_load %arg9[%get3A_776, %get3A_777] {strides = array<i32>} : memref<64x128xf32, #tpu.memory_space<vmem>>, vector<16xf32>,
        %add3A_779 = arith.constant 365 : i32
        %add3A_780 = vector.broadcast %add3A_779 : i32 to vector<16xi32>
        %add3A_781 = arith.addi %add3A_780, %iota3A : vector<16xi32>
        tpu.vector_store_idx %arg7[%broadcast_in_dim3A, %add3A_781], %get3A_778 : memref<64x1677xf32, #tpu.memory_space<vmem>>[vector<16xi32>, vector<16xi32>], vector<16xf32>,
        %get3A_782 = arith.index_cast %scan3A_764 : i32 to index
        %get3A_783 = arith.constant 48 : index
        %get3A_784 = tpu.vector_load %arg9[%get3A_782, %get3A_783] {strides = array<i32>} : memref<64x128xf32, #tpu.memory_space<vmem>>, vector<16xf32>,
        %add3A_785 = arith.constant 381 : i32
        %add3A_786 = vector.broadcast %add3A_785 : i32 to vector<16xi32>
        %add3A_787 = arith.addi %add3A_786, %iota3A : vector<16xi32>
        tpu.vector_store_idx %arg7[%broadcast_in_dim3A, %add3A_787], %get3A_784 : memref<64x1677xf32, #tpu.memory_space<vmem>>[vector<16xi32>, vector<16xi32>], vector<16xf32>,
      }
      %scan3A_370 = arith.constant 64 : i32
      %dma_start3A_371 = arith.constant 7 : i32
      %dma_start3A_372 = arith.constant 0 : i32
      %dma_start3A_373 = tpu.memref_slice %arg6[%dma_start3A_371, %dma_start3A_372] : memref<26x64xi32, #tpu.memory_space<vmem>> -> memref<1x64xi32, #tpu.memory_space<vmem>>
      %dma_start3A_374 = tpu.memref_squeeze %dma_start3A_373 : memref<1x64xi32, #tpu.memory_space<vmem>> -> memref<64xi32, #tpu.memory_space<vmem>>
      %dma_start3A_375 = arith.constant 0 : i32
      %dma_start3A_376 = arith.constant 0 : i32
      %dma_start3A_377 = tpu.memref_slice %arg3[%dma_start3A_375, %dma_start3A_376] : memref<2600000x128xf32, #tpu.memory_space<hbm>> -> memref<2600000x128xf32, #tpu.memory_space<hbm>>
      tpu.enqueue_indirect_dma source(%dma_start3A_377 : memref<2600000x128xf32, #tpu.memory_space<hbm>>) target(%arg9 : memref<64x128xf32, #tpu.memory_space<vmem>>) offsets(%dma_start3A_374 : memref<64xi32, #tpu.memory_space<vmem>>) semaphore(%arg11 : memref<!tpu.dma_semaphore, #tpu.memory_space<semaphore_mem>>)
      %dma_wait3A_378 = arith.constant 6 : i32
      %dma_wait3A_379 = arith.constant 0 : i32
      %dma_wait3A_380 = tpu.memref_slice %arg6[%dma_wait3A_378, %dma_wait3A_379] : memref<26x64xi32, #tpu.memory_space<vmem>> -> memref<1x64xi32, #tpu.memory_space<vmem>>
      %dma_wait3A_381 = tpu.memref_squeeze %dma_wait3A_380 : memref<1x64xi32, #tpu.memory_space<vmem>> -> memref<64xi32, #tpu.memory_space<vmem>>
      %dma_wait3A_382 = arith.constant 0 : i32
      %dma_wait3A_383 = arith.constant 0 : i32
      %dma_wait3A_384 = tpu.memref_slice %arg3[%dma_wait3A_382, %dma_wait3A_383] : memref<2600000x128xf32, #tpu.memory_space<hbm>> -> memref<2600000x128xf32, #tpu.memory_space<hbm>>
      tpu.wait_indirect_dma semaphore(%arg10 : memref<!tpu.dma_semaphore, #tpu.memory_space<semaphore_mem>>) src(%dma_wait3A_384 : memref<2600000x128xf32, #tpu.memory_space<hbm>>) dst(%arg8 : memref<64x128xf32, #tpu.memory_space<vmem>>)
      %scan3A_385 = arith.constant 0 : i32
      %scan3A_386 = arith.constant 0 : i32
      %scan3A_387 = arith.constant 64 : i32
      %scan3A_388 = arith.addi %scan3A_386, %scan3A_387 : i32
      %scan3A_389 = arith.constant 1 : i32
      scf.for %scan3A_764 = %scan3A_386 to %scan3A_388 step %scan3A_389  : i32 {
        %broadcast_in_dim3A = vector.broadcast %scan3A_764 : i32 to vector<16xi32>
        %get3A = arith.index_cast %scan3A_764 : i32 to index
        %get3A_765 = arith.constant 0 : index
        %get3A_766 = tpu.vector_load %arg8[%get3A, %get3A_765] {strides = array<i32>} : memref<64x128xf32, #tpu.memory_space<vmem>>, vector<16xf32>,
        %add3A_767 = arith.constant 397 : i32
        %add3A_768 = vector.broadcast %add3A_767 : i32 to vector<16xi32>
        %add3A_769 = arith.addi %add3A_768, %iota3A : vector<16xi32>
        tpu.vector_store_idx %arg7[%broadcast_in_dim3A, %add3A_769], %get3A_766 : memref<64x1677xf32, #tpu.memory_space<vmem>>[vector<16xi32>, vector<16xi32>], vector<16xf32>,
        %get3A_770 = arith.index_cast %scan3A_764 : i32 to index
        %get3A_771 = arith.constant 16 : index
        %get3A_772 = tpu.vector_load %arg8[%get3A_770, %get3A_771] {strides = array<i32>} : memref<64x128xf32, #tpu.memory_space<vmem>>, vector<16xf32>,
        %add3A_773 = arith.constant 413 : i32
        %add3A_774 = vector.broadcast %add3A_773 : i32 to vector<16xi32>
        %add3A_775 = arith.addi %add3A_774, %iota3A : vector<16xi32>
        tpu.vector_store_idx %arg7[%broadcast_in_dim3A, %add3A_775], %get3A_772 : memref<64x1677xf32, #tpu.memory_space<vmem>>[vector<16xi32>, vector<16xi32>], vector<16xf32>,
        %get3A_776 = arith.index_cast %scan3A_764 : i32 to index
        %get3A_777 = arith.constant 32 : index
        %get3A_778 = tpu.vector_load %arg8[%get3A_776, %get3A_777] {strides = array<i32>} : memref<64x128xf32, #tpu.memory_space<vmem>>, vector<16xf32>,
        %add3A_779 = arith.constant 429 : i32
        %add3A_780 = vector.broadcast %add3A_779 : i32 to vector<16xi32>
        %add3A_781 = arith.addi %add3A_780, %iota3A : vector<16xi32>
        tpu.vector_store_idx %arg7[%broadcast_in_dim3A, %add3A_781], %get3A_778 : memref<64x1677xf32, #tpu.memory_space<vmem>>[vector<16xi32>, vector<16xi32>], vector<16xf32>,
        %get3A_782 = arith.index_cast %scan3A_764 : i32 to index
        %get3A_783 = arith.constant 48 : index
        %get3A_784 = tpu.vector_load %arg8[%get3A_782, %get3A_783] {strides = array<i32>} : memref<64x128xf32, #tpu.memory_space<vmem>>, vector<16xf32>,
        %add3A_785 = arith.constant 445 : i32
        %add3A_786 = vector.broadcast %add3A_785 : i32 to vector<16xi32>
        %add3A_787 = arith.addi %add3A_786, %iota3A : vector<16xi32>
        tpu.vector_store_idx %arg7[%broadcast_in_dim3A, %add3A_787], %get3A_784 : memref<64x1677xf32, #tpu.memory_space<vmem>>[vector<16xi32>, vector<16xi32>], vector<16xf32>,
      }
      %scan3A_390 = arith.constant 64 : i32
      %dma_start3A_391 = arith.constant 8 : i32
      %dma_start3A_392 = arith.constant 0 : i32
      %dma_start3A_393 = tpu.memref_slice %arg6[%dma_start3A_391, %dma_start3A_392] : memref<26x64xi32, #tpu.memory_space<vmem>> -> memref<1x64xi32, #tpu.memory_space<vmem>>
      %dma_start3A_394 = tpu.memref_squeeze %dma_start3A_393 : memref<1x64xi32, #tpu.memory_space<vmem>> -> memref<64xi32, #tpu.memory_space<vmem>>
      %dma_start3A_395 = arith.constant 0 : i32
      %dma_start3A_396 = arith.constant 0 : i32
      %dma_start3A_397 = tpu.memref_slice %arg3[%dma_start3A_395, %dma_start3A_396] : memref<2600000x128xf32, #tpu.memory_space<hbm>> -> memref<2600000x128xf32, #tpu.memory_space<hbm>>
      tpu.enqueue_indirect_dma source(%dma_start3A_397 : memref<2600000x128xf32, #tpu.memory_space<hbm>>) target(%arg8 : memref<64x128xf32, #tpu.memory_space<vmem>>) offsets(%dma_start3A_394 : memref<64xi32, #tpu.memory_space<vmem>>) semaphore(%arg10 : memref<!tpu.dma_semaphore, #tpu.memory_space<semaphore_mem>>)
      %dma_wait3A_398 = arith.constant 7 : i32
      %dma_wait3A_399 = arith.constant 0 : i32
      %dma_wait3A_400 = tpu.memref_slice %arg6[%dma_wait3A_398, %dma_wait3A_399] : memref<26x64xi32, #tpu.memory_space<vmem>> -> memref<1x64xi32, #tpu.memory_space<vmem>>
      %dma_wait3A_401 = tpu.memref_squeeze %dma_wait3A_400 : memref<1x64xi32, #tpu.memory_space<vmem>> -> memref<64xi32, #tpu.memory_space<vmem>>
      %dma_wait3A_402 = arith.constant 0 : i32
      %dma_wait3A_403 = arith.constant 0 : i32
      %dma_wait3A_404 = tpu.memref_slice %arg3[%dma_wait3A_402, %dma_wait3A_403] : memref<2600000x128xf32, #tpu.memory_space<hbm>> -> memref<2600000x128xf32, #tpu.memory_space<hbm>>
      tpu.wait_indirect_dma semaphore(%arg11 : memref<!tpu.dma_semaphore, #tpu.memory_space<semaphore_mem>>) src(%dma_wait3A_404 : memref<2600000x128xf32, #tpu.memory_space<hbm>>) dst(%arg9 : memref<64x128xf32, #tpu.memory_space<vmem>>)
      %scan3A_405 = arith.constant 0 : i32
      %scan3A_406 = arith.constant 0 : i32
      %scan3A_407 = arith.constant 64 : i32
      %scan3A_408 = arith.addi %scan3A_406, %scan3A_407 : i32
      %scan3A_409 = arith.constant 1 : i32
      scf.for %scan3A_764 = %scan3A_406 to %scan3A_408 step %scan3A_409  : i32 {
        %broadcast_in_dim3A = vector.broadcast %scan3A_764 : i32 to vector<16xi32>
        %get3A = arith.index_cast %scan3A_764 : i32 to index
        %get3A_765 = arith.constant 0 : index
        %get3A_766 = tpu.vector_load %arg9[%get3A, %get3A_765] {strides = array<i32>} : memref<64x128xf32, #tpu.memory_space<vmem>>, vector<16xf32>,
        %add3A_767 = arith.constant 461 : i32
        %add3A_768 = vector.broadcast %add3A_767 : i32 to vector<16xi32>
        %add3A_769 = arith.addi %add3A_768, %iota3A : vector<16xi32>
        tpu.vector_store_idx %arg7[%broadcast_in_dim3A, %add3A_769], %get3A_766 : memref<64x1677xf32, #tpu.memory_space<vmem>>[vector<16xi32>, vector<16xi32>], vector<16xf32>,
        %get3A_770 = arith.index_cast %scan3A_764 : i32 to index
        %get3A_771 = arith.constant 16 : index
        %get3A_772 = tpu.vector_load %arg9[%get3A_770, %get3A_771] {strides = array<i32>} : memref<64x128xf32, #tpu.memory_space<vmem>>, vector<16xf32>,
        %add3A_773 = arith.constant 477 : i32
        %add3A_774 = vector.broadcast %add3A_773 : i32 to vector<16xi32>
        %add3A_775 = arith.addi %add3A_774, %iota3A : vector<16xi32>
        tpu.vector_store_idx %arg7[%broadcast_in_dim3A, %add3A_775], %get3A_772 : memref<64x1677xf32, #tpu.memory_space<vmem>>[vector<16xi32>, vector<16xi32>], vector<16xf32>,
        %get3A_776 = arith.index_cast %scan3A_764 : i32 to index
        %get3A_777 = arith.constant 32 : index
        %get3A_778 = tpu.vector_load %arg9[%get3A_776, %get3A_777] {strides = array<i32>} : memref<64x128xf32, #tpu.memory_space<vmem>>, vector<16xf32>,
        %add3A_779 = arith.constant 493 : i32
        %add3A_780 = vector.broadcast %add3A_779 : i32 to vector<16xi32>
        %add3A_781 = arith.addi %add3A_780, %iota3A : vector<16xi32>
        tpu.vector_store_idx %arg7[%broadcast_in_dim3A, %add3A_781], %get3A_778 : memref<64x1677xf32, #tpu.memory_space<vmem>>[vector<16xi32>, vector<16xi32>], vector<16xf32>,
        %get3A_782 = arith.index_cast %scan3A_764 : i32 to index
        %get3A_783 = arith.constant 48 : index
        %get3A_784 = tpu.vector_load %arg9[%get3A_782, %get3A_783] {strides = array<i32>} : memref<64x128xf32, #tpu.memory_space<vmem>>, vector<16xf32>,
        %add3A_785 = arith.constant 509 : i32
        %add3A_786 = vector.broadcast %add3A_785 : i32 to vector<16xi32>
        %add3A_787 = arith.addi %add3A_786, %iota3A : vector<16xi32>
        tpu.vector_store_idx %arg7[%broadcast_in_dim3A, %add3A_787], %get3A_784 : memref<64x1677xf32, #tpu.memory_space<vmem>>[vector<16xi32>, vector<16xi32>], vector<16xf32>,
      }
      %scan3A_410 = arith.constant 64 : i32
      %dma_start3A_411 = arith.constant 9 : i32
      %dma_start3A_412 = arith.constant 0 : i32
      %dma_start3A_413 = tpu.memref_slice %arg6[%dma_start3A_411, %dma_start3A_412] : memref<26x64xi32, #tpu.memory_space<vmem>> -> memref<1x64xi32, #tpu.memory_space<vmem>>
      %dma_start3A_414 = tpu.memref_squeeze %dma_start3A_413 : memref<1x64xi32, #tpu.memory_space<vmem>> -> memref<64xi32, #tpu.memory_space<vmem>>
      %dma_start3A_415 = arith.constant 0 : i32
      %dma_start3A_416 = arith.constant 0 : i32
      %dma_start3A_417 = tpu.memref_slice %arg3[%dma_start3A_415, %dma_start3A_416] : memref<2600000x128xf32, #tpu.memory_space<hbm>> -> memref<2600000x128xf32, #tpu.memory_space<hbm>>
      tpu.enqueue_indirect_dma source(%dma_start3A_417 : memref<2600000x128xf32, #tpu.memory_space<hbm>>) target(%arg9 : memref<64x128xf32, #tpu.memory_space<vmem>>) offsets(%dma_start3A_414 : memref<64xi32, #tpu.memory_space<vmem>>) semaphore(%arg11 : memref<!tpu.dma_semaphore, #tpu.memory_space<semaphore_mem>>)
      %dma_wait3A_418 = arith.constant 8 : i32
      %dma_wait3A_419 = arith.constant 0 : i32
      %dma_wait3A_420 = tpu.memref_slice %arg6[%dma_wait3A_418, %dma_wait3A_419] : memref<26x64xi32, #tpu.memory_space<vmem>> -> memref<1x64xi32, #tpu.memory_space<vmem>>
      %dma_wait3A_421 = tpu.memref_squeeze %dma_wait3A_420 : memref<1x64xi32, #tpu.memory_space<vmem>> -> memref<64xi32, #tpu.memory_space<vmem>>
      %dma_wait3A_422 = arith.constant 0 : i32
      %dma_wait3A_423 = arith.constant 0 : i32
      %dma_wait3A_424 = tpu.memref_slice %arg3[%dma_wait3A_422, %dma_wait3A_423] : memref<2600000x128xf32, #tpu.memory_space<hbm>> -> memref<2600000x128xf32, #tpu.memory_space<hbm>>
      tpu.wait_indirect_dma semaphore(%arg10 : memref<!tpu.dma_semaphore, #tpu.memory_space<semaphore_mem>>) src(%dma_wait3A_424 : memref<2600000x128xf32, #tpu.memory_space<hbm>>) dst(%arg8 : memref<64x128xf32, #tpu.memory_space<vmem>>)
      %scan3A_425 = arith.constant 0 : i32
      %scan3A_426 = arith.constant 0 : i32
      %scan3A_427 = arith.constant 64 : i32
      %scan3A_428 = arith.addi %scan3A_426, %scan3A_427 : i32
      %scan3A_429 = arith.constant 1 : i32
      scf.for %scan3A_764 = %scan3A_426 to %scan3A_428 step %scan3A_429  : i32 {
        %broadcast_in_dim3A = vector.broadcast %scan3A_764 : i32 to vector<16xi32>
        %get3A = arith.index_cast %scan3A_764 : i32 to index
        %get3A_765 = arith.constant 0 : index
        %get3A_766 = tpu.vector_load %arg8[%get3A, %get3A_765] {strides = array<i32>} : memref<64x128xf32, #tpu.memory_space<vmem>>, vector<16xf32>,
        %add3A_767 = arith.constant 525 : i32
        %add3A_768 = vector.broadcast %add3A_767 : i32 to vector<16xi32>
        %add3A_769 = arith.addi %add3A_768, %iota3A : vector<16xi32>
        tpu.vector_store_idx %arg7[%broadcast_in_dim3A, %add3A_769], %get3A_766 : memref<64x1677xf32, #tpu.memory_space<vmem>>[vector<16xi32>, vector<16xi32>], vector<16xf32>,
        %get3A_770 = arith.index_cast %scan3A_764 : i32 to index
        %get3A_771 = arith.constant 16 : index
        %get3A_772 = tpu.vector_load %arg8[%get3A_770, %get3A_771] {strides = array<i32>} : memref<64x128xf32, #tpu.memory_space<vmem>>, vector<16xf32>,
        %add3A_773 = arith.constant 541 : i32
        %add3A_774 = vector.broadcast %add3A_773 : i32 to vector<16xi32>
        %add3A_775 = arith.addi %add3A_774, %iota3A : vector<16xi32>
        tpu.vector_store_idx %arg7[%broadcast_in_dim3A, %add3A_775], %get3A_772 : memref<64x1677xf32, #tpu.memory_space<vmem>>[vector<16xi32>, vector<16xi32>], vector<16xf32>,
        %get3A_776 = arith.index_cast %scan3A_764 : i32 to index
        %get3A_777 = arith.constant 32 : index
        %get3A_778 = tpu.vector_load %arg8[%get3A_776, %get3A_777] {strides = array<i32>} : memref<64x128xf32, #tpu.memory_space<vmem>>, vector<16xf32>,
        %add3A_779 = arith.constant 557 : i32
        %add3A_780 = vector.broadcast %add3A_779 : i32 to vector<16xi32>
        %add3A_781 = arith.addi %add3A_780, %iota3A : vector<16xi32>
        tpu.vector_store_idx %arg7[%broadcast_in_dim3A, %add3A_781], %get3A_778 : memref<64x1677xf32, #tpu.memory_space<vmem>>[vector<16xi32>, vector<16xi32>], vector<16xf32>,
        %get3A_782 = arith.index_cast %scan3A_764 : i32 to index
        %get3A_783 = arith.constant 48 : index
        %get3A_784 = tpu.vector_load %arg8[%get3A_782, %get3A_783] {strides = array<i32>} : memref<64x128xf32, #tpu.memory_space<vmem>>, vector<16xf32>,
        %add3A_785 = arith.constant 573 : i32
        %add3A_786 = vector.broadcast %add3A_785 : i32 to vector<16xi32>
        %add3A_787 = arith.addi %add3A_786, %iota3A : vector<16xi32>
        tpu.vector_store_idx %arg7[%broadcast_in_dim3A, %add3A_787], %get3A_784 : memref<64x1677xf32, #tpu.memory_space<vmem>>[vector<16xi32>, vector<16xi32>], vector<16xf32>,
      }
      %scan3A_430 = arith.constant 64 : i32
      %dma_start3A_431 = arith.constant 10 : i32
      %dma_start3A_432 = arith.constant 0 : i32
      %dma_start3A_433 = tpu.memref_slice %arg6[%dma_start3A_431, %dma_start3A_432] : memref<26x64xi32, #tpu.memory_space<vmem>> -> memref<1x64xi32, #tpu.memory_space<vmem>>
      %dma_start3A_434 = tpu.memref_squeeze %dma_start3A_433 : memref<1x64xi32, #tpu.memory_space<vmem>> -> memref<64xi32, #tpu.memory_space<vmem>>
      %dma_start3A_435 = arith.constant 0 : i32
      %dma_start3A_436 = arith.constant 0 : i32
      %dma_start3A_437 = tpu.memref_slice %arg3[%dma_start3A_435, %dma_start3A_436] : memref<2600000x128xf32, #tpu.memory_space<hbm>> -> memref<2600000x128xf32, #tpu.memory_space<hbm>>
      tpu.enqueue_indirect_dma source(%dma_start3A_437 : memref<2600000x128xf32, #tpu.memory_space<hbm>>) target(%arg8 : memref<64x128xf32, #tpu.memory_space<vmem>>) offsets(%dma_start3A_434 : memref<64xi32, #tpu.memory_space<vmem>>) semaphore(%arg10 : memref<!tpu.dma_semaphore, #tpu.memory_space<semaphore_mem>>)
      %dma_wait3A_438 = arith.constant 9 : i32
      %dma_wait3A_439 = arith.constant 0 : i32
      %dma_wait3A_440 = tpu.memref_slice %arg6[%dma_wait3A_438, %dma_wait3A_439] : memref<26x64xi32, #tpu.memory_space<vmem>> -> memref<1x64xi32, #tpu.memory_space<vmem>>
      %dma_wait3A_441 = tpu.memref_squeeze %dma_wait3A_440 : memref<1x64xi32, #tpu.memory_space<vmem>> -> memref<64xi32, #tpu.memory_space<vmem>>
      %dma_wait3A_442 = arith.constant 0 : i32
      %dma_wait3A_443 = arith.constant 0 : i32
      %dma_wait3A_444 = tpu.memref_slice %arg3[%dma_wait3A_442, %dma_wait3A_443] : memref<2600000x128xf32, #tpu.memory_space<hbm>> -> memref<2600000x128xf32, #tpu.memory_space<hbm>>
      tpu.wait_indirect_dma semaphore(%arg11 : memref<!tpu.dma_semaphore, #tpu.memory_space<semaphore_mem>>) src(%dma_wait3A_444 : memref<2600000x128xf32, #tpu.memory_space<hbm>>) dst(%arg9 : memref<64x128xf32, #tpu.memory_space<vmem>>)
      %scan3A_445 = arith.constant 0 : i32
      %scan3A_446 = arith.constant 0 : i32
      %scan3A_447 = arith.constant 64 : i32
      %scan3A_448 = arith.addi %scan3A_446, %scan3A_447 : i32
      %scan3A_449 = arith.constant 1 : i32
      scf.for %scan3A_764 = %scan3A_446 to %scan3A_448 step %scan3A_449  : i32 {
        %broadcast_in_dim3A = vector.broadcast %scan3A_764 : i32 to vector<16xi32>
        %get3A = arith.index_cast %scan3A_764 : i32 to index
        %get3A_765 = arith.constant 0 : index
        %get3A_766 = tpu.vector_load %arg9[%get3A, %get3A_765] {strides = array<i32>} : memref<64x128xf32, #tpu.memory_space<vmem>>, vector<16xf32>,
        %add3A_767 = arith.constant 589 : i32
        %add3A_768 = vector.broadcast %add3A_767 : i32 to vector<16xi32>
        %add3A_769 = arith.addi %add3A_768, %iota3A : vector<16xi32>
        tpu.vector_store_idx %arg7[%broadcast_in_dim3A, %add3A_769], %get3A_766 : memref<64x1677xf32, #tpu.memory_space<vmem>>[vector<16xi32>, vector<16xi32>], vector<16xf32>,
        %get3A_770 = arith.index_cast %scan3A_764 : i32 to index
        %get3A_771 = arith.constant 16 : index
        %get3A_772 = tpu.vector_load %arg9[%get3A_770, %get3A_771] {strides = array<i32>} : memref<64x128xf32, #tpu.memory_space<vmem>>, vector<16xf32>,
        %add3A_773 = arith.constant 605 : i32
        %add3A_774 = vector.broadcast %add3A_773 : i32 to vector<16xi32>
        %add3A_775 = arith.addi %add3A_774, %iota3A : vector<16xi32>
        tpu.vector_store_idx %arg7[%broadcast_in_dim3A, %add3A_775], %get3A_772 : memref<64x1677xf32, #tpu.memory_space<vmem>>[vector<16xi32>, vector<16xi32>], vector<16xf32>,
        %get3A_776 = arith.index_cast %scan3A_764 : i32 to index
        %get3A_777 = arith.constant 32 : index
        %get3A_778 = tpu.vector_load %arg9[%get3A_776, %get3A_777] {strides = array<i32>} : memref<64x128xf32, #tpu.memory_space<vmem>>, vector<16xf32>,
        %add3A_779 = arith.constant 621 : i32
        %add3A_780 = vector.broadcast %add3A_779 : i32 to vector<16xi32>
        %add3A_781 = arith.addi %add3A_780, %iota3A : vector<16xi32>
        tpu.vector_store_idx %arg7[%broadcast_in_dim3A, %add3A_781], %get3A_778 : memref<64x1677xf32, #tpu.memory_space<vmem>>[vector<16xi32>, vector<16xi32>], vector<16xf32>,
        %get3A_782 = arith.index_cast %scan3A_764 : i32 to index
        %get3A_783 = arith.constant 48 : index
        %get3A_784 = tpu.vector_load %arg9[%get3A_782, %get3A_783] {strides = array<i32>} : memref<64x128xf32, #tpu.memory_space<vmem>>, vector<16xf32>,
        %add3A_785 = arith.constant 637 : i32
        %add3A_786 = vector.broadcast %add3A_785 : i32 to vector<16xi32>
        %add3A_787 = arith.addi %add3A_786, %iota3A : vector<16xi32>
        tpu.vector_store_idx %arg7[%broadcast_in_dim3A, %add3A_787], %get3A_784 : memref<64x1677xf32, #tpu.memory_space<vmem>>[vector<16xi32>, vector<16xi32>], vector<16xf32>,
      }
      %scan3A_450 = arith.constant 64 : i32
      %dma_start3A_451 = arith.constant 11 : i32
      %dma_start3A_452 = arith.constant 0 : i32
      %dma_start3A_453 = tpu.memref_slice %arg6[%dma_start3A_451, %dma_start3A_452] : memref<26x64xi32, #tpu.memory_space<vmem>> -> memref<1x64xi32, #tpu.memory_space<vmem>>
      %dma_start3A_454 = tpu.memref_squeeze %dma_start3A_453 : memref<1x64xi32, #tpu.memory_space<vmem>> -> memref<64xi32, #tpu.memory_space<vmem>>
      %dma_start3A_455 = arith.constant 0 : i32
      %dma_start3A_456 = arith.constant 0 : i32
      %dma_start3A_457 = tpu.memref_slice %arg3[%dma_start3A_455, %dma_start3A_456] : memref<2600000x128xf32, #tpu.memory_space<hbm>> -> memref<2600000x128xf32, #tpu.memory_space<hbm>>
      tpu.enqueue_indirect_dma source(%dma_start3A_457 : memref<2600000x128xf32, #tpu.memory_space<hbm>>) target(%arg9 : memref<64x128xf32, #tpu.memory_space<vmem>>) offsets(%dma_start3A_454 : memref<64xi32, #tpu.memory_space<vmem>>) semaphore(%arg11 : memref<!tpu.dma_semaphore, #tpu.memory_space<semaphore_mem>>)
      %dma_wait3A_458 = arith.constant 10 : i32
      %dma_wait3A_459 = arith.constant 0 : i32
      %dma_wait3A_460 = tpu.memref_slice %arg6[%dma_wait3A_458, %dma_wait3A_459] : memref<26x64xi32, #tpu.memory_space<vmem>> -> memref<1x64xi32, #tpu.memory_space<vmem>>
      %dma_wait3A_461 = tpu.memref_squeeze %dma_wait3A_460 : memref<1x64xi32, #tpu.memory_space<vmem>> -> memref<64xi32, #tpu.memory_space<vmem>>
      %dma_wait3A_462 = arith.constant 0 : i32
      %dma_wait3A_463 = arith.constant 0 : i32
      %dma_wait3A_464 = tpu.memref_slice %arg3[%dma_wait3A_462, %dma_wait3A_463] : memref<2600000x128xf32, #tpu.memory_space<hbm>> -> memref<2600000x128xf32, #tpu.memory_space<hbm>>
      tpu.wait_indirect_dma semaphore(%arg10 : memref<!tpu.dma_semaphore, #tpu.memory_space<semaphore_mem>>) src(%dma_wait3A_464 : memref<2600000x128xf32, #tpu.memory_space<hbm>>) dst(%arg8 : memref<64x128xf32, #tpu.memory_space<vmem>>)
      %scan3A_465 = arith.constant 0 : i32
      %scan3A_466 = arith.constant 0 : i32
      %scan3A_467 = arith.constant 64 : i32
      %scan3A_468 = arith.addi %scan3A_466, %scan3A_467 : i32
      %scan3A_469 = arith.constant 1 : i32
      scf.for %scan3A_764 = %scan3A_466 to %scan3A_468 step %scan3A_469  : i32 {
        %broadcast_in_dim3A = vector.broadcast %scan3A_764 : i32 to vector<16xi32>
        %get3A = arith.index_cast %scan3A_764 : i32 to index
        %get3A_765 = arith.constant 0 : index
        %get3A_766 = tpu.vector_load %arg8[%get3A, %get3A_765] {strides = array<i32>} : memref<64x128xf32, #tpu.memory_space<vmem>>, vector<16xf32>,
        %add3A_767 = arith.constant 653 : i32
        %add3A_768 = vector.broadcast %add3A_767 : i32 to vector<16xi32>
        %add3A_769 = arith.addi %add3A_768, %iota3A : vector<16xi32>
        tpu.vector_store_idx %arg7[%broadcast_in_dim3A, %add3A_769], %get3A_766 : memref<64x1677xf32, #tpu.memory_space<vmem>>[vector<16xi32>, vector<16xi32>], vector<16xf32>,
        %get3A_770 = arith.index_cast %scan3A_764 : i32 to index
        %get3A_771 = arith.constant 16 : index
        %get3A_772 = tpu.vector_load %arg8[%get3A_770, %get3A_771] {strides = array<i32>} : memref<64x128xf32, #tpu.memory_space<vmem>>, vector<16xf32>,
        %add3A_773 = arith.constant 669 : i32
        %add3A_774 = vector.broadcast %add3A_773 : i32 to vector<16xi32>
        %add3A_775 = arith.addi %add3A_774, %iota3A : vector<16xi32>
        tpu.vector_store_idx %arg7[%broadcast_in_dim3A, %add3A_775], %get3A_772 : memref<64x1677xf32, #tpu.memory_space<vmem>>[vector<16xi32>, vector<16xi32>], vector<16xf32>,
        %get3A_776 = arith.index_cast %scan3A_764 : i32 to index
        %get3A_777 = arith.constant 32 : index
        %get3A_778 = tpu.vector_load %arg8[%get3A_776, %get3A_777] {strides = array<i32>} : memref<64x128xf32, #tpu.memory_space<vmem>>, vector<16xf32>,
        %add3A_779 = arith.constant 685 : i32
        %add3A_780 = vector.broadcast %add3A_779 : i32 to vector<16xi32>
        %add3A_781 = arith.addi %add3A_780, %iota3A : vector<16xi32>
        tpu.vector_store_idx %arg7[%broadcast_in_dim3A, %add3A_781], %get3A_778 : memref<64x1677xf32, #tpu.memory_space<vmem>>[vector<16xi32>, vector<16xi32>], vector<16xf32>,
        %get3A_782 = arith.index_cast %scan3A_764 : i32 to index
        %get3A_783 = arith.constant 48 : index
        %get3A_784 = tpu.vector_load %arg8[%get3A_782, %get3A_783] {strides = array<i32>} : memref<64x128xf32, #tpu.memory_space<vmem>>, vector<16xf32>,
        %add3A_785 = arith.constant 701 : i32
        %add3A_786 = vector.broadcast %add3A_785 : i32 to vector<16xi32>
        %add3A_787 = arith.addi %add3A_786, %iota3A : vector<16xi32>
        tpu.vector_store_idx %arg7[%broadcast_in_dim3A, %add3A_787], %get3A_784 : memref<64x1677xf32, #tpu.memory_space<vmem>>[vector<16xi32>, vector<16xi32>], vector<16xf32>,
      }
      %scan3A_470 = arith.constant 64 : i32
      %dma_start3A_471 = arith.constant 12 : i32
      %dma_start3A_472 = arith.constant 0 : i32
      %dma_start3A_473 = tpu.memref_slice %arg6[%dma_start3A_471, %dma_start3A_472] : memref<26x64xi32, #tpu.memory_space<vmem>> -> memref<1x64xi32, #tpu.memory_space<vmem>>
      %dma_start3A_474 = tpu.memref_squeeze %dma_start3A_473 : memref<1x64xi32, #tpu.memory_space<vmem>> -> memref<64xi32, #tpu.memory_space<vmem>>
      %dma_start3A_475 = arith.constant 0 : i32
      %dma_start3A_476 = arith.constant 0 : i32
      %dma_start3A_477 = tpu.memref_slice %arg3[%dma_start3A_475, %dma_start3A_476] : memref<2600000x128xf32, #tpu.memory_space<hbm>> -> memref<2600000x128xf32, #tpu.memory_space<hbm>>
      tpu.enqueue_indirect_dma source(%dma_start3A_477 : memref<2600000x128xf32, #tpu.memory_space<hbm>>) target(%arg8 : memref<64x128xf32, #tpu.memory_space<vmem>>) offsets(%dma_start3A_474 : memref<64xi32, #tpu.memory_space<vmem>>) semaphore(%arg10 : memref<!tpu.dma_semaphore, #tpu.memory_space<semaphore_mem>>)
      %dma_wait3A_478 = arith.constant 11 : i32
      %dma_wait3A_479 = arith.constant 0 : i32
      %dma_wait3A_480 = tpu.memref_slice %arg6[%dma_wait3A_478, %dma_wait3A_479] : memref<26x64xi32, #tpu.memory_space<vmem>> -> memref<1x64xi32, #tpu.memory_space<vmem>>
      %dma_wait3A_481 = tpu.memref_squeeze %dma_wait3A_480 : memref<1x64xi32, #tpu.memory_space<vmem>> -> memref<64xi32, #tpu.memory_space<vmem>>
      %dma_wait3A_482 = arith.constant 0 : i32
      %dma_wait3A_483 = arith.constant 0 : i32
      %dma_wait3A_484 = tpu.memref_slice %arg3[%dma_wait3A_482, %dma_wait3A_483] : memref<2600000x128xf32, #tpu.memory_space<hbm>> -> memref<2600000x128xf32, #tpu.memory_space<hbm>>
      tpu.wait_indirect_dma semaphore(%arg11 : memref<!tpu.dma_semaphore, #tpu.memory_space<semaphore_mem>>) src(%dma_wait3A_484 : memref<2600000x128xf32, #tpu.memory_space<hbm>>) dst(%arg9 : memref<64x128xf32, #tpu.memory_space<vmem>>)
      %scan3A_485 = arith.constant 0 : i32
      %scan3A_486 = arith.constant 0 : i32
      %scan3A_487 = arith.constant 64 : i32
      %scan3A_488 = arith.addi %scan3A_486, %scan3A_487 : i32
      %scan3A_489 = arith.constant 1 : i32
      scf.for %scan3A_764 = %scan3A_486 to %scan3A_488 step %scan3A_489  : i32 {
        %broadcast_in_dim3A = vector.broadcast %scan3A_764 : i32 to vector<16xi32>
        %get3A = arith.index_cast %scan3A_764 : i32 to index
        %get3A_765 = arith.constant 0 : index
        %get3A_766 = tpu.vector_load %arg9[%get3A, %get3A_765] {strides = array<i32>} : memref<64x128xf32, #tpu.memory_space<vmem>>, vector<16xf32>,
        %add3A_767 = arith.constant 717 : i32
        %add3A_768 = vector.broadcast %add3A_767 : i32 to vector<16xi32>
        %add3A_769 = arith.addi %add3A_768, %iota3A : vector<16xi32>
        tpu.vector_store_idx %arg7[%broadcast_in_dim3A, %add3A_769], %get3A_766 : memref<64x1677xf32, #tpu.memory_space<vmem>>[vector<16xi32>, vector<16xi32>], vector<16xf32>,
        %get3A_770 = arith.index_cast %scan3A_764 : i32 to index
        %get3A_771 = arith.constant 16 : index
        %get3A_772 = tpu.vector_load %arg9[%get3A_770, %get3A_771] {strides = array<i32>} : memref<64x128xf32, #tpu.memory_space<vmem>>, vector<16xf32>,
        %add3A_773 = arith.constant 733 : i32
        %add3A_774 = vector.broadcast %add3A_773 : i32 to vector<16xi32>
        %add3A_775 = arith.addi %add3A_774, %iota3A : vector<16xi32>
        tpu.vector_store_idx %arg7[%broadcast_in_dim3A, %add3A_775], %get3A_772 : memref<64x1677xf32, #tpu.memory_space<vmem>>[vector<16xi32>, vector<16xi32>], vector<16xf32>,
        %get3A_776 = arith.index_cast %scan3A_764 : i32 to index
        %get3A_777 = arith.constant 32 : index
        %get3A_778 = tpu.vector_load %arg9[%get3A_776, %get3A_777] {strides = array<i32>} : memref<64x128xf32, #tpu.memory_space<vmem>>, vector<16xf32>,
        %add3A_779 = arith.constant 749 : i32
        %add3A_780 = vector.broadcast %add3A_779 : i32 to vector<16xi32>
        %add3A_781 = arith.addi %add3A_780, %iota3A : vector<16xi32>
        tpu.vector_store_idx %arg7[%broadcast_in_dim3A, %add3A_781], %get3A_778 : memref<64x1677xf32, #tpu.memory_space<vmem>>[vector<16xi32>, vector<16xi32>], vector<16xf32>,
        %get3A_782 = arith.index_cast %scan3A_764 : i32 to index
        %get3A_783 = arith.constant 48 : index
        %get3A_784 = tpu.vector_load %arg9[%get3A_782, %get3A_783] {strides = array<i32>} : memref<64x128xf32, #tpu.memory_space<vmem>>, vector<16xf32>,
        %add3A_785 = arith.constant 765 : i32
        %add3A_786 = vector.broadcast %add3A_785 : i32 to vector<16xi32>
        %add3A_787 = arith.addi %add3A_786, %iota3A : vector<16xi32>
        tpu.vector_store_idx %arg7[%broadcast_in_dim3A, %add3A_787], %get3A_784 : memref<64x1677xf32, #tpu.memory_space<vmem>>[vector<16xi32>, vector<16xi32>], vector<16xf32>,
      }
      %scan3A_490 = arith.constant 64 : i32
      %dma_start3A_491 = arith.constant 13 : i32
      %dma_start3A_492 = arith.constant 0 : i32
      %dma_start3A_493 = tpu.memref_slice %arg6[%dma_start3A_491, %dma_start3A_492] : memref<26x64xi32, #tpu.memory_space<vmem>> -> memref<1x64xi32, #tpu.memory_space<vmem>>
      %dma_start3A_494 = tpu.memref_squeeze %dma_start3A_493 : memref<1x64xi32, #tpu.memory_space<vmem>> -> memref<64xi32, #tpu.memory_space<vmem>>
      %dma_start3A_495 = arith.constant 0 : i32
      %dma_start3A_496 = arith.constant 0 : i32
      %dma_start3A_497 = tpu.memref_slice %arg3[%dma_start3A_495, %dma_start3A_496] : memref<2600000x128xf32, #tpu.memory_space<hbm>> -> memref<2600000x128xf32, #tpu.memory_space<hbm>>
      tpu.enqueue_indirect_dma source(%dma_start3A_497 : memref<2600000x128xf32, #tpu.memory_space<hbm>>) target(%arg9 : memref<64x128xf32, #tpu.memory_space<vmem>>) offsets(%dma_start3A_494 : memref<64xi32, #tpu.memory_space<vmem>>) semaphore(%arg11 : memref<!tpu.dma_semaphore, #tpu.memory_space<semaphore_mem>>)
      %dma_wait3A_498 = arith.constant 12 : i32
      %dma_wait3A_499 = arith.constant 0 : i32
      %dma_wait3A_500 = tpu.memref_slice %arg6[%dma_wait3A_498, %dma_wait3A_499] : memref<26x64xi32, #tpu.memory_space<vmem>> -> memref<1x64xi32, #tpu.memory_space<vmem>>
      %dma_wait3A_501 = tpu.memref_squeeze %dma_wait3A_500 : memref<1x64xi32, #tpu.memory_space<vmem>> -> memref<64xi32, #tpu.memory_space<vmem>>
      %dma_wait3A_502 = arith.constant 0 : i32
      %dma_wait3A_503 = arith.constant 0 : i32
      %dma_wait3A_504 = tpu.memref_slice %arg3[%dma_wait3A_502, %dma_wait3A_503] : memref<2600000x128xf32, #tpu.memory_space<hbm>> -> memref<2600000x128xf32, #tpu.memory_space<hbm>>
      tpu.wait_indirect_dma semaphore(%arg10 : memref<!tpu.dma_semaphore, #tpu.memory_space<semaphore_mem>>) src(%dma_wait3A_504 : memref<2600000x128xf32, #tpu.memory_space<hbm>>) dst(%arg8 : memref<64x128xf32, #tpu.memory_space<vmem>>)
      %scan3A_505 = arith.constant 0 : i32
      %scan3A_506 = arith.constant 0 : i32
      %scan3A_507 = arith.constant 64 : i32
      %scan3A_508 = arith.addi %scan3A_506, %scan3A_507 : i32
      %scan3A_509 = arith.constant 1 : i32
      scf.for %scan3A_764 = %scan3A_506 to %scan3A_508 step %scan3A_509  : i32 {
        %broadcast_in_dim3A = vector.broadcast %scan3A_764 : i32 to vector<16xi32>
        %get3A = arith.index_cast %scan3A_764 : i32 to index
        %get3A_765 = arith.constant 0 : index
        %get3A_766 = tpu.vector_load %arg8[%get3A, %get3A_765] {strides = array<i32>} : memref<64x128xf32, #tpu.memory_space<vmem>>, vector<16xf32>,
        %add3A_767 = arith.constant 781 : i32
        %add3A_768 = vector.broadcast %add3A_767 : i32 to vector<16xi32>
        %add3A_769 = arith.addi %add3A_768, %iota3A : vector<16xi32>
        tpu.vector_store_idx %arg7[%broadcast_in_dim3A, %add3A_769], %get3A_766 : memref<64x1677xf32, #tpu.memory_space<vmem>>[vector<16xi32>, vector<16xi32>], vector<16xf32>,
        %get3A_770 = arith.index_cast %scan3A_764 : i32 to index
        %get3A_771 = arith.constant 16 : index
        %get3A_772 = tpu.vector_load %arg8[%get3A_770, %get3A_771] {strides = array<i32>} : memref<64x128xf32, #tpu.memory_space<vmem>>, vector<16xf32>,
        %add3A_773 = arith.constant 797 : i32
        %add3A_774 = vector.broadcast %add3A_773 : i32 to vector<16xi32>
        %add3A_775 = arith.addi %add3A_774, %iota3A : vector<16xi32>
        tpu.vector_store_idx %arg7[%broadcast_in_dim3A, %add3A_775], %get3A_772 : memref<64x1677xf32, #tpu.memory_space<vmem>>[vector<16xi32>, vector<16xi32>], vector<16xf32>,
        %get3A_776 = arith.index_cast %scan3A_764 : i32 to index
        %get3A_777 = arith.constant 32 : index
        %get3A_778 = tpu.vector_load %arg8[%get3A_776, %get3A_777] {strides = array<i32>} : memref<64x128xf32, #tpu.memory_space<vmem>>, vector<16xf32>,
        %add3A_779 = arith.constant 813 : i32
        %add3A_780 = vector.broadcast %add3A_779 : i32 to vector<16xi32>
        %add3A_781 = arith.addi %add3A_780, %iota3A : vector<16xi32>
        tpu.vector_store_idx %arg7[%broadcast_in_dim3A, %add3A_781], %get3A_778 : memref<64x1677xf32, #tpu.memory_space<vmem>>[vector<16xi32>, vector<16xi32>], vector<16xf32>,
        %get3A_782 = arith.index_cast %scan3A_764 : i32 to index
        %get3A_783 = arith.constant 48 : index
        %get3A_784 = tpu.vector_load %arg8[%get3A_782, %get3A_783] {strides = array<i32>} : memref<64x128xf32, #tpu.memory_space<vmem>>, vector<16xf32>,
        %add3A_785 = arith.constant 829 : i32
        %add3A_786 = vector.broadcast %add3A_785 : i32 to vector<16xi32>
        %add3A_787 = arith.addi %add3A_786, %iota3A : vector<16xi32>
        tpu.vector_store_idx %arg7[%broadcast_in_dim3A, %add3A_787], %get3A_784 : memref<64x1677xf32, #tpu.memory_space<vmem>>[vector<16xi32>, vector<16xi32>], vector<16xf32>,
      }
      %scan3A_510 = arith.constant 64 : i32
      %dma_start3A_511 = arith.constant 14 : i32
      %dma_start3A_512 = arith.constant 0 : i32
      %dma_start3A_513 = tpu.memref_slice %arg6[%dma_start3A_511, %dma_start3A_512] : memref<26x64xi32, #tpu.memory_space<vmem>> -> memref<1x64xi32, #tpu.memory_space<vmem>>
      %dma_start3A_514 = tpu.memref_squeeze %dma_start3A_513 : memref<1x64xi32, #tpu.memory_space<vmem>> -> memref<64xi32, #tpu.memory_space<vmem>>
      %dma_start3A_515 = arith.constant 0 : i32
      %dma_start3A_516 = arith.constant 0 : i32
      %dma_start3A_517 = tpu.memref_slice %arg3[%dma_start3A_515, %dma_start3A_516] : memref<2600000x128xf32, #tpu.memory_space<hbm>> -> memref<2600000x128xf32, #tpu.memory_space<hbm>>
      tpu.enqueue_indirect_dma source(%dma_start3A_517 : memref<2600000x128xf32, #tpu.memory_space<hbm>>) target(%arg8 : memref<64x128xf32, #tpu.memory_space<vmem>>) offsets(%dma_start3A_514 : memref<64xi32, #tpu.memory_space<vmem>>) semaphore(%arg10 : memref<!tpu.dma_semaphore, #tpu.memory_space<semaphore_mem>>)
      %dma_wait3A_518 = arith.constant 13 : i32
      %dma_wait3A_519 = arith.constant 0 : i32
      %dma_wait3A_520 = tpu.memref_slice %arg6[%dma_wait3A_518, %dma_wait3A_519] : memref<26x64xi32, #tpu.memory_space<vmem>> -> memref<1x64xi32, #tpu.memory_space<vmem>>
      %dma_wait3A_521 = tpu.memref_squeeze %dma_wait3A_520 : memref<1x64xi32, #tpu.memory_space<vmem>> -> memref<64xi32, #tpu.memory_space<vmem>>
      %dma_wait3A_522 = arith.constant 0 : i32
      %dma_wait3A_523 = arith.constant 0 : i32
      %dma_wait3A_524 = tpu.memref_slice %arg3[%dma_wait3A_522, %dma_wait3A_523] : memref<2600000x128xf32, #tpu.memory_space<hbm>> -> memref<2600000x128xf32, #tpu.memory_space<hbm>>
      tpu.wait_indirect_dma semaphore(%arg11 : memref<!tpu.dma_semaphore, #tpu.memory_space<semaphore_mem>>) src(%dma_wait3A_524 : memref<2600000x128xf32, #tpu.memory_space<hbm>>) dst(%arg9 : memref<64x128xf32, #tpu.memory_space<vmem>>)
      %scan3A_525 = arith.constant 0 : i32
      %scan3A_526 = arith.constant 0 : i32
      %scan3A_527 = arith.constant 64 : i32
      %scan3A_528 = arith.addi %scan3A_526, %scan3A_527 : i32
      %scan3A_529 = arith.constant 1 : i32
      scf.for %scan3A_764 = %scan3A_526 to %scan3A_528 step %scan3A_529  : i32 {
        %broadcast_in_dim3A = vector.broadcast %scan3A_764 : i32 to vector<16xi32>
        %get3A = arith.index_cast %scan3A_764 : i32 to index
        %get3A_765 = arith.constant 0 : index
        %get3A_766 = tpu.vector_load %arg9[%get3A, %get3A_765] {strides = array<i32>} : memref<64x128xf32, #tpu.memory_space<vmem>>, vector<16xf32>,
        %add3A_767 = arith.constant 845 : i32
        %add3A_768 = vector.broadcast %add3A_767 : i32 to vector<16xi32>
        %add3A_769 = arith.addi %add3A_768, %iota3A : vector<16xi32>
        tpu.vector_store_idx %arg7[%broadcast_in_dim3A, %add3A_769], %get3A_766 : memref<64x1677xf32, #tpu.memory_space<vmem>>[vector<16xi32>, vector<16xi32>], vector<16xf32>,
        %get3A_770 = arith.index_cast %scan3A_764 : i32 to index
        %get3A_771 = arith.constant 16 : index
        %get3A_772 = tpu.vector_load %arg9[%get3A_770, %get3A_771] {strides = array<i32>} : memref<64x128xf32, #tpu.memory_space<vmem>>, vector<16xf32>,
        %add3A_773 = arith.constant 861 : i32
        %add3A_774 = vector.broadcast %add3A_773 : i32 to vector<16xi32>
        %add3A_775 = arith.addi %add3A_774, %iota3A : vector<16xi32>
        tpu.vector_store_idx %arg7[%broadcast_in_dim3A, %add3A_775], %get3A_772 : memref<64x1677xf32, #tpu.memory_space<vmem>>[vector<16xi32>, vector<16xi32>], vector<16xf32>,
        %get3A_776 = arith.index_cast %scan3A_764 : i32 to index
        %get3A_777 = arith.constant 32 : index
        %get3A_778 = tpu.vector_load %arg9[%get3A_776, %get3A_777] {strides = array<i32>} : memref<64x128xf32, #tpu.memory_space<vmem>>, vector<16xf32>,
        %add3A_779 = arith.constant 877 : i32
        %add3A_780 = vector.broadcast %add3A_779 : i32 to vector<16xi32>
        %add3A_781 = arith.addi %add3A_780, %iota3A : vector<16xi32>
        tpu.vector_store_idx %arg7[%broadcast_in_dim3A, %add3A_781], %get3A_778 : memref<64x1677xf32, #tpu.memory_space<vmem>>[vector<16xi32>, vector<16xi32>], vector<16xf32>,
        %get3A_782 = arith.index_cast %scan3A_764 : i32 to index
        %get3A_783 = arith.constant 48 : index
        %get3A_784 = tpu.vector_load %arg9[%get3A_782, %get3A_783] {strides = array<i32>} : memref<64x128xf32, #tpu.memory_space<vmem>>, vector<16xf32>,
        %add3A_785 = arith.constant 893 : i32
        %add3A_786 = vector.broadcast %add3A_785 : i32 to vector<16xi32>
        %add3A_787 = arith.addi %add3A_786, %iota3A : vector<16xi32>
        tpu.vector_store_idx %arg7[%broadcast_in_dim3A, %add3A_787], %get3A_784 : memref<64x1677xf32, #tpu.memory_space<vmem>>[vector<16xi32>, vector<16xi32>], vector<16xf32>,
      }
      %scan3A_530 = arith.constant 64 : i32
      %dma_start3A_531 = arith.constant 15 : i32
      %dma_start3A_532 = arith.constant 0 : i32
      %dma_start3A_533 = tpu.memref_slice %arg6[%dma_start3A_531, %dma_start3A_532] : memref<26x64xi32, #tpu.memory_space<vmem>> -> memref<1x64xi32, #tpu.memory_space<vmem>>
      %dma_start3A_534 = tpu.memref_squeeze %dma_start3A_533 : memref<1x64xi32, #tpu.memory_space<vmem>> -> memref<64xi32, #tpu.memory_space<vmem>>
      %dma_start3A_535 = arith.constant 0 : i32
      %dma_start3A_536 = arith.constant 0 : i32
      %dma_start3A_537 = tpu.memref_slice %arg3[%dma_start3A_535, %dma_start3A_536] : memref<2600000x128xf32, #tpu.memory_space<hbm>> -> memref<2600000x128xf32, #tpu.memory_space<hbm>>
      tpu.enqueue_indirect_dma source(%dma_start3A_537 : memref<2600000x128xf32, #tpu.memory_space<hbm>>) target(%arg9 : memref<64x128xf32, #tpu.memory_space<vmem>>) offsets(%dma_start3A_534 : memref<64xi32, #tpu.memory_space<vmem>>) semaphore(%arg11 : memref<!tpu.dma_semaphore, #tpu.memory_space<semaphore_mem>>)
      %dma_wait3A_538 = arith.constant 14 : i32
      %dma_wait3A_539 = arith.constant 0 : i32
      %dma_wait3A_540 = tpu.memref_slice %arg6[%dma_wait3A_538, %dma_wait3A_539] : memref<26x64xi32, #tpu.memory_space<vmem>> -> memref<1x64xi32, #tpu.memory_space<vmem>>
      %dma_wait3A_541 = tpu.memref_squeeze %dma_wait3A_540 : memref<1x64xi32, #tpu.memory_space<vmem>> -> memref<64xi32, #tpu.memory_space<vmem>>
      %dma_wait3A_542 = arith.constant 0 : i32
      %dma_wait3A_543 = arith.constant 0 : i32
      %dma_wait3A_544 = tpu.memref_slice %arg3[%dma_wait3A_542, %dma_wait3A_543] : memref<2600000x128xf32, #tpu.memory_space<hbm>> -> memref<2600000x128xf32, #tpu.memory_space<hbm>>
      tpu.wait_indirect_dma semaphore(%arg10 : memref<!tpu.dma_semaphore, #tpu.memory_space<semaphore_mem>>) src(%dma_wait3A_544 : memref<2600000x128xf32, #tpu.memory_space<hbm>>) dst(%arg8 : memref<64x128xf32, #tpu.memory_space<vmem>>)
      %scan3A_545 = arith.constant 0 : i32
      %scan3A_546 = arith.constant 0 : i32
      %scan3A_547 = arith.constant 64 : i32
      %scan3A_548 = arith.addi %scan3A_546, %scan3A_547 : i32
      %scan3A_549 = arith.constant 1 : i32
      scf.for %scan3A_764 = %scan3A_546 to %scan3A_548 step %scan3A_549  : i32 {
        %broadcast_in_dim3A = vector.broadcast %scan3A_764 : i32 to vector<16xi32>
        %get3A = arith.index_cast %scan3A_764 : i32 to index
        %get3A_765 = arith.constant 0 : index
        %get3A_766 = tpu.vector_load %arg8[%get3A, %get3A_765] {strides = array<i32>} : memref<64x128xf32, #tpu.memory_space<vmem>>, vector<16xf32>,
        %add3A_767 = arith.constant 909 : i32
        %add3A_768 = vector.broadcast %add3A_767 : i32 to vector<16xi32>
        %add3A_769 = arith.addi %add3A_768, %iota3A : vector<16xi32>
        tpu.vector_store_idx %arg7[%broadcast_in_dim3A, %add3A_769], %get3A_766 : memref<64x1677xf32, #tpu.memory_space<vmem>>[vector<16xi32>, vector<16xi32>], vector<16xf32>,
        %get3A_770 = arith.index_cast %scan3A_764 : i32 to index
        %get3A_771 = arith.constant 16 : index
        %get3A_772 = tpu.vector_load %arg8[%get3A_770, %get3A_771] {strides = array<i32>} : memref<64x128xf32, #tpu.memory_space<vmem>>, vector<16xf32>,
        %add3A_773 = arith.constant 925 : i32
        %add3A_774 = vector.broadcast %add3A_773 : i32 to vector<16xi32>
        %add3A_775 = arith.addi %add3A_774, %iota3A : vector<16xi32>
        tpu.vector_store_idx %arg7[%broadcast_in_dim3A, %add3A_775], %get3A_772 : memref<64x1677xf32, #tpu.memory_space<vmem>>[vector<16xi32>, vector<16xi32>], vector<16xf32>,
        %get3A_776 = arith.index_cast %scan3A_764 : i32 to index
        %get3A_777 = arith.constant 32 : index
        %get3A_778 = tpu.vector_load %arg8[%get3A_776, %get3A_777] {strides = array<i32>} : memref<64x128xf32, #tpu.memory_space<vmem>>, vector<16xf32>,
        %add3A_779 = arith.constant 941 : i32
        %add3A_780 = vector.broadcast %add3A_779 : i32 to vector<16xi32>
        %add3A_781 = arith.addi %add3A_780, %iota3A : vector<16xi32>
        tpu.vector_store_idx %arg7[%broadcast_in_dim3A, %add3A_781], %get3A_778 : memref<64x1677xf32, #tpu.memory_space<vmem>>[vector<16xi32>, vector<16xi32>], vector<16xf32>,
        %get3A_782 = arith.index_cast %scan3A_764 : i32 to index
        %get3A_783 = arith.constant 48 : index
        %get3A_784 = tpu.vector_load %arg8[%get3A_782, %get3A_783] {strides = array<i32>} : memref<64x128xf32, #tpu.memory_space<vmem>>, vector<16xf32>,
        %add3A_785 = arith.constant 957 : i32
        %add3A_786 = vector.broadcast %add3A_785 : i32 to vector<16xi32>
        %add3A_787 = arith.addi %add3A_786, %iota3A : vector<16xi32>
        tpu.vector_store_idx %arg7[%broadcast_in_dim3A, %add3A_787], %get3A_784 : memref<64x1677xf32, #tpu.memory_space<vmem>>[vector<16xi32>, vector<16xi32>], vector<16xf32>,
      }
      %scan3A_550 = arith.constant 64 : i32
      %dma_start3A_551 = arith.constant 16 : i32
      %dma_start3A_552 = arith.constant 0 : i32
      %dma_start3A_553 = tpu.memref_slice %arg6[%dma_start3A_551, %dma_start3A_552] : memref<26x64xi32, #tpu.memory_space<vmem>> -> memref<1x64xi32, #tpu.memory_space<vmem>>
      %dma_start3A_554 = tpu.memref_squeeze %dma_start3A_553 : memref<1x64xi32, #tpu.memory_space<vmem>> -> memref<64xi32, #tpu.memory_space<vmem>>
      %dma_start3A_555 = arith.constant 0 : i32
      %dma_start3A_556 = arith.constant 0 : i32
      %dma_start3A_557 = tpu.memref_slice %arg3[%dma_start3A_555, %dma_start3A_556] : memref<2600000x128xf32, #tpu.memory_space<hbm>> -> memref<2600000x128xf32, #tpu.memory_space<hbm>>
      tpu.enqueue_indirect_dma source(%dma_start3A_557 : memref<2600000x128xf32, #tpu.memory_space<hbm>>) target(%arg8 : memref<64x128xf32, #tpu.memory_space<vmem>>) offsets(%dma_start3A_554 : memref<64xi32, #tpu.memory_space<vmem>>) semaphore(%arg10 : memref<!tpu.dma_semaphore, #tpu.memory_space<semaphore_mem>>)
      %dma_wait3A_558 = arith.constant 15 : i32
      %dma_wait3A_559 = arith.constant 0 : i32
      %dma_wait3A_560 = tpu.memref_slice %arg6[%dma_wait3A_558, %dma_wait3A_559] : memref<26x64xi32, #tpu.memory_space<vmem>> -> memref<1x64xi32, #tpu.memory_space<vmem>>
      %dma_wait3A_561 = tpu.memref_squeeze %dma_wait3A_560 : memref<1x64xi32, #tpu.memory_space<vmem>> -> memref<64xi32, #tpu.memory_space<vmem>>
      %dma_wait3A_562 = arith.constant 0 : i32
      %dma_wait3A_563 = arith.constant 0 : i32
      %dma_wait3A_564 = tpu.memref_slice %arg3[%dma_wait3A_562, %dma_wait3A_563] : memref<2600000x128xf32, #tpu.memory_space<hbm>> -> memref<2600000x128xf32, #tpu.memory_space<hbm>>
      tpu.wait_indirect_dma semaphore(%arg11 : memref<!tpu.dma_semaphore, #tpu.memory_space<semaphore_mem>>) src(%dma_wait3A_564 : memref<2600000x128xf32, #tpu.memory_space<hbm>>) dst(%arg9 : memref<64x128xf32, #tpu.memory_space<vmem>>)
      %scan3A_565 = arith.constant 0 : i32
      %scan3A_566 = arith.constant 0 : i32
      %scan3A_567 = arith.constant 64 : i32
      %scan3A_568 = arith.addi %scan3A_566, %scan3A_567 : i32
      %scan3A_569 = arith.constant 1 : i32
      scf.for %scan3A_764 = %scan3A_566 to %scan3A_568 step %scan3A_569  : i32 {
        %broadcast_in_dim3A = vector.broadcast %scan3A_764 : i32 to vector<16xi32>
        %get3A = arith.index_cast %scan3A_764 : i32 to index
        %get3A_765 = arith.constant 0 : index
        %get3A_766 = tpu.vector_load %arg9[%get3A, %get3A_765] {strides = array<i32>} : memref<64x128xf32, #tpu.memory_space<vmem>>, vector<16xf32>,
        %add3A_767 = arith.constant 973 : i32
        %add3A_768 = vector.broadcast %add3A_767 : i32 to vector<16xi32>
        %add3A_769 = arith.addi %add3A_768, %iota3A : vector<16xi32>
        tpu.vector_store_idx %arg7[%broadcast_in_dim3A, %add3A_769], %get3A_766 : memref<64x1677xf32, #tpu.memory_space<vmem>>[vector<16xi32>, vector<16xi32>], vector<16xf32>,
        %get3A_770 = arith.index_cast %scan3A_764 : i32 to index
        %get3A_771 = arith.constant 16 : index
        %get3A_772 = tpu.vector_load %arg9[%get3A_770, %get3A_771] {strides = array<i32>} : memref<64x128xf32, #tpu.memory_space<vmem>>, vector<16xf32>,
        %add3A_773 = arith.constant 989 : i32
        %add3A_774 = vector.broadcast %add3A_773 : i32 to vector<16xi32>
        %add3A_775 = arith.addi %add3A_774, %iota3A : vector<16xi32>
        tpu.vector_store_idx %arg7[%broadcast_in_dim3A, %add3A_775], %get3A_772 : memref<64x1677xf32, #tpu.memory_space<vmem>>[vector<16xi32>, vector<16xi32>], vector<16xf32>,
        %get3A_776 = arith.index_cast %scan3A_764 : i32 to index
        %get3A_777 = arith.constant 32 : index
        %get3A_778 = tpu.vector_load %arg9[%get3A_776, %get3A_777] {strides = array<i32>} : memref<64x128xf32, #tpu.memory_space<vmem>>, vector<16xf32>,
        %add3A_779 = arith.constant 1005 : i32
        %add3A_780 = vector.broadcast %add3A_779 : i32 to vector<16xi32>
        %add3A_781 = arith.addi %add3A_780, %iota3A : vector<16xi32>
        tpu.vector_store_idx %arg7[%broadcast_in_dim3A, %add3A_781], %get3A_778 : memref<64x1677xf32, #tpu.memory_space<vmem>>[vector<16xi32>, vector<16xi32>], vector<16xf32>,
        %get3A_782 = arith.index_cast %scan3A_764 : i32 to index
        %get3A_783 = arith.constant 48 : index
        %get3A_784 = tpu.vector_load %arg9[%get3A_782, %get3A_783] {strides = array<i32>} : memref<64x128xf32, #tpu.memory_space<vmem>>, vector<16xf32>,
        %add3A_785 = arith.constant 1021 : i32
        %add3A_786 = vector.broadcast %add3A_785 : i32 to vector<16xi32>
        %add3A_787 = arith.addi %add3A_786, %iota3A : vector<16xi32>
        tpu.vector_store_idx %arg7[%broadcast_in_dim3A, %add3A_787], %get3A_784 : memref<64x1677xf32, #tpu.memory_space<vmem>>[vector<16xi32>, vector<16xi32>], vector<16xf32>,
      }
      %scan3A_570 = arith.constant 64 : i32
      %dma_start3A_571 = arith.constant 17 : i32
      %dma_start3A_572 = arith.constant 0 : i32
      %dma_start3A_573 = tpu.memref_slice %arg6[%dma_start3A_571, %dma_start3A_572] : memref<26x64xi32, #tpu.memory_space<vmem>> -> memref<1x64xi32, #tpu.memory_space<vmem>>
      %dma_start3A_574 = tpu.memref_squeeze %dma_start3A_573 : memref<1x64xi32, #tpu.memory_space<vmem>> -> memref<64xi32, #tpu.memory_space<vmem>>
      %dma_start3A_575 = arith.constant 0 : i32
      %dma_start3A_576 = arith.constant 0 : i32
      %dma_start3A_577 = tpu.memref_slice %arg3[%dma_start3A_575, %dma_start3A_576] : memref<2600000x128xf32, #tpu.memory_space<hbm>> -> memref<2600000x128xf32, #tpu.memory_space<hbm>>
      tpu.enqueue_indirect_dma source(%dma_start3A_577 : memref<2600000x128xf32, #tpu.memory_space<hbm>>) target(%arg9 : memref<64x128xf32, #tpu.memory_space<vmem>>) offsets(%dma_start3A_574 : memref<64xi32, #tpu.memory_space<vmem>>) semaphore(%arg11 : memref<!tpu.dma_semaphore, #tpu.memory_space<semaphore_mem>>)
      %dma_wait3A_578 = arith.constant 16 : i32
      %dma_wait3A_579 = arith.constant 0 : i32
      %dma_wait3A_580 = tpu.memref_slice %arg6[%dma_wait3A_578, %dma_wait3A_579] : memref<26x64xi32, #tpu.memory_space<vmem>> -> memref<1x64xi32, #tpu.memory_space<vmem>>
      %dma_wait3A_581 = tpu.memref_squeeze %dma_wait3A_580 : memref<1x64xi32, #tpu.memory_space<vmem>> -> memref<64xi32, #tpu.memory_space<vmem>>
      %dma_wait3A_582 = arith.constant 0 : i32
      %dma_wait3A_583 = arith.constant 0 : i32
      %dma_wait3A_584 = tpu.memref_slice %arg3[%dma_wait3A_582, %dma_wait3A_583] : memref<2600000x128xf32, #tpu.memory_space<hbm>> -> memref<2600000x128xf32, #tpu.memory_space<hbm>>
      tpu.wait_indirect_dma semaphore(%arg10 : memref<!tpu.dma_semaphore, #tpu.memory_space<semaphore_mem>>) src(%dma_wait3A_584 : memref<2600000x128xf32, #tpu.memory_space<hbm>>) dst(%arg8 : memref<64x128xf32, #tpu.memory_space<vmem>>)
      %scan3A_585 = arith.constant 0 : i32
      %scan3A_586 = arith.constant 0 : i32
      %scan3A_587 = arith.constant 64 : i32
      %scan3A_588 = arith.addi %scan3A_586, %scan3A_587 : i32
      %scan3A_589 = arith.constant 1 : i32
      scf.for %scan3A_764 = %scan3A_586 to %scan3A_588 step %scan3A_589  : i32 {
        %broadcast_in_dim3A = vector.broadcast %scan3A_764 : i32 to vector<16xi32>
        %get3A = arith.index_cast %scan3A_764 : i32 to index
        %get3A_765 = arith.constant 0 : index
        %get3A_766 = tpu.vector_load %arg8[%get3A, %get3A_765] {strides = array<i32>} : memref<64x128xf32, #tpu.memory_space<vmem>>, vector<16xf32>,
        %add3A_767 = arith.constant 1037 : i32
        %add3A_768 = vector.broadcast %add3A_767 : i32 to vector<16xi32>
        %add3A_769 = arith.addi %add3A_768, %iota3A : vector<16xi32>
        tpu.vector_store_idx %arg7[%broadcast_in_dim3A, %add3A_769], %get3A_766 : memref<64x1677xf32, #tpu.memory_space<vmem>>[vector<16xi32>, vector<16xi32>], vector<16xf32>,
        %get3A_770 = arith.index_cast %scan3A_764 : i32 to index
        %get3A_771 = arith.constant 16 : index
        %get3A_772 = tpu.vector_load %arg8[%get3A_770, %get3A_771] {strides = array<i32>} : memref<64x128xf32, #tpu.memory_space<vmem>>, vector<16xf32>,
        %add3A_773 = arith.constant 1053 : i32
        %add3A_774 = vector.broadcast %add3A_773 : i32 to vector<16xi32>
        %add3A_775 = arith.addi %add3A_774, %iota3A : vector<16xi32>
        tpu.vector_store_idx %arg7[%broadcast_in_dim3A, %add3A_775], %get3A_772 : memref<64x1677xf32, #tpu.memory_space<vmem>>[vector<16xi32>, vector<16xi32>], vector<16xf32>,
        %get3A_776 = arith.index_cast %scan3A_764 : i32 to index
        %get3A_777 = arith.constant 32 : index
        %get3A_778 = tpu.vector_load %arg8[%get3A_776, %get3A_777] {strides = array<i32>} : memref<64x128xf32, #tpu.memory_space<vmem>>, vector<16xf32>,
        %add3A_779 = arith.constant 1069 : i32
        %add3A_780 = vector.broadcast %add3A_779 : i32 to vector<16xi32>
        %add3A_781 = arith.addi %add3A_780, %iota3A : vector<16xi32>
        tpu.vector_store_idx %arg7[%broadcast_in_dim3A, %add3A_781], %get3A_778 : memref<64x1677xf32, #tpu.memory_space<vmem>>[vector<16xi32>, vector<16xi32>], vector<16xf32>,
        %get3A_782 = arith.index_cast %scan3A_764 : i32 to index
        %get3A_783 = arith.constant 48 : index
        %get3A_784 = tpu.vector_load %arg8[%get3A_782, %get3A_783] {strides = array<i32>} : memref<64x128xf32, #tpu.memory_space<vmem>>, vector<16xf32>,
        %add3A_785 = arith.constant 1085 : i32
        %add3A_786 = vector.broadcast %add3A_785 : i32 to vector<16xi32>
        %add3A_787 = arith.addi %add3A_786, %iota3A : vector<16xi32>
        tpu.vector_store_idx %arg7[%broadcast_in_dim3A, %add3A_787], %get3A_784 : memref<64x1677xf32, #tpu.memory_space<vmem>>[vector<16xi32>, vector<16xi32>], vector<16xf32>,
      }
      %scan3A_590 = arith.constant 64 : i32
      %dma_start3A_591 = arith.constant 18 : i32
      %dma_start3A_592 = arith.constant 0 : i32
      %dma_start3A_593 = tpu.memref_slice %arg6[%dma_start3A_591, %dma_start3A_592] : memref<26x64xi32, #tpu.memory_space<vmem>> -> memref<1x64xi32, #tpu.memory_space<vmem>>
      %dma_start3A_594 = tpu.memref_squeeze %dma_start3A_593 : memref<1x64xi32, #tpu.memory_space<vmem>> -> memref<64xi32, #tpu.memory_space<vmem>>
      %dma_start3A_595 = arith.constant 0 : i32
      %dma_start3A_596 = arith.constant 0 : i32
      %dma_start3A_597 = tpu.memref_slice %arg3[%dma_start3A_595, %dma_start3A_596] : memref<2600000x128xf32, #tpu.memory_space<hbm>> -> memref<2600000x128xf32, #tpu.memory_space<hbm>>
      tpu.enqueue_indirect_dma source(%dma_start3A_597 : memref<2600000x128xf32, #tpu.memory_space<hbm>>) target(%arg8 : memref<64x128xf32, #tpu.memory_space<vmem>>) offsets(%dma_start3A_594 : memref<64xi32, #tpu.memory_space<vmem>>) semaphore(%arg10 : memref<!tpu.dma_semaphore, #tpu.memory_space<semaphore_mem>>)
      %dma_wait3A_598 = arith.constant 17 : i32
      %dma_wait3A_599 = arith.constant 0 : i32
      %dma_wait3A_600 = tpu.memref_slice %arg6[%dma_wait3A_598, %dma_wait3A_599] : memref<26x64xi32, #tpu.memory_space<vmem>> -> memref<1x64xi32, #tpu.memory_space<vmem>>
      %dma_wait3A_601 = tpu.memref_squeeze %dma_wait3A_600 : memref<1x64xi32, #tpu.memory_space<vmem>> -> memref<64xi32, #tpu.memory_space<vmem>>
      %dma_wait3A_602 = arith.constant 0 : i32
      %dma_wait3A_603 = arith.constant 0 : i32
      %dma_wait3A_604 = tpu.memref_slice %arg3[%dma_wait3A_602, %dma_wait3A_603] : memref<2600000x128xf32, #tpu.memory_space<hbm>> -> memref<2600000x128xf32, #tpu.memory_space<hbm>>
      tpu.wait_indirect_dma semaphore(%arg11 : memref<!tpu.dma_semaphore, #tpu.memory_space<semaphore_mem>>) src(%dma_wait3A_604 : memref<2600000x128xf32, #tpu.memory_space<hbm>>) dst(%arg9 : memref<64x128xf32, #tpu.memory_space<vmem>>)
      %scan3A_605 = arith.constant 0 : i32
      %scan3A_606 = arith.constant 0 : i32
      %scan3A_607 = arith.constant 64 : i32
      %scan3A_608 = arith.addi %scan3A_606, %scan3A_607 : i32
      %scan3A_609 = arith.constant 1 : i32
      scf.for %scan3A_764 = %scan3A_606 to %scan3A_608 step %scan3A_609  : i32 {
        %broadcast_in_dim3A = vector.broadcast %scan3A_764 : i32 to vector<16xi32>
        %get3A = arith.index_cast %scan3A_764 : i32 to index
        %get3A_765 = arith.constant 0 : index
        %get3A_766 = tpu.vector_load %arg9[%get3A, %get3A_765] {strides = array<i32>} : memref<64x128xf32, #tpu.memory_space<vmem>>, vector<16xf32>,
        %add3A_767 = arith.constant 1101 : i32
        %add3A_768 = vector.broadcast %add3A_767 : i32 to vector<16xi32>
        %add3A_769 = arith.addi %add3A_768, %iota3A : vector<16xi32>
        tpu.vector_store_idx %arg7[%broadcast_in_dim3A, %add3A_769], %get3A_766 : memref<64x1677xf32, #tpu.memory_space<vmem>>[vector<16xi32>, vector<16xi32>], vector<16xf32>,
        %get3A_770 = arith.index_cast %scan3A_764 : i32 to index
        %get3A_771 = arith.constant 16 : index
        %get3A_772 = tpu.vector_load %arg9[%get3A_770, %get3A_771] {strides = array<i32>} : memref<64x128xf32, #tpu.memory_space<vmem>>, vector<16xf32>,
        %add3A_773 = arith.constant 1117 : i32
        %add3A_774 = vector.broadcast %add3A_773 : i32 to vector<16xi32>
        %add3A_775 = arith.addi %add3A_774, %iota3A : vector<16xi32>
        tpu.vector_store_idx %arg7[%broadcast_in_dim3A, %add3A_775], %get3A_772 : memref<64x1677xf32, #tpu.memory_space<vmem>>[vector<16xi32>, vector<16xi32>], vector<16xf32>,
        %get3A_776 = arith.index_cast %scan3A_764 : i32 to index
        %get3A_777 = arith.constant 32 : index
        %get3A_778 = tpu.vector_load %arg9[%get3A_776, %get3A_777] {strides = array<i32>} : memref<64x128xf32, #tpu.memory_space<vmem>>, vector<16xf32>,
        %add3A_779 = arith.constant 1133 : i32
        %add3A_780 = vector.broadcast %add3A_779 : i32 to vector<16xi32>
        %add3A_781 = arith.addi %add3A_780, %iota3A : vector<16xi32>
        tpu.vector_store_idx %arg7[%broadcast_in_dim3A, %add3A_781], %get3A_778 : memref<64x1677xf32, #tpu.memory_space<vmem>>[vector<16xi32>, vector<16xi32>], vector<16xf32>,
        %get3A_782 = arith.index_cast %scan3A_764 : i32 to index
        %get3A_783 = arith.constant 48 : index
        %get3A_784 = tpu.vector_load %arg9[%get3A_782, %get3A_783] {strides = array<i32>} : memref<64x128xf32, #tpu.memory_space<vmem>>, vector<16xf32>,
        %add3A_785 = arith.constant 1149 : i32
        %add3A_786 = vector.broadcast %add3A_785 : i32 to vector<16xi32>
        %add3A_787 = arith.addi %add3A_786, %iota3A : vector<16xi32>
        tpu.vector_store_idx %arg7[%broadcast_in_dim3A, %add3A_787], %get3A_784 : memref<64x1677xf32, #tpu.memory_space<vmem>>[vector<16xi32>, vector<16xi32>], vector<16xf32>,
      }
      %scan3A_610 = arith.constant 64 : i32
      %dma_start3A_611 = arith.constant 19 : i32
      %dma_start3A_612 = arith.constant 0 : i32
      %dma_start3A_613 = tpu.memref_slice %arg6[%dma_start3A_611, %dma_start3A_612] : memref<26x64xi32, #tpu.memory_space<vmem>> -> memref<1x64xi32, #tpu.memory_space<vmem>>
      %dma_start3A_614 = tpu.memref_squeeze %dma_start3A_613 : memref<1x64xi32, #tpu.memory_space<vmem>> -> memref<64xi32, #tpu.memory_space<vmem>>
      %dma_start3A_615 = arith.constant 0 : i32
      %dma_start3A_616 = arith.constant 0 : i32
      %dma_start3A_617 = tpu.memref_slice %arg3[%dma_start3A_615, %dma_start3A_616] : memref<2600000x128xf32, #tpu.memory_space<hbm>> -> memref<2600000x128xf32, #tpu.memory_space<hbm>>
      tpu.enqueue_indirect_dma source(%dma_start3A_617 : memref<2600000x128xf32, #tpu.memory_space<hbm>>) target(%arg9 : memref<64x128xf32, #tpu.memory_space<vmem>>) offsets(%dma_start3A_614 : memref<64xi32, #tpu.memory_space<vmem>>) semaphore(%arg11 : memref<!tpu.dma_semaphore, #tpu.memory_space<semaphore_mem>>)
      %dma_wait3A_618 = arith.constant 18 : i32
      %dma_wait3A_619 = arith.constant 0 : i32
      %dma_wait3A_620 = tpu.memref_slice %arg6[%dma_wait3A_618, %dma_wait3A_619] : memref<26x64xi32, #tpu.memory_space<vmem>> -> memref<1x64xi32, #tpu.memory_space<vmem>>
      %dma_wait3A_621 = tpu.memref_squeeze %dma_wait3A_620 : memref<1x64xi32, #tpu.memory_space<vmem>> -> memref<64xi32, #tpu.memory_space<vmem>>
      %dma_wait3A_622 = arith.constant 0 : i32
      %dma_wait3A_623 = arith.constant 0 : i32
      %dma_wait3A_624 = tpu.memref_slice %arg3[%dma_wait3A_622, %dma_wait3A_623] : memref<2600000x128xf32, #tpu.memory_space<hbm>> -> memref<2600000x128xf32, #tpu.memory_space<hbm>>
      tpu.wait_indirect_dma semaphore(%arg10 : memref<!tpu.dma_semaphore, #tpu.memory_space<semaphore_mem>>) src(%dma_wait3A_624 : memref<2600000x128xf32, #tpu.memory_space<hbm>>) dst(%arg8 : memref<64x128xf32, #tpu.memory_space<vmem>>)
      %scan3A_625 = arith.constant 0 : i32
      %scan3A_626 = arith.constant 0 : i32
      %scan3A_627 = arith.constant 64 : i32
      %scan3A_628 = arith.addi %scan3A_626, %scan3A_627 : i32
      %scan3A_629 = arith.constant 1 : i32
      scf.for %scan3A_764 = %scan3A_626 to %scan3A_628 step %scan3A_629  : i32 {
        %broadcast_in_dim3A = vector.broadcast %scan3A_764 : i32 to vector<16xi32>
        %get3A = arith.index_cast %scan3A_764 : i32 to index
        %get3A_765 = arith.constant 0 : index
        %get3A_766 = tpu.vector_load %arg8[%get3A, %get3A_765] {strides = array<i32>} : memref<64x128xf32, #tpu.memory_space<vmem>>, vector<16xf32>,
        %add3A_767 = arith.constant 1165 : i32
        %add3A_768 = vector.broadcast %add3A_767 : i32 to vector<16xi32>
        %add3A_769 = arith.addi %add3A_768, %iota3A : vector<16xi32>
        tpu.vector_store_idx %arg7[%broadcast_in_dim3A, %add3A_769], %get3A_766 : memref<64x1677xf32, #tpu.memory_space<vmem>>[vector<16xi32>, vector<16xi32>], vector<16xf32>,
        %get3A_770 = arith.index_cast %scan3A_764 : i32 to index
        %get3A_771 = arith.constant 16 : index
        %get3A_772 = tpu.vector_load %arg8[%get3A_770, %get3A_771] {strides = array<i32>} : memref<64x128xf32, #tpu.memory_space<vmem>>, vector<16xf32>,
        %add3A_773 = arith.constant 1181 : i32
        %add3A_774 = vector.broadcast %add3A_773 : i32 to vector<16xi32>
        %add3A_775 = arith.addi %add3A_774, %iota3A : vector<16xi32>
        tpu.vector_store_idx %arg7[%broadcast_in_dim3A, %add3A_775], %get3A_772 : memref<64x1677xf32, #tpu.memory_space<vmem>>[vector<16xi32>, vector<16xi32>], vector<16xf32>,
        %get3A_776 = arith.index_cast %scan3A_764 : i32 to index
        %get3A_777 = arith.constant 32 : index
        %get3A_778 = tpu.vector_load %arg8[%get3A_776, %get3A_777] {strides = array<i32>} : memref<64x128xf32, #tpu.memory_space<vmem>>, vector<16xf32>,
        %add3A_779 = arith.constant 1197 : i32
        %add3A_780 = vector.broadcast %add3A_779 : i32 to vector<16xi32>
        %add3A_781 = arith.addi %add3A_780, %iota3A : vector<16xi32>
        tpu.vector_store_idx %arg7[%broadcast_in_dim3A, %add3A_781], %get3A_778 : memref<64x1677xf32, #tpu.memory_space<vmem>>[vector<16xi32>, vector<16xi32>], vector<16xf32>,
        %get3A_782 = arith.index_cast %scan3A_764 : i32 to index
        %get3A_783 = arith.constant 48 : index
        %get3A_784 = tpu.vector_load %arg8[%get3A_782, %get3A_783] {strides = array<i32>} : memref<64x128xf32, #tpu.memory_space<vmem>>, vector<16xf32>,
        %add3A_785 = arith.constant 1213 : i32
        %add3A_786 = vector.broadcast %add3A_785 : i32 to vector<16xi32>
        %add3A_787 = arith.addi %add3A_786, %iota3A : vector<16xi32>
        tpu.vector_store_idx %arg7[%broadcast_in_dim3A, %add3A_787], %get3A_784 : memref<64x1677xf32, #tpu.memory_space<vmem>>[vector<16xi32>, vector<16xi32>], vector<16xf32>,
      }
      %scan3A_630 = arith.constant 64 : i32
      %dma_start3A_631 = arith.constant 20 : i32
      %dma_start3A_632 = arith.constant 0 : i32
      %dma_start3A_633 = tpu.memref_slice %arg6[%dma_start3A_631, %dma_start3A_632] : memref<26x64xi32, #tpu.memory_space<vmem>> -> memref<1x64xi32, #tpu.memory_space<vmem>>
      %dma_start3A_634 = tpu.memref_squeeze %dma_start3A_633 : memref<1x64xi32, #tpu.memory_space<vmem>> -> memref<64xi32, #tpu.memory_space<vmem>>
      %dma_start3A_635 = arith.constant 0 : i32
      %dma_start3A_636 = arith.constant 0 : i32
      %dma_start3A_637 = tpu.memref_slice %arg3[%dma_start3A_635, %dma_start3A_636] : memref<2600000x128xf32, #tpu.memory_space<hbm>> -> memref<2600000x128xf32, #tpu.memory_space<hbm>>
      tpu.enqueue_indirect_dma source(%dma_start3A_637 : memref<2600000x128xf32, #tpu.memory_space<hbm>>) target(%arg8 : memref<64x128xf32, #tpu.memory_space<vmem>>) offsets(%dma_start3A_634 : memref<64xi32, #tpu.memory_space<vmem>>) semaphore(%arg10 : memref<!tpu.dma_semaphore, #tpu.memory_space<semaphore_mem>>)
      %dma_wait3A_638 = arith.constant 19 : i32
      %dma_wait3A_639 = arith.constant 0 : i32
      %dma_wait3A_640 = tpu.memref_slice %arg6[%dma_wait3A_638, %dma_wait3A_639] : memref<26x64xi32, #tpu.memory_space<vmem>> -> memref<1x64xi32, #tpu.memory_space<vmem>>
      %dma_wait3A_641 = tpu.memref_squeeze %dma_wait3A_640 : memref<1x64xi32, #tpu.memory_space<vmem>> -> memref<64xi32, #tpu.memory_space<vmem>>
      %dma_wait3A_642 = arith.constant 0 : i32
      %dma_wait3A_643 = arith.constant 0 : i32
      %dma_wait3A_644 = tpu.memref_slice %arg3[%dma_wait3A_642, %dma_wait3A_643] : memref<2600000x128xf32, #tpu.memory_space<hbm>> -> memref<2600000x128xf32, #tpu.memory_space<hbm>>
      tpu.wait_indirect_dma semaphore(%arg11 : memref<!tpu.dma_semaphore, #tpu.memory_space<semaphore_mem>>) src(%dma_wait3A_644 : memref<2600000x128xf32, #tpu.memory_space<hbm>>) dst(%arg9 : memref<64x128xf32, #tpu.memory_space<vmem>>)
      %scan3A_645 = arith.constant 0 : i32
      %scan3A_646 = arith.constant 0 : i32
      %scan3A_647 = arith.constant 64 : i32
      %scan3A_648 = arith.addi %scan3A_646, %scan3A_647 : i32
      %scan3A_649 = arith.constant 1 : i32
      scf.for %scan3A_764 = %scan3A_646 to %scan3A_648 step %scan3A_649  : i32 {
        %broadcast_in_dim3A = vector.broadcast %scan3A_764 : i32 to vector<16xi32>
        %get3A = arith.index_cast %scan3A_764 : i32 to index
        %get3A_765 = arith.constant 0 : index
        %get3A_766 = tpu.vector_load %arg9[%get3A, %get3A_765] {strides = array<i32>} : memref<64x128xf32, #tpu.memory_space<vmem>>, vector<16xf32>,
        %add3A_767 = arith.constant 1229 : i32
        %add3A_768 = vector.broadcast %add3A_767 : i32 to vector<16xi32>
        %add3A_769 = arith.addi %add3A_768, %iota3A : vector<16xi32>
        tpu.vector_store_idx %arg7[%broadcast_in_dim3A, %add3A_769], %get3A_766 : memref<64x1677xf32, #tpu.memory_space<vmem>>[vector<16xi32>, vector<16xi32>], vector<16xf32>,
        %get3A_770 = arith.index_cast %scan3A_764 : i32 to index
        %get3A_771 = arith.constant 16 : index
        %get3A_772 = tpu.vector_load %arg9[%get3A_770, %get3A_771] {strides = array<i32>} : memref<64x128xf32, #tpu.memory_space<vmem>>, vector<16xf32>,
        %add3A_773 = arith.constant 1245 : i32
        %add3A_774 = vector.broadcast %add3A_773 : i32 to vector<16xi32>
        %add3A_775 = arith.addi %add3A_774, %iota3A : vector<16xi32>
        tpu.vector_store_idx %arg7[%broadcast_in_dim3A, %add3A_775], %get3A_772 : memref<64x1677xf32, #tpu.memory_space<vmem>>[vector<16xi32>, vector<16xi32>], vector<16xf32>,
        %get3A_776 = arith.index_cast %scan3A_764 : i32 to index
        %get3A_777 = arith.constant 32 : index
        %get3A_778 = tpu.vector_load %arg9[%get3A_776, %get3A_777] {strides = array<i32>} : memref<64x128xf32, #tpu.memory_space<vmem>>, vector<16xf32>,
        %add3A_779 = arith.constant 1261 : i32
        %add3A_780 = vector.broadcast %add3A_779 : i32 to vector<16xi32>
        %add3A_781 = arith.addi %add3A_780, %iota3A : vector<16xi32>
        tpu.vector_store_idx %arg7[%broadcast_in_dim3A, %add3A_781], %get3A_778 : memref<64x1677xf32, #tpu.memory_space<vmem>>[vector<16xi32>, vector<16xi32>], vector<16xf32>,
        %get3A_782 = arith.index_cast %scan3A_764 : i32 to index
        %get3A_783 = arith.constant 48 : index
        %get3A_784 = tpu.vector_load %arg9[%get3A_782, %get3A_783] {strides = array<i32>} : memref<64x128xf32, #tpu.memory_space<vmem>>, vector<16xf32>,
        %add3A_785 = arith.constant 1277 : i32
        %add3A_786 = vector.broadcast %add3A_785 : i32 to vector<16xi32>
        %add3A_787 = arith.addi %add3A_786, %iota3A : vector<16xi32>
        tpu.vector_store_idx %arg7[%broadcast_in_dim3A, %add3A_787], %get3A_784 : memref<64x1677xf32, #tpu.memory_space<vmem>>[vector<16xi32>, vector<16xi32>], vector<16xf32>,
      }
      %scan3A_650 = arith.constant 64 : i32
      %dma_start3A_651 = arith.constant 21 : i32
      %dma_start3A_652 = arith.constant 0 : i32
      %dma_start3A_653 = tpu.memref_slice %arg6[%dma_start3A_651, %dma_start3A_652] : memref<26x64xi32, #tpu.memory_space<vmem>> -> memref<1x64xi32, #tpu.memory_space<vmem>>
      %dma_start3A_654 = tpu.memref_squeeze %dma_start3A_653 : memref<1x64xi32, #tpu.memory_space<vmem>> -> memref<64xi32, #tpu.memory_space<vmem>>
      %dma_start3A_655 = arith.constant 0 : i32
      %dma_start3A_656 = arith.constant 0 : i32
      %dma_start3A_657 = tpu.memref_slice %arg3[%dma_start3A_655, %dma_start3A_656] : memref<2600000x128xf32, #tpu.memory_space<hbm>> -> memref<2600000x128xf32, #tpu.memory_space<hbm>>
      tpu.enqueue_indirect_dma source(%dma_start3A_657 : memref<2600000x128xf32, #tpu.memory_space<hbm>>) target(%arg9 : memref<64x128xf32, #tpu.memory_space<vmem>>) offsets(%dma_start3A_654 : memref<64xi32, #tpu.memory_space<vmem>>) semaphore(%arg11 : memref<!tpu.dma_semaphore, #tpu.memory_space<semaphore_mem>>)
      %dma_wait3A_658 = arith.constant 20 : i32
      %dma_wait3A_659 = arith.constant 0 : i32
      %dma_wait3A_660 = tpu.memref_slice %arg6[%dma_wait3A_658, %dma_wait3A_659] : memref<26x64xi32, #tpu.memory_space<vmem>> -> memref<1x64xi32, #tpu.memory_space<vmem>>
      %dma_wait3A_661 = tpu.memref_squeeze %dma_wait3A_660 : memref<1x64xi32, #tpu.memory_space<vmem>> -> memref<64xi32, #tpu.memory_space<vmem>>
      %dma_wait3A_662 = arith.constant 0 : i32
      %dma_wait3A_663 = arith.constant 0 : i32
      %dma_wait3A_664 = tpu.memref_slice %arg3[%dma_wait3A_662, %dma_wait3A_663] : memref<2600000x128xf32, #tpu.memory_space<hbm>> -> memref<2600000x128xf32, #tpu.memory_space<hbm>>
      tpu.wait_indirect_dma semaphore(%arg10 : memref<!tpu.dma_semaphore, #tpu.memory_space<semaphore_mem>>) src(%dma_wait3A_664 : memref<2600000x128xf32, #tpu.memory_space<hbm>>) dst(%arg8 : memref<64x128xf32, #tpu.memory_space<vmem>>)
      %scan3A_665 = arith.constant 0 : i32
      %scan3A_666 = arith.constant 0 : i32
      %scan3A_667 = arith.constant 64 : i32
      %scan3A_668 = arith.addi %scan3A_666, %scan3A_667 : i32
      %scan3A_669 = arith.constant 1 : i32
      scf.for %scan3A_764 = %scan3A_666 to %scan3A_668 step %scan3A_669  : i32 {
        %broadcast_in_dim3A = vector.broadcast %scan3A_764 : i32 to vector<16xi32>
        %get3A = arith.index_cast %scan3A_764 : i32 to index
        %get3A_765 = arith.constant 0 : index
        %get3A_766 = tpu.vector_load %arg8[%get3A, %get3A_765] {strides = array<i32>} : memref<64x128xf32, #tpu.memory_space<vmem>>, vector<16xf32>,
        %add3A_767 = arith.constant 1293 : i32
        %add3A_768 = vector.broadcast %add3A_767 : i32 to vector<16xi32>
        %add3A_769 = arith.addi %add3A_768, %iota3A : vector<16xi32>
        tpu.vector_store_idx %arg7[%broadcast_in_dim3A, %add3A_769], %get3A_766 : memref<64x1677xf32, #tpu.memory_space<vmem>>[vector<16xi32>, vector<16xi32>], vector<16xf32>,
        %get3A_770 = arith.index_cast %scan3A_764 : i32 to index
        %get3A_771 = arith.constant 16 : index
        %get3A_772 = tpu.vector_load %arg8[%get3A_770, %get3A_771] {strides = array<i32>} : memref<64x128xf32, #tpu.memory_space<vmem>>, vector<16xf32>,
        %add3A_773 = arith.constant 1309 : i32
        %add3A_774 = vector.broadcast %add3A_773 : i32 to vector<16xi32>
        %add3A_775 = arith.addi %add3A_774, %iota3A : vector<16xi32>
        tpu.vector_store_idx %arg7[%broadcast_in_dim3A, %add3A_775], %get3A_772 : memref<64x1677xf32, #tpu.memory_space<vmem>>[vector<16xi32>, vector<16xi32>], vector<16xf32>,
        %get3A_776 = arith.index_cast %scan3A_764 : i32 to index
        %get3A_777 = arith.constant 32 : index
        %get3A_778 = tpu.vector_load %arg8[%get3A_776, %get3A_777] {strides = array<i32>} : memref<64x128xf32, #tpu.memory_space<vmem>>, vector<16xf32>,
        %add3A_779 = arith.constant 1325 : i32
        %add3A_780 = vector.broadcast %add3A_779 : i32 to vector<16xi32>
        %add3A_781 = arith.addi %add3A_780, %iota3A : vector<16xi32>
        tpu.vector_store_idx %arg7[%broadcast_in_dim3A, %add3A_781], %get3A_778 : memref<64x1677xf32, #tpu.memory_space<vmem>>[vector<16xi32>, vector<16xi32>], vector<16xf32>,
        %get3A_782 = arith.index_cast %scan3A_764 : i32 to index
        %get3A_783 = arith.constant 48 : index
        %get3A_784 = tpu.vector_load %arg8[%get3A_782, %get3A_783] {strides = array<i32>} : memref<64x128xf32, #tpu.memory_space<vmem>>, vector<16xf32>,
        %add3A_785 = arith.constant 1341 : i32
        %add3A_786 = vector.broadcast %add3A_785 : i32 to vector<16xi32>
        %add3A_787 = arith.addi %add3A_786, %iota3A : vector<16xi32>
        tpu.vector_store_idx %arg7[%broadcast_in_dim3A, %add3A_787], %get3A_784 : memref<64x1677xf32, #tpu.memory_space<vmem>>[vector<16xi32>, vector<16xi32>], vector<16xf32>,
      }
      %scan3A_670 = arith.constant 64 : i32
      %dma_start3A_671 = arith.constant 22 : i32
      %dma_start3A_672 = arith.constant 0 : i32
      %dma_start3A_673 = tpu.memref_slice %arg6[%dma_start3A_671, %dma_start3A_672] : memref<26x64xi32, #tpu.memory_space<vmem>> -> memref<1x64xi32, #tpu.memory_space<vmem>>
      %dma_start3A_674 = tpu.memref_squeeze %dma_start3A_673 : memref<1x64xi32, #tpu.memory_space<vmem>> -> memref<64xi32, #tpu.memory_space<vmem>>
      %dma_start3A_675 = arith.constant 0 : i32
      %dma_start3A_676 = arith.constant 0 : i32
      %dma_start3A_677 = tpu.memref_slice %arg3[%dma_start3A_675, %dma_start3A_676] : memref<2600000x128xf32, #tpu.memory_space<hbm>> -> memref<2600000x128xf32, #tpu.memory_space<hbm>>
      tpu.enqueue_indirect_dma source(%dma_start3A_677 : memref<2600000x128xf32, #tpu.memory_space<hbm>>) target(%arg8 : memref<64x128xf32, #tpu.memory_space<vmem>>) offsets(%dma_start3A_674 : memref<64xi32, #tpu.memory_space<vmem>>) semaphore(%arg10 : memref<!tpu.dma_semaphore, #tpu.memory_space<semaphore_mem>>)
      %dma_wait3A_678 = arith.constant 21 : i32
      %dma_wait3A_679 = arith.constant 0 : i32
      %dma_wait3A_680 = tpu.memref_slice %arg6[%dma_wait3A_678, %dma_wait3A_679] : memref<26x64xi32, #tpu.memory_space<vmem>> -> memref<1x64xi32, #tpu.memory_space<vmem>>
      %dma_wait3A_681 = tpu.memref_squeeze %dma_wait3A_680 : memref<1x64xi32, #tpu.memory_space<vmem>> -> memref<64xi32, #tpu.memory_space<vmem>>
      %dma_wait3A_682 = arith.constant 0 : i32
      %dma_wait3A_683 = arith.constant 0 : i32
      %dma_wait3A_684 = tpu.memref_slice %arg3[%dma_wait3A_682, %dma_wait3A_683] : memref<2600000x128xf32, #tpu.memory_space<hbm>> -> memref<2600000x128xf32, #tpu.memory_space<hbm>>
      tpu.wait_indirect_dma semaphore(%arg11 : memref<!tpu.dma_semaphore, #tpu.memory_space<semaphore_mem>>) src(%dma_wait3A_684 : memref<2600000x128xf32, #tpu.memory_space<hbm>>) dst(%arg9 : memref<64x128xf32, #tpu.memory_space<vmem>>)
      %scan3A_685 = arith.constant 0 : i32
      %scan3A_686 = arith.constant 0 : i32
      %scan3A_687 = arith.constant 64 : i32
      %scan3A_688 = arith.addi %scan3A_686, %scan3A_687 : i32
      %scan3A_689 = arith.constant 1 : i32
      scf.for %scan3A_764 = %scan3A_686 to %scan3A_688 step %scan3A_689  : i32 {
        %broadcast_in_dim3A = vector.broadcast %scan3A_764 : i32 to vector<16xi32>
        %get3A = arith.index_cast %scan3A_764 : i32 to index
        %get3A_765 = arith.constant 0 : index
        %get3A_766 = tpu.vector_load %arg9[%get3A, %get3A_765] {strides = array<i32>} : memref<64x128xf32, #tpu.memory_space<vmem>>, vector<16xf32>,
        %add3A_767 = arith.constant 1357 : i32
        %add3A_768 = vector.broadcast %add3A_767 : i32 to vector<16xi32>
        %add3A_769 = arith.addi %add3A_768, %iota3A : vector<16xi32>
        tpu.vector_store_idx %arg7[%broadcast_in_dim3A, %add3A_769], %get3A_766 : memref<64x1677xf32, #tpu.memory_space<vmem>>[vector<16xi32>, vector<16xi32>], vector<16xf32>,
        %get3A_770 = arith.index_cast %scan3A_764 : i32 to index
        %get3A_771 = arith.constant 16 : index
        %get3A_772 = tpu.vector_load %arg9[%get3A_770, %get3A_771] {strides = array<i32>} : memref<64x128xf32, #tpu.memory_space<vmem>>, vector<16xf32>,
        %add3A_773 = arith.constant 1373 : i32
        %add3A_774 = vector.broadcast %add3A_773 : i32 to vector<16xi32>
        %add3A_775 = arith.addi %add3A_774, %iota3A : vector<16xi32>
        tpu.vector_store_idx %arg7[%broadcast_in_dim3A, %add3A_775], %get3A_772 : memref<64x1677xf32, #tpu.memory_space<vmem>>[vector<16xi32>, vector<16xi32>], vector<16xf32>,
        %get3A_776 = arith.index_cast %scan3A_764 : i32 to index
        %get3A_777 = arith.constant 32 : index
        %get3A_778 = tpu.vector_load %arg9[%get3A_776, %get3A_777] {strides = array<i32>} : memref<64x128xf32, #tpu.memory_space<vmem>>, vector<16xf32>,
        %add3A_779 = arith.constant 1389 : i32
        %add3A_780 = vector.broadcast %add3A_779 : i32 to vector<16xi32>
        %add3A_781 = arith.addi %add3A_780, %iota3A : vector<16xi32>
        tpu.vector_store_idx %arg7[%broadcast_in_dim3A, %add3A_781], %get3A_778 : memref<64x1677xf32, #tpu.memory_space<vmem>>[vector<16xi32>, vector<16xi32>], vector<16xf32>,
        %get3A_782 = arith.index_cast %scan3A_764 : i32 to index
        %get3A_783 = arith.constant 48 : index
        %get3A_784 = tpu.vector_load %arg9[%get3A_782, %get3A_783] {strides = array<i32>} : memref<64x128xf32, #tpu.memory_space<vmem>>, vector<16xf32>,
        %add3A_785 = arith.constant 1405 : i32
        %add3A_786 = vector.broadcast %add3A_785 : i32 to vector<16xi32>
        %add3A_787 = arith.addi %add3A_786, %iota3A : vector<16xi32>
        tpu.vector_store_idx %arg7[%broadcast_in_dim3A, %add3A_787], %get3A_784 : memref<64x1677xf32, #tpu.memory_space<vmem>>[vector<16xi32>, vector<16xi32>], vector<16xf32>,
      }
      %scan3A_690 = arith.constant 64 : i32
      %dma_start3A_691 = arith.constant 23 : i32
      %dma_start3A_692 = arith.constant 0 : i32
      %dma_start3A_693 = tpu.memref_slice %arg6[%dma_start3A_691, %dma_start3A_692] : memref<26x64xi32, #tpu.memory_space<vmem>> -> memref<1x64xi32, #tpu.memory_space<vmem>>
      %dma_start3A_694 = tpu.memref_squeeze %dma_start3A_693 : memref<1x64xi32, #tpu.memory_space<vmem>> -> memref<64xi32, #tpu.memory_space<vmem>>
      %dma_start3A_695 = arith.constant 0 : i32
      %dma_start3A_696 = arith.constant 0 : i32
      %dma_start3A_697 = tpu.memref_slice %arg3[%dma_start3A_695, %dma_start3A_696] : memref<2600000x128xf32, #tpu.memory_space<hbm>> -> memref<2600000x128xf32, #tpu.memory_space<hbm>>
      tpu.enqueue_indirect_dma source(%dma_start3A_697 : memref<2600000x128xf32, #tpu.memory_space<hbm>>) target(%arg9 : memref<64x128xf32, #tpu.memory_space<vmem>>) offsets(%dma_start3A_694 : memref<64xi32, #tpu.memory_space<vmem>>) semaphore(%arg11 : memref<!tpu.dma_semaphore, #tpu.memory_space<semaphore_mem>>)
      %dma_wait3A_698 = arith.constant 22 : i32
      %dma_wait3A_699 = arith.constant 0 : i32
      %dma_wait3A_700 = tpu.memref_slice %arg6[%dma_wait3A_698, %dma_wait3A_699] : memref<26x64xi32, #tpu.memory_space<vmem>> -> memref<1x64xi32, #tpu.memory_space<vmem>>
      %dma_wait3A_701 = tpu.memref_squeeze %dma_wait3A_700 : memref<1x64xi32, #tpu.memory_space<vmem>> -> memref<64xi32, #tpu.memory_space<vmem>>
      %dma_wait3A_702 = arith.constant 0 : i32
      %dma_wait3A_703 = arith.constant 0 : i32
      %dma_wait3A_704 = tpu.memref_slice %arg3[%dma_wait3A_702, %dma_wait3A_703] : memref<2600000x128xf32, #tpu.memory_space<hbm>> -> memref<2600000x128xf32, #tpu.memory_space<hbm>>
      tpu.wait_indirect_dma semaphore(%arg10 : memref<!tpu.dma_semaphore, #tpu.memory_space<semaphore_mem>>) src(%dma_wait3A_704 : memref<2600000x128xf32, #tpu.memory_space<hbm>>) dst(%arg8 : memref<64x128xf32, #tpu.memory_space<vmem>>)
      %scan3A_705 = arith.constant 0 : i32
      %scan3A_706 = arith.constant 0 : i32
      %scan3A_707 = arith.constant 64 : i32
      %scan3A_708 = arith.addi %scan3A_706, %scan3A_707 : i32
      %scan3A_709 = arith.constant 1 : i32
      scf.for %scan3A_764 = %scan3A_706 to %scan3A_708 step %scan3A_709  : i32 {
        %broadcast_in_dim3A = vector.broadcast %scan3A_764 : i32 to vector<16xi32>
        %get3A = arith.index_cast %scan3A_764 : i32 to index
        %get3A_765 = arith.constant 0 : index
        %get3A_766 = tpu.vector_load %arg8[%get3A, %get3A_765] {strides = array<i32>} : memref<64x128xf32, #tpu.memory_space<vmem>>, vector<16xf32>,
        %add3A_767 = arith.constant 1421 : i32
        %add3A_768 = vector.broadcast %add3A_767 : i32 to vector<16xi32>
        %add3A_769 = arith.addi %add3A_768, %iota3A : vector<16xi32>
        tpu.vector_store_idx %arg7[%broadcast_in_dim3A, %add3A_769], %get3A_766 : memref<64x1677xf32, #tpu.memory_space<vmem>>[vector<16xi32>, vector<16xi32>], vector<16xf32>,
        %get3A_770 = arith.index_cast %scan3A_764 : i32 to index
        %get3A_771 = arith.constant 16 : index
        %get3A_772 = tpu.vector_load %arg8[%get3A_770, %get3A_771] {strides = array<i32>} : memref<64x128xf32, #tpu.memory_space<vmem>>, vector<16xf32>,
        %add3A_773 = arith.constant 1437 : i32
        %add3A_774 = vector.broadcast %add3A_773 : i32 to vector<16xi32>
        %add3A_775 = arith.addi %add3A_774, %iota3A : vector<16xi32>
        tpu.vector_store_idx %arg7[%broadcast_in_dim3A, %add3A_775], %get3A_772 : memref<64x1677xf32, #tpu.memory_space<vmem>>[vector<16xi32>, vector<16xi32>], vector<16xf32>,
        %get3A_776 = arith.index_cast %scan3A_764 : i32 to index
        %get3A_777 = arith.constant 32 : index
        %get3A_778 = tpu.vector_load %arg8[%get3A_776, %get3A_777] {strides = array<i32>} : memref<64x128xf32, #tpu.memory_space<vmem>>, vector<16xf32>,
        %add3A_779 = arith.constant 1453 : i32
        %add3A_780 = vector.broadcast %add3A_779 : i32 to vector<16xi32>
        %add3A_781 = arith.addi %add3A_780, %iota3A : vector<16xi32>
        tpu.vector_store_idx %arg7[%broadcast_in_dim3A, %add3A_781], %get3A_778 : memref<64x1677xf32, #tpu.memory_space<vmem>>[vector<16xi32>, vector<16xi32>], vector<16xf32>,
        %get3A_782 = arith.index_cast %scan3A_764 : i32 to index
        %get3A_783 = arith.constant 48 : index
        %get3A_784 = tpu.vector_load %arg8[%get3A_782, %get3A_783] {strides = array<i32>} : memref<64x128xf32, #tpu.memory_space<vmem>>, vector<16xf32>,
        %add3A_785 = arith.constant 1469 : i32
        %add3A_786 = vector.broadcast %add3A_785 : i32 to vector<16xi32>
        %add3A_787 = arith.addi %add3A_786, %iota3A : vector<16xi32>
        tpu.vector_store_idx %arg7[%broadcast_in_dim3A, %add3A_787], %get3A_784 : memref<64x1677xf32, #tpu.memory_space<vmem>>[vector<16xi32>, vector<16xi32>], vector<16xf32>,
      }
      %scan3A_710 = arith.constant 64 : i32
      %dma_start3A_711 = arith.constant 24 : i32
      %dma_start3A_712 = arith.constant 0 : i32
      %dma_start3A_713 = tpu.memref_slice %arg6[%dma_start3A_711, %dma_start3A_712] : memref<26x64xi32, #tpu.memory_space<vmem>> -> memref<1x64xi32, #tpu.memory_space<vmem>>
      %dma_start3A_714 = tpu.memref_squeeze %dma_start3A_713 : memref<1x64xi32, #tpu.memory_space<vmem>> -> memref<64xi32, #tpu.memory_space<vmem>>
      %dma_start3A_715 = arith.constant 0 : i32
      %dma_start3A_716 = arith.constant 0 : i32
      %dma_start3A_717 = tpu.memref_slice %arg3[%dma_start3A_715, %dma_start3A_716] : memref<2600000x128xf32, #tpu.memory_space<hbm>> -> memref<2600000x128xf32, #tpu.memory_space<hbm>>
      tpu.enqueue_indirect_dma source(%dma_start3A_717 : memref<2600000x128xf32, #tpu.memory_space<hbm>>) target(%arg8 : memref<64x128xf32, #tpu.memory_space<vmem>>) offsets(%dma_start3A_714 : memref<64xi32, #tpu.memory_space<vmem>>) semaphore(%arg10 : memref<!tpu.dma_semaphore, #tpu.memory_space<semaphore_mem>>)
      %dma_wait3A_718 = arith.constant 23 : i32
      %dma_wait3A_719 = arith.constant 0 : i32
      %dma_wait3A_720 = tpu.memref_slice %arg6[%dma_wait3A_718, %dma_wait3A_719] : memref<26x64xi32, #tpu.memory_space<vmem>> -> memref<1x64xi32, #tpu.memory_space<vmem>>
      %dma_wait3A_721 = tpu.memref_squeeze %dma_wait3A_720 : memref<1x64xi32, #tpu.memory_space<vmem>> -> memref<64xi32, #tpu.memory_space<vmem>>
      %dma_wait3A_722 = arith.constant 0 : i32
      %dma_wait3A_723 = arith.constant 0 : i32
      %dma_wait3A_724 = tpu.memref_slice %arg3[%dma_wait3A_722, %dma_wait3A_723] : memref<2600000x128xf32, #tpu.memory_space<hbm>> -> memref<2600000x128xf32, #tpu.memory_space<hbm>>
      tpu.wait_indirect_dma semaphore(%arg11 : memref<!tpu.dma_semaphore, #tpu.memory_space<semaphore_mem>>) src(%dma_wait3A_724 : memref<2600000x128xf32, #tpu.memory_space<hbm>>) dst(%arg9 : memref<64x128xf32, #tpu.memory_space<vmem>>)
      %scan3A_725 = arith.constant 0 : i32
      %scan3A_726 = arith.constant 0 : i32
      %scan3A_727 = arith.constant 64 : i32
      %scan3A_728 = arith.addi %scan3A_726, %scan3A_727 : i32
      %scan3A_729 = arith.constant 1 : i32
      scf.for %scan3A_764 = %scan3A_726 to %scan3A_728 step %scan3A_729  : i32 {
        %broadcast_in_dim3A = vector.broadcast %scan3A_764 : i32 to vector<16xi32>
        %get3A = arith.index_cast %scan3A_764 : i32 to index
        %get3A_765 = arith.constant 0 : index
        %get3A_766 = tpu.vector_load %arg9[%get3A, %get3A_765] {strides = array<i32>} : memref<64x128xf32, #tpu.memory_space<vmem>>, vector<16xf32>,
        %add3A_767 = arith.constant 1485 : i32
        %add3A_768 = vector.broadcast %add3A_767 : i32 to vector<16xi32>
        %add3A_769 = arith.addi %add3A_768, %iota3A : vector<16xi32>
        tpu.vector_store_idx %arg7[%broadcast_in_dim3A, %add3A_769], %get3A_766 : memref<64x1677xf32, #tpu.memory_space<vmem>>[vector<16xi32>, vector<16xi32>], vector<16xf32>,
        %get3A_770 = arith.index_cast %scan3A_764 : i32 to index
        %get3A_771 = arith.constant 16 : index
        %get3A_772 = tpu.vector_load %arg9[%get3A_770, %get3A_771] {strides = array<i32>} : memref<64x128xf32, #tpu.memory_space<vmem>>, vector<16xf32>,
        %add3A_773 = arith.constant 1501 : i32
        %add3A_774 = vector.broadcast %add3A_773 : i32 to vector<16xi32>
        %add3A_775 = arith.addi %add3A_774, %iota3A : vector<16xi32>
        tpu.vector_store_idx %arg7[%broadcast_in_dim3A, %add3A_775], %get3A_772 : memref<64x1677xf32, #tpu.memory_space<vmem>>[vector<16xi32>, vector<16xi32>], vector<16xf32>,
        %get3A_776 = arith.index_cast %scan3A_764 : i32 to index
        %get3A_777 = arith.constant 32 : index
        %get3A_778 = tpu.vector_load %arg9[%get3A_776, %get3A_777] {strides = array<i32>} : memref<64x128xf32, #tpu.memory_space<vmem>>, vector<16xf32>,
        %add3A_779 = arith.constant 1517 : i32
        %add3A_780 = vector.broadcast %add3A_779 : i32 to vector<16xi32>
        %add3A_781 = arith.addi %add3A_780, %iota3A : vector<16xi32>
        tpu.vector_store_idx %arg7[%broadcast_in_dim3A, %add3A_781], %get3A_778 : memref<64x1677xf32, #tpu.memory_space<vmem>>[vector<16xi32>, vector<16xi32>], vector<16xf32>,
        %get3A_782 = arith.index_cast %scan3A_764 : i32 to index
        %get3A_783 = arith.constant 48 : index
        %get3A_784 = tpu.vector_load %arg9[%get3A_782, %get3A_783] {strides = array<i32>} : memref<64x128xf32, #tpu.memory_space<vmem>>, vector<16xf32>,
        %add3A_785 = arith.constant 1533 : i32
        %add3A_786 = vector.broadcast %add3A_785 : i32 to vector<16xi32>
        %add3A_787 = arith.addi %add3A_786, %iota3A : vector<16xi32>
        tpu.vector_store_idx %arg7[%broadcast_in_dim3A, %add3A_787], %get3A_784 : memref<64x1677xf32, #tpu.memory_space<vmem>>[vector<16xi32>, vector<16xi32>], vector<16xf32>,
      }
      %scan3A_730 = arith.constant 64 : i32
      %dma_start3A_731 = arith.constant 25 : i32
      %dma_start3A_732 = arith.constant 0 : i32
      %dma_start3A_733 = tpu.memref_slice %arg6[%dma_start3A_731, %dma_start3A_732] : memref<26x64xi32, #tpu.memory_space<vmem>> -> memref<1x64xi32, #tpu.memory_space<vmem>>
      %dma_start3A_734 = tpu.memref_squeeze %dma_start3A_733 : memref<1x64xi32, #tpu.memory_space<vmem>> -> memref<64xi32, #tpu.memory_space<vmem>>
      %dma_start3A_735 = arith.constant 0 : i32
      %dma_start3A_736 = arith.constant 0 : i32
      %dma_start3A_737 = tpu.memref_slice %arg3[%dma_start3A_735, %dma_start3A_736] : memref<2600000x128xf32, #tpu.memory_space<hbm>> -> memref<2600000x128xf32, #tpu.memory_space<hbm>>
      tpu.enqueue_indirect_dma source(%dma_start3A_737 : memref<2600000x128xf32, #tpu.memory_space<hbm>>) target(%arg9 : memref<64x128xf32, #tpu.memory_space<vmem>>) offsets(%dma_start3A_734 : memref<64xi32, #tpu.memory_space<vmem>>) semaphore(%arg11 : memref<!tpu.dma_semaphore, #tpu.memory_space<semaphore_mem>>)
      %dma_wait3A_738 = arith.constant 24 : i32
      %dma_wait3A_739 = arith.constant 0 : i32
      %dma_wait3A_740 = tpu.memref_slice %arg6[%dma_wait3A_738, %dma_wait3A_739] : memref<26x64xi32, #tpu.memory_space<vmem>> -> memref<1x64xi32, #tpu.memory_space<vmem>>
      %dma_wait3A_741 = tpu.memref_squeeze %dma_wait3A_740 : memref<1x64xi32, #tpu.memory_space<vmem>> -> memref<64xi32, #tpu.memory_space<vmem>>
      %dma_wait3A_742 = arith.constant 0 : i32
      %dma_wait3A_743 = arith.constant 0 : i32
      %dma_wait3A_744 = tpu.memref_slice %arg3[%dma_wait3A_742, %dma_wait3A_743] : memref<2600000x128xf32, #tpu.memory_space<hbm>> -> memref<2600000x128xf32, #tpu.memory_space<hbm>>
      tpu.wait_indirect_dma semaphore(%arg10 : memref<!tpu.dma_semaphore, #tpu.memory_space<semaphore_mem>>) src(%dma_wait3A_744 : memref<2600000x128xf32, #tpu.memory_space<hbm>>) dst(%arg8 : memref<64x128xf32, #tpu.memory_space<vmem>>)
      %scan3A_745 = arith.constant 0 : i32
      %scan3A_746 = arith.constant 0 : i32
      %scan3A_747 = arith.constant 64 : i32
      %scan3A_748 = arith.addi %scan3A_746, %scan3A_747 : i32
      %scan3A_749 = arith.constant 1 : i32
      scf.for %scan3A_764 = %scan3A_746 to %scan3A_748 step %scan3A_749  : i32 {
        %broadcast_in_dim3A = vector.broadcast %scan3A_764 : i32 to vector<16xi32>
        %get3A = arith.index_cast %scan3A_764 : i32 to index
        %get3A_765 = arith.constant 0 : index
        %get3A_766 = tpu.vector_load %arg8[%get3A, %get3A_765] {strides = array<i32>} : memref<64x128xf32, #tpu.memory_space<vmem>>, vector<16xf32>,
        %add3A_767 = arith.constant 1549 : i32
        %add3A_768 = vector.broadcast %add3A_767 : i32 to vector<16xi32>
        %add3A_769 = arith.addi %add3A_768, %iota3A : vector<16xi32>
        tpu.vector_store_idx %arg7[%broadcast_in_dim3A, %add3A_769], %get3A_766 : memref<64x1677xf32, #tpu.memory_space<vmem>>[vector<16xi32>, vector<16xi32>], vector<16xf32>,
        %get3A_770 = arith.index_cast %scan3A_764 : i32 to index
        %get3A_771 = arith.constant 16 : index
        %get3A_772 = tpu.vector_load %arg8[%get3A_770, %get3A_771] {strides = array<i32>} : memref<64x128xf32, #tpu.memory_space<vmem>>, vector<16xf32>,
        %add3A_773 = arith.constant 1565 : i32
        %add3A_774 = vector.broadcast %add3A_773 : i32 to vector<16xi32>
        %add3A_775 = arith.addi %add3A_774, %iota3A : vector<16xi32>
        tpu.vector_store_idx %arg7[%broadcast_in_dim3A, %add3A_775], %get3A_772 : memref<64x1677xf32, #tpu.memory_space<vmem>>[vector<16xi32>, vector<16xi32>], vector<16xf32>,
        %get3A_776 = arith.index_cast %scan3A_764 : i32 to index
        %get3A_777 = arith.constant 32 : index
        %get3A_778 = tpu.vector_load %arg8[%get3A_776, %get3A_777] {strides = array<i32>} : memref<64x128xf32, #tpu.memory_space<vmem>>, vector<16xf32>,
        %add3A_779 = arith.constant 1581 : i32
        %add3A_780 = vector.broadcast %add3A_779 : i32 to vector<16xi32>
        %add3A_781 = arith.addi %add3A_780, %iota3A : vector<16xi32>
        tpu.vector_store_idx %arg7[%broadcast_in_dim3A, %add3A_781], %get3A_778 : memref<64x1677xf32, #tpu.memory_space<vmem>>[vector<16xi32>, vector<16xi32>], vector<16xf32>,
        %get3A_782 = arith.index_cast %scan3A_764 : i32 to index
        %get3A_783 = arith.constant 48 : index
        %get3A_784 = tpu.vector_load %arg8[%get3A_782, %get3A_783] {strides = array<i32>} : memref<64x128xf32, #tpu.memory_space<vmem>>, vector<16xf32>,
        %add3A_785 = arith.constant 1597 : i32
        %add3A_786 = vector.broadcast %add3A_785 : i32 to vector<16xi32>
        %add3A_787 = arith.addi %add3A_786, %iota3A : vector<16xi32>
        tpu.vector_store_idx %arg7[%broadcast_in_dim3A, %add3A_787], %get3A_784 : memref<64x1677xf32, #tpu.memory_space<vmem>>[vector<16xi32>, vector<16xi32>], vector<16xf32>,
      }
      %scan3A_750 = arith.constant 64 : i32
      %dma_wait3A_751 = arith.constant 25 : i32
      %dma_wait3A_752 = arith.constant 0 : i32
      %dma_wait3A_753 = tpu.memref_slice %arg6[%dma_wait3A_751, %dma_wait3A_752] : memref<26x64xi32, #tpu.memory_space<vmem>> -> memref<1x64xi32, #tpu.memory_space<vmem>>
      %dma_wait3A_754 = tpu.memref_squeeze %dma_wait3A_753 : memref<1x64xi32, #tpu.memory_space<vmem>> -> memref<64xi32, #tpu.memory_space<vmem>>
      %dma_wait3A_755 = arith.constant 0 : i32
      %dma_wait3A_756 = arith.constant 0 : i32
      %dma_wait3A_757 = tpu.memref_slice %arg3[%dma_wait3A_755, %dma_wait3A_756] : memref<2600000x128xf32, #tpu.memory_space<hbm>> -> memref<2600000x128xf32, #tpu.memory_space<hbm>>
      tpu.wait_indirect_dma semaphore(%arg11 : memref<!tpu.dma_semaphore, #tpu.memory_space<semaphore_mem>>) src(%dma_wait3A_757 : memref<2600000x128xf32, #tpu.memory_space<hbm>>) dst(%arg9 : memref<64x128xf32, #tpu.memory_space<vmem>>)
      %scan3A_758 = arith.constant 0 : i32
      %scan3A_759 = arith.constant 0 : i32
      %scan3A_760 = arith.constant 64 : i32
      %scan3A_761 = arith.addi %scan3A_759, %scan3A_760 : i32
      %scan3A_762 = arith.constant 1 : i32
      scf.for %scan3A_764 = %scan3A_759 to %scan3A_761 step %scan3A_762  : i32 {
        %broadcast_in_dim3A = vector.broadcast %scan3A_764 : i32 to vector<16xi32>
        %get3A = arith.index_cast %scan3A_764 : i32 to index
        %get3A_765 = arith.constant 0 : index
        %get3A_766 = tpu.vector_load %arg9[%get3A, %get3A_765] {strides = array<i32>} : memref<64x128xf32, #tpu.memory_space<vmem>>, vector<16xf32>,
        %add3A_767 = arith.constant 1613 : i32
        %add3A_768 = vector.broadcast %add3A_767 : i32 to vector<16xi32>
        %add3A_769 = arith.addi %add3A_768, %iota3A : vector<16xi32>
        tpu.vector_store_idx %arg7[%broadcast_in_dim3A, %add3A_769], %get3A_766 : memref<64x1677xf32, #tpu.memory_space<vmem>>[vector<16xi32>, vector<16xi32>], vector<16xf32>,
        %get3A_770 = arith.index_cast %scan3A_764 : i32 to index
        %get3A_771 = arith.constant 16 : index
        %get3A_772 = tpu.vector_load %arg9[%get3A_770, %get3A_771] {strides = array<i32>} : memref<64x128xf32, #tpu.memory_space<vmem>>, vector<16xf32>,
        %add3A_773 = arith.constant 1629 : i32
        %add3A_774 = vector.broadcast %add3A_773 : i32 to vector<16xi32>
        %add3A_775 = arith.addi %add3A_774, %iota3A : vector<16xi32>
        tpu.vector_store_idx %arg7[%broadcast_in_dim3A, %add3A_775], %get3A_772 : memref<64x1677xf32, #tpu.memory_space<vmem>>[vector<16xi32>, vector<16xi32>], vector<16xf32>,
        %get3A_776 = arith.index_cast %scan3A_764 : i32 to index
        %get3A_777 = arith.constant 32 : index
        %get3A_778 = tpu.vector_load %arg9[%get3A_776, %get3A_777] {strides = array<i32>} : memref<64x128xf32, #tpu.memory_space<vmem>>, vector<16xf32>,
        %add3A_779 = arith.constant 1645 : i32
        %add3A_780 = vector.broadcast %add3A_779 : i32 to vector<16xi32>
        %add3A_781 = arith.addi %add3A_780, %iota3A : vector<16xi32>
        tpu.vector_store_idx %arg7[%broadcast_in_dim3A, %add3A_781], %get3A_778 : memref<64x1677xf32, #tpu.memory_space<vmem>>[vector<16xi32>, vector<16xi32>], vector<16xf32>,
        %get3A_782 = arith.index_cast %scan3A_764 : i32 to index
        %get3A_783 = arith.constant 48 : index
        %get3A_784 = tpu.vector_load %arg9[%get3A_782, %get3A_783] {strides = array<i32>} : memref<64x128xf32, #tpu.memory_space<vmem>>, vector<16xf32>,
        %add3A_785 = arith.constant 1661 : i32
        %add3A_786 = vector.broadcast %add3A_785 : i32 to vector<16xi32>
        %add3A_787 = arith.addi %add3A_786, %iota3A : vector<16xi32>
        tpu.vector_store_idx %arg7[%broadcast_in_dim3A, %add3A_787], %get3A_784 : memref<64x1677xf32, #tpu.memory_space<vmem>>[vector<16xi32>, vector<16xi32>], vector<16xf32>,
      }
      %scan3A_763 = arith.constant 64 : i32
      "tpu.region"() ({
        %run_scoped3A = tpu.sem_alloc : memref<!tpu.dma_semaphore, #tpu.memory_space<semaphore_mem>>
        %dma_start3A_764 = arith.constant 0 : i32
        %dma_start3A_765 = tpu.memref_slice %arg4[%add3A_11, %dma_start3A_764] : memref<16384x1677xf32, #tpu.memory_space<hbm>> -> memref<64x1677xf32, #tpu.memory_space<hbm>>
        %dma_start3A_766 = arith.constant 0 : i32
        %dma_start3A_767 = tpu.memref_slice %arg4[%add3A_11, %dma_start3A_766] : memref<16384x1677xf32, #tpu.memory_space<hbm>> -> memref<64x1677xf32, #tpu.memory_space<hbm>>
        tpu.enqueue_dma source(%arg7 : memref<64x1677xf32, #tpu.memory_space<vmem>>) target(%dma_start3A_767 : memref<64x1677xf32, #tpu.memory_space<hbm>>) target_semaphore(%run_scoped3A : memref<!tpu.dma_semaphore, #tpu.memory_space<semaphore_mem>>)
        %dma_wait3A_768 = arith.constant 0 : i32
        %dma_wait3A_769 = tpu.memref_slice %arg4[%add3A_11, %dma_wait3A_768] : memref<16384x1677xf32, #tpu.memory_space<hbm>> -> memref<64x1677xf32, #tpu.memory_space<hbm>>
        %dma_wait3A_770 = arith.constant 0 : i32
        %dma_wait3A_771 = tpu.memref_slice %arg4[%add3A_11, %dma_wait3A_770] : memref<16384x1677xf32, #tpu.memory_space<hbm>> -> memref<64x1677xf32, #tpu.memory_space<hbm>>
        tpu.wait_dma2 semaphore(%run_scoped3A : memref<!tpu.dma_semaphore, #tpu.memory_space<semaphore_mem>>) src(%arg7 : memref<64x1677xf32, #tpu.memory_space<vmem>>) dst(%dma_wait3A_771 : memref<64x1677xf32, #tpu.memory_space<hbm>>)
        tpu.yield
      }) : () -> ()
    }
    %scan3A_7 = arith.constant 8 : i32
    return
  }
}

</mosaic_0001>

<sc_bundles>
// kernel: _run.3.cloned.1.call-start
scs
__scs_entry_jumppad:
0x0: {  	(pc) =	sbr.rel $0x88, $3  }
0x1: {  	(tag) =	ssettag $0x0;
	lr =	simm.s32 $0x1  }
0x2: {  	[smem:$0x3F9F] =	sst lr;
	_ =	strace $0xD0000000  }
0x3: {  	_ = 	snop  }
0x4: {  	_ = 	snop  }
0x5: {  	_ = 	snop  }
0x6: {  	_ = 	snop  }
0x7: {  	_ = 	snop  }
__scs_overlays_trampoline_lowered:
0x8: {  	[smem:$0x3FAE] =	sst s0  }
0x9: {  	[smem:$0x3FAF] =	sst s1  }
0xa: {  	[smem:$0x3FB0] =	sst s2  }
0xb: {  	[smem:$0x3FB1] =	sst s3  }
0xc: {  	[smem:$0x3FB2] =	sst s4  }
0xd: {  	[smem:$0x3FB3] =	sst s5  }
0xe: {  	[smem:$0x3FB4] =	sst s6  }
0xf: {  	[smem:$0x3FB5] =	sst s7  }
0x10: {  	[smem:$0x3FB6] =	sst s8  }
0x11: {  	[smem:$0x3FB7] =	sst s9;
	s0 =	simm.s32 @!p0 $0x0  }
0x12: {  	s1 =	sld [smem:$0x3F9D];
	s0 =	simm.s32 @p0 $0x1  }
0x13: {  	[smem:$0x3FB8] =	sst s0;
	s0 =	simm.s32 @!p1 $0x0  }
0x14: {  	s2 =	sld [smem:$0x3F9C];
	s0 =	simm.s32 @p1 $0x1  }
0x15: {  	[smem:$0x3FB9] =	sst s0;
	s0 =	simm.s32 @!p2 $0x0  }
0x16: {  	s3 =	sld [smem:$0x3FDB];
	s0 =	simm.s32 @p2 $0x1  }
0x17: {  	s4 =	simm.s32 $0x1BF5;
	[smem:$0x3FBB] =	sst s0  }
0x18: {  	s0 =	sld [smem:$0x3F9E];
	_ =	swait.ge [sflag:s4], $0x0  }
0x19: {  	s7 =	sld [smem:$0x3F9F]  }
0x1a: {  	s8 =	sadd.s32 $0xFFFFE003, lr  }
0x1b: {  	s9 =	sadd.s32 $0xFFFFFEF7, lr;
	s5 =	simm.s32 $0xFFFFFFFF;
	p2 =	slt.u32 s8, $0xFFFFF086  }
0x1c: {  	p1 =	slt.u32 s9, $0xF7A;
	s5 =	simm.s32 @!p2 $0x0  }
0x1d: {  	s5 =	simm.s32 @p1 $0x1;
	p0 =	seq.s32 s7, s2  }
0x1e: {  	s7 =	smul.u32 @!p0 $0xF7A, s2;
	p2 =	seq.s32 @!p0 s5, $0x0  }
0x1f: {  	s9 =	smul.u32 $0xF7A, s1;
	s8 =	simm.s32 @!p0 $0x1BF5;
	p2 =	por !p2, p0  }
0x20: {  	[sflag:s8] =	ssyncset.s32 @!p0 $0xFFFFF086;
	s6 =	sadd.s32 @!p0 s3, s7;
	s7 =	simm.s32 @!p0 $0x108  }
0x21: {  	s3 =	sadd.s32 s3, s9;
	s6 =	sadd.s32 @!p0 $0x88, s6;
	s7 =	simm.s32 @p2 $0x1082  }
0x22: {  	[simem:s7], [sflag:s8] =	dma.local @!p0 [hbm:s6], $0xF7A  }
0x23: {  	s9 =	sor.u32 $0xD0000000, s2;
	s6 =	simm.s32 $0x108;
	_ =	swait.ge @!p0 [sflag:s8], $0x0  }
0x24: {  	s3 =	sadd.s32 $0x88, s3;
	s6 =	simm.s32 @!p1 $0x1082;
	[sflag:s4] =	ssyncset.s32 $0xFFFFF086  }
0x25: {  	[simem:s6], [sflag:s4] =	dma.local [hbm:s3], $0xF7A  }
0x26: {  	[smem:$0x3F9F] =	sst s1;
	(tag) =	ssettag s2;
	_ =	strace s9  }
0x27: {  	s1 =	sld [smem:$0x3FAF]  }
0x28: {  	s2 =	sld [smem:$0x3FB0]  }
0x29: {  	s4 =	sld [smem:$0x3FB2]  }
0x2a: {  	p0 =	seq.s32 s5, $0x0;
	s5 =	sld [smem:$0x3FB3]  }
0x2b: {  	s6 =	sld [smem:$0x3FB4]  }
0x2c: {  	s7 =	sld [smem:$0x3FB5]  }
0x2d: {  	s3 =	simm.s32 $0x108;
	s8 =	sld [smem:$0x3FB6]  }
0x2e: {  	s3 =	simm.s32 @!p0 $0x1082;
	s9 =	sld [smem:$0x3FB7]  }
0x2f: {  	lr =	sadd.s32 s0, s3;
	s0 =	sld [smem:$0x3FAE]  }
0x30: {  	s3 =	sld [smem:$0x3FB1]  }
0x31: {  	[smem:$0x3FBA] =	sst s10  }
0x32: {  	s10 =	sld [smem:$0x3FB8];
	_ =	sdelay $0x3  }
0x33: {  	p0 =	seq.s32 s10, $0x1;
	s10 =	sld [smem:$0x3FBA];
	_ =	sdelay $0x3  }
0x34: {  	[smem:$0x3FBA] =	sst s10  }
0x35: {  	s10 =	sld [smem:$0x3FB9];
	_ =	sdelay $0x3  }
0x36: {  	p1 =	seq.s32 s10, $0x1;
	s10 =	sld [smem:$0x3FBA];
	_ =	sdelay $0x3  }
0x37: {  	[smem:$0x3FBA] =	sst s10  }
0x38: {  	s10 =	sld [smem:$0x3FBB]  }
0x39: {  	_ = 	snop;
	(pc) =	sbr.ind lr, $3  }
0x3a: {  	_ = 	snop  }
0x3b: {  	_ = 	snop  }
0x3c: {  	p2 =	seq.s32 s10, $0x1;
	s10 =	sld [smem:$0x3FBA]  }
0x3d: {  	_ =	shalt  }
0x3e: {  	_ =	shalt  }
0x3f: {  	_ =	shalt  }
0x40: {  	_ =	shalt  }
0x41: {  	_ =	shalt  }
0x42: {  	_ =	shalt  }
0x43: {  	_ =	shalt  }
0x44: {  	_ =	shalt  }
0x45: {  	_ =	shalt  }
0x46: {  	_ =	shalt  }
0x47: {  	_ =	shalt  }
0x48: {  	_ =	shalt  }
0x49: {  	_ =	shalt  }
0x4a: {  	_ =	shalt  }
0x4b: {  	_ =	shalt  }
0x4c: {  	_ =	shalt  }
0x4d: {  	_ =	shalt  }
0x4e: {  	_ =	shalt  }
0x4f: {  	_ =	shalt  }
0x50: {  	_ =	shalt  }
0x51: {  	_ =	shalt  }
0x52: {  	_ =	shalt  }
0x53: {  	_ =	shalt  }
0x54: {  	_ =	shalt  }
0x55: {  	_ =	shalt  }
0x56: {  	_ =	shalt  }
0x57: {  	_ =	shalt  }
0x58: {  	_ =	shalt  }
0x59: {  	_ =	shalt  }
0x5a: {  	_ =	shalt  }
0x5b: {  	_ =	shalt  }
0x5c: {  	_ =	shalt  }
0x5d: {  	_ =	shalt  }
0x5e: {  	_ =	shalt  }
0x5f: {  	_ =	shalt  }
0x60: {  	_ =	shalt  }
0x61: {  	_ =	shalt  }
0x62: {  	_ =	shalt  }
0x63: {  	_ =	shalt  }
0x64: {  	_ =	shalt  }
0x65: {  	_ =	shalt  }
0x66: {  	_ =	shalt  }
0x67: {  	_ =	shalt  }
0x68: {  	_ =	shalt  }
0x69: {  	_ =	shalt  }
0x6a: {  	_ =	shalt  }
0x6b: {  	_ =	shalt  }
0x6c: {  	_ =	shalt  }
0x6d: {  	_ =	shalt  }
0x6e: {  	_ =	shalt  }
0x6f: {  	_ =	shalt  }
0x70: {  	_ =	shalt  }
0x71: {  	_ =	shalt  }
0x72: {  	_ =	shalt  }
0x73: {  	_ =	shalt  }
0x74: {  	_ =	shalt  }
0x75: {  	_ =	shalt  }
0x76: {  	_ =	shalt  }
0x77: {  	_ =	shalt  }
0x78: {  	_ =	shalt  }
0x79: {  	_ =	shalt  }
0x7a: {  	_ =	shalt  }
0x7b: {  	_ =	shalt  }
0x7c: {  	_ =	shalt  }
0x7d: {  	_ =	shalt  }
0x7e: {  	_ =	shalt  }
0x7f: {  	_ =	shalt  }
0x80: {  	_ =	shalt  }
0x81: {  	_ =	shalt  }
0x82: {  	_ =	shalt  }
0x83: {  	_ =	shalt  }
0x84: {  	_ =	shalt  }
0x85: {  	_ =	shalt  }
0x86: {  	_ =	shalt  }
0x87: {  	_ =	shalt  }
.Lfunc_end0:
.L_simem_size_0:
called_computation.1_lowered:
.L_overlay_start_0:
0x88: {  	s2 =	sld [smem:$0x3FD9]  }
0x89: {  	s3 =	sld [smem:$0x3FFE];
	_ =	sdelay $0x1  }
0x8a: {  	s1 =	srdreg.scid  }
0x8b: {  	s0 =	sand.u32 $0x1, s1  }
0x8c: {  	s17 =	sshll.u32 s0, $0xA;
	s2 =	sadd.s32 s3, s2  }
0x8d: {  	s2 =	sadd.s32 s2, s17  }
0x8e: {  	[smem:$0x3FC6] =	sst s2  }
0x8f: {  	_ = 	snop  }
0x90: {  	s2 =	sld [smem:$0x3FC8]  }
0x91: {  	s18 =	sld [smem:$0x3FD0];
	(tm) =	ssettm $0x1  }
0x92: {  	s4 =	sld [smem:$0x3FFB];
	_ =	sdelay $0x3  }
0x93: {  	_ =	strace s4  }
0x94: {  	s4 =	sld [smem:$0x3FFC];
	_ =	sdelay $0x3  }
0x95: {  	_ =	strace s4  }
0x96: {  	s4 =	sld [smem:$0x3FFD];
	_ =	sdelay $0x3  }
0x97: {  	_ =	strace s4  }
0x98: {  	_ =	strace $0x8FFFFFFF  }
0x99: {  	s19 =	sld [smem:$0x3FDB];
	_ =	sdelay $0x1  }
0x9a: {  	s5 =	simm.s32 $_scs_section_size  }
0x9b: {  	s6 =	simm.s32 $_size__tile_overlayer_lowered;
	s7 =	simm.s32 $_tile_overlayer_lowered  }
0x9c: {  	s22 =	simm.s32 $0x1BFF;
	s21 =	sshll.u32 s7, $0x1;
	s4 =	sadd.s32 s5, s19  }
0x9d: {  	s8 =	simm.s32 $0x0;
	s20 =	sshll.u32 s6, $0x1;
	s6 =	sadd.s32 s21, s4  }
0x9e: {  	[timem:s8], [sflag:s22] =	dma.local [hbm:s6], s20  }
0x9f: {  	_ =	swait.ge [sflag:s22], s20  }
0xa0: {  	s5 =	ssub.s32 $0x0, s20;
	[sflag:s22] =	ssyncset.done $0x0  }
0xa1: {  	[sflag:s22] =	ssyncadd.s32 s5;
	_ =	sdelay $0x1  }
0xa2: {  	s23 =	simm.s32 $0x1B8B  }
0xa3: {  	_ =	swait.ge [sflag:s23], $0x1  }
0xa4: {  	[sflag:s23] =	ssyncset.done $0x0  }
0xa5: {  	s25 =	simm.s32 $0x1B8E;
	s24 =	sld [smem:$0x3FFE];
	[sflag:s23] =	ssyncadd.s32 $0xFFFFFFFF  }
0xa6: {  	s26 =	simm.s32 $execute0_lowered;
	[smem:$0x3FD2] =	sst s25  }
0xa7: {  	s6 =	sshll.u32 s26, $0x1;
	_ =	strace $0x80000046;
	[dreg:$0x1] =	wrdreg $0xFFFFFFFF  }
0xa8: {  	s28 =	simm.s32 $_size_execute0_lowered;
	s4 =	sadd.s32 s4, s6;
	[dreg:$0x0] =	wrdreg $0x0  }
0xa9: {  	s6 =	sshll.u32 s28, $0x1;
	[dreg:$0x2] =	wrdreg s4  }
0xaa: {  	[dreg:$0x3] =	wrdreg s6  }
0xab: {  	[dreg:$0x4] =	wrdreg $0xC0  }
0xac: {  	_ =	task [dreg:s8], $0x5FFFF  }
0xad: {  	[dreg:$0x1] =	wrdreg $0xFFFFFFFF  }
0xae: {  	[dreg:$0x0] =	wrdreg $0x60  }
0xaf: {  	[dreg:$0x2] =	wrdreg s24  }
0xb0: {  	[dreg:$0x3] =	wrdreg s2  }
0xb1: {  	[dreg:$0x4] =	wrdreg s18  }
0xb2: {  	[dreg:$0x5] =	wrdreg $0x9  }
0xb3: {  	_ =	task.clear_ibuf [dreg:s8], $0x6FFFF;
	_ =	strace $0x90000046  }
0xb4: {  	s29 =	simm.s32 $0x9;
	_ =	strace $0x80000048  }
0xb5: {  	_ =	swait.ge [sflag:s29], $0x1  }
0xb6: {  	[sflag:s29] =	ssyncadd.s32 $0xFFFFFFFF  }
0xb7: {  	_ =	strace $0x90000048  }
0xb8: {  	_ =	sfence  }
0xb9: {  	s30 =	sld [smem:$0x0];
	_ =	sdelay $0x2  }
0xba: {  	s31 =	sshll.u32 s1, $0xD;
	s1 =	sshrl.u32 s1, $0x2  }
0xbb: {  	s3 =	sand.u32 $0x4000, s31;
	s1 =	sadd.s32 s1, s30  }
0xbc: {  	s0 =	sor.u32 s3, s0;
	s1 =	sshll.u32 s1, $0x11  }
0xbd: {  	s0 =	sor.u32 s1, s0  }
0xbe: {  	s0 =	sadd.s32 $0x8F2B, s0  }
0xbf: {  	[sflag:s0] =	ssyncadd.remote.s32 $0x1  }
0xc0: {  	_ =	sfence.sel $0xFFFF  }
0xc1: {  	[dreg:$0x0] =	wrdreg $0xFFFFFFFF;
	(pc) =	sbr.abs _section_cstart, $3  }
0xc2: {  	[dreg:$0x1] =	wrdreg $0xFFFFFFFF  }
0xc3: {  	_ =	task.clear_ibuf [dreg:s8], $0x2FFFF;
	_ =	strace $0x9FFFFFFF  }
0xc4: {  	(tm) =	ssettm $0x7FFFFFFF  }
0xc5: {  	_ =	shalt  }
tec
execute0_lowered:
.L_overlay_start_1:
0x0: {  	(tag) =	ssettag $0x1  }
0x1: {  	v0 =	vlaneseq.u32  }
0x2: {  	v1 =	vmul.u32 $0x690, v0  }
0x3: {  	v53 =	vadd.s32 $0xD, v0;
	v54 =	vadd.s32 $0x1D, v0;
	v55 =	vadd.s32 $0x2D, v0  }
0x4: {  	v56 =	vadd.s32 $0x3D, v0;
	v57 =	vadd.s32 $0x4D, v0;
	v58 =	vadd.s32 $0x5D, v0  }
0x5: {  	v59 =	vadd.s32 $0x6D, v0;
	v60 =	vadd.s32 $0x7D, v0;
	v61 =	vadd.s32 $0x8D, v0  }
0x6: {  	v62 =	vadd.s32 $0x9D, v0;
	v63 =	vadd.s32 $0xAD, v0;
	v2 =	vadd.s32 $0x6900, v1  }
0x7: {  	v10 =	vadd.s32 $0x6902, v1;
	v11 =	vadd.s32 $0xD202, v1;
	v12 =	vadd.s32 $0x13B02, v1  }
0x8: {  	v13 =	vor.u32 $0x3, v1;
	v14 =	vadd.s32 $0x6903, v1;
	v15 =	vadd.s32 $0xD203, v1  }
0x9: {  	s1 =	rddreg [dreg:$0x0];
	v16 =	vadd.s32 $0x13B03, v1;
	v17 =	vor.u32 $0x4, v1;
	v18 =	vadd.s32 $0x6904, v1  }
0xa: {  	s0 =	rddreg [dreg:$0x1];
	s3 =	simm.s32 $0x0;
	v19 =	vadd.s32 $0xD204, v1;
	v20 =	vadd.s32 $0x13B04, v1;
	v21 =	vor.u32 $0x5, v1  }
0xb: {  	s2 =	srdreg.scid;
	s5 =	stileid.u32;
	s8 =	simm.s32 $0x40;
	v22 =	vadd.s32 $0x6905, v1;
	v23 =	vadd.s32 $0xD205, v1;
	v24 =	vadd.s32 $0x13B05, v1  }
0xc: {  	s10 =	simm.s32 $0x3;
	s11 =	simm.s32 $0x1040;
	s13 =	simm.s32 $0x1B440;
	v25 =	vor.u32 $0x6, v1;
	v26 =	vadd.s32 $0x6906, v1;
	v27 =	vadd.s32 $0xD206, v1  }
0xd: {  	s15 =	simm.s32 $0x1D440;
	s28 =	simm.s32 $0xC80;
	s29 =	simm.s32 $0xCC0;
	v28 =	vadd.s32 $0x13B06, v1;
	v29 =	vor.u32 $0x7, v1;
	v30 =	vadd.s32 $0x6907, v1  }
0xe: {  	s30 =	simm.s32 $0xD00;
	s31 =	simm.s32 $0xD40;
	s7 =	simm.s32 $0xE00;
	v31 =	vadd.s32 $0xD207, v1;
	v32 =	vadd.s32 $0x13B07, v1;
	v33 =	vor.u32 $0x8, v1  }
0xf: {  	s16 =	simm.s32 $0x1;
	s9 =	simm.s32 $0xEC0;
	s12 =	simm.s32 $0xF00;
	v34 =	vadd.s32 $0x6908, v1;
	v35 =	vadd.s32 $0xD208, v1;
	[tilespmem:$0x1FF80] =	vst v2;
	v2 =	vadd.s32 $0xD200, v1  }
0x10: {  	s18 =	simm.s32 $0x2;
	s14 =	simm.s32 $0xF40;
	s17 =	simm.s32 $0xF80;
	v36 =	vadd.s32 $0x13B08, v1;
	v37 =	vor.u32 $0x9, v1;
	[tilespmem:$0x1FF90] =	vst v2;
	v2 =	vadd.s32 $0x13B00, v1  }
0x11: {  	s19 =	simm.s32 $0xFC0;
	s20 =	simm.s32 $0x1000;
	s22 =	simm.s32 $0x0;
	v38 =	vadd.s32 $0x6909, v1;
	v39 =	vadd.s32 $0xD209, v1;
	[tilespmem:$0x1FFA0] =	vst v2;
	v2 =	vor.u32 $0x1, v1  }
0x12: {  	[smem:$0x7FF] =	sst s3;
	s2 =	sand.u32 $0x1, s2;
	s6 =	sshll.u32 s5, $0xA;
	v40 =	vadd.s32 $0x13B09, v1;
	v41 =	vor.u32 $0xA, v1;
	[tilespmem:$0x1FFB0] =	vst v2;
	v2 =	vadd.s32 $0x6901, v1  }
0x13: {  	s5 =	sadd.s32 $0x800, s1;
	s25 =	ssub.s32 $0x2, s2;
	s2 =	sshll.u32 s2, $0x9;
	v42 =	vadd.s32 $0x690A, v1;
	v43 =	vadd.s32 $0xD20A, v1;
	[tilespmem:$0x1FFC0] =	vst v2;
	v2 =	vadd.s32 $0xD201, v1  }
0x14: {  	s3 =	simm.s32 $0xE80;
	s4 =	sshrl.u32 s25, $0x1;
	s6 =	sor.u32 s2, s6;
	v44 =	vadd.s32 $0x13B0A, v1;
	v45 =	vor.u32 $0xB, v1;
	[tilespmem:$0x1FFD0] =	vst v2;
	v2 =	vadd.s32 $0x13B01, v1  }
0x15: {  	v46 =	vadd.s32 $0x690B, v1;
	v47 =	vadd.s32 $0xD20B, v1;
	s2 =	simm.s32 $0xE40;
	s26 =	ssub.s32 s25, s4;
	s4 =	simm.s32 $0xDC0;
	[tilespmem:$0x1FFE0] =	vst v2;
	v2 =	vor.u32 $0x2, v1  }
0x16: {  	v48 =	vadd.s32 $0x13B0B, v1;
	v49 =	vor.u32 $0xC, v1;
	v50 =	vadd.s32 $0x690C, v1;
	s25 =	simm.s32 $0x4000;
	s1 =	smax.u32 s26, $0x1;
	s26 =	simm.s32 $0xC40;
	[tilespmem:$0x1FFF0] =	vst v2  }
0x17: {  	v51 =	vadd.s32 $0xD20C, v1;
	v52 =	vadd.s32 $0x13B0C, v1;
	v2 =	vadd.s32 $0xBD, v0;
	_ =	strace $0x80000047;
	[dreg:$0x4] =	wrdreg s1;
	s1 =	simm.s32 $0xD80  }
.LBB2_1:
0x18: {  	[dreg:$0x5] =	wrdreg s22;
	s21 =	simm.s32 $0x0  }
.LBB2_2:
0x19: {  	s22 =	sshll.u32 s21, $0x6  }
0x1a: {  	s22 =	sadd.s32 s6, s22  }
0x1b: {  	s23 =	sshrl.u32 s22, $0x3  }
0x1c: {  	s24 =	sadd.s32 s5, s23;
	s23 =	simm.s32 $0x0  }
0x1d: {  	[tilespmem:s23], [sflag:$0x3] =	stream.strided.gather [hbm4b:s24+s8], $0x9C0, s25, s8, $0x38;
	[tilespmem:$0x1F440] =	vst v63  }
0x1e: {  	_ =	swait.ge [sflag:s10], $0x9C0  }
0x1f: {  	[sflag:s10] =	ssyncset.done $0x0  }
0x20: {  	[sflag:s10] =	ssyncadd.s32 $0xFFFFF640  }
0x21: {  	v3 =	vld [tilespmem:$0x340]  }
0x22: {  	v4 =	vld [tilespmem:$0x350]  }
0x23: {  	v5 =	vld [tilespmem:$0x360]  }
0x24: {  	v6 =	vld [tilespmem:$0x370]  }
0x25: {  	v7 =	vld [tilespmem:$0x380]  }
0x26: {  	v8 =	vld [tilespmem:$0x390]  }
0x27: {  	v9 =	vld [tilespmem:$0x3A0]  }
0x28: {  	[tilespmem:$0x9C0] =	vst v3;
	v3 =	vld [tilespmem:$0x3B0]  }
0x29: {  	[tilespmem:$0x9D0] =	vst v4;
	v4 =	vld [tilespmem:$0x3C0]  }
0x2a: {  	[tilespmem:$0x9E0] =	vst v5;
	v5 =	vld [tilespmem:$0x3D0]  }
0x2b: {  	[tilespmem:$0x9F0] =	vst v6;
	v6 =	vadd.s32 $0x186A0, v7;
	v7 =	vld [tilespmem:$0x3E0]  }
0x2c: {  	[tilespmem:$0xA00] =	vst v6;
	v6 =	vadd.s32 $0x186A0, v8;
	v8 =	vld [tilespmem:$0x3F0]  }
0x2d: {  	[tilespmem:$0xA10] =	vst v6;
	v6 =	vadd.s32 $0x186A0, v9;
	v9 =	vld [tilespmem:$0x400]  }
0x2e: {  	[tilespmem:$0xA20] =	vst v6;
	v6 =	vld [tilespmem:$0x410];
	v3 =	vadd.s32 $0x186A0, v3  }
0x2f: {  	[tilespmem:$0xA30] =	vst v3;
	v3 =	vadd.s32 $0x30D40, v4;
	v4 =	vld [tilespmem:$0x420]  }
0x30: {  	[tilespmem:$0xA40] =	vst v3;
	v3 =	vadd.s32 $0x30D40, v5;
	v5 =	vld [tilespmem:$0x430]  }
0x31: {  	[tilespmem:$0xA50] =	vst v3;
	v3 =	vadd.s32 $0x30D40, v7;
	v7 =	vld [tilespmem:$0x440]  }
0x32: {  	[tilespmem:$0xA60] =	vst v3;
	v3 =	vadd.s32 $0x30D40, v8;
	v8 =	vld [tilespmem:$0x450]  }
0x33: {  	[tilespmem:$0xA70] =	vst v3;
	v3 =	vadd.s32 $0x493E0, v9;
	v9 =	vld [tilespmem:$0x460]  }
0x34: {  	[tilespmem:$0xA80] =	vst v3;
	v3 =	vadd.s32 $0x493E0, v6;
	v6 =	vld [tilespmem:$0x470]  }
0x35: {  	[tilespmem:$0xA90] =	vst v3;
	v3 =	vadd.s32 $0x493E0, v4;
	v4 =	vld [tilespmem:$0x480]  }
0x36: {  	[tilespmem:$0xAA0] =	vst v3;
	v3 =	vadd.s32 $0x493E0, v5;
	v5 =	vld [tilespmem:$0x490]  }
0x37: {  	[tilespmem:$0xAB0] =	vst v3;
	v3 =	vadd.s32 $0x61A80, v7;
	v7 =	vld [tilespmem:$0x4A0]  }
0x38: {  	[tilespmem:$0xAC0] =	vst v3;
	v3 =	vadd.s32 $0x61A80, v8;
	v8 =	vld [tilespmem:$0x4B0]  }
0x39: {  	[tilespmem:$0xAD0] =	vst v3;
	v3 =	vadd.s32 $0x61A80, v9;
	v9 =	vld [tilespmem:$0x4C0]  }
0x3a: {  	[tilespmem:$0xAE0] =	vst v3;
	v3 =	vadd.s32 $0x61A80, v6;
	v6 =	vld [tilespmem:$0x4D0]  }
0x3b: {  	[tilespmem:$0xAF0] =	vst v3;
	v3 =	vadd.s32 $0x7A120, v4;
	v4 =	vld [tilespmem:$0x4E0]  }
0x3c: {  	[tilespmem:$0xB00] =	vst v3;
	v3 =	vadd.s32 $0x7A120, v5;
	v5 =	vld [tilespmem:$0x4F0]  }
0x3d: {  	[tilespmem:$0xB10] =	vst v3;
	v3 =	vadd.s32 $0x7A120, v7;
	v7 =	vld [tilespmem:$0x500]  }
0x3e: {  	[tilespmem:$0xB20] =	vst v3;
	v3 =	vadd.s32 $0x7A120, v8;
	v8 =	vld [tilespmem:$0x510]  }
0x3f: {  	[tilespmem:$0xB30] =	vst v3;
	v3 =	vadd.s32 $0x927C0, v9;
	v9 =	vld [tilespmem:$0x520]  }
0x40: {  	[tilespmem:$0xB40] =	vst v3;
	v3 =	vadd.s32 $0x927C0, v6;
	v6 =	vld [tilespmem:$0x530]  }
0x41: {  	[tilespmem:$0xB50] =	vst v3;
	v3 =	vadd.s32 $0x927C0, v4;
	v4 =	vld [tilespmem:$0x540]  }
0x42: {  	[tilespmem:$0xB60] =	vst v3;
	v3 =	vadd.s32 $0x927C0, v5;
	v5 =	vld [tilespmem:$0x550]  }
0x43: {  	[tilespmem:$0xB70] =	vst v3;
	v3 =	vadd.s32 $0xAAE60, v7;
	v7 =	vld [tilespmem:$0x560]  }
0x44: {  	[tilespmem:$0xB80] =	vst v3;
	v3 =	vadd.s32 $0xAAE60, v8;
	v8 =	vld [tilespmem:$0x570]  }
0x45: {  	[tilespmem:$0xB90] =	vst v3;
	v3 =	vadd.s32 $0xAAE60, v9;
	v9 =	vld [tilespmem:$0x580]  }
0x46: {  	[tilespmem:$0xBA0] =	vst v3;
	v3 =	vadd.s32 $0xAAE60, v6;
	v6 =	vld [tilespmem:$0x590]  }
0x47: {  	[tilespmem:$0xBB0] =	vst v3;
	v3 =	vadd.s32 $0xC3500, v4;
	v4 =	vld [tilespmem:$0x5A0]  }
0x48: {  	[tilespmem:$0xBC0] =	vst v3;
	v3 =	vadd.s32 $0xC3500, v5;
	v5 =	vld [tilespmem:$0x5B0]  }
0x49: {  	[tilespmem:$0xBD0] =	vst v3;
	v3 =	vadd.s32 $0xC3500, v7;
	v7 =	vld [tilespmem:$0x5C0]  }
0x4a: {  	[tilespmem:$0xBE0] =	vst v3;
	v3 =	vadd.s32 $0xC3500, v8;
	v8 =	vld [tilespmem:$0x5D0]  }
0x4b: {  	[tilespmem:$0xBF0] =	vst v3;
	v3 =	vadd.s32 $0xDBBA0, v9;
	v9 =	vld [tilespmem:$0x5E0]  }
0x4c: {  	[tilespmem:$0xC00] =	vst v3;
	v3 =	vadd.s32 $0xDBBA0, v6;
	v6 =	vld [tilespmem:$0x5F0]  }
0x4d: {  	[tilespmem:$0xC10] =	vst v3;
	v3 =	vadd.s32 $0xDBBA0, v4;
	v4 =	vld [tilespmem:$0x600]  }
0x4e: {  	[tilespmem:$0xC20] =	vst v3;
	v3 =	vadd.s32 $0xDBBA0, v5;
	v5 =	vld [tilespmem:$0x610]  }
0x4f: {  	[tilespmem:$0xC30] =	vst v3;
	v3 =	vadd.s32 $0xF4240, v7;
	v7 =	vld [tilespmem:$0x620]  }
0x50: {  	[tilespmem:$0xC40] =	vst v3;
	v3 =	vadd.s32 $0xF4240, v8;
	v8 =	vld [tilespmem:$0x630]  }
0x51: {  	[tilespmem:$0xC50] =	vst v3;
	v3 =	vadd.s32 $0xF4240, v9;
	v9 =	vld [tilespmem:$0x640]  }
0x52: {  	[tilespmem:$0xC60] =	vst v3;
	v3 =	vadd.s32 $0xF4240, v6;
	v6 =	vld [tilespmem:$0x650]  }
0x53: {  	[tilespmem:$0xC70] =	vst v3;
	v3 =	vadd.s32 $0x10C8E0, v4;
	v4 =	vld [tilespmem:$0x660]  }
0x54: {  	[tilespmem:$0xC80] =	vst v3;
	v3 =	vadd.s32 $0x10C8E0, v5;
	v5 =	vld [tilespmem:$0x670]  }
0x55: {  	[tilespmem:$0xC90] =	vst v3;
	v3 =	vadd.s32 $0x10C8E0, v7;
	v7 =	vld [tilespmem:$0x680]  }
0x56: {  	[tilespmem:$0xCA0] =	vst v3;
	v3 =	vadd.s32 $0x10C8E0, v8;
	v8 =	vld [tilespmem:$0x690]  }
0x57: {  	[tilespmem:$0xCB0] =	vst v3;
	v3 =	vadd.s32 $0x124F80, v9;
	v9 =	vld [tilespmem:$0x6A0]  }
0x58: {  	[tilespmem:$0xCC0] =	vst v3;
	v3 =	vadd.s32 $0x124F80, v6;
	v6 =	vld [tilespmem:$0x6B0]  }
0x59: {  	[tilespmem:$0xCD0] =	vst v3;
	v3 =	vadd.s32 $0x124F80, v4;
	v4 =	vld [tilespmem:$0x6C0]  }
0x5a: {  	[tilespmem:$0xCE0] =	vst v3;
	v3 =	vadd.s32 $0x124F80, v5;
	v5 =	vld [tilespmem:$0x6D0]  }
0x5b: {  	[tilespmem:$0xCF0] =	vst v3;
	v3 =	vadd.s32 $0x13D620, v7;
	v7 =	vld [tilespmem:$0x6E0]  }
0x5c: {  	[tilespmem:$0xD00] =	vst v3;
	v3 =	vadd.s32 $0x13D620, v8;
	v8 =	vld [tilespmem:$0x6F0]  }
0x5d: {  	[tilespmem:$0xD10] =	vst v3;
	v3 =	vadd.s32 $0x13D620, v9;
	v9 =	vld [tilespmem:$0x700]  }
0x5e: {  	[tilespmem:$0xD20] =	vst v3;
	v3 =	vadd.s32 $0x13D620, v6;
	v6 =	vld [tilespmem:$0x710]  }
0x5f: {  	[tilespmem:$0xD30] =	vst v3;
	v3 =	vadd.s32 $0x155CC0, v4;
	v4 =	vld [tilespmem:$0x720]  }
0x60: {  	[tilespmem:$0xD40] =	vst v3;
	v3 =	vadd.s32 $0x155CC0, v5;
	v5 =	vld [tilespmem:$0x730]  }
0x61: {  	[tilespmem:$0xD50] =	vst v3;
	v3 =	vadd.s32 $0x155CC0, v7;
	v7 =	vld [tilespmem:$0x740]  }
0x62: {  	[tilespmem:$0xD60] =	vst v3;
	v3 =	vadd.s32 $0x155CC0, v8;
	v8 =	vld [tilespmem:$0x750]  }
0x63: {  	[tilespmem:$0xD70] =	vst v3;
	v3 =	vadd.s32 $0x16E360, v9;
	v9 =	vld [tilespmem:$0x760]  }
0x64: {  	[tilespmem:$0xD80] =	vst v3;
	v3 =	vadd.s32 $0x16E360, v6;
	v6 =	vld [tilespmem:$0x770]  }
0x65: {  	[tilespmem:$0xD90] =	vst v3;
	v3 =	vadd.s32 $0x16E360, v4;
	v4 =	vld [tilespmem:$0x780]  }
0x66: {  	[tilespmem:$0xDA0] =	vst v3;
	v3 =	vadd.s32 $0x16E360, v5;
	v5 =	vld [tilespmem:$0x790]  }
0x67: {  	[tilespmem:$0xDB0] =	vst v3;
	v3 =	vadd.s32 $0x186A00, v7;
	v7 =	vld [tilespmem:$0x7A0]  }
0x68: {  	[tilespmem:$0xDC0] =	vst v3;
	v3 =	vadd.s32 $0x186A00, v8;
	v8 =	vld [tilespmem:$0x7B0]  }
0x69: {  	[tilespmem:$0xDD0] =	vst v3;
	v3 =	vadd.s32 $0x186A00, v9;
	v9 =	vld [tilespmem:$0x7C0]  }
0x6a: {  	[tilespmem:$0xDE0] =	vst v3;
	v3 =	vadd.s32 $0x186A00, v6;
	v6 =	vld [tilespmem:$0x7D0]  }
0x6b: {  	[tilespmem:$0xDF0] =	vst v3;
	v3 =	vadd.s32 $0x19F0A0, v4;
	v4 =	vld [tilespmem:$0x7E0]  }
0x6c: {  	[tilespmem:$0xE00] =	vst v3;
	v3 =	vadd.s32 $0x19F0A0, v5;
	v5 =	vld [tilespmem:$0x7F0]  }
0x6d: {  	[tilespmem:$0xE10] =	vst v3;
	v3 =	vadd.s32 $0x19F0A0, v7;
	v7 =	vld [tilespmem:$0x800]  }
0x6e: {  	[tilespmem:$0xE20] =	vst v3;
	v3 =	vadd.s32 $0x19F0A0, v8;
	v8 =	vld [tilespmem:$0x810]  }
0x6f: {  	[tilespmem:$0xE30] =	vst v3;
	v3 =	vadd.s32 $0x1B7740, v9;
	v9 =	vld [tilespmem:$0x820]  }
0x70: {  	[tilespmem:$0xE40] =	vst v3;
	v3 =	vadd.s32 $0x1B7740, v6;
	v6 =	vld [tilespmem:$0x830]  }
0x71: {  	[tilespmem:$0xE50] =	vst v3;
	v3 =	vadd.s32 $0x1B7740, v4;
	v4 =	vld [tilespmem:$0x840]  }
0x72: {  	[tilespmem:$0xE60] =	vst v3;
	v3 =	vadd.s32 $0x1B7740, v5;
	v5 =	vld [tilespmem:$0x850]  }
0x73: {  	[tilespmem:$0xE70] =	vst v3;
	v3 =	vadd.s32 $0x1CFDE0, v7;
	v7 =	vld [tilespmem:$0x860]  }
0x74: {  	[tilespmem:$0xE80] =	vst v3;
	v3 =	vadd.s32 $0x1CFDE0, v8;
	v8 =	vld [tilespmem:$0x870]  }
0x75: {  	[tilespmem:$0xE90] =	vst v3;
	v3 =	vadd.s32 $0x1CFDE0, v9;
	v9 =	vld [tilespmem:$0x880]  }
0x76: {  	[tilespmem:$0xEA0] =	vst v3;
	v3 =	vadd.s32 $0x1CFDE0, v6;
	v6 =	vld [tilespmem:$0x890]  }
0x77: {  	[tilespmem:$0xEB0] =	vst v3;
	v3 =	vadd.s32 $0x1E8480, v4;
	v4 =	vld [tilespmem:$0x8A0]  }
0x78: {  	[tilespmem:$0xEC0] =	vst v3;
	v3 =	vadd.s32 $0x1E8480, v5;
	v5 =	vld [tilespmem:$0x8B0]  }
0x79: {  	[tilespmem:$0xED0] =	vst v3;
	v3 =	vadd.s32 $0x1E8480, v7;
	v7 =	vld [tilespmem:$0x8C0]  }
0x7a: {  	[tilespmem:$0xEE0] =	vst v3;
	v3 =	vadd.s32 $0x1E8480, v8;
	v8 =	vld [tilespmem:$0x8D0]  }
0x7b: {  	[tilespmem:$0xEF0] =	vst v3;
	v3 =	vadd.s32 $0x200B20, v9;
	v9 =	vld [tilespmem:$0x8E0]  }
0x7c: {  	[tilespmem:$0xF00] =	vst v3;
	v3 =	vadd.s32 $0x200B20, v6;
	v6 =	vld [tilespmem:$0x8F0]  }
0x7d: {  	[tilespmem:$0xF10] =	vst v3;
	v3 =	vadd.s32 $0x200B20, v4;
	v4 =	vld [tilespmem:$0x900]  }
0x7e: {  	[tilespmem:$0xF20] =	vst v3;
	v3 =	vadd.s32 $0x200B20, v5;
	v5 =	vld [tilespmem:$0x910]  }
0x7f: {  	[tilespmem:$0xF30] =	vst v3;
	v3 =	vadd.s32 $0x2191C0, v7;
	v7 =	vld [tilespmem:$0x920]  }
0x80: {  	[tilespmem:$0xF40] =	vst v3;
	v3 =	vadd.s32 $0x2191C0, v8;
	v8 =	vld [tilespmem:$0x930]  }
0x81: {  	[tilespmem:$0xF50] =	vst v3;
	v3 =	vadd.s32 $0x2191C0, v9;
	v9 =	vld [tilespmem:$0x940]  }
0x82: {  	[tilespmem:$0xF60] =	vst v3;
	v3 =	vadd.s32 $0x2191C0, v6;
	v6 =	vld [tilespmem:$0x950]  }
0x83: {  	[tilespmem:$0xF70] =	vst v3;
	v3 =	vadd.s32 $0x231860, v4;
	v4 =	vld [tilespmem:$0x960]  }
0x84: {  	[tilespmem:$0xF80] =	vst v3;
	v3 =	vadd.s32 $0x231860, v5;
	v5 =	vld [tilespmem:$0x970]  }
0x85: {  	[tilespmem:$0xF90] =	vst v3;
	v3 =	vadd.s32 $0x231860, v7;
	v7 =	vld [tilespmem:$0x980]  }
0x86: {  	[tilespmem:$0xFA0] =	vst v3;
	v3 =	vadd.s32 $0x231860, v8;
	v8 =	vld [tilespmem:$0x990]  }
0x87: {  	[tilespmem:$0xFB0] =	vst v3;
	v3 =	vadd.s32 $0x249F00, v9;
	v9 =	vld [tilespmem:$0x9A0]  }
0x88: {  	[tilespmem:$0xFC0] =	vst v3;
	v3 =	vadd.s32 $0x249F00, v6;
	v6 =	vld [tilespmem:$0x9B0]  }
0x89: {  	[tilespmem:$0xFD0] =	vst v3;
	v3 =	vadd.s32 $0x249F00, v4;
	v4 =	vld [tilespmem:$0x0]  }
0x8a: {  	[tilespmem:$0xFE0] =	vst v3;
	v3 =	vadd.s32 $0x249F00, v5  }
0x8b: {  	[tilespmem:$0xFF0] =	vst v3;
	v3 =	vadd.s32 $0x2625A0, v7  }
0x8c: {  	[tilespmem:$0x1000] =	vst v3;
	v3 =	vadd.s32 $0x2625A0, v8  }
0x8d: {  	[tilespmem:$0x1010] =	vst v3;
	v3 =	vadd.s32 $0x2625A0, v9  }
0x8e: {  	[tilespmem:$0x1020] =	vst v3;
	v3 =	vadd.s32 $0x2625A0, v6;
	v4 =	vcvt.s32.f32 v4  }
0x8f: {  	[tilespmem:$0x1030] =	vst v3  }
0x90: {  	[tilespmem:v1+s11+$0x0] =	vst.idx.msk $0xffff, v4;
	v4 =	vld [tilespmem:$0x1FF80]  }
0x91: {  	v3 =	vld [tilespmem:$0x10];
	_ =	sdelay $0x4  }
0x92: {  	v3 =	vcvt.s32.f32 v3;
	_ =	sdelay $0x1  }
0x93: {  	[tilespmem:v4+s11+$0x0] =	vst.idx.msk $0xffff, v3;
	v4 =	vld [tilespmem:$0x1FF90]  }
0x94: {  	v3 =	vld [tilespmem:$0x20];
	_ =	sdelay $0x4  }
0x95: {  	v3 =	vcvt.s32.f32 v3;
	_ =	sdelay $0x1  }
0x96: {  	[tilespmem:v4+s11+$0x0] =	vst.idx.msk $0xffff, v3;
	v4 =	vld [tilespmem:$0x1FFA0]  }
0x97: {  	v3 =	vld [tilespmem:$0x30];
	_ =	sdelay $0x4  }
0x98: {  	v3 =	vcvt.s32.f32 v3;
	_ =	sdelay $0x1  }
0x99: {  	[tilespmem:v4+s11+$0x0] =	vst.idx.msk $0xffff, v3;
	v4 =	vld [tilespmem:$0x1FFB0]  }
0x9a: {  	v3 =	vld [tilespmem:$0x40];
	_ =	sdelay $0x4  }
0x9b: {  	v3 =	vcvt.s32.f32 v3;
	_ =	sdelay $0x1  }
0x9c: {  	[tilespmem:v4+s11+$0x0] =	vst.idx.msk $0xffff, v3;
	v4 =	vld [tilespmem:$0x1FFC0]  }
0x9d: {  	v3 =	vld [tilespmem:$0x50];
	_ =	sdelay $0x4  }
0x9e: {  	v3 =	vcvt.s32.f32 v3;
	_ =	sdelay $0x1  }
0x9f: {  	[tilespmem:v4+s11+$0x0] =	vst.idx.msk $0xffff, v3;
	v4 =	vld [tilespmem:$0x1FFD0]  }
0xa0: {  	v3 =	vld [tilespmem:$0x60];
	_ =	sdelay $0x4  }
0xa1: {  	v3 =	vcvt.s32.f32 v3;
	_ =	sdelay $0x1  }
0xa2: {  	[tilespmem:v4+s11+$0x0] =	vst.idx.msk $0xffff, v3;
	v4 =	vld [tilespmem:$0x1FFE0]  }
0xa3: {  	v3 =	vld [tilespmem:$0x70];
	_ =	sdelay $0x4  }
0xa4: {  	v3 =	vcvt.s32.f32 v3;
	_ =	sdelay $0x1  }
0xa5: {  	[tilespmem:v4+s11+$0x0] =	vst.idx.msk $0xffff, v3;
	v4 =	vld [tilespmem:$0x1FFF0]  }
0xa6: {  	v3 =	vld [tilespmem:$0x80];
	_ =	sdelay $0x4  }
0xa7: {  	v3 =	vcvt.s32.f32 v3;
	_ =	sdelay $0x1  }
0xa8: {  	[tilespmem:v4+s11+$0x0] =	vst.idx.msk $0xffff, v3  }
0xa9: {  	v3 =	vld [tilespmem:$0x90];
	_ =	sdelay $0x4  }
0xaa: {  	v3 =	vcvt.s32.f32 v3;
	_ =	sdelay $0x1  }
0xab: {  	[tilespmem:v10+s11+$0x0] =	vst.idx.msk $0xffff, v3  }
0xac: {  	v3 =	vld [tilespmem:$0xA0];
	_ =	sdelay $0x4  }
0xad: {  	v3 =	vcvt.s32.f32 v3;
	_ =	sdelay $0x1  }
0xae: {  	[tilespmem:v11+s11+$0x0] =	vst.idx.msk $0xffff, v3  }
0xaf: {  	v3 =	vld [tilespmem:$0xB0];
	_ =	sdelay $0x4  }
0xb0: {  	v3 =	vcvt.s32.f32 v3;
	_ =	sdelay $0x1  }
0xb1: {  	[tilespmem:v12+s11+$0x0] =	vst.idx.msk $0xffff, v3  }
0xb2: {  	v3 =	vld [tilespmem:$0xC0];
	_ =	sdelay $0x4  }
0xb3: {  	v3 =	vcvt.s32.f32 v3;
	_ =	sdelay $0x1  }
0xb4: {  	[tilespmem:v13+s11+$0x0] =	vst.idx.msk $0xffff, v3  }
0xb5: {  	v3 =	vld [tilespmem:$0xD0];
	_ =	sdelay $0x4  }
0xb6: {  	v3 =	vcvt.s32.f32 v3;
	_ =	sdelay $0x1  }
0xb7: {  	[tilespmem:v14+s11+$0x0] =	vst.idx.msk $0xffff, v3  }
0xb8: {  	v3 =	vld [tilespmem:$0xE0];
	_ =	sdelay $0x4  }
0xb9: {  	v3 =	vcvt.s32.f32 v3;
	_ =	sdelay $0x1  }
0xba: {  	[tilespmem:v15+s11+$0x0] =	vst.idx.msk $0xffff, v3  }
0xbb: {  	v3 =	vld [tilespmem:$0xF0];
	_ =	sdelay $0x4  }
0xbc: {  	v3 =	vcvt.s32.f32 v3;
	_ =	sdelay $0x1  }
0xbd: {  	[tilespmem:v16+s11+$0x0] =	vst.idx.msk $0xffff, v3  }
0xbe: {  	v3 =	vld [tilespmem:$0x100];
	_ =	sdelay $0x4  }
0xbf: {  	v3 =	vcvt.s32.f32 v3;
	_ =	sdelay $0x1  }
0xc0: {  	[tilespmem:v17+s11+$0x0] =	vst.idx.msk $0xffff, v3  }
0xc1: {  	v3 =	vld [tilespmem:$0x110];
	_ =	sdelay $0x4  }
0xc2: {  	v3 =	vcvt.s32.f32 v3;
	_ =	sdelay $0x1  }
0xc3: {  	[tilespmem:v18+s11+$0x0] =	vst.idx.msk $0xffff, v3  }
0xc4: {  	v3 =	vld [tilespmem:$0x120];
	_ =	sdelay $0x4  }
0xc5: {  	v3 =	vcvt.s32.f32 v3;
	_ =	sdelay $0x1  }
0xc6: {  	[tilespmem:v19+s11+$0x0] =	vst.idx.msk $0xffff, v3  }
0xc7: {  	v3 =	vld [tilespmem:$0x130];
	_ =	sdelay $0x4  }
0xc8: {  	v3 =	vcvt.s32.f32 v3;
	_ =	sdelay $0x1  }
0xc9: {  	[tilespmem:v20+s11+$0x0] =	vst.idx.msk $0xffff, v3  }
0xca: {  	v3 =	vld [tilespmem:$0x140];
	_ =	sdelay $0x4  }
0xcb: {  	v3 =	vcvt.s32.f32 v3;
	_ =	sdelay $0x1  }
0xcc: {  	[tilespmem:v21+s11+$0x0] =	vst.idx.msk $0xffff, v3  }
0xcd: {  	v3 =	vld [tilespmem:$0x150];
	_ =	sdelay $0x4  }
0xce: {  	v3 =	vcvt.s32.f32 v3;
	_ =	sdelay $0x1  }
0xcf: {  	[tilespmem:v22+s11+$0x0] =	vst.idx.msk $0xffff, v3  }
0xd0: {  	v3 =	vld [tilespmem:$0x160];
	_ =	sdelay $0x4  }
0xd1: {  	v3 =	vcvt.s32.f32 v3;
	_ =	sdelay $0x1  }
0xd2: {  	[tilespmem:v23+s11+$0x0] =	vst.idx.msk $0xffff, v3  }
0xd3: {  	v3 =	vld [tilespmem:$0x170];
	_ =	sdelay $0x4  }
0xd4: {  	v3 =	vcvt.s32.f32 v3;
	_ =	sdelay $0x1  }
0xd5: {  	[tilespmem:v24+s11+$0x0] =	vst.idx.msk $0xffff, v3  }
0xd6: {  	v3 =	vld [tilespmem:$0x180];
	_ =	sdelay $0x4  }
0xd7: {  	v3 =	vcvt.s32.f32 v3;
	_ =	sdelay $0x1  }
0xd8: {  	[tilespmem:v25+s11+$0x0] =	vst.idx.msk $0xffff, v3  }
0xd9: {  	v3 =	vld [tilespmem:$0x190];
	_ =	sdelay $0x4  }
0xda: {  	v3 =	vcvt.s32.f32 v3;
	_ =	sdelay $0x1  }
0xdb: {  	[tilespmem:v26+s11+$0x0] =	vst.idx.msk $0xffff, v3  }
0xdc: {  	v3 =	vld [tilespmem:$0x1A0];
	_ =	sdelay $0x4  }
0xdd: {  	v3 =	vcvt.s32.f32 v3;
	_ =	sdelay $0x1  }
0xde: {  	[tilespmem:v27+s11+$0x0] =	vst.idx.msk $0xffff, v3  }
0xdf: {  	v3 =	vld [tilespmem:$0x1B0];
	_ =	sdelay $0x4  }
0xe0: {  	v3 =	vcvt.s32.f32 v3;
	_ =	sdelay $0x1  }
0xe1: {  	[tilespmem:v28+s11+$0x0] =	vst.idx.msk $0xffff, v3  }
0xe2: {  	v3 =	vld [tilespmem:$0x1C0];
	_ =	sdelay $0x4  }
0xe3: {  	v3 =	vcvt.s32.f32 v3;
	_ =	sdelay $0x1  }
0xe4: {  	[tilespmem:v29+s11+$0x0] =	vst.idx.msk $0xffff, v3  }
0xe5: {  	v3 =	vld [tilespmem:$0x1D0];
	_ =	sdelay $0x4  }
0xe6: {  	v3 =	vcvt.s32.f32 v3;
	_ =	sdelay $0x1  }
0xe7: {  	[tilespmem:v30+s11+$0x0] =	vst.idx.msk $0xffff, v3  }
0xe8: {  	v3 =	vld [tilespmem:$0x1E0];
	_ =	sdelay $0x4  }
0xe9: {  	v3 =	vcvt.s32.f32 v3;
	_ =	sdelay $0x1  }
0xea: {  	[tilespmem:v31+s11+$0x0] =	vst.idx.msk $0xffff, v3  }
0xeb: {  	v3 =	vld [tilespmem:$0x1F0];
	_ =	sdelay $0x4  }
0xec: {  	v3 =	vcvt.s32.f32 v3;
	_ =	sdelay $0x1  }
0xed: {  	[tilespmem:v32+s11+$0x0] =	vst.idx.msk $0xffff, v3  }
0xee: {  	v3 =	vld [tilespmem:$0x200];
	_ =	sdelay $0x4  }
0xef: {  	v3 =	vcvt.s32.f32 v3;
	_ =	sdelay $0x1  }
0xf0: {  	[tilespmem:v33+s11+$0x0] =	vst.idx.msk $0xffff, v3  }
0xf1: {  	v3 =	vld [tilespmem:$0x210];
	_ =	sdelay $0x4  }
0xf2: {  	v3 =	vcvt.s32.f32 v3;
	_ =	sdelay $0x1  }
0xf3: {  	[tilespmem:v34+s11+$0x0] =	vst.idx.msk $0xffff, v3  }
0xf4: {  	v3 =	vld [tilespmem:$0x220];
	_ =	sdelay $0x4  }
0xf5: {  	v3 =	vcvt.s32.f32 v3;
	_ =	sdelay $0x1  }
0xf6: {  	[tilespmem:v35+s11+$0x0] =	vst.idx.msk $0xffff, v3  }
0xf7: {  	v3 =	vld [tilespmem:$0x230];
	_ =	sdelay $0x4  }
0xf8: {  	v3 =	vcvt.s32.f32 v3;
	_ =	sdelay $0x1  }
0xf9: {  	[tilespmem:v36+s11+$0x0] =	vst.idx.msk $0xffff, v3  }
0xfa: {  	v3 =	vld [tilespmem:$0x240];
	_ =	sdelay $0x4  }
0xfb: {  	v3 =	vcvt.s32.f32 v3;
	_ =	sdelay $0x1  }
0xfc: {  	[tilespmem:v37+s11+$0x0] =	vst.idx.msk $0xffff, v3  }
0xfd: {  	v3 =	vld [tilespmem:$0x250];
	_ =	sdelay $0x4  }
0xfe: {  	v3 =	vcvt.s32.f32 v3;
	_ =	sdelay $0x1  }
0xff: {  	[tilespmem:v38+s11+$0x0] =	vst.idx.msk $0xffff, v3  }
0x100: {  	v3 =	vld [tilespmem:$0x260];
	_ =	sdelay $0x4  }
0x101: {  	v3 =	vcvt.s32.f32 v3;
	_ =	sdelay $0x1  }
0x102: {  	[tilespmem:v39+s11+$0x0] =	vst.idx.msk $0xffff, v3  }
0x103: {  	v3 =	vld [tilespmem:$0x270];
	_ =	sdelay $0x4  }
0x104: {  	v3 =	vcvt.s32.f32 v3;
	_ =	sdelay $0x1  }
0x105: {  	[tilespmem:v40+s11+$0x0] =	vst.idx.msk $0xffff, v3  }
0x106: {  	v3 =	vld [tilespmem:$0x280];
	_ =	sdelay $0x4  }
0x107: {  	v3 =	vcvt.s32.f32 v3;
	_ =	sdelay $0x1  }
0x108: {  	[tilespmem:v41+s11+$0x0] =	vst.idx.msk $0xffff, v3  }
0x109: {  	v3 =	vld [tilespmem:$0x290];
	_ =	sdelay $0x4  }
0x10a: {  	v3 =	vcvt.s32.f32 v3;
	_ =	sdelay $0x1  }
0x10b: {  	[tilespmem:v42+s11+$0x0] =	vst.idx.msk $0xffff, v3  }
0x10c: {  	v3 =	vld [tilespmem:$0x2A0];
	_ =	sdelay $0x4  }
0x10d: {  	v3 =	vcvt.s32.f32 v3;
	_ =	sdelay $0x1  }
0x10e: {  	[tilespmem:v43+s11+$0x0] =	vst.idx.msk $0xffff, v3  }
0x10f: {  	v3 =	vld [tilespmem:$0x2B0];
	_ =	sdelay $0x4  }
0x110: {  	v3 =	vcvt.s32.f32 v3;
	_ =	sdelay $0x1  }
0x111: {  	[tilespmem:v44+s11+$0x0] =	vst.idx.msk $0xffff, v3  }
0x112: {  	v3 =	vld [tilespmem:$0x2C0];
	_ =	sdelay $0x4  }
0x113: {  	v3 =	vcvt.s32.f32 v3;
	_ =	sdelay $0x1  }
0x114: {  	[tilespmem:v45+s11+$0x0] =	vst.idx.msk $0xffff, v3  }
0x115: {  	v3 =	vld [tilespmem:$0x2D0];
	_ =	sdelay $0x4  }
0x116: {  	v3 =	vcvt.s32.f32 v3;
	_ =	sdelay $0x1  }
0x117: {  	[tilespmem:v46+s11+$0x0] =	vst.idx.msk $0xffff, v3  }
0x118: {  	v3 =	vld [tilespmem:$0x2E0];
	_ =	sdelay $0x4  }
0x119: {  	v3 =	vcvt.s32.f32 v3;
	_ =	sdelay $0x1  }
0x11a: {  	[tilespmem:v47+s11+$0x0] =	vst.idx.msk $0xffff, v3  }
0x11b: {  	v3 =	vld [tilespmem:$0x2F0];
	_ =	sdelay $0x4  }
0x11c: {  	v3 =	vcvt.s32.f32 v3;
	_ =	sdelay $0x1  }
0x11d: {  	[tilespmem:v48+s11+$0x0] =	vst.idx.msk $0xffff, v3  }
0x11e: {  	v3 =	vld [tilespmem:$0x300];
	_ =	sdelay $0x4  }
0x11f: {  	v3 =	vcvt.s32.f32 v3;
	_ =	sdelay $0x1  }
0x120: {  	[tilespmem:v49+s11+$0x0] =	vst.idx.msk $0xffff, v3  }
0x121: {  	v3 =	vld [tilespmem:$0x310];
	_ =	sdelay $0x4  }
0x122: {  	v3 =	vcvt.s32.f32 v3;
	_ =	sdelay $0x1  }
0x123: {  	[tilespmem:v50+s11+$0x0] =	vst.idx.msk $0xffff, v3  }
0x124: {  	v3 =	vld [tilespmem:$0x320];
	_ =	sdelay $0x4  }
0x125: {  	v3 =	vcvt.s32.f32 v3;
	_ =	sdelay $0x1  }
0x126: {  	[tilespmem:v51+s11+$0x0] =	vst.idx.msk $0xffff, v3  }
0x127: {  	v3 =	vld [tilespmem:$0x330];
	_ =	sdelay $0x4  }
0x128: {  	v3 =	vcvt.s32.f32 v3;
	_ =	sdelay $0x1  }
0x129: {  	s24 =	simm.s32 $0x9C0;
	[tilespmem:v52+s11+$0x0] =	vst.idx.msk $0xffff, v3  }
0x12a: {  	[tilespmem:s13], [sflag:$0x1] =	stream.indirect.gather [hbm4b:s0+s8], $0x80, s24, s8, $0xb8;
	[tilespmem:$0x1F440] =	vst v63  }
0x12b: {  	v3 =	vmov s23;
	s24 =	simm.s32 $0xA00  }
0x12c: {  	v3 =	vmul.u32 $0x690, v3;
	[tilespmem:s15], [sflag:$0x2] =	stream.indirect.gather [hbm4b:s0+s8], $0x80, s24, s8, $0xb8;
	[tilespmem:$0x1F440] =	vst v63  }
0x12d: {  	_ =	swait.ge [sflag:s16], $0x2000  }
0x12e: {  	v4 =	vbroadcast v3, $0x0;
	[sflag:s16] =	ssyncset.done $0x0  }
0x12f: {  	s23 =	simm.s32 $0x1B460;
	[sflag:s16] =	ssyncadd.s32 $0xFFFFE000  }
0x130: {  	v5 =	vadd.s32 v53, v4;
	v3 =	vld [tilespmem:s23+$0xFFFFFFE0];
	_ =	sdelay $0x4  }
0x131: {  	[tilespmem:v5+s11+$0x0] =	vst.idx.msk $0xffff, v3  }
0x132: {  	v5 =	vadd.s32 v54, v4;
	v3 =	vld [tilespmem:s23+$0xFFFFFFF0];
	_ =	sdelay $0x4  }
0x133: {  	[tilespmem:v5+s11+$0x0] =	vst.idx.msk $0xffff, v3  }
0x134: {  	v5 =	vadd.s32 v55, v4;
	v3 =	vld [tilespmem:s23+$0x0];
	_ =	sdelay $0x4  }
0x135: {  	[tilespmem:v5+s11+$0x0] =	vst.idx.msk $0xffff, v3  }
0x136: {  	s24 =	simm.s32 $0x1;
	v4 =	vadd.s32 v56, v4;
	v3 =	vld [tilespmem:s23+$0x10]  }
0x137: {  	v5 =	vmov s24;
	s24 =	simm.s32 $0x2  }
.LBB2_3:
0x138: {  	p0 =	sne.s32 s24, $0x3F;
	v5 =	vmul.u32 $0x690, v5;
	_ =	sdelay $0x1  }
0x139: {  	v5 =	vbroadcast v5, $0x0  }
0x13a: {  	s23 =	sadd.s32 $0x80, s23;
	[tilespmem:v4+s11+$0x0] =	vst.idx.msk $0xffff, v3  }
0x13b: {  	v3 =	vld [tilespmem:s23+$0xFFFFFFE0];
	v4 =	vadd.s32 v53, v5;
	_ =	sdelay $0x4  }
0x13c: {  	[tilespmem:v4+s11+$0x0] =	vst.idx.msk $0xffff, v3  }
0x13d: {  	v4 =	vadd.s32 v54, v5;
	v3 =	vld [tilespmem:s23+$0xFFFFFFF0];
	_ =	sdelay $0x4  }
0x13e: {  	[tilespmem:v4+s11+$0x0] =	vst.idx.msk $0xffff, v3  }
0x13f: {  	v4 =	vadd.s32 v55, v5;
	v3 =	vld [tilespmem:s23+$0x0];
	_ =	sdelay $0x2  }
.Ltmp0:
0x140: {  	(pc) =	sbr.rel @p0 .LBB2_3-.Ltmp0, $4  }
0x141: {  	_ = 	snop  }
0x142: {  	[tilespmem:v4+s11+$0x0] =	vst.idx.msk $0xffff, v3  }
0x143: {  	v4 =	vadd.s32 v56, v5;
	v3 =	vld [tilespmem:s23+$0x10]  }
0x144: {  	v5 =	vmov s24;
	s24 =	sadd.s32 $0x1, s24  }
0x145: {  	_ = 	snop  }
0x146: {  	v5 =	vmul.u32 $0x690, v5;
	_ =	sdelay $0x1  }
0x147: {  	v5 =	vbroadcast v5, $0x0  }
0x148: {  	s23 =	sadd.s32 $0x80, s23;
	[tilespmem:v4+s11+$0x0] =	vst.idx.msk $0xffff, v3  }
0x149: {  	v3 =	vld [tilespmem:s23+$0xFFFFFFE0];
	v4 =	vadd.s32 v53, v5;
	_ =	sdelay $0x4  }
0x14a: {  	[tilespmem:v4+s11+$0x0] =	vst.idx.msk $0xffff, v3  }
0x14b: {  	v4 =	vadd.s32 v54, v5;
	v3 =	vld [tilespmem:s23+$0xFFFFFFF0];
	_ =	sdelay $0x4  }
0x14c: {  	[tilespmem:v4+s11+$0x0] =	vst.idx.msk $0xffff, v3  }
0x14d: {  	v4 =	vadd.s32 v55, v5;
	v3 =	vld [tilespmem:s23+$0x0];
	_ =	sdelay $0x4  }
0x14e: {  	[tilespmem:v4+s11+$0x0] =	vst.idx.msk $0xffff, v3  }
0x14f: {  	v4 =	vadd.s32 v56, v5;
	v3 =	vld [tilespmem:s23+$0x10];
	_ =	sdelay $0x3  }
0x150: {  	s24 =	simm.s32 $0x0  }
0x151: {  	[tilespmem:v4+s11+$0x0] =	vst.idx.msk $0xffff, v3;
	v3 =	vmov s24;
	s24 =	simm.s32 $0xA40  }
0x152: {  	[tilespmem:s13], [sflag:$0x1] =	stream.indirect.gather [hbm4b:s0+s8], $0x80, s24, s8, $0xb8;
	v3 =	vmul.u32 $0x690, v3;
	[tilespmem:$0x1F440] =	vst v63  }
0x153: {  	_ =	swait.ge [sflag:s18], $0x2000  }
0x154: {  	[sflag:s18] =	ssyncset.done $0x0;
	v4 =	vbroadcast v3, $0x0  }
0x155: {  	s23 =	simm.s32 $0x1D460;
	[sflag:s18] =	ssyncadd.s32 $0xFFFFE000  }
0x156: {  	v3 =	vld [tilespmem:s23+$0xFFFFFFE0];
	v5 =	vadd.s32 v57, v4;
	_ =	sdelay $0x4  }
0x157: {  	[tilespmem:v5+s11+$0x0] =	vst.idx.msk $0xffff, v3  }
0x158: {  	v5 =	vadd.s32 v58, v4;
	v3 =	vld [tilespmem:s23+$0xFFFFFFF0];
	_ =	sdelay $0x4  }
0x159: {  	[tilespmem:v5+s11+$0x0] =	vst.idx.msk $0xffff, v3  }
0x15a: {  	v5 =	vadd.s32 v59, v4;
	v3 =	vld [tilespmem:s23+$0x0];
	_ =	sdelay $0x4  }
0x15b: {  	[tilespmem:v5+s11+$0x0] =	vst.idx.msk $0xffff, v3  }
0x15c: {  	s24 =	simm.s32 $0x1;
	v4 =	vadd.s32 v60, v4;
	v3 =	vld [tilespmem:s23+$0x10]  }
0x15d: {  	v5 =	vmov s24;
	s24 =	simm.s32 $0x2  }
.LBB2_5:
0x15e: {  	p0 =	sne.s32 s24, $0x3F;
	v5 =	vmul.u32 $0x690, v5;
	_ =	sdelay $0x1  }
0x15f: {  	v5 =	vbroadcast v5, $0x0  }
0x160: {  	s23 =	sadd.s32 $0x80, s23;
	[tilespmem:v4+s11+$0x0] =	vst.idx.msk $0xffff, v3  }
0x161: {  	v3 =	vld [tilespmem:s23+$0xFFFFFFE0];
	v4 =	vadd.s32 v57, v5;
	_ =	sdelay $0x4  }
0x162: {  	[tilespmem:v4+s11+$0x0] =	vst.idx.msk $0xffff, v3  }
0x163: {  	v4 =	vadd.s32 v58, v5;
	v3 =	vld [tilespmem:s23+$0xFFFFFFF0];
	_ =	sdelay $0x4  }
0x164: {  	[tilespmem:v4+s11+$0x0] =	vst.idx.msk $0xffff, v3  }
0x165: {  	v4 =	vadd.s32 v59, v5;
	v3 =	vld [tilespmem:s23+$0x0];
	_ =	sdelay $0x2  }
.Ltmp1:
0x166: {  	(pc) =	sbr.rel @p0 .LBB2_5-.Ltmp1, $4  }
0x167: {  	_ = 	snop  }
0x168: {  	[tilespmem:v4+s11+$0x0] =	vst.idx.msk $0xffff, v3  }
0x169: {  	v4 =	vadd.s32 v60, v5;
	v3 =	vld [tilespmem:s23+$0x10]  }
0x16a: {  	v5 =	vmov s24;
	s24 =	sadd.s32 $0x1, s24  }
0x16b: {  	_ = 	snop  }
0x16c: {  	v5 =	vmul.u32 $0x690, v5;
	_ =	sdelay $0x1  }
0x16d: {  	v5 =	vbroadcast v5, $0x0  }
0x16e: {  	s23 =	sadd.s32 $0x80, s23;
	[tilespmem:v4+s11+$0x0] =	vst.idx.msk $0xffff, v3  }
0x16f: {  	v3 =	vld [tilespmem:s23+$0xFFFFFFE0];
	v4 =	vadd.s32 v57, v5;
	_ =	sdelay $0x4  }
0x170: {  	[tilespmem:v4+s11+$0x0] =	vst.idx.msk $0xffff, v3  }
0x171: {  	v4 =	vadd.s32 v58, v5;
	v3 =	vld [tilespmem:s23+$0xFFFFFFF0];
	_ =	sdelay $0x4  }
0x172: {  	[tilespmem:v4+s11+$0x0] =	vst.idx.msk $0xffff, v3  }
0x173: {  	v4 =	vadd.s32 v59, v5;
	v3 =	vld [tilespmem:s23+$0x0];
	_ =	sdelay $0x4  }
0x174: {  	[tilespmem:v4+s11+$0x0] =	vst.idx.msk $0xffff, v3  }
0x175: {  	v4 =	vadd.s32 v60, v5;
	v3 =	vld [tilespmem:s23+$0x10];
	_ =	sdelay $0x3  }
0x176: {  	s24 =	simm.s32 $0x0  }
0x177: {  	[tilespmem:v4+s11+$0x0] =	vst.idx.msk $0xffff, v3;
	v3 =	vmov s24;
	s24 =	simm.s32 $0xA80  }
0x178: {  	[tilespmem:s15], [sflag:$0x2] =	stream.indirect.gather [hbm4b:s0+s8], $0x80, s24, s8, $0xb8;
	v3 =	vmul.u32 $0x690, v3;
	[tilespmem:$0x1F440] =	vst v63  }
0x179: {  	_ =	swait.ge [sflag:s16], $0x2000  }
0x17a: {  	[sflag:s16] =	ssyncset.done $0x0;
	v4 =	vbroadcast v3, $0x0  }
0x17b: {  	s23 =	simm.s32 $0x1B460;
	[sflag:s16] =	ssyncadd.s32 $0xFFFFE000  }
0x17c: {  	v3 =	vld [tilespmem:s23+$0xFFFFFFE0];
	v5 =	vadd.s32 v61, v4;
	_ =	sdelay $0x4  }
0x17d: {  	[tilespmem:v5+s11+$0x0] =	vst.idx.msk $0xffff, v3  }
0x17e: {  	v5 =	vadd.s32 v62, v4;
	v3 =	vld [tilespmem:s23+$0xFFFFFFF0];
	_ =	sdelay $0x4  }
0x17f: {  	[tilespmem:v5+s11+$0x0] =	vst.idx.msk $0xffff, v3  }
0x180: {  	v5 =	vadd.s32 v63, v4;
	v3 =	vld [tilespmem:s23+$0x0];
	_ =	sdelay $0x4  }
0x181: {  	[tilespmem:v5+s11+$0x0] =	vst.idx.msk $0xffff, v3  }
0x182: {  	s24 =	simm.s32 $0x1;
	v4 =	vadd.s32 v2, v4;
	v3 =	vld [tilespmem:s23+$0x10]  }
0x183: {  	v5 =	vmov s24;
	s24 =	simm.s32 $0x2  }
.LBB2_7:
0x184: {  	p0 =	sne.s32 s24, $0x3F;
	v5 =	vmul.u32 $0x690, v5;
	_ =	sdelay $0x1  }
0x185: {  	v5 =	vbroadcast v5, $0x0  }
0x186: {  	s23 =	sadd.s32 $0x80, s23;
	[tilespmem:v4+s11+$0x0] =	vst.idx.msk $0xffff, v3  }
0x187: {  	v3 =	vld [tilespmem:s23+$0xFFFFFFE0];
	v4 =	vadd.s32 v61, v5;
	_ =	sdelay $0x4  }
0x188: {  	[tilespmem:v4+s11+$0x0] =	vst.idx.msk $0xffff, v3  }
0x189: {  	v4 =	vadd.s32 v62, v5;
	v3 =	vld [tilespmem:s23+$0xFFFFFFF0];
	_ =	sdelay $0x4  }
0x18a: {  	[tilespmem:v4+s11+$0x0] =	vst.idx.msk $0xffff, v3  }
0x18b: {  	v4 =	vadd.s32 v63, v5;
	v3 =	vld [tilespmem:s23+$0x0];
	_ =	sdelay $0x2  }
.Ltmp2:
0x18c: {  	(pc) =	sbr.rel @p0 .LBB2_7-.Ltmp2, $4  }
0x18d: {  	_ = 	snop  }
0x18e: {  	[tilespmem:v4+s11+$0x0] =	vst.idx.msk $0xffff, v3  }
0x18f: {  	v4 =	vadd.s32 v2, v5;
	v3 =	vld [tilespmem:s23+$0x10]  }
0x190: {  	v5 =	vmov s24;
	s24 =	sadd.s32 $0x1, s24  }
0x191: {  	_ = 	snop  }
0x192: {  	v5 =	vmul.u32 $0x690, v5;
	_ =	sdelay $0x1  }
0x193: {  	v5 =	vbroadcast v5, $0x0  }
0x194: {  	s23 =	sadd.s32 $0x80, s23;
	[tilespmem:v4+s11+$0x0] =	vst.idx.msk $0xffff, v3  }
0x195: {  	v3 =	vld [tilespmem:s23+$0xFFFFFFE0];
	v4 =	vadd.s32 v61, v5;
	_ =	sdelay $0x4  }
0x196: {  	[tilespmem:v4+s11+$0x0] =	vst.idx.msk $0xffff, v3  }
0x197: {  	v4 =	vadd.s32 v62, v5;
	v3 =	vld [tilespmem:s23+$0xFFFFFFF0];
	_ =	sdelay $0x4  }
0x198: {  	[tilespmem:v4+s11+$0x0] =	vst.idx.msk $0xffff, v3  }
0x199: {  	v4 =	vadd.s32 v63, v5;
	v3 =	vld [tilespmem:s23+$0x0];
	_ =	sdelay $0x4  }
0x19a: {  	[tilespmem:v4+s11+$0x0] =	vst.idx.msk $0xffff, v3  }
0x19b: {  	v4 =	vadd.s32 v2, v5;
	v3 =	vld [tilespmem:s23+$0x10];
	_ =	sdelay $0x3  }
0x19c: {  	s24 =	simm.s32 $0x0  }
0x19d: {  	[tilespmem:v4+s11+$0x0] =	vst.idx.msk $0xffff, v3;
	v3 =	vmov s24;
	s24 =	simm.s32 $0xAC0  }
0x19e: {  	[tilespmem:s13], [sflag:$0x1] =	stream.indirect.gather [hbm4b:s0+s8], $0x80, s24, s8, $0xb8;
	v3 =	vmul.u32 $0x690, v3;
	[tilespmem:$0x1F440] =	vst v63  }
0x19f: {  	_ =	swait.ge [sflag:s18], $0x2000  }
0x1a0: {  	[sflag:s18] =	ssyncset.done $0x0;
	v8 =	vbroadcast v3, $0x0  }
0x1a1: {  	s23 =	simm.s32 $0x1D460;
	v3 =	vadd.s32 $0xCD, v0;
	[sflag:s18] =	ssyncadd.s32 $0xFFFFE000  }
0x1a2: {  	v4 =	vld [tilespmem:s23+$0xFFFFFFE0];
	v5 =	vadd.s32 v3, v8;
	_ =	sdelay $0x4  }
0x1a3: {  	[tilespmem:v5+s11+$0x0] =	vst.idx.msk $0xffff, v4;
	v4 =	vadd.s32 $0xDD, v0  }
0x1a4: {  	v5 =	vld [tilespmem:s23+$0xFFFFFFF0];
	v6 =	vadd.s32 v4, v8;
	_ =	sdelay $0x4  }
0x1a5: {  	[tilespmem:v6+s11+$0x0] =	vst.idx.msk $0xffff, v5;
	v5 =	vadd.s32 $0xED, v0  }
0x1a6: {  	v6 =	vld [tilespmem:s23+$0x0];
	v7 =	vadd.s32 v5, v8;
	_ =	sdelay $0x4  }
0x1a7: {  	[tilespmem:v7+s11+$0x0] =	vst.idx.msk $0xffff, v6;
	v6 =	vadd.s32 $0xFD, v0  }
0x1a8: {  	s24 =	simm.s32 $0x1;
	v7 =	vld [tilespmem:s23+$0x10];
	v8 =	vadd.s32 v6, v8  }
0x1a9: {  	v9 =	vmov s24;
	s24 =	simm.s32 $0x2  }
.LBB2_9:
0x1aa: {  	p0 =	sne.s32 s24, $0x3F;
	v9 =	vmul.u32 $0x690, v9;
	_ =	sdelay $0x1  }
0x1ab: {  	v9 =	vbroadcast v9, $0x0  }
0x1ac: {  	s23 =	sadd.s32 $0x80, s23;
	[tilespmem:v8+s11+$0x0] =	vst.idx.msk $0xffff, v7  }
0x1ad: {  	v7 =	vld [tilespmem:s23+$0xFFFFFFE0];
	v8 =	vadd.s32 v3, v9;
	_ =	sdelay $0x4  }
0x1ae: {  	[tilespmem:v8+s11+$0x0] =	vst.idx.msk $0xffff, v7  }
0x1af: {  	v8 =	vadd.s32 v4, v9;
	v7 =	vld [tilespmem:s23+$0xFFFFFFF0];
	_ =	sdelay $0x4  }
0x1b0: {  	[tilespmem:v8+s11+$0x0] =	vst.idx.msk $0xffff, v7  }
0x1b1: {  	v8 =	vadd.s32 v5, v9;
	v7 =	vld [tilespmem:s23+$0x0];
	_ =	sdelay $0x2  }
.Ltmp3:
0x1b2: {  	(pc) =	sbr.rel @p0 .LBB2_9-.Ltmp3, $4  }
0x1b3: {  	_ = 	snop  }
0x1b4: {  	[tilespmem:v8+s11+$0x0] =	vst.idx.msk $0xffff, v7  }
0x1b5: {  	v8 =	vadd.s32 v6, v9;
	v7 =	vld [tilespmem:s23+$0x10]  }
0x1b6: {  	v9 =	vmov s24;
	s24 =	sadd.s32 $0x1, s24  }
0x1b7: {  	_ = 	snop  }
0x1b8: {  	v9 =	vmul.u32 $0x690, v9;
	_ =	sdelay $0x1  }
0x1b9: {  	v9 =	vbroadcast v9, $0x0  }
0x1ba: {  	s23 =	sadd.s32 $0x80, s23;
	[tilespmem:v8+s11+$0x0] =	vst.idx.msk $0xffff, v7  }
0x1bb: {  	v7 =	vld [tilespmem:s23+$0xFFFFFFE0];
	v3 =	vadd.s32 v3, v9;
	_ =	sdelay $0x4  }
0x1bc: {  	[tilespmem:v3+s11+$0x0] =	vst.idx.msk $0xffff, v7  }
0x1bd: {  	v4 =	vadd.s32 v4, v9;
	v3 =	vld [tilespmem:s23+$0xFFFFFFF0];
	_ =	sdelay $0x4  }
0x1be: {  	[tilespmem:v4+s11+$0x0] =	vst.idx.msk $0xffff, v3  }
0x1bf: {  	v4 =	vadd.s32 v5, v9;
	v3 =	vld [tilespmem:s23+$0x0];
	_ =	sdelay $0x4  }
0x1c0: {  	[tilespmem:v4+s11+$0x0] =	vst.idx.msk $0xffff, v3  }
0x1c1: {  	v4 =	vadd.s32 v6, v9;
	v3 =	vld [tilespmem:s23+$0x10];
	_ =	sdelay $0x3  }
0x1c2: {  	s24 =	simm.s32 $0x0  }
0x1c3: {  	[tilespmem:v4+s11+$0x0] =	vst.idx.msk $0xffff, v3;
	v3 =	vmov s24;
	s24 =	simm.s32 $0xB00  }
0x1c4: {  	[tilespmem:s15], [sflag:$0x2] =	stream.indirect.gather [hbm4b:s0+s8], $0x80, s24, s8, $0xb8;
	v3 =	vmul.u32 $0x690, v3;
	[tilespmem:$0x1F440] =	vst v63  }
0x1c5: {  	_ =	swait.ge [sflag:s16], $0x2000  }
0x1c6: {  	[sflag:s16] =	ssyncset.done $0x0;
	v8 =	vbroadcast v3, $0x0  }
0x1c7: {  	s23 =	simm.s32 $0x1B460;
	v3 =	vadd.s32 $0x10D, v0;
	[sflag:s16] =	ssyncadd.s32 $0xFFFFE000  }
0x1c8: {  	v4 =	vld [tilespmem:s23+$0xFFFFFFE0];
	v5 =	vadd.s32 v3, v8;
	_ =	sdelay $0x4  }
0x1c9: {  	[tilespmem:v5+s11+$0x0] =	vst.idx.msk $0xffff, v4;
	v4 =	vadd.s32 $0x11D, v0  }
0x1ca: {  	v5 =	vld [tilespmem:s23+$0xFFFFFFF0];
	v6 =	vadd.s32 v4, v8;
	_ =	sdelay $0x4  }
0x1cb: {  	[tilespmem:v6+s11+$0x0] =	vst.idx.msk $0xffff, v5;
	v5 =	vadd.s32 $0x12D, v0  }
0x1cc: {  	v6 =	vld [tilespmem:s23+$0x0];
	v7 =	vadd.s32 v5, v8;
	_ =	sdelay $0x4  }
0x1cd: {  	[tilespmem:v7+s11+$0x0] =	vst.idx.msk $0xffff, v6;
	v6 =	vadd.s32 $0x13D, v0  }
0x1ce: {  	s24 =	simm.s32 $0x1;
	v7 =	vld [tilespmem:s23+$0x10];
	v8 =	vadd.s32 v6, v8  }
0x1cf: {  	v9 =	vmov s24;
	s24 =	simm.s32 $0x2  }
.LBB2_11:
0x1d0: {  	p0 =	sne.s32 s24, $0x3F;
	v9 =	vmul.u32 $0x690, v9;
	_ =	sdelay $0x1  }
0x1d1: {  	v9 =	vbroadcast v9, $0x0  }
0x1d2: {  	s23 =	sadd.s32 $0x80, s23;
	[tilespmem:v8+s11+$0x0] =	vst.idx.msk $0xffff, v7  }
0x1d3: {  	v7 =	vld [tilespmem:s23+$0xFFFFFFE0];
	v8 =	vadd.s32 v3, v9;
	_ =	sdelay $0x4  }
0x1d4: {  	[tilespmem:v8+s11+$0x0] =	vst.idx.msk $0xffff, v7  }
0x1d5: {  	v8 =	vadd.s32 v4, v9;
	v7 =	vld [tilespmem:s23+$0xFFFFFFF0];
	_ =	sdelay $0x4  }
0x1d6: {  	[tilespmem:v8+s11+$0x0] =	vst.idx.msk $0xffff, v7  }
0x1d7: {  	v8 =	vadd.s32 v5, v9;
	v7 =	vld [tilespmem:s23+$0x0];
	_ =	sdelay $0x2  }
.Ltmp4:
0x1d8: {  	(pc) =	sbr.rel @p0 .LBB2_11-.Ltmp4, $4  }
0x1d9: {  	_ = 	snop  }
0x1da: {  	[tilespmem:v8+s11+$0x0] =	vst.idx.msk $0xffff, v7  }
0x1db: {  	v8 =	vadd.s32 v6, v9;
	v7 =	vld [tilespmem:s23+$0x10]  }
0x1dc: {  	v9 =	vmov s24;
	s24 =	sadd.s32 $0x1, s24  }
0x1dd: {  	_ = 	snop  }
0x1de: {  	v9 =	vmul.u32 $0x690, v9;
	_ =	sdelay $0x1  }
0x1df: {  	v9 =	vbroadcast v9, $0x0  }
0x1e0: {  	s23 =	sadd.s32 $0x80, s23;
	[tilespmem:v8+s11+$0x0] =	vst.idx.msk $0xffff, v7  }
0x1e1: {  	v7 =	vld [tilespmem:s23+$0xFFFFFFE0];
	v3 =	vadd.s32 v3, v9;
	_ =	sdelay $0x4  }
0x1e2: {  	[tilespmem:v3+s11+$0x0] =	vst.idx.msk $0xffff, v7  }
0x1e3: {  	v4 =	vadd.s32 v4, v9;
	v3 =	vld [tilespmem:s23+$0xFFFFFFF0];
	_ =	sdelay $0x4  }
0x1e4: {  	[tilespmem:v4+s11+$0x0] =	vst.idx.msk $0xffff, v3  }
0x1e5: {  	v4 =	vadd.s32 v5, v9;
	v3 =	vld [tilespmem:s23+$0x0];
	_ =	sdelay $0x4  }
0x1e6: {  	[tilespmem:v4+s11+$0x0] =	vst.idx.msk $0xffff, v3  }
0x1e7: {  	v4 =	vadd.s32 v6, v9;
	v3 =	vld [tilespmem:s23+$0x10];
	_ =	sdelay $0x3  }
0x1e8: {  	s24 =	simm.s32 $0x0  }
0x1e9: {  	[tilespmem:v4+s11+$0x0] =	vst.idx.msk $0xffff, v3;
	v3 =	vmov s24;
	s24 =	simm.s32 $0xB40  }
0x1ea: {  	[tilespmem:s13], [sflag:$0x1] =	stream.indirect.gather [hbm4b:s0+s8], $0x80, s24, s8, $0xb8;
	v3 =	vmul.u32 $0x690, v3;
	[tilespmem:$0x1F440] =	vst v63  }
0x1eb: {  	_ =	swait.ge [sflag:s18], $0x2000  }
0x1ec: {  	[sflag:s18] =	ssyncset.done $0x0;
	v8 =	vbroadcast v3, $0x0  }
0x1ed: {  	s23 =	simm.s32 $0x1D460;
	v3 =	vadd.s32 $0x14D, v0;
	[sflag:s18] =	ssyncadd.s32 $0xFFFFE000  }
0x1ee: {  	v4 =	vld [tilespmem:s23+$0xFFFFFFE0];
	v5 =	vadd.s32 v3, v8;
	_ =	sdelay $0x4  }
0x1ef: {  	[tilespmem:v5+s11+$0x0] =	vst.idx.msk $0xffff, v4;
	v4 =	vadd.s32 $0x15D, v0  }
0x1f0: {  	v5 =	vld [tilespmem:s23+$0xFFFFFFF0];
	v6 =	vadd.s32 v4, v8;
	_ =	sdelay $0x4  }
0x1f1: {  	[tilespmem:v6+s11+$0x0] =	vst.idx.msk $0xffff, v5;
	v5 =	vadd.s32 $0x16D, v0  }
0x1f2: {  	v6 =	vld [tilespmem:s23+$0x0];
	v7 =	vadd.s32 v5, v8;
	_ =	sdelay $0x4  }
0x1f3: {  	[tilespmem:v7+s11+$0x0] =	vst.idx.msk $0xffff, v6;
	v6 =	vadd.s32 $0x17D, v0  }
0x1f4: {  	s24 =	simm.s32 $0x1;
	v7 =	vld [tilespmem:s23+$0x10];
	v8 =	vadd.s32 v6, v8  }
0x1f5: {  	v9 =	vmov s24;
	s24 =	simm.s32 $0x2  }
.LBB2_13:
0x1f6: {  	p0 =	sne.s32 s24, $0x3F;
	v9 =	vmul.u32 $0x690, v9;
	_ =	sdelay $0x1  }
0x1f7: {  	v9 =	vbroadcast v9, $0x0  }
0x1f8: {  	s23 =	sadd.s32 $0x80, s23;
	[tilespmem:v8+s11+$0x0] =	vst.idx.msk $0xffff, v7  }
0x1f9: {  	v7 =	vld [tilespmem:s23+$0xFFFFFFE0];
	v8 =	vadd.s32 v3, v9;
	_ =	sdelay $0x4  }
0x1fa: {  	[tilespmem:v8+s11+$0x0] =	vst.idx.msk $0xffff, v7  }
0x1fb: {  	v8 =	vadd.s32 v4, v9;
	v7 =	vld [tilespmem:s23+$0xFFFFFFF0];
	_ =	sdelay $0x4  }
0x1fc: {  	[tilespmem:v8+s11+$0x0] =	vst.idx.msk $0xffff, v7  }
0x1fd: {  	v8 =	vadd.s32 v5, v9;
	v7 =	vld [tilespmem:s23+$0x0];
	_ =	sdelay $0x2  }
.Ltmp5:
0x1fe: {  	(pc) =	sbr.rel @p0 .LBB2_13-.Ltmp5, $4  }
0x1ff: {  	_ = 	snop  }
0x200: {  	[tilespmem:v8+s11+$0x0] =	vst.idx.msk $0xffff, v7  }
0x201: {  	v8 =	vadd.s32 v6, v9;
	v7 =	vld [tilespmem:s23+$0x10]  }
0x202: {  	v9 =	vmov s24;
	s24 =	sadd.s32 $0x1, s24  }
0x203: {  	_ = 	snop  }
0x204: {  	v9 =	vmul.u32 $0x690, v9;
	_ =	sdelay $0x1  }
0x205: {  	v9 =	vbroadcast v9, $0x0  }
0x206: {  	s23 =	sadd.s32 $0x80, s23;
	[tilespmem:v8+s11+$0x0] =	vst.idx.msk $0xffff, v7  }
0x207: {  	v7 =	vld [tilespmem:s23+$0xFFFFFFE0];
	v3 =	vadd.s32 v3, v9;
	_ =	sdelay $0x4  }
0x208: {  	[tilespmem:v3+s11+$0x0] =	vst.idx.msk $0xffff, v7  }
0x209: {  	v4 =	vadd.s32 v4, v9;
	v3 =	vld [tilespmem:s23+$0xFFFFFFF0];
	_ =	sdelay $0x4  }
0x20a: {  	[tilespmem:v4+s11+$0x0] =	vst.idx.msk $0xffff, v3  }
0x20b: {  	v4 =	vadd.s32 v5, v9;
	v3 =	vld [tilespmem:s23+$0x0];
	_ =	sdelay $0x4  }
0x20c: {  	[tilespmem:v4+s11+$0x0] =	vst.idx.msk $0xffff, v3  }
0x20d: {  	v4 =	vadd.s32 v6, v9;
	v3 =	vld [tilespmem:s23+$0x10];
	_ =	sdelay $0x3  }
0x20e: {  	s24 =	simm.s32 $0x0  }
0x20f: {  	[tilespmem:v4+s11+$0x0] =	vst.idx.msk $0xffff, v3;
	v3 =	vmov s24;
	s24 =	simm.s32 $0xB80  }
0x210: {  	[tilespmem:s15], [sflag:$0x2] =	stream.indirect.gather [hbm4b:s0+s8], $0x80, s24, s8, $0xb8;
	v3 =	vmul.u32 $0x690, v3;
	[tilespmem:$0x1F440] =	vst v63  }
0x211: {  	_ =	swait.ge [sflag:s16], $0x2000  }
0x212: {  	[sflag:s16] =	ssyncset.done $0x0;
	v8 =	vbroadcast v3, $0x0  }
0x213: {  	s23 =	simm.s32 $0x1B460;
	v3 =	vadd.s32 $0x18D, v0;
	[sflag:s16] =	ssyncadd.s32 $0xFFFFE000  }
0x214: {  	v4 =	vld [tilespmem:s23+$0xFFFFFFE0];
	v5 =	vadd.s32 v3, v8;
	_ =	sdelay $0x4  }
0x215: {  	[tilespmem:v5+s11+$0x0] =	vst.idx.msk $0xffff, v4;
	v4 =	vadd.s32 $0x19D, v0  }
0x216: {  	v5 =	vld [tilespmem:s23+$0xFFFFFFF0];
	v6 =	vadd.s32 v4, v8;
	_ =	sdelay $0x4  }
0x217: {  	[tilespmem:v6+s11+$0x0] =	vst.idx.msk $0xffff, v5;
	v5 =	vadd.s32 $0x1AD, v0  }
0x218: {  	v6 =	vld [tilespmem:s23+$0x0];
	v7 =	vadd.s32 v5, v8;
	_ =	sdelay $0x4  }
0x219: {  	[tilespmem:v7+s11+$0x0] =	vst.idx.msk $0xffff, v6;
	v6 =	vadd.s32 $0x1BD, v0  }
0x21a: {  	s24 =	simm.s32 $0x1;
	v7 =	vld [tilespmem:s23+$0x10];
	v8 =	vadd.s32 v6, v8  }
0x21b: {  	v9 =	vmov s24;
	s24 =	simm.s32 $0x2  }
.LBB2_15:
0x21c: {  	p0 =	sne.s32 s24, $0x3F;
	v9 =	vmul.u32 $0x690, v9;
	_ =	sdelay $0x1  }
0x21d: {  	v9 =	vbroadcast v9, $0x0  }
0x21e: {  	s23 =	sadd.s32 $0x80, s23;
	[tilespmem:v8+s11+$0x0] =	vst.idx.msk $0xffff, v7  }
0x21f: {  	v7 =	vld [tilespmem:s23+$0xFFFFFFE0];
	v8 =	vadd.s32 v3, v9;
	_ =	sdelay $0x4  }
0x220: {  	[tilespmem:v8+s11+$0x0] =	vst.idx.msk $0xffff, v7  }
0x221: {  	v8 =	vadd.s32 v4, v9;
	v7 =	vld [tilespmem:s23+$0xFFFFFFF0];
	_ =	sdelay $0x4  }
0x222: {  	[tilespmem:v8+s11+$0x0] =	vst.idx.msk $0xffff, v7  }
0x223: {  	v8 =	vadd.s32 v5, v9;
	v7 =	vld [tilespmem:s23+$0x0];
	_ =	sdelay $0x2  }
.Ltmp6:
0x224: {  	(pc) =	sbr.rel @p0 .LBB2_15-.Ltmp6, $4  }
0x225: {  	_ = 	snop  }
0x226: {  	[tilespmem:v8+s11+$0x0] =	vst.idx.msk $0xffff, v7  }
0x227: {  	v8 =	vadd.s32 v6, v9;
	v7 =	vld [tilespmem:s23+$0x10]  }
0x228: {  	v9 =	vmov s24;
	s24 =	sadd.s32 $0x1, s24  }
0x229: {  	_ = 	snop  }
0x22a: {  	v9 =	vmul.u32 $0x690, v9;
	_ =	sdelay $0x1  }
0x22b: {  	v9 =	vbroadcast v9, $0x0  }
0x22c: {  	s23 =	sadd.s32 $0x80, s23;
	[tilespmem:v8+s11+$0x0] =	vst.idx.msk $0xffff, v7  }
0x22d: {  	v7 =	vld [tilespmem:s23+$0xFFFFFFE0];
	v3 =	vadd.s32 v3, v9;
	_ =	sdelay $0x4  }
0x22e: {  	[tilespmem:v3+s11+$0x0] =	vst.idx.msk $0xffff, v7  }
0x22f: {  	v4 =	vadd.s32 v4, v9;
	v3 =	vld [tilespmem:s23+$0xFFFFFFF0];
	_ =	sdelay $0x4  }
0x230: {  	[tilespmem:v4+s11+$0x0] =	vst.idx.msk $0xffff, v3  }
0x231: {  	v4 =	vadd.s32 v5, v9;
	v3 =	vld [tilespmem:s23+$0x0];
	_ =	sdelay $0x4  }
0x232: {  	[tilespmem:v4+s11+$0x0] =	vst.idx.msk $0xffff, v3  }
0x233: {  	v4 =	vadd.s32 v6, v9;
	v3 =	vld [tilespmem:s23+$0x10];
	_ =	sdelay $0x3  }
0x234: {  	s24 =	simm.s32 $0x0  }
0x235: {  	[tilespmem:v4+s11+$0x0] =	vst.idx.msk $0xffff, v3;
	v3 =	vmov s24;
	s24 =	simm.s32 $0xBC0  }
0x236: {  	[tilespmem:s13], [sflag:$0x1] =	stream.indirect.gather [hbm4b:s0+s8], $0x80, s24, s8, $0xb8;
	v3 =	vmul.u32 $0x690, v3;
	[tilespmem:$0x1F440] =	vst v63  }
0x237: {  	_ =	swait.ge [sflag:s18], $0x2000  }
0x238: {  	[sflag:s18] =	ssyncset.done $0x0;
	v8 =	vbroadcast v3, $0x0  }
0x239: {  	s23 =	simm.s32 $0x1D460;
	v3 =	vadd.s32 $0x1CD, v0;
	[sflag:s18] =	ssyncadd.s32 $0xFFFFE000  }
0x23a: {  	v4 =	vld [tilespmem:s23+$0xFFFFFFE0];
	v5 =	vadd.s32 v3, v8;
	_ =	sdelay $0x4  }
0x23b: {  	[tilespmem:v5+s11+$0x0] =	vst.idx.msk $0xffff, v4;
	v4 =	vadd.s32 $0x1DD, v0  }
0x23c: {  	v5 =	vld [tilespmem:s23+$0xFFFFFFF0];
	v6 =	vadd.s32 v4, v8;
	_ =	sdelay $0x4  }
0x23d: {  	[tilespmem:v6+s11+$0x0] =	vst.idx.msk $0xffff, v5;
	v5 =	vadd.s32 $0x1ED, v0  }
0x23e: {  	v6 =	vld [tilespmem:s23+$0x0];
	v7 =	vadd.s32 v5, v8;
	_ =	sdelay $0x4  }
0x23f: {  	[tilespmem:v7+s11+$0x0] =	vst.idx.msk $0xffff, v6;
	v6 =	vadd.s32 $0x1FD, v0  }
0x240: {  	s24 =	simm.s32 $0x1;
	v7 =	vld [tilespmem:s23+$0x10];
	v8 =	vadd.s32 v6, v8  }
0x241: {  	v9 =	vmov s24;
	s24 =	simm.s32 $0x2  }
.LBB2_17:
0x242: {  	p0 =	sne.s32 s24, $0x3F;
	v9 =	vmul.u32 $0x690, v9;
	_ =	sdelay $0x1  }
0x243: {  	v9 =	vbroadcast v9, $0x0  }
0x244: {  	s23 =	sadd.s32 $0x80, s23;
	[tilespmem:v8+s11+$0x0] =	vst.idx.msk $0xffff, v7  }
0x245: {  	v7 =	vld [tilespmem:s23+$0xFFFFFFE0];
	v8 =	vadd.s32 v3, v9;
	_ =	sdelay $0x4  }
0x246: {  	[tilespmem:v8+s11+$0x0] =	vst.idx.msk $0xffff, v7  }
0x247: {  	v8 =	vadd.s32 v4, v9;
	v7 =	vld [tilespmem:s23+$0xFFFFFFF0];
	_ =	sdelay $0x4  }
0x248: {  	[tilespmem:v8+s11+$0x0] =	vst.idx.msk $0xffff, v7  }
0x249: {  	v8 =	vadd.s32 v5, v9;
	v7 =	vld [tilespmem:s23+$0x0];
	_ =	sdelay $0x2  }
.Ltmp7:
0x24a: {  	(pc) =	sbr.rel @p0 .LBB2_17-.Ltmp7, $4  }
0x24b: {  	_ = 	snop  }
0x24c: {  	[tilespmem:v8+s11+$0x0] =	vst.idx.msk $0xffff, v7  }
0x24d: {  	v8 =	vadd.s32 v6, v9;
	v7 =	vld [tilespmem:s23+$0x10]  }
0x24e: {  	v9 =	vmov s24;
	s24 =	sadd.s32 $0x1, s24  }
0x24f: {  	_ = 	snop  }
0x250: {  	v9 =	vmul.u32 $0x690, v9;
	_ =	sdelay $0x1  }
0x251: {  	v9 =	vbroadcast v9, $0x0  }
0x252: {  	s23 =	sadd.s32 $0x80, s23;
	[tilespmem:v8+s11+$0x0] =	vst.idx.msk $0xffff, v7  }
0x253: {  	v7 =	vld [tilespmem:s23+$0xFFFFFFE0];
	v3 =	vadd.s32 v3, v9;
	_ =	sdelay $0x4  }
0x254: {  	[tilespmem:v3+s11+$0x0] =	vst.idx.msk $0xffff, v7  }
0x255: {  	v4 =	vadd.s32 v4, v9;
	v3 =	vld [tilespmem:s23+$0xFFFFFFF0];
	_ =	sdelay $0x4  }
0x256: {  	[tilespmem:v4+s11+$0x0] =	vst.idx.msk $0xffff, v3  }
0x257: {  	v4 =	vadd.s32 v5, v9;
	v3 =	vld [tilespmem:s23+$0x0];
	_ =	sdelay $0x4  }
0x258: {  	[tilespmem:v4+s11+$0x0] =	vst.idx.msk $0xffff, v3  }
0x259: {  	v4 =	vadd.s32 v6, v9;
	v3 =	vld [tilespmem:s23+$0x10];
	_ =	sdelay $0x3  }
0x25a: {  	s24 =	simm.s32 $0x0  }
0x25b: {  	[tilespmem:v4+s11+$0x0] =	vst.idx.msk $0xffff, v3;
	v3 =	vmov s24;
	s24 =	simm.s32 $0xC00  }
0x25c: {  	[tilespmem:s15], [sflag:$0x2] =	stream.indirect.gather [hbm4b:s0+s8], $0x80, s24, s8, $0xb8;
	v3 =	vmul.u32 $0x690, v3;
	[tilespmem:$0x1F440] =	vst v63  }
0x25d: {  	_ =	swait.ge [sflag:s16], $0x2000  }
0x25e: {  	[sflag:s16] =	ssyncset.done $0x0;
	v8 =	vbroadcast v3, $0x0  }
0x25f: {  	s23 =	simm.s32 $0x1B460;
	v3 =	vadd.s32 $0x20D, v0;
	[sflag:s16] =	ssyncadd.s32 $0xFFFFE000  }
0x260: {  	v4 =	vld [tilespmem:s23+$0xFFFFFFE0];
	v5 =	vadd.s32 v3, v8;
	_ =	sdelay $0x4  }
0x261: {  	[tilespmem:v5+s11+$0x0] =	vst.idx.msk $0xffff, v4;
	v4 =	vadd.s32 $0x21D, v0  }
0x262: {  	v5 =	vld [tilespmem:s23+$0xFFFFFFF0];
	v6 =	vadd.s32 v4, v8;
	_ =	sdelay $0x4  }
0x263: {  	[tilespmem:v6+s11+$0x0] =	vst.idx.msk $0xffff, v5;
	v5 =	vadd.s32 $0x22D, v0  }
0x264: {  	v6 =	vld [tilespmem:s23+$0x0];
	v7 =	vadd.s32 v5, v8;
	_ =	sdelay $0x4  }
0x265: {  	[tilespmem:v7+s11+$0x0] =	vst.idx.msk $0xffff, v6;
	v6 =	vadd.s32 $0x23D, v0  }
0x266: {  	s24 =	simm.s32 $0x1;
	v7 =	vld [tilespmem:s23+$0x10];
	v8 =	vadd.s32 v6, v8  }
0x267: {  	v9 =	vmov s24;
	s24 =	simm.s32 $0x2  }
.LBB2_19:
0x268: {  	p0 =	sne.s32 s24, $0x3F;
	v9 =	vmul.u32 $0x690, v9;
	_ =	sdelay $0x1  }
0x269: {  	v9 =	vbroadcast v9, $0x0  }
0x26a: {  	s23 =	sadd.s32 $0x80, s23;
	[tilespmem:v8+s11+$0x0] =	vst.idx.msk $0xffff, v7  }
0x26b: {  	v7 =	vld [tilespmem:s23+$0xFFFFFFE0];
	v8 =	vadd.s32 v3, v9;
	_ =	sdelay $0x4  }
0x26c: {  	[tilespmem:v8+s11+$0x0] =	vst.idx.msk $0xffff, v7  }
0x26d: {  	v8 =	vadd.s32 v4, v9;
	v7 =	vld [tilespmem:s23+$0xFFFFFFF0];
	_ =	sdelay $0x4  }
0x26e: {  	[tilespmem:v8+s11+$0x0] =	vst.idx.msk $0xffff, v7  }
0x26f: {  	v8 =	vadd.s32 v5, v9;
	v7 =	vld [tilespmem:s23+$0x0];
	_ =	sdelay $0x2  }
.Ltmp8:
0x270: {  	(pc) =	sbr.rel @p0 .LBB2_19-.Ltmp8, $4  }
0x271: {  	_ = 	snop  }
0x272: {  	[tilespmem:v8+s11+$0x0] =	vst.idx.msk $0xffff, v7  }
0x273: {  	v8 =	vadd.s32 v6, v9;
	v7 =	vld [tilespmem:s23+$0x10]  }
0x274: {  	v9 =	vmov s24;
	s24 =	sadd.s32 $0x1, s24  }
0x275: {  	_ = 	snop  }
0x276: {  	v9 =	vmul.u32 $0x690, v9;
	_ =	sdelay $0x1  }
0x277: {  	v9 =	vbroadcast v9, $0x0  }
0x278: {  	s23 =	sadd.s32 $0x80, s23;
	[tilespmem:v8+s11+$0x0] =	vst.idx.msk $0xffff, v7  }
0x279: {  	v7 =	vld [tilespmem:s23+$0xFFFFFFE0];
	v3 =	vadd.s32 v3, v9;
	_ =	sdelay $0x4  }
0x27a: {  	[tilespmem:v3+s11+$0x0] =	vst.idx.msk $0xffff, v7  }
0x27b: {  	v4 =	vadd.s32 v4, v9;
	v3 =	vld [tilespmem:s23+$0xFFFFFFF0];
	_ =	sdelay $0x4  }
0x27c: {  	[tilespmem:v4+s11+$0x0] =	vst.idx.msk $0xffff, v3  }
0x27d: {  	v4 =	vadd.s32 v5, v9;
	v3 =	vld [tilespmem:s23+$0x0];
	_ =	sdelay $0x4  }
0x27e: {  	[tilespmem:v4+s11+$0x0] =	vst.idx.msk $0xffff, v3  }
0x27f: {  	v4 =	vadd.s32 v6, v9;
	v3 =	vld [tilespmem:s23+$0x10];
	_ =	sdelay $0x3  }
0x280: {  	s24 =	simm.s32 $0x0  }
0x281: {  	[tilespmem:v4+s11+$0x0] =	vst.idx.msk $0xffff, v3;
	v3 =	vmov s24  }
0x282: {  	[tilespmem:s13], [sflag:$0x1] =	stream.indirect.gather [hbm4b:s0+s8], $0x80, s26, s8, $0xb8;
	v3 =	vmul.u32 $0x690, v3;
	[tilespmem:$0x1F440] =	vst v63  }
0x283: {  	_ =	swait.ge [sflag:s18], $0x2000  }
0x284: {  	[sflag:s18] =	ssyncset.done $0x0;
	v8 =	vbroadcast v3, $0x0  }
0x285: {  	s23 =	simm.s32 $0x1D460;
	v3 =	vadd.s32 $0x24D, v0;
	[sflag:s18] =	ssyncadd.s32 $0xFFFFE000  }
0x286: {  	v4 =	vld [tilespmem:s23+$0xFFFFFFE0];
	v5 =	vadd.s32 v3, v8;
	_ =	sdelay $0x4  }
0x287: {  	[tilespmem:v5+s11+$0x0] =	vst.idx.msk $0xffff, v4;
	v4 =	vadd.s32 $0x25D, v0  }
0x288: {  	v5 =	vld [tilespmem:s23+$0xFFFFFFF0];
	v6 =	vadd.s32 v4, v8;
	_ =	sdelay $0x4  }
0x289: {  	[tilespmem:v6+s11+$0x0] =	vst.idx.msk $0xffff, v5;
	v5 =	vadd.s32 $0x26D, v0  }
0x28a: {  	v6 =	vld [tilespmem:s23+$0x0];
	v7 =	vadd.s32 v5, v8;
	_ =	sdelay $0x4  }
0x28b: {  	[tilespmem:v7+s11+$0x0] =	vst.idx.msk $0xffff, v6;
	v6 =	vadd.s32 $0x27D, v0  }
0x28c: {  	s24 =	simm.s32 $0x1;
	v7 =	vld [tilespmem:s23+$0x10];
	v8 =	vadd.s32 v6, v8  }
0x28d: {  	v9 =	vmov s24;
	s24 =	simm.s32 $0x2  }
.LBB2_21:
0x28e: {  	p0 =	sne.s32 s24, $0x3F;
	v9 =	vmul.u32 $0x690, v9;
	_ =	sdelay $0x1  }
0x28f: {  	v9 =	vbroadcast v9, $0x0  }
0x290: {  	s23 =	sadd.s32 $0x80, s23;
	[tilespmem:v8+s11+$0x0] =	vst.idx.msk $0xffff, v7  }
0x291: {  	v7 =	vld [tilespmem:s23+$0xFFFFFFE0];
	v8 =	vadd.s32 v3, v9;
	_ =	sdelay $0x4  }
0x292: {  	[tilespmem:v8+s11+$0x0] =	vst.idx.msk $0xffff, v7  }
0x293: {  	v8 =	vadd.s32 v4, v9;
	v7 =	vld [tilespmem:s23+$0xFFFFFFF0];
	_ =	sdelay $0x4  }
0x294: {  	[tilespmem:v8+s11+$0x0] =	vst.idx.msk $0xffff, v7  }
0x295: {  	v8 =	vadd.s32 v5, v9;
	v7 =	vld [tilespmem:s23+$0x0];
	_ =	sdelay $0x2  }
.Ltmp9:
0x296: {  	(pc) =	sbr.rel @p0 .LBB2_21-.Ltmp9, $4  }
0x297: {  	_ = 	snop  }
0x298: {  	[tilespmem:v8+s11+$0x0] =	vst.idx.msk $0xffff, v7  }
0x299: {  	v8 =	vadd.s32 v6, v9;
	v7 =	vld [tilespmem:s23+$0x10]  }
0x29a: {  	v9 =	vmov s24;
	s24 =	sadd.s32 $0x1, s24  }
0x29b: {  	_ = 	snop  }
0x29c: {  	v9 =	vmul.u32 $0x690, v9;
	_ =	sdelay $0x1  }
0x29d: {  	v9 =	vbroadcast v9, $0x0  }
0x29e: {  	s23 =	sadd.s32 $0x80, s23;
	[tilespmem:v8+s11+$0x0] =	vst.idx.msk $0xffff, v7  }
0x29f: {  	v7 =	vld [tilespmem:s23+$0xFFFFFFE0];
	v3 =	vadd.s32 v3, v9;
	_ =	sdelay $0x4  }
0x2a0: {  	[tilespmem:v3+s11+$0x0] =	vst.idx.msk $0xffff, v7  }
0x2a1: {  	v4 =	vadd.s32 v4, v9;
	v3 =	vld [tilespmem:s23+$0xFFFFFFF0];
	_ =	sdelay $0x4  }
0x2a2: {  	[tilespmem:v4+s11+$0x0] =	vst.idx.msk $0xffff, v3  }
0x2a3: {  	v4 =	vadd.s32 v5, v9;
	v3 =	vld [tilespmem:s23+$0x0];
	_ =	sdelay $0x4  }
0x2a4: {  	[tilespmem:v4+s11+$0x0] =	vst.idx.msk $0xffff, v3  }
0x2a5: {  	v4 =	vadd.s32 v6, v9;
	v3 =	vld [tilespmem:s23+$0x10];
	_ =	sdelay $0x3  }
0x2a6: {  	s24 =	simm.s32 $0x0  }
0x2a7: {  	[tilespmem:v4+s11+$0x0] =	vst.idx.msk $0xffff, v3;
	v3 =	vmov s24  }
0x2a8: {  	[tilespmem:s15], [sflag:$0x2] =	stream.indirect.gather [hbm4b:s0+s8], $0x80, s28, s8, $0xb8;
	v3 =	vmul.u32 $0x690, v3;
	[tilespmem:$0x1F440] =	vst v63  }
0x2a9: {  	_ =	swait.ge [sflag:s16], $0x2000  }
0x2aa: {  	[sflag:s16] =	ssyncset.done $0x0;
	v8 =	vbroadcast v3, $0x0  }
0x2ab: {  	s23 =	simm.s32 $0x1B460;
	v3 =	vadd.s32 $0x28D, v0;
	[sflag:s16] =	ssyncadd.s32 $0xFFFFE000  }
0x2ac: {  	v4 =	vld [tilespmem:s23+$0xFFFFFFE0];
	v5 =	vadd.s32 v3, v8;
	_ =	sdelay $0x4  }
0x2ad: {  	[tilespmem:v5+s11+$0x0] =	vst.idx.msk $0xffff, v4;
	v4 =	vadd.s32 $0x29D, v0  }
0x2ae: {  	v5 =	vld [tilespmem:s23+$0xFFFFFFF0];
	v6 =	vadd.s32 v4, v8;
	_ =	sdelay $0x4  }
0x2af: {  	[tilespmem:v6+s11+$0x0] =	vst.idx.msk $0xffff, v5;
	v5 =	vadd.s32 $0x2AD, v0  }
0x2b0: {  	v6 =	vld [tilespmem:s23+$0x0];
	v7 =	vadd.s32 v5, v8;
	_ =	sdelay $0x4  }
0x2b1: {  	[tilespmem:v7+s11+$0x0] =	vst.idx.msk $0xffff, v6;
	v6 =	vadd.s32 $0x2BD, v0  }
0x2b2: {  	s24 =	simm.s32 $0x1;
	v7 =	vld [tilespmem:s23+$0x10];
	v8 =	vadd.s32 v6, v8  }
0x2b3: {  	v9 =	vmov s24;
	s24 =	simm.s32 $0x2  }
.LBB2_23:
0x2b4: {  	p0 =	sne.s32 s24, $0x3F;
	v9 =	vmul.u32 $0x690, v9;
	_ =	sdelay $0x1  }
0x2b5: {  	v9 =	vbroadcast v9, $0x0  }
0x2b6: {  	s23 =	sadd.s32 $0x80, s23;
	[tilespmem:v8+s11+$0x0] =	vst.idx.msk $0xffff, v7  }
0x2b7: {  	v7 =	vld [tilespmem:s23+$0xFFFFFFE0];
	v8 =	vadd.s32 v3, v9;
	_ =	sdelay $0x4  }
0x2b8: {  	[tilespmem:v8+s11+$0x0] =	vst.idx.msk $0xffff, v7  }
0x2b9: {  	v8 =	vadd.s32 v4, v9;
	v7 =	vld [tilespmem:s23+$0xFFFFFFF0];
	_ =	sdelay $0x4  }
0x2ba: {  	[tilespmem:v8+s11+$0x0] =	vst.idx.msk $0xffff, v7  }
0x2bb: {  	v8 =	vadd.s32 v5, v9;
	v7 =	vld [tilespmem:s23+$0x0];
	_ =	sdelay $0x2  }
.Ltmp10:
0x2bc: {  	(pc) =	sbr.rel @p0 .LBB2_23-.Ltmp10, $4  }
0x2bd: {  	_ = 	snop  }
0x2be: {  	[tilespmem:v8+s11+$0x0] =	vst.idx.msk $0xffff, v7  }
0x2bf: {  	v8 =	vadd.s32 v6, v9;
	v7 =	vld [tilespmem:s23+$0x10]  }
0x2c0: {  	v9 =	vmov s24;
	s24 =	sadd.s32 $0x1, s24  }
0x2c1: {  	_ = 	snop  }
0x2c2: {  	v9 =	vmul.u32 $0x690, v9;
	_ =	sdelay $0x1  }
0x2c3: {  	v9 =	vbroadcast v9, $0x0  }
0x2c4: {  	s23 =	sadd.s32 $0x80, s23;
	[tilespmem:v8+s11+$0x0] =	vst.idx.msk $0xffff, v7  }
0x2c5: {  	v7 =	vld [tilespmem:s23+$0xFFFFFFE0];
	v3 =	vadd.s32 v3, v9;
	_ =	sdelay $0x4  }
0x2c6: {  	[tilespmem:v3+s11+$0x0] =	vst.idx.msk $0xffff, v7  }
0x2c7: {  	v4 =	vadd.s32 v4, v9;
	v3 =	vld [tilespmem:s23+$0xFFFFFFF0];
	_ =	sdelay $0x4  }
0x2c8: {  	[tilespmem:v4+s11+$0x0] =	vst.idx.msk $0xffff, v3  }
0x2c9: {  	v4 =	vadd.s32 v5, v9;
	v3 =	vld [tilespmem:s23+$0x0];
	_ =	sdelay $0x4  }
0x2ca: {  	[tilespmem:v4+s11+$0x0] =	vst.idx.msk $0xffff, v3  }
0x2cb: {  	v4 =	vadd.s32 v6, v9;
	v3 =	vld [tilespmem:s23+$0x10];
	_ =	sdelay $0x3  }
0x2cc: {  	s24 =	simm.s32 $0x0  }
0x2cd: {  	[tilespmem:v4+s11+$0x0] =	vst.idx.msk $0xffff, v3;
	v3 =	vmov s24  }
0x2ce: {  	[tilespmem:s13], [sflag:$0x1] =	stream.indirect.gather [hbm4b:s0+s8], $0x80, s29, s8, $0xb8;
	v3 =	vmul.u32 $0x690, v3;
	[tilespmem:$0x1F440] =	vst v63  }
0x2cf: {  	_ =	swait.ge [sflag:s18], $0x2000  }
0x2d0: {  	[sflag:s18] =	ssyncset.done $0x0;
	v8 =	vbroadcast v3, $0x0  }
0x2d1: {  	s23 =	simm.s32 $0x1D460;
	v3 =	vadd.s32 $0x2CD, v0;
	[sflag:s18] =	ssyncadd.s32 $0xFFFFE000  }
0x2d2: {  	v4 =	vld [tilespmem:s23+$0xFFFFFFE0];
	v5 =	vadd.s32 v3, v8;
	_ =	sdelay $0x4  }
0x2d3: {  	[tilespmem:v5+s11+$0x0] =	vst.idx.msk $0xffff, v4;
	v4 =	vadd.s32 $0x2DD, v0  }
0x2d4: {  	v5 =	vld [tilespmem:s23+$0xFFFFFFF0];
	v6 =	vadd.s32 v4, v8;
	_ =	sdelay $0x4  }
0x2d5: {  	[tilespmem:v6+s11+$0x0] =	vst.idx.msk $0xffff, v5;
	v5 =	vadd.s32 $0x2ED, v0  }
0x2d6: {  	v6 =	vld [tilespmem:s23+$0x0];
	v7 =	vadd.s32 v5, v8;
	_ =	sdelay $0x4  }
0x2d7: {  	[tilespmem:v7+s11+$0x0] =	vst.idx.msk $0xffff, v6;
	v6 =	vadd.s32 $0x2FD, v0  }
0x2d8: {  	s24 =	simm.s32 $0x1;
	v7 =	vld [tilespmem:s23+$0x10];
	v8 =	vadd.s32 v6, v8  }
0x2d9: {  	v9 =	vmov s24;
	s24 =	simm.s32 $0x2  }
.LBB2_25:
0x2da: {  	p0 =	sne.s32 s24, $0x3F;
	v9 =	vmul.u32 $0x690, v9;
	_ =	sdelay $0x1  }
0x2db: {  	v9 =	vbroadcast v9, $0x0  }
0x2dc: {  	s23 =	sadd.s32 $0x80, s23;
	[tilespmem:v8+s11+$0x0] =	vst.idx.msk $0xffff, v7  }
0x2dd: {  	v7 =	vld [tilespmem:s23+$0xFFFFFFE0];
	v8 =	vadd.s32 v3, v9;
	_ =	sdelay $0x4  }
0x2de: {  	[tilespmem:v8+s11+$0x0] =	vst.idx.msk $0xffff, v7  }
0x2df: {  	v8 =	vadd.s32 v4, v9;
	v7 =	vld [tilespmem:s23+$0xFFFFFFF0];
	_ =	sdelay $0x4  }
0x2e0: {  	[tilespmem:v8+s11+$0x0] =	vst.idx.msk $0xffff, v7  }
0x2e1: {  	v8 =	vadd.s32 v5, v9;
	v7 =	vld [tilespmem:s23+$0x0];
	_ =	sdelay $0x2  }
.Ltmp11:
0x2e2: {  	(pc) =	sbr.rel @p0 .LBB2_25-.Ltmp11, $4  }
0x2e3: {  	_ = 	snop  }
0x2e4: {  	[tilespmem:v8+s11+$0x0] =	vst.idx.msk $0xffff, v7  }
0x2e5: {  	v8 =	vadd.s32 v6, v9;
	v7 =	vld [tilespmem:s23+$0x10]  }
0x2e6: {  	v9 =	vmov s24;
	s24 =	sadd.s32 $0x1, s24  }
0x2e7: {  	_ = 	snop  }
0x2e8: {  	v9 =	vmul.u32 $0x690, v9;
	_ =	sdelay $0x1  }
0x2e9: {  	v9 =	vbroadcast v9, $0x0  }
0x2ea: {  	s23 =	sadd.s32 $0x80, s23;
	[tilespmem:v8+s11+$0x0] =	vst.idx.msk $0xffff, v7  }
0x2eb: {  	v7 =	vld [tilespmem:s23+$0xFFFFFFE0];
	v3 =	vadd.s32 v3, v9;
	_ =	sdelay $0x4  }
0x2ec: {  	[tilespmem:v3+s11+$0x0] =	vst.idx.msk $0xffff, v7  }
0x2ed: {  	v4 =	vadd.s32 v4, v9;
	v3 =	vld [tilespmem:s23+$0xFFFFFFF0];
	_ =	sdelay $0x4  }
0x2ee: {  	[tilespmem:v4+s11+$0x0] =	vst.idx.msk $0xffff, v3  }
0x2ef: {  	v4 =	vadd.s32 v5, v9;
	v3 =	vld [tilespmem:s23+$0x0];
	_ =	sdelay $0x4  }
0x2f0: {  	[tilespmem:v4+s11+$0x0] =	vst.idx.msk $0xffff, v3  }
0x2f1: {  	v4 =	vadd.s32 v6, v9;
	v3 =	vld [tilespmem:s23+$0x10];
	_ =	sdelay $0x3  }
0x2f2: {  	s24 =	simm.s32 $0x0  }
0x2f3: {  	[tilespmem:v4+s11+$0x0] =	vst.idx.msk $0xffff, v3;
	v3 =	vmov s24  }
0x2f4: {  	[tilespmem:s15], [sflag:$0x2] =	stream.indirect.gather [hbm4b:s0+s8], $0x80, s30, s8, $0xb8;
	v3 =	vmul.u32 $0x690, v3;
	[tilespmem:$0x1F440] =	vst v63  }
0x2f5: {  	_ =	swait.ge [sflag:s16], $0x2000  }
0x2f6: {  	[sflag:s16] =	ssyncset.done $0x0;
	v8 =	vbroadcast v3, $0x0  }
0x2f7: {  	s23 =	simm.s32 $0x1B460;
	v3 =	vadd.s32 $0x30D, v0;
	[sflag:s16] =	ssyncadd.s32 $0xFFFFE000  }
0x2f8: {  	v4 =	vld [tilespmem:s23+$0xFFFFFFE0];
	v5 =	vadd.s32 v3, v8;
	_ =	sdelay $0x4  }
0x2f9: {  	[tilespmem:v5+s11+$0x0] =	vst.idx.msk $0xffff, v4;
	v4 =	vadd.s32 $0x31D, v0  }
0x2fa: {  	v5 =	vld [tilespmem:s23+$0xFFFFFFF0];
	v6 =	vadd.s32 v4, v8;
	_ =	sdelay $0x4  }
0x2fb: {  	[tilespmem:v6+s11+$0x0] =	vst.idx.msk $0xffff, v5;
	v5 =	vadd.s32 $0x32D, v0  }
0x2fc: {  	v6 =	vld [tilespmem:s23+$0x0];
	v7 =	vadd.s32 v5, v8;
	_ =	sdelay $0x4  }
0x2fd: {  	[tilespmem:v7+s11+$0x0] =	vst.idx.msk $0xffff, v6;
	v6 =	vadd.s32 $0x33D, v0  }
0x2fe: {  	s24 =	simm.s32 $0x1;
	v7 =	vld [tilespmem:s23+$0x10];
	v8 =	vadd.s32 v6, v8  }
0x2ff: {  	v9 =	vmov s24;
	s24 =	simm.s32 $0x2  }
.LBB2_27:
0x300: {  	p0 =	sne.s32 s24, $0x3F;
	v9 =	vmul.u32 $0x690, v9;
	_ =	sdelay $0x1  }
0x301: {  	v9 =	vbroadcast v9, $0x0  }
0x302: {  	s23 =	sadd.s32 $0x80, s23;
	[tilespmem:v8+s11+$0x0] =	vst.idx.msk $0xffff, v7  }
0x303: {  	v7 =	vld [tilespmem:s23+$0xFFFFFFE0];
	v8 =	vadd.s32 v3, v9;
	_ =	sdelay $0x4  }
0x304: {  	[tilespmem:v8+s11+$0x0] =	vst.idx.msk $0xffff, v7  }
0x305: {  	v8 =	vadd.s32 v4, v9;
	v7 =	vld [tilespmem:s23+$0xFFFFFFF0];
	_ =	sdelay $0x4  }
0x306: {  	[tilespmem:v8+s11+$0x0] =	vst.idx.msk $0xffff, v7  }
0x307: {  	v8 =	vadd.s32 v5, v9;
	v7 =	vld [tilespmem:s23+$0x0];
	_ =	sdelay $0x2  }
.Ltmp12:
0x308: {  	(pc) =	sbr.rel @p0 .LBB2_27-.Ltmp12, $4  }
0x309: {  	_ = 	snop  }
0x30a: {  	[tilespmem:v8+s11+$0x0] =	vst.idx.msk $0xffff, v7  }
0x30b: {  	v8 =	vadd.s32 v6, v9;
	v7 =	vld [tilespmem:s23+$0x10]  }
0x30c: {  	v9 =	vmov s24;
	s24 =	sadd.s32 $0x1, s24  }
0x30d: {  	_ = 	snop  }
0x30e: {  	v9 =	vmul.u32 $0x690, v9;
	_ =	sdelay $0x1  }
0x30f: {  	v9 =	vbroadcast v9, $0x0  }
0x310: {  	s23 =	sadd.s32 $0x80, s23;
	[tilespmem:v8+s11+$0x0] =	vst.idx.msk $0xffff, v7  }
0x311: {  	v7 =	vld [tilespmem:s23+$0xFFFFFFE0];
	v3 =	vadd.s32 v3, v9;
	_ =	sdelay $0x4  }
0x312: {  	[tilespmem:v3+s11+$0x0] =	vst.idx.msk $0xffff, v7  }
0x313: {  	v4 =	vadd.s32 v4, v9;
	v3 =	vld [tilespmem:s23+$0xFFFFFFF0];
	_ =	sdelay $0x4  }
0x314: {  	[tilespmem:v4+s11+$0x0] =	vst.idx.msk $0xffff, v3  }
0x315: {  	v4 =	vadd.s32 v5, v9;
	v3 =	vld [tilespmem:s23+$0x0];
	_ =	sdelay $0x4  }
0x316: {  	[tilespmem:v4+s11+$0x0] =	vst.idx.msk $0xffff, v3  }
0x317: {  	v4 =	vadd.s32 v6, v9;
	v3 =	vld [tilespmem:s23+$0x10];
	_ =	sdelay $0x3  }
0x318: {  	s24 =	simm.s32 $0x0  }
0x319: {  	[tilespmem:v4+s11+$0x0] =	vst.idx.msk $0xffff, v3;
	v3 =	vmov s24  }
0x31a: {  	[tilespmem:s13], [sflag:$0x1] =	stream.indirect.gather [hbm4b:s0+s8], $0x80, s31, s8, $0xb8;
	v3 =	vmul.u32 $0x690, v3;
	[tilespmem:$0x1F440] =	vst v63  }
0x31b: {  	_ =	swait.ge [sflag:s18], $0x2000  }
0x31c: {  	[sflag:s18] =	ssyncset.done $0x0;
	v8 =	vbroadcast v3, $0x0  }
0x31d: {  	s23 =	simm.s32 $0x1D460;
	v3 =	vadd.s32 $0x34D, v0;
	[sflag:s18] =	ssyncadd.s32 $0xFFFFE000  }
0x31e: {  	v4 =	vld [tilespmem:s23+$0xFFFFFFE0];
	v5 =	vadd.s32 v3, v8;
	_ =	sdelay $0x4  }
0x31f: {  	[tilespmem:v5+s11+$0x0] =	vst.idx.msk $0xffff, v4;
	v4 =	vadd.s32 $0x35D, v0  }
0x320: {  	v5 =	vld [tilespmem:s23+$0xFFFFFFF0];
	v6 =	vadd.s32 v4, v8;
	_ =	sdelay $0x4  }
0x321: {  	[tilespmem:v6+s11+$0x0] =	vst.idx.msk $0xffff, v5;
	v5 =	vadd.s32 $0x36D, v0  }
0x322: {  	v6 =	vld [tilespmem:s23+$0x0];
	v7 =	vadd.s32 v5, v8;
	_ =	sdelay $0x4  }
0x323: {  	[tilespmem:v7+s11+$0x0] =	vst.idx.msk $0xffff, v6;
	v6 =	vadd.s32 $0x37D, v0  }
0x324: {  	s24 =	simm.s32 $0x1;
	v7 =	vld [tilespmem:s23+$0x10];
	v8 =	vadd.s32 v6, v8  }
0x325: {  	v9 =	vmov s24;
	s24 =	simm.s32 $0x2  }
.LBB2_29:
0x326: {  	p0 =	sne.s32 s24, $0x3F;
	v9 =	vmul.u32 $0x690, v9;
	_ =	sdelay $0x1  }
0x327: {  	v9 =	vbroadcast v9, $0x0  }
0x328: {  	s23 =	sadd.s32 $0x80, s23;
	[tilespmem:v8+s11+$0x0] =	vst.idx.msk $0xffff, v7  }
0x329: {  	v7 =	vld [tilespmem:s23+$0xFFFFFFE0];
	v8 =	vadd.s32 v3, v9;
	_ =	sdelay $0x4  }
0x32a: {  	[tilespmem:v8+s11+$0x0] =	vst.idx.msk $0xffff, v7  }
0x32b: {  	v8 =	vadd.s32 v4, v9;
	v7 =	vld [tilespmem:s23+$0xFFFFFFF0];
	_ =	sdelay $0x4  }
0x32c: {  	[tilespmem:v8+s11+$0x0] =	vst.idx.msk $0xffff, v7  }
0x32d: {  	v8 =	vadd.s32 v5, v9;
	v7 =	vld [tilespmem:s23+$0x0];
	_ =	sdelay $0x2  }
.Ltmp13:
0x32e: {  	(pc) =	sbr.rel @p0 .LBB2_29-.Ltmp13, $4  }
0x32f: {  	_ = 	snop  }
0x330: {  	[tilespmem:v8+s11+$0x0] =	vst.idx.msk $0xffff, v7  }
0x331: {  	v8 =	vadd.s32 v6, v9;
	v7 =	vld [tilespmem:s23+$0x10]  }
0x332: {  	v9 =	vmov s24;
	s24 =	sadd.s32 $0x1, s24  }
0x333: {  	_ = 	snop  }
0x334: {  	v9 =	vmul.u32 $0x690, v9;
	_ =	sdelay $0x1  }
0x335: {  	v9 =	vbroadcast v9, $0x0  }
0x336: {  	s23 =	sadd.s32 $0x80, s23;
	[tilespmem:v8+s11+$0x0] =	vst.idx.msk $0xffff, v7  }
0x337: {  	v7 =	vld [tilespmem:s23+$0xFFFFFFE0];
	v3 =	vadd.s32 v3, v9;
	_ =	sdelay $0x4  }
0x338: {  	[tilespmem:v3+s11+$0x0] =	vst.idx.msk $0xffff, v7  }
0x339: {  	v4 =	vadd.s32 v4, v9;
	v3 =	vld [tilespmem:s23+$0xFFFFFFF0];
	_ =	sdelay $0x4  }
0x33a: {  	[tilespmem:v4+s11+$0x0] =	vst.idx.msk $0xffff, v3  }
0x33b: {  	v4 =	vadd.s32 v5, v9;
	v3 =	vld [tilespmem:s23+$0x0];
	_ =	sdelay $0x4  }
0x33c: {  	[tilespmem:v4+s11+$0x0] =	vst.idx.msk $0xffff, v3  }
0x33d: {  	v4 =	vadd.s32 v6, v9;
	v3 =	vld [tilespmem:s23+$0x10];
	_ =	sdelay $0x3  }
0x33e: {  	s24 =	simm.s32 $0x0  }
0x33f: {  	[tilespmem:v4+s11+$0x0] =	vst.idx.msk $0xffff, v3;
	v3 =	vmov s24  }
0x340: {  	[tilespmem:s15], [sflag:$0x2] =	stream.indirect.gather [hbm4b:s0+s8], $0x80, s1, s8, $0xb8;
	v3 =	vmul.u32 $0x690, v3;
	[tilespmem:$0x1F440] =	vst v63  }
0x341: {  	_ =	swait.ge [sflag:s16], $0x2000  }
0x342: {  	[sflag:s16] =	ssyncset.done $0x0;
	v8 =	vbroadcast v3, $0x0  }
0x343: {  	s23 =	simm.s32 $0x1B460;
	v3 =	vadd.s32 $0x38D, v0;
	[sflag:s16] =	ssyncadd.s32 $0xFFFFE000  }
0x344: {  	v4 =	vld [tilespmem:s23+$0xFFFFFFE0];
	v5 =	vadd.s32 v3, v8;
	_ =	sdelay $0x4  }
0x345: {  	[tilespmem:v5+s11+$0x0] =	vst.idx.msk $0xffff, v4;
	v4 =	vadd.s32 $0x39D, v0  }
0x346: {  	v5 =	vld [tilespmem:s23+$0xFFFFFFF0];
	v6 =	vadd.s32 v4, v8;
	_ =	sdelay $0x4  }
0x347: {  	[tilespmem:v6+s11+$0x0] =	vst.idx.msk $0xffff, v5;
	v5 =	vadd.s32 $0x3AD, v0  }
0x348: {  	v6 =	vld [tilespmem:s23+$0x0];
	v7 =	vadd.s32 v5, v8;
	_ =	sdelay $0x4  }
0x349: {  	[tilespmem:v7+s11+$0x0] =	vst.idx.msk $0xffff, v6;
	v6 =	vadd.s32 $0x3BD, v0  }
0x34a: {  	s24 =	simm.s32 $0x1;
	v7 =	vld [tilespmem:s23+$0x10];
	v8 =	vadd.s32 v6, v8  }
0x34b: {  	v9 =	vmov s24;
	s24 =	simm.s32 $0x2  }
.LBB2_31:
0x34c: {  	p0 =	sne.s32 s24, $0x3F;
	v9 =	vmul.u32 $0x690, v9;
	_ =	sdelay $0x1  }
0x34d: {  	v9 =	vbroadcast v9, $0x0  }
0x34e: {  	s23 =	sadd.s32 $0x80, s23;
	[tilespmem:v8+s11+$0x0] =	vst.idx.msk $0xffff, v7  }
0x34f: {  	v7 =	vld [tilespmem:s23+$0xFFFFFFE0];
	v8 =	vadd.s32 v3, v9;
	_ =	sdelay $0x4  }
0x350: {  	[tilespmem:v8+s11+$0x0] =	vst.idx.msk $0xffff, v7  }
0x351: {  	v8 =	vadd.s32 v4, v9;
	v7 =	vld [tilespmem:s23+$0xFFFFFFF0];
	_ =	sdelay $0x4  }
0x352: {  	[tilespmem:v8+s11+$0x0] =	vst.idx.msk $0xffff, v7  }
0x353: {  	v8 =	vadd.s32 v5, v9;
	v7 =	vld [tilespmem:s23+$0x0];
	_ =	sdelay $0x2  }
.Ltmp14:
0x354: {  	(pc) =	sbr.rel @p0 .LBB2_31-.Ltmp14, $4  }
0x355: {  	_ = 	snop  }
0x356: {  	[tilespmem:v8+s11+$0x0] =	vst.idx.msk $0xffff, v7  }
0x357: {  	v8 =	vadd.s32 v6, v9;
	v7 =	vld [tilespmem:s23+$0x10]  }
0x358: {  	v9 =	vmov s24;
	s24 =	sadd.s32 $0x1, s24  }
0x359: {  	_ = 	snop  }
0x35a: {  	v9 =	vmul.u32 $0x690, v9;
	_ =	sdelay $0x1  }
0x35b: {  	v9 =	vbroadcast v9, $0x0  }
0x35c: {  	s23 =	sadd.s32 $0x80, s23;
	[tilespmem:v8+s11+$0x0] =	vst.idx.msk $0xffff, v7  }
0x35d: {  	v7 =	vld [tilespmem:s23+$0xFFFFFFE0];
	v3 =	vadd.s32 v3, v9;
	_ =	sdelay $0x4  }
0x35e: {  	[tilespmem:v3+s11+$0x0] =	vst.idx.msk $0xffff, v7  }
0x35f: {  	v4 =	vadd.s32 v4, v9;
	v3 =	vld [tilespmem:s23+$0xFFFFFFF0];
	_ =	sdelay $0x4  }
0x360: {  	[tilespmem:v4+s11+$0x0] =	vst.idx.msk $0xffff, v3  }
0x361: {  	v4 =	vadd.s32 v5, v9;
	v3 =	vld [tilespmem:s23+$0x0];
	_ =	sdelay $0x4  }
0x362: {  	[tilespmem:v4+s11+$0x0] =	vst.idx.msk $0xffff, v3  }
0x363: {  	v4 =	vadd.s32 v6, v9;
	v3 =	vld [tilespmem:s23+$0x10];
	_ =	sdelay $0x3  }
0x364: {  	s24 =	simm.s32 $0x0  }
0x365: {  	[tilespmem:v4+s11+$0x0] =	vst.idx.msk $0xffff, v3;
	v3 =	vmov s24  }
0x366: {  	[tilespmem:s13], [sflag:$0x1] =	stream.indirect.gather [hbm4b:s0+s8], $0x80, s4, s8, $0xb8;
	v3 =	vmul.u32 $0x690, v3;
	[tilespmem:$0x1F440] =	vst v63  }
0x367: {  	_ =	swait.ge [sflag:s18], $0x2000  }
0x368: {  	[sflag:s18] =	ssyncset.done $0x0;
	v8 =	vbroadcast v3, $0x0  }
0x369: {  	s23 =	simm.s32 $0x1D460;
	v3 =	vadd.s32 $0x3CD, v0;
	[sflag:s18] =	ssyncadd.s32 $0xFFFFE000  }
0x36a: {  	v4 =	vld [tilespmem:s23+$0xFFFFFFE0];
	v5 =	vadd.s32 v3, v8;
	_ =	sdelay $0x4  }
0x36b: {  	[tilespmem:v5+s11+$0x0] =	vst.idx.msk $0xffff, v4;
	v4 =	vadd.s32 $0x3DD, v0  }
0x36c: {  	v5 =	vld [tilespmem:s23+$0xFFFFFFF0];
	v6 =	vadd.s32 v4, v8;
	_ =	sdelay $0x4  }
0x36d: {  	[tilespmem:v6+s11+$0x0] =	vst.idx.msk $0xffff, v5;
	v5 =	vadd.s32 $0x3ED, v0  }
0x36e: {  	v6 =	vld [tilespmem:s23+$0x0];
	v7 =	vadd.s32 v5, v8;
	_ =	sdelay $0x4  }
0x36f: {  	[tilespmem:v7+s11+$0x0] =	vst.idx.msk $0xffff, v6;
	v6 =	vadd.s32 $0x3FD, v0  }
0x370: {  	s24 =	simm.s32 $0x1;
	v7 =	vld [tilespmem:s23+$0x10];
	v8 =	vadd.s32 v6, v8  }
0x371: {  	v9 =	vmov s24;
	s24 =	simm.s32 $0x2  }
.LBB2_33:
0x372: {  	p0 =	sne.s32 s24, $0x3F;
	v9 =	vmul.u32 $0x690, v9;
	_ =	sdelay $0x1  }
0x373: {  	v9 =	vbroadcast v9, $0x0  }
0x374: {  	s23 =	sadd.s32 $0x80, s23;
	[tilespmem:v8+s11+$0x0] =	vst.idx.msk $0xffff, v7  }
0x375: {  	v7 =	vld [tilespmem:s23+$0xFFFFFFE0];
	v8 =	vadd.s32 v3, v9;
	_ =	sdelay $0x4  }
0x376: {  	[tilespmem:v8+s11+$0x0] =	vst.idx.msk $0xffff, v7  }
0x377: {  	v8 =	vadd.s32 v4, v9;
	v7 =	vld [tilespmem:s23+$0xFFFFFFF0];
	_ =	sdelay $0x4  }
0x378: {  	[tilespmem:v8+s11+$0x0] =	vst.idx.msk $0xffff, v7  }
0x379: {  	v8 =	vadd.s32 v5, v9;
	v7 =	vld [tilespmem:s23+$0x0];
	_ =	sdelay $0x2  }
.Ltmp15:
0x37a: {  	(pc) =	sbr.rel @p0 .LBB2_33-.Ltmp15, $4  }
0x37b: {  	_ = 	snop  }
0x37c: {  	[tilespmem:v8+s11+$0x0] =	vst.idx.msk $0xffff, v7  }
0x37d: {  	v8 =	vadd.s32 v6, v9;
	v7 =	vld [tilespmem:s23+$0x10]  }
0x37e: {  	v9 =	vmov s24;
	s24 =	sadd.s32 $0x1, s24  }
0x37f: {  	_ = 	snop  }
0x380: {  	v9 =	vmul.u32 $0x690, v9;
	_ =	sdelay $0x1  }
0x381: {  	v9 =	vbroadcast v9, $0x0  }
0x382: {  	s23 =	sadd.s32 $0x80, s23;
	[tilespmem:v8+s11+$0x0] =	vst.idx.msk $0xffff, v7  }
0x383: {  	v7 =	vld [tilespmem:s23+$0xFFFFFFE0];
	v3 =	vadd.s32 v3, v9;
	_ =	sdelay $0x4  }
0x384: {  	[tilespmem:v3+s11+$0x0] =	vst.idx.msk $0xffff, v7  }
0x385: {  	v4 =	vadd.s32 v4, v9;
	v3 =	vld [tilespmem:s23+$0xFFFFFFF0];
	_ =	sdelay $0x4  }
0x386: {  	[tilespmem:v4+s11+$0x0] =	vst.idx.msk $0xffff, v3  }
0x387: {  	v4 =	vadd.s32 v5, v9;
	v3 =	vld [tilespmem:s23+$0x0];
	_ =	sdelay $0x4  }
0x388: {  	[tilespmem:v4+s11+$0x0] =	vst.idx.msk $0xffff, v3  }
0x389: {  	v4 =	vadd.s32 v6, v9;
	v3 =	vld [tilespmem:s23+$0x10];
	_ =	sdelay $0x3  }
0x38a: {  	s24 =	simm.s32 $0x0  }
0x38b: {  	[tilespmem:v4+s11+$0x0] =	vst.idx.msk $0xffff, v3;
	v3 =	vmov s24  }
0x38c: {  	[tilespmem:s15], [sflag:$0x2] =	stream.indirect.gather [hbm4b:s0+s8], $0x80, s7, s8, $0xb8;
	v3 =	vmul.u32 $0x690, v3;
	[tilespmem:$0x1F440] =	vst v63  }
0x38d: {  	_ =	swait.ge [sflag:s16], $0x2000  }
0x38e: {  	[sflag:s16] =	ssyncset.done $0x0;
	v8 =	vbroadcast v3, $0x0  }
0x38f: {  	s23 =	simm.s32 $0x1B460;
	v3 =	vadd.s32 $0x40D, v0;
	[sflag:s16] =	ssyncadd.s32 $0xFFFFE000  }
0x390: {  	v4 =	vld [tilespmem:s23+$0xFFFFFFE0];
	v5 =	vadd.s32 v3, v8;
	_ =	sdelay $0x4  }
0x391: {  	[tilespmem:v5+s11+$0x0] =	vst.idx.msk $0xffff, v4;
	v4 =	vadd.s32 $0x41D, v0  }
0x392: {  	v5 =	vld [tilespmem:s23+$0xFFFFFFF0];
	v6 =	vadd.s32 v4, v8;
	_ =	sdelay $0x4  }
0x393: {  	[tilespmem:v6+s11+$0x0] =	vst.idx.msk $0xffff, v5;
	v5 =	vadd.s32 $0x42D, v0  }
0x394: {  	v6 =	vld [tilespmem:s23+$0x0];
	v7 =	vadd.s32 v5, v8;
	_ =	sdelay $0x4  }
0x395: {  	[tilespmem:v7+s11+$0x0] =	vst.idx.msk $0xffff, v6;
	v6 =	vadd.s32 $0x43D, v0  }
0x396: {  	s24 =	simm.s32 $0x1;
	v7 =	vld [tilespmem:s23+$0x10];
	v8 =	vadd.s32 v6, v8  }
0x397: {  	v9 =	vmov s24;
	s24 =	simm.s32 $0x2  }
.LBB2_35:
0x398: {  	p0 =	sne.s32 s24, $0x3F;
	v9 =	vmul.u32 $0x690, v9;
	_ =	sdelay $0x1  }
0x399: {  	v9 =	vbroadcast v9, $0x0  }
0x39a: {  	s23 =	sadd.s32 $0x80, s23;
	[tilespmem:v8+s11+$0x0] =	vst.idx.msk $0xffff, v7  }
0x39b: {  	v7 =	vld [tilespmem:s23+$0xFFFFFFE0];
	v8 =	vadd.s32 v3, v9;
	_ =	sdelay $0x4  }
0x39c: {  	[tilespmem:v8+s11+$0x0] =	vst.idx.msk $0xffff, v7  }
0x39d: {  	v8 =	vadd.s32 v4, v9;
	v7 =	vld [tilespmem:s23+$0xFFFFFFF0];
	_ =	sdelay $0x4  }
0x39e: {  	[tilespmem:v8+s11+$0x0] =	vst.idx.msk $0xffff, v7  }
0x39f: {  	v8 =	vadd.s32 v5, v9;
	v7 =	vld [tilespmem:s23+$0x0];
	_ =	sdelay $0x2  }
.Ltmp16:
0x3a0: {  	(pc) =	sbr.rel @p0 .LBB2_35-.Ltmp16, $4  }
0x3a1: {  	_ = 	snop  }
0x3a2: {  	[tilespmem:v8+s11+$0x0] =	vst.idx.msk $0xffff, v7  }
0x3a3: {  	v8 =	vadd.s32 v6, v9;
	v7 =	vld [tilespmem:s23+$0x10]  }
0x3a4: {  	v9 =	vmov s24;
	s24 =	sadd.s32 $0x1, s24  }
0x3a5: {  	_ = 	snop  }
0x3a6: {  	v9 =	vmul.u32 $0x690, v9;
	_ =	sdelay $0x1  }
0x3a7: {  	v9 =	vbroadcast v9, $0x0  }
0x3a8: {  	s23 =	sadd.s32 $0x80, s23;
	[tilespmem:v8+s11+$0x0] =	vst.idx.msk $0xffff, v7  }
0x3a9: {  	v7 =	vld [tilespmem:s23+$0xFFFFFFE0];
	v3 =	vadd.s32 v3, v9;
	_ =	sdelay $0x4  }
0x3aa: {  	[tilespmem:v3+s11+$0x0] =	vst.idx.msk $0xffff, v7  }
0x3ab: {  	v4 =	vadd.s32 v4, v9;
	v3 =	vld [tilespmem:s23+$0xFFFFFFF0];
	_ =	sdelay $0x4  }
0x3ac: {  	[tilespmem:v4+s11+$0x0] =	vst.idx.msk $0xffff, v3  }
0x3ad: {  	v4 =	vadd.s32 v5, v9;
	v3 =	vld [tilespmem:s23+$0x0];
	_ =	sdelay $0x4  }
0x3ae: {  	[tilespmem:v4+s11+$0x0] =	vst.idx.msk $0xffff, v3  }
0x3af: {  	v4 =	vadd.s32 v6, v9;
	v3 =	vld [tilespmem:s23+$0x10];
	_ =	sdelay $0x3  }
0x3b0: {  	s24 =	simm.s32 $0x0  }
0x3b1: {  	[tilespmem:v4+s11+$0x0] =	vst.idx.msk $0xffff, v3;
	v3 =	vmov s24  }
0x3b2: {  	[tilespmem:s13], [sflag:$0x1] =	stream.indirect.gather [hbm4b:s0+s8], $0x80, s2, s8, $0xb8;
	v3 =	vmul.u32 $0x690, v3;
	[tilespmem:$0x1F440] =	vst v63  }
0x3b3: {  	_ =	swait.ge [sflag:s18], $0x2000  }
0x3b4: {  	[sflag:s18] =	ssyncset.done $0x0;
	v8 =	vbroadcast v3, $0x0  }
0x3b5: {  	s23 =	simm.s32 $0x1D460;
	v3 =	vadd.s32 $0x44D, v0;
	[sflag:s18] =	ssyncadd.s32 $0xFFFFE000  }
0x3b6: {  	v4 =	vld [tilespmem:s23+$0xFFFFFFE0];
	v5 =	vadd.s32 v3, v8;
	_ =	sdelay $0x4  }
0x3b7: {  	[tilespmem:v5+s11+$0x0] =	vst.idx.msk $0xffff, v4;
	v4 =	vadd.s32 $0x45D, v0  }
0x3b8: {  	v5 =	vld [tilespmem:s23+$0xFFFFFFF0];
	v6 =	vadd.s32 v4, v8;
	_ =	sdelay $0x4  }
0x3b9: {  	[tilespmem:v6+s11+$0x0] =	vst.idx.msk $0xffff, v5;
	v5 =	vadd.s32 $0x46D, v0  }
0x3ba: {  	v6 =	vld [tilespmem:s23+$0x0];
	v7 =	vadd.s32 v5, v8;
	_ =	sdelay $0x4  }
0x3bb: {  	[tilespmem:v7+s11+$0x0] =	vst.idx.msk $0xffff, v6;
	v6 =	vadd.s32 $0x47D, v0  }
0x3bc: {  	s24 =	simm.s32 $0x1;
	v7 =	vld [tilespmem:s23+$0x10];
	v8 =	vadd.s32 v6, v8  }
0x3bd: {  	v9 =	vmov s24;
	s24 =	simm.s32 $0x2  }
.LBB2_37:
0x3be: {  	p0 =	sne.s32 s24, $0x3F;
	v9 =	vmul.u32 $0x690, v9;
	_ =	sdelay $0x1  }
0x3bf: {  	v9 =	vbroadcast v9, $0x0  }
0x3c0: {  	s23 =	sadd.s32 $0x80, s23;
	[tilespmem:v8+s11+$0x0] =	vst.idx.msk $0xffff, v7  }
0x3c1: {  	v7 =	vld [tilespmem:s23+$0xFFFFFFE0];
	v8 =	vadd.s32 v3, v9;
	_ =	sdelay $0x4  }
0x3c2: {  	[tilespmem:v8+s11+$0x0] =	vst.idx.msk $0xffff, v7  }
0x3c3: {  	v8 =	vadd.s32 v4, v9;
	v7 =	vld [tilespmem:s23+$0xFFFFFFF0];
	_ =	sdelay $0x4  }
0x3c4: {  	[tilespmem:v8+s11+$0x0] =	vst.idx.msk $0xffff, v7  }
0x3c5: {  	v8 =	vadd.s32 v5, v9;
	v7 =	vld [tilespmem:s23+$0x0];
	_ =	sdelay $0x2  }
.Ltmp17:
0x3c6: {  	(pc) =	sbr.rel @p0 .LBB2_37-.Ltmp17, $4  }
0x3c7: {  	_ = 	snop  }
0x3c8: {  	[tilespmem:v8+s11+$0x0] =	vst.idx.msk $0xffff, v7  }
0x3c9: {  	v8 =	vadd.s32 v6, v9;
	v7 =	vld [tilespmem:s23+$0x10]  }
0x3ca: {  	v9 =	vmov s24;
	s24 =	sadd.s32 $0x1, s24  }
0x3cb: {  	_ = 	snop  }
0x3cc: {  	v9 =	vmul.u32 $0x690, v9;
	_ =	sdelay $0x1  }
0x3cd: {  	v9 =	vbroadcast v9, $0x0  }
0x3ce: {  	s23 =	sadd.s32 $0x80, s23;
	[tilespmem:v8+s11+$0x0] =	vst.idx.msk $0xffff, v7  }
0x3cf: {  	v7 =	vld [tilespmem:s23+$0xFFFFFFE0];
	v3 =	vadd.s32 v3, v9;
	_ =	sdelay $0x4  }
0x3d0: {  	[tilespmem:v3+s11+$0x0] =	vst.idx.msk $0xffff, v7  }
0x3d1: {  	v4 =	vadd.s32 v4, v9;
	v3 =	vld [tilespmem:s23+$0xFFFFFFF0];
	_ =	sdelay $0x4  }
0x3d2: {  	[tilespmem:v4+s11+$0x0] =	vst.idx.msk $0xffff, v3  }
0x3d3: {  	v4 =	vadd.s32 v5, v9;
	v3 =	vld [tilespmem:s23+$0x0];
	_ =	sdelay $0x4  }
0x3d4: {  	[tilespmem:v4+s11+$0x0] =	vst.idx.msk $0xffff, v3  }
0x3d5: {  	v4 =	vadd.s32 v6, v9;
	v3 =	vld [tilespmem:s23+$0x10];
	_ =	sdelay $0x3  }
0x3d6: {  	s24 =	simm.s32 $0x0  }
0x3d7: {  	[tilespmem:v4+s11+$0x0] =	vst.idx.msk $0xffff, v3;
	v3 =	vmov s24  }
0x3d8: {  	[tilespmem:s15], [sflag:$0x2] =	stream.indirect.gather [hbm4b:s0+s8], $0x80, s3, s8, $0xb8;
	v3 =	vmul.u32 $0x690, v3;
	[tilespmem:$0x1F440] =	vst v63  }
0x3d9: {  	_ =	swait.ge [sflag:s16], $0x2000  }
0x3da: {  	[sflag:s16] =	ssyncset.done $0x0;
	v8 =	vbroadcast v3, $0x0  }
0x3db: {  	s23 =	simm.s32 $0x1B460;
	v3 =	vadd.s32 $0x48D, v0;
	[sflag:s16] =	ssyncadd.s32 $0xFFFFE000  }
0x3dc: {  	v4 =	vld [tilespmem:s23+$0xFFFFFFE0];
	v5 =	vadd.s32 v3, v8;
	_ =	sdelay $0x4  }
0x3dd: {  	[tilespmem:v5+s11+$0x0] =	vst.idx.msk $0xffff, v4;
	v4 =	vadd.s32 $0x49D, v0  }
0x3de: {  	v5 =	vld [tilespmem:s23+$0xFFFFFFF0];
	v6 =	vadd.s32 v4, v8;
	_ =	sdelay $0x4  }
0x3df: {  	[tilespmem:v6+s11+$0x0] =	vst.idx.msk $0xffff, v5;
	v5 =	vadd.s32 $0x4AD, v0  }
0x3e0: {  	v6 =	vld [tilespmem:s23+$0x0];
	v7 =	vadd.s32 v5, v8;
	_ =	sdelay $0x4  }
0x3e1: {  	[tilespmem:v7+s11+$0x0] =	vst.idx.msk $0xffff, v6;
	v6 =	vadd.s32 $0x4BD, v0  }
0x3e2: {  	s24 =	simm.s32 $0x1;
	v7 =	vld [tilespmem:s23+$0x10];
	v8 =	vadd.s32 v6, v8  }
0x3e3: {  	v9 =	vmov s24;
	s24 =	simm.s32 $0x2  }
.LBB2_39:
0x3e4: {  	p0 =	sne.s32 s24, $0x3F;
	v9 =	vmul.u32 $0x690, v9;
	_ =	sdelay $0x1  }
0x3e5: {  	v9 =	vbroadcast v9, $0x0  }
0x3e6: {  	s23 =	sadd.s32 $0x80, s23;
	[tilespmem:v8+s11+$0x0] =	vst.idx.msk $0xffff, v7  }
0x3e7: {  	v7 =	vld [tilespmem:s23+$0xFFFFFFE0];
	v8 =	vadd.s32 v3, v9;
	_ =	sdelay $0x4  }
0x3e8: {  	[tilespmem:v8+s11+$0x0] =	vst.idx.msk $0xffff, v7  }
0x3e9: {  	v8 =	vadd.s32 v4, v9;
	v7 =	vld [tilespmem:s23+$0xFFFFFFF0];
	_ =	sdelay $0x4  }
0x3ea: {  	[tilespmem:v8+s11+$0x0] =	vst.idx.msk $0xffff, v7  }
0x3eb: {  	v8 =	vadd.s32 v5, v9;
	v7 =	vld [tilespmem:s23+$0x0];
	_ =	sdelay $0x2  }
.Ltmp18:
0x3ec: {  	(pc) =	sbr.rel @p0 .LBB2_39-.Ltmp18, $4  }
0x3ed: {  	_ = 	snop  }
0x3ee: {  	[tilespmem:v8+s11+$0x0] =	vst.idx.msk $0xffff, v7  }
0x3ef: {  	v8 =	vadd.s32 v6, v9;
	v7 =	vld [tilespmem:s23+$0x10]  }
0x3f0: {  	v9 =	vmov s24;
	s24 =	sadd.s32 $0x1, s24  }
0x3f1: {  	_ = 	snop  }
0x3f2: {  	v9 =	vmul.u32 $0x690, v9;
	_ =	sdelay $0x1  }
0x3f3: {  	v9 =	vbroadcast v9, $0x0  }
0x3f4: {  	s23 =	sadd.s32 $0x80, s23;
	[tilespmem:v8+s11+$0x0] =	vst.idx.msk $0xffff, v7  }
0x3f5: {  	v7 =	vld [tilespmem:s23+$0xFFFFFFE0];
	v3 =	vadd.s32 v3, v9;
	_ =	sdelay $0x4  }
0x3f6: {  	[tilespmem:v3+s11+$0x0] =	vst.idx.msk $0xffff, v7  }
0x3f7: {  	v4 =	vadd.s32 v4, v9;
	v3 =	vld [tilespmem:s23+$0xFFFFFFF0];
	_ =	sdelay $0x4  }
0x3f8: {  	[tilespmem:v4+s11+$0x0] =	vst.idx.msk $0xffff, v3  }
0x3f9: {  	v4 =	vadd.s32 v5, v9;
	v3 =	vld [tilespmem:s23+$0x0];
	_ =	sdelay $0x4  }
0x3fa: {  	[tilespmem:v4+s11+$0x0] =	vst.idx.msk $0xffff, v3  }
0x3fb: {  	v4 =	vadd.s32 v6, v9;
	v3 =	vld [tilespmem:s23+$0x10];
	_ =	sdelay $0x3  }
0x3fc: {  	s24 =	simm.s32 $0x0  }
0x3fd: {  	[tilespmem:v4+s11+$0x0] =	vst.idx.msk $0xffff, v3;
	v3 =	vmov s24  }
0x3fe: {  	[tilespmem:s13], [sflag:$0x1] =	stream.indirect.gather [hbm4b:s0+s8], $0x80, s9, s8, $0xb8;
	v3 =	vmul.u32 $0x690, v3;
	[tilespmem:$0x1F440] =	vst v63  }
0x3ff: {  	_ =	swait.ge [sflag:s18], $0x2000  }
0x400: {  	[sflag:s18] =	ssyncset.done $0x0;
	v8 =	vbroadcast v3, $0x0  }
0x401: {  	s23 =	simm.s32 $0x1D460;
	v3 =	vadd.s32 $0x4CD, v0;
	[sflag:s18] =	ssyncadd.s32 $0xFFFFE000  }
0x402: {  	v4 =	vld [tilespmem:s23+$0xFFFFFFE0];
	v5 =	vadd.s32 v3, v8;
	_ =	sdelay $0x4  }
0x403: {  	[tilespmem:v5+s11+$0x0] =	vst.idx.msk $0xffff, v4;
	v4 =	vadd.s32 $0x4DD, v0  }
0x404: {  	v5 =	vld [tilespmem:s23+$0xFFFFFFF0];
	v6 =	vadd.s32 v4, v8;
	_ =	sdelay $0x4  }
0x405: {  	[tilespmem:v6+s11+$0x0] =	vst.idx.msk $0xffff, v5;
	v5 =	vadd.s32 $0x4ED, v0  }
0x406: {  	v6 =	vld [tilespmem:s23+$0x0];
	v7 =	vadd.s32 v5, v8;
	_ =	sdelay $0x4  }
0x407: {  	[tilespmem:v7+s11+$0x0] =	vst.idx.msk $0xffff, v6;
	v6 =	vadd.s32 $0x4FD, v0  }
0x408: {  	s24 =	simm.s32 $0x1;
	v7 =	vld [tilespmem:s23+$0x10];
	v8 =	vadd.s32 v6, v8  }
0x409: {  	v9 =	vmov s24;
	s24 =	simm.s32 $0x2  }
.LBB2_41:
0x40a: {  	p0 =	sne.s32 s24, $0x3F;
	v9 =	vmul.u32 $0x690, v9;
	_ =	sdelay $0x1  }
0x40b: {  	v9 =	vbroadcast v9, $0x0  }
0x40c: {  	s23 =	sadd.s32 $0x80, s23;
	[tilespmem:v8+s11+$0x0] =	vst.idx.msk $0xffff, v7  }
0x40d: {  	v7 =	vld [tilespmem:s23+$0xFFFFFFE0];
	v8 =	vadd.s32 v3, v9;
	_ =	sdelay $0x4  }
0x40e: {  	[tilespmem:v8+s11+$0x0] =	vst.idx.msk $0xffff, v7  }
0x40f: {  	v8 =	vadd.s32 v4, v9;
	v7 =	vld [tilespmem:s23+$0xFFFFFFF0];
	_ =	sdelay $0x4  }
0x410: {  	[tilespmem:v8+s11+$0x0] =	vst.idx.msk $0xffff, v7  }
0x411: {  	v8 =	vadd.s32 v5, v9;
	v7 =	vld [tilespmem:s23+$0x0];
	_ =	sdelay $0x2  }
.Ltmp19:
0x412: {  	(pc) =	sbr.rel @p0 .LBB2_41-.Ltmp19, $4  }
0x413: {  	_ = 	snop  }
0x414: {  	[tilespmem:v8+s11+$0x0] =	vst.idx.msk $0xffff, v7  }
0x415: {  	v8 =	vadd.s32 v6, v9;
	v7 =	vld [tilespmem:s23+$0x10]  }
0x416: {  	v9 =	vmov s24;
	s24 =	sadd.s32 $0x1, s24  }
0x417: {  	_ = 	snop  }
0x418: {  	v9 =	vmul.u32 $0x690, v9;
	_ =	sdelay $0x1  }
0x419: {  	v9 =	vbroadcast v9, $0x0  }
0x41a: {  	s23 =	sadd.s32 $0x80, s23;
	[tilespmem:v8+s11+$0x0] =	vst.idx.msk $0xffff, v7  }
0x41b: {  	v7 =	vld [tilespmem:s23+$0xFFFFFFE0];
	v3 =	vadd.s32 v3, v9;
	_ =	sdelay $0x4  }
0x41c: {  	[tilespmem:v3+s11+$0x0] =	vst.idx.msk $0xffff, v7  }
0x41d: {  	v4 =	vadd.s32 v4, v9;
	v3 =	vld [tilespmem:s23+$0xFFFFFFF0];
	_ =	sdelay $0x4  }
0x41e: {  	[tilespmem:v4+s11+$0x0] =	vst.idx.msk $0xffff, v3  }
0x41f: {  	v4 =	vadd.s32 v5, v9;
	v3 =	vld [tilespmem:s23+$0x0];
	_ =	sdelay $0x4  }
0x420: {  	[tilespmem:v4+s11+$0x0] =	vst.idx.msk $0xffff, v3  }
0x421: {  	v4 =	vadd.s32 v6, v9;
	v3 =	vld [tilespmem:s23+$0x10];
	_ =	sdelay $0x3  }
0x422: {  	s24 =	simm.s32 $0x0  }
0x423: {  	[tilespmem:v4+s11+$0x0] =	vst.idx.msk $0xffff, v3;
	v3 =	vmov s24  }
0x424: {  	[tilespmem:s15], [sflag:$0x2] =	stream.indirect.gather [hbm4b:s0+s8], $0x80, s12, s8, $0xb8;
	v3 =	vmul.u32 $0x690, v3;
	[tilespmem:$0x1F440] =	vst v63  }
0x425: {  	_ =	swait.ge [sflag:s16], $0x2000  }
0x426: {  	[sflag:s16] =	ssyncset.done $0x0;
	v8 =	vbroadcast v3, $0x0  }
0x427: {  	s23 =	simm.s32 $0x1B460;
	v3 =	vadd.s32 $0x50D, v0;
	[sflag:s16] =	ssyncadd.s32 $0xFFFFE000  }
0x428: {  	v4 =	vld [tilespmem:s23+$0xFFFFFFE0];
	v5 =	vadd.s32 v3, v8;
	_ =	sdelay $0x4  }
0x429: {  	[tilespmem:v5+s11+$0x0] =	vst.idx.msk $0xffff, v4;
	v4 =	vadd.s32 $0x51D, v0  }
0x42a: {  	v5 =	vld [tilespmem:s23+$0xFFFFFFF0];
	v6 =	vadd.s32 v4, v8;
	_ =	sdelay $0x4  }
0x42b: {  	[tilespmem:v6+s11+$0x0] =	vst.idx.msk $0xffff, v5;
	v5 =	vadd.s32 $0x52D, v0  }
0x42c: {  	v6 =	vld [tilespmem:s23+$0x0];
	v7 =	vadd.s32 v5, v8;
	_ =	sdelay $0x4  }
0x42d: {  	[tilespmem:v7+s11+$0x0] =	vst.idx.msk $0xffff, v6;
	v6 =	vadd.s32 $0x53D, v0  }
0x42e: {  	s24 =	simm.s32 $0x1;
	v7 =	vld [tilespmem:s23+$0x10];
	v8 =	vadd.s32 v6, v8  }
0x42f: {  	v9 =	vmov s24;
	s24 =	simm.s32 $0x2  }
.LBB2_43:
0x430: {  	p0 =	sne.s32 s24, $0x3F;
	v9 =	vmul.u32 $0x690, v9;
	_ =	sdelay $0x1  }
0x431: {  	v9 =	vbroadcast v9, $0x0  }
0x432: {  	s23 =	sadd.s32 $0x80, s23;
	[tilespmem:v8+s11+$0x0] =	vst.idx.msk $0xffff, v7  }
0x433: {  	v7 =	vld [tilespmem:s23+$0xFFFFFFE0];
	v8 =	vadd.s32 v3, v9;
	_ =	sdelay $0x4  }
0x434: {  	[tilespmem:v8+s11+$0x0] =	vst.idx.msk $0xffff, v7  }
0x435: {  	v8 =	vadd.s32 v4, v9;
	v7 =	vld [tilespmem:s23+$0xFFFFFFF0];
	_ =	sdelay $0x4  }
0x436: {  	[tilespmem:v8+s11+$0x0] =	vst.idx.msk $0xffff, v7  }
0x437: {  	v8 =	vadd.s32 v5, v9;
	v7 =	vld [tilespmem:s23+$0x0];
	_ =	sdelay $0x2  }
.Ltmp20:
0x438: {  	(pc) =	sbr.rel @p0 .LBB2_43-.Ltmp20, $4  }
0x439: {  	_ = 	snop  }
0x43a: {  	[tilespmem:v8+s11+$0x0] =	vst.idx.msk $0xffff, v7  }
0x43b: {  	v8 =	vadd.s32 v6, v9;
	v7 =	vld [tilespmem:s23+$0x10]  }
0x43c: {  	v9 =	vmov s24;
	s24 =	sadd.s32 $0x1, s24  }
0x43d: {  	_ = 	snop  }
0x43e: {  	v9 =	vmul.u32 $0x690, v9;
	_ =	sdelay $0x1  }
0x43f: {  	v9 =	vbroadcast v9, $0x0  }
0x440: {  	s23 =	sadd.s32 $0x80, s23;
	[tilespmem:v8+s11+$0x0] =	vst.idx.msk $0xffff, v7  }
0x441: {  	v7 =	vld [tilespmem:s23+$0xFFFFFFE0];
	v3 =	vadd.s32 v3, v9;
	_ =	sdelay $0x4  }
0x442: {  	[tilespmem:v3+s11+$0x0] =	vst.idx.msk $0xffff, v7  }
0x443: {  	v4 =	vadd.s32 v4, v9;
	v3 =	vld [tilespmem:s23+$0xFFFFFFF0];
	_ =	sdelay $0x4  }
0x444: {  	[tilespmem:v4+s11+$0x0] =	vst.idx.msk $0xffff, v3  }
0x445: {  	v4 =	vadd.s32 v5, v9;
	v3 =	vld [tilespmem:s23+$0x0];
	_ =	sdelay $0x4  }
0x446: {  	[tilespmem:v4+s11+$0x0] =	vst.idx.msk $0xffff, v3  }
0x447: {  	v4 =	vadd.s32 v6, v9;
	v3 =	vld [tilespmem:s23+$0x10];
	_ =	sdelay $0x3  }
0x448: {  	s24 =	simm.s32 $0x0  }
0x449: {  	[tilespmem:v4+s11+$0x0] =	vst.idx.msk $0xffff, v3;
	v3 =	vmov s24  }
0x44a: {  	[tilespmem:s13], [sflag:$0x1] =	stream.indirect.gather [hbm4b:s0+s8], $0x80, s14, s8, $0xb8;
	v3 =	vmul.u32 $0x690, v3;
	[tilespmem:$0x1F440] =	vst v63  }
0x44b: {  	_ =	swait.ge [sflag:s18], $0x2000  }
0x44c: {  	[sflag:s18] =	ssyncset.done $0x0;
	v8 =	vbroadcast v3, $0x0  }
0x44d: {  	s23 =	simm.s32 $0x1D460;
	v3 =	vadd.s32 $0x54D, v0;
	[sflag:s18] =	ssyncadd.s32 $0xFFFFE000  }
0x44e: {  	v4 =	vld [tilespmem:s23+$0xFFFFFFE0];
	v5 =	vadd.s32 v3, v8;
	_ =	sdelay $0x4  }
0x44f: {  	[tilespmem:v5+s11+$0x0] =	vst.idx.msk $0xffff, v4;
	v4 =	vadd.s32 $0x55D, v0  }
0x450: {  	v5 =	vld [tilespmem:s23+$0xFFFFFFF0];
	v6 =	vadd.s32 v4, v8;
	_ =	sdelay $0x4  }
0x451: {  	[tilespmem:v6+s11+$0x0] =	vst.idx.msk $0xffff, v5;
	v5 =	vadd.s32 $0x56D, v0  }
0x452: {  	v6 =	vld [tilespmem:s23+$0x0];
	v7 =	vadd.s32 v5, v8;
	_ =	sdelay $0x4  }
0x453: {  	[tilespmem:v7+s11+$0x0] =	vst.idx.msk $0xffff, v6;
	v6 =	vadd.s32 $0x57D, v0  }
0x454: {  	s24 =	simm.s32 $0x1;
	v7 =	vld [tilespmem:s23+$0x10];
	v8 =	vadd.s32 v6, v8  }
0x455: {  	v9 =	vmov s24;
	s24 =	simm.s32 $0x2  }
.LBB2_45:
0x456: {  	p0 =	sne.s32 s24, $0x3F;
	v9 =	vmul.u32 $0x690, v9;
	_ =	sdelay $0x1  }
0x457: {  	v9 =	vbroadcast v9, $0x0  }
0x458: {  	s23 =	sadd.s32 $0x80, s23;
	[tilespmem:v8+s11+$0x0] =	vst.idx.msk $0xffff, v7  }
0x459: {  	v7 =	vld [tilespmem:s23+$0xFFFFFFE0];
	v8 =	vadd.s32 v3, v9;
	_ =	sdelay $0x4  }
0x45a: {  	[tilespmem:v8+s11+$0x0] =	vst.idx.msk $0xffff, v7  }
0x45b: {  	v8 =	vadd.s32 v4, v9;
	v7 =	vld [tilespmem:s23+$0xFFFFFFF0];
	_ =	sdelay $0x4  }
0x45c: {  	[tilespmem:v8+s11+$0x0] =	vst.idx.msk $0xffff, v7  }
0x45d: {  	v8 =	vadd.s32 v5, v9;
	v7 =	vld [tilespmem:s23+$0x0];
	_ =	sdelay $0x2  }
.Ltmp21:
0x45e: {  	(pc) =	sbr.rel @p0 .LBB2_45-.Ltmp21, $4  }
0x45f: {  	_ = 	snop  }
0x460: {  	[tilespmem:v8+s11+$0x0] =	vst.idx.msk $0xffff, v7  }
0x461: {  	v8 =	vadd.s32 v6, v9;
	v7 =	vld [tilespmem:s23+$0x10]  }
0x462: {  	v9 =	vmov s24;
	s24 =	sadd.s32 $0x1, s24  }
0x463: {  	_ = 	snop  }
0x464: {  	v9 =	vmul.u32 $0x690, v9;
	_ =	sdelay $0x1  }
0x465: {  	v9 =	vbroadcast v9, $0x0  }
0x466: {  	s23 =	sadd.s32 $0x80, s23;
	[tilespmem:v8+s11+$0x0] =	vst.idx.msk $0xffff, v7  }
0x467: {  	v7 =	vld [tilespmem:s23+$0xFFFFFFE0];
	v3 =	vadd.s32 v3, v9;
	_ =	sdelay $0x4  }
0x468: {  	[tilespmem:v3+s11+$0x0] =	vst.idx.msk $0xffff, v7  }
0x469: {  	v4 =	vadd.s32 v4, v9;
	v3 =	vld [tilespmem:s23+$0xFFFFFFF0];
	_ =	sdelay $0x4  }
0x46a: {  	[tilespmem:v4+s11+$0x0] =	vst.idx.msk $0xffff, v3  }
0x46b: {  	v4 =	vadd.s32 v5, v9;
	v3 =	vld [tilespmem:s23+$0x0];
	_ =	sdelay $0x4  }
0x46c: {  	[tilespmem:v4+s11+$0x0] =	vst.idx.msk $0xffff, v3  }
0x46d: {  	v4 =	vadd.s32 v6, v9;
	v3 =	vld [tilespmem:s23+$0x10];
	_ =	sdelay $0x3  }
0x46e: {  	s24 =	simm.s32 $0x0  }
0x46f: {  	[tilespmem:v4+s11+$0x0] =	vst.idx.msk $0xffff, v3;
	v3 =	vmov s24  }
0x470: {  	[tilespmem:s15], [sflag:$0x2] =	stream.indirect.gather [hbm4b:s0+s8], $0x80, s17, s8, $0xb8;
	v3 =	vmul.u32 $0x690, v3;
	[tilespmem:$0x1F440] =	vst v63  }
0x471: {  	_ =	swait.ge [sflag:s16], $0x2000  }
0x472: {  	[sflag:s16] =	ssyncset.done $0x0;
	v8 =	vbroadcast v3, $0x0  }
0x473: {  	s23 =	simm.s32 $0x1B460;
	v3 =	vadd.s32 $0x58D, v0;
	[sflag:s16] =	ssyncadd.s32 $0xFFFFE000  }
0x474: {  	v4 =	vld [tilespmem:s23+$0xFFFFFFE0];
	v5 =	vadd.s32 v3, v8;
	_ =	sdelay $0x4  }
0x475: {  	[tilespmem:v5+s11+$0x0] =	vst.idx.msk $0xffff, v4;
	v4 =	vadd.s32 $0x59D, v0  }
0x476: {  	v5 =	vld [tilespmem:s23+$0xFFFFFFF0];
	v6 =	vadd.s32 v4, v8;
	_ =	sdelay $0x4  }
0x477: {  	[tilespmem:v6+s11+$0x0] =	vst.idx.msk $0xffff, v5;
	v5 =	vadd.s32 $0x5AD, v0  }
0x478: {  	v6 =	vld [tilespmem:s23+$0x0];
	v7 =	vadd.s32 v5, v8;
	_ =	sdelay $0x4  }
0x479: {  	[tilespmem:v7+s11+$0x0] =	vst.idx.msk $0xffff, v6;
	v6 =	vadd.s32 $0x5BD, v0  }
0x47a: {  	s24 =	simm.s32 $0x1;
	v7 =	vld [tilespmem:s23+$0x10];
	v8 =	vadd.s32 v6, v8  }
0x47b: {  	v9 =	vmov s24;
	s24 =	simm.s32 $0x2  }
.LBB2_47:
0x47c: {  	p0 =	sne.s32 s24, $0x3F;
	v9 =	vmul.u32 $0x690, v9;
	_ =	sdelay $0x1  }
0x47d: {  	v9 =	vbroadcast v9, $0x0  }
0x47e: {  	s23 =	sadd.s32 $0x80, s23;
	[tilespmem:v8+s11+$0x0] =	vst.idx.msk $0xffff, v7  }
0x47f: {  	v7 =	vld [tilespmem:s23+$0xFFFFFFE0];
	v8 =	vadd.s32 v3, v9;
	_ =	sdelay $0x4  }
0x480: {  	[tilespmem:v8+s11+$0x0] =	vst.idx.msk $0xffff, v7  }
0x481: {  	v8 =	vadd.s32 v4, v9;
	v7 =	vld [tilespmem:s23+$0xFFFFFFF0];
	_ =	sdelay $0x4  }
0x482: {  	[tilespmem:v8+s11+$0x0] =	vst.idx.msk $0xffff, v7  }
0x483: {  	v8 =	vadd.s32 v5, v9;
	v7 =	vld [tilespmem:s23+$0x0];
	_ =	sdelay $0x2  }
.Ltmp22:
0x484: {  	(pc) =	sbr.rel @p0 .LBB2_47-.Ltmp22, $4  }
0x485: {  	_ = 	snop  }
0x486: {  	[tilespmem:v8+s11+$0x0] =	vst.idx.msk $0xffff, v7  }
0x487: {  	v8 =	vadd.s32 v6, v9;
	v7 =	vld [tilespmem:s23+$0x10]  }
0x488: {  	v9 =	vmov s24;
	s24 =	sadd.s32 $0x1, s24  }
0x489: {  	_ = 	snop  }
0x48a: {  	v9 =	vmul.u32 $0x690, v9;
	_ =	sdelay $0x1  }
0x48b: {  	v9 =	vbroadcast v9, $0x0  }
0x48c: {  	s23 =	sadd.s32 $0x80, s23;
	[tilespmem:v8+s11+$0x0] =	vst.idx.msk $0xffff, v7  }
0x48d: {  	v7 =	vld [tilespmem:s23+$0xFFFFFFE0];
	v3 =	vadd.s32 v3, v9;
	_ =	sdelay $0x4  }
0x48e: {  	[tilespmem:v3+s11+$0x0] =	vst.idx.msk $0xffff, v7  }
0x48f: {  	v4 =	vadd.s32 v4, v9;
	v3 =	vld [tilespmem:s23+$0xFFFFFFF0];
	_ =	sdelay $0x4  }
0x490: {  	[tilespmem:v4+s11+$0x0] =	vst.idx.msk $0xffff, v3  }
0x491: {  	v4 =	vadd.s32 v5, v9;
	v3 =	vld [tilespmem:s23+$0x0];
	_ =	sdelay $0x4  }
0x492: {  	[tilespmem:v4+s11+$0x0] =	vst.idx.msk $0xffff, v3  }
0x493: {  	v4 =	vadd.s32 v6, v9;
	v3 =	vld [tilespmem:s23+$0x10];
	_ =	sdelay $0x3  }
0x494: {  	s24 =	simm.s32 $0x0  }
0x495: {  	[tilespmem:v4+s11+$0x0] =	vst.idx.msk $0xffff, v3;
	v3 =	vmov s24  }
0x496: {  	[tilespmem:s13], [sflag:$0x1] =	stream.indirect.gather [hbm4b:s0+s8], $0x80, s19, s8, $0xb8;
	v3 =	vmul.u32 $0x690, v3;
	[tilespmem:$0x1F440] =	vst v63  }
0x497: {  	_ =	swait.ge [sflag:s18], $0x2000  }
0x498: {  	[sflag:s18] =	ssyncset.done $0x0;
	v8 =	vbroadcast v3, $0x0  }
0x499: {  	s23 =	simm.s32 $0x1D460;
	v3 =	vadd.s32 $0x5CD, v0;
	[sflag:s18] =	ssyncadd.s32 $0xFFFFE000  }
0x49a: {  	v4 =	vld [tilespmem:s23+$0xFFFFFFE0];
	v5 =	vadd.s32 v3, v8;
	_ =	sdelay $0x4  }
0x49b: {  	[tilespmem:v5+s11+$0x0] =	vst.idx.msk $0xffff, v4;
	v4 =	vadd.s32 $0x5DD, v0  }
0x49c: {  	v5 =	vld [tilespmem:s23+$0xFFFFFFF0];
	v6 =	vadd.s32 v4, v8;
	_ =	sdelay $0x4  }
0x49d: {  	[tilespmem:v6+s11+$0x0] =	vst.idx.msk $0xffff, v5;
	v5 =	vadd.s32 $0x5ED, v0  }
0x49e: {  	v6 =	vld [tilespmem:s23+$0x0];
	v7 =	vadd.s32 v5, v8;
	_ =	sdelay $0x4  }
0x49f: {  	[tilespmem:v7+s11+$0x0] =	vst.idx.msk $0xffff, v6;
	v6 =	vadd.s32 $0x5FD, v0  }
0x4a0: {  	s24 =	simm.s32 $0x1;
	v7 =	vld [tilespmem:s23+$0x10];
	v8 =	vadd.s32 v6, v8  }
0x4a1: {  	v9 =	vmov s24;
	s24 =	simm.s32 $0x2  }
.LBB2_49:
0x4a2: {  	p0 =	sne.s32 s24, $0x3F;
	v9 =	vmul.u32 $0x690, v9;
	_ =	sdelay $0x1  }
0x4a3: {  	v9 =	vbroadcast v9, $0x0  }
0x4a4: {  	s23 =	sadd.s32 $0x80, s23;
	[tilespmem:v8+s11+$0x0] =	vst.idx.msk $0xffff, v7  }
0x4a5: {  	v7 =	vld [tilespmem:s23+$0xFFFFFFE0];
	v8 =	vadd.s32 v3, v9;
	_ =	sdelay $0x4  }
0x4a6: {  	[tilespmem:v8+s11+$0x0] =	vst.idx.msk $0xffff, v7  }
0x4a7: {  	v8 =	vadd.s32 v4, v9;
	v7 =	vld [tilespmem:s23+$0xFFFFFFF0];
	_ =	sdelay $0x4  }
0x4a8: {  	[tilespmem:v8+s11+$0x0] =	vst.idx.msk $0xffff, v7  }
0x4a9: {  	v8 =	vadd.s32 v5, v9;
	v7 =	vld [tilespmem:s23+$0x0];
	_ =	sdelay $0x2  }
.Ltmp23:
0x4aa: {  	(pc) =	sbr.rel @p0 .LBB2_49-.Ltmp23, $4  }
0x4ab: {  	_ = 	snop  }
0x4ac: {  	[tilespmem:v8+s11+$0x0] =	vst.idx.msk $0xffff, v7  }
0x4ad: {  	v8 =	vadd.s32 v6, v9;
	v7 =	vld [tilespmem:s23+$0x10]  }
0x4ae: {  	v9 =	vmov s24;
	s24 =	sadd.s32 $0x1, s24  }
0x4af: {  	_ = 	snop  }
0x4b0: {  	v9 =	vmul.u32 $0x690, v9;
	_ =	sdelay $0x1  }
0x4b1: {  	v9 =	vbroadcast v9, $0x0  }
0x4b2: {  	s23 =	sadd.s32 $0x80, s23;
	[tilespmem:v8+s11+$0x0] =	vst.idx.msk $0xffff, v7  }
0x4b3: {  	v7 =	vld [tilespmem:s23+$0xFFFFFFE0];
	v3 =	vadd.s32 v3, v9;
	_ =	sdelay $0x4  }
0x4b4: {  	[tilespmem:v3+s11+$0x0] =	vst.idx.msk $0xffff, v7  }
0x4b5: {  	v4 =	vadd.s32 v4, v9;
	v3 =	vld [tilespmem:s23+$0xFFFFFFF0];
	_ =	sdelay $0x4  }
0x4b6: {  	[tilespmem:v4+s11+$0x0] =	vst.idx.msk $0xffff, v3  }
0x4b7: {  	v4 =	vadd.s32 v5, v9;
	v3 =	vld [tilespmem:s23+$0x0];
	_ =	sdelay $0x4  }
0x4b8: {  	[tilespmem:v4+s11+$0x0] =	vst.idx.msk $0xffff, v3  }
0x4b9: {  	v4 =	vadd.s32 v6, v9;
	v3 =	vld [tilespmem:s23+$0x10];
	_ =	sdelay $0x3  }
0x4ba: {  	s24 =	simm.s32 $0x0  }
0x4bb: {  	[tilespmem:v4+s11+$0x0] =	vst.idx.msk $0xffff, v3;
	v3 =	vmov s24  }
0x4bc: {  	[tilespmem:s15], [sflag:$0x2] =	stream.indirect.gather [hbm4b:s0+s8], $0x80, s20, s8, $0xb8;
	v3 =	vmul.u32 $0x690, v3;
	[tilespmem:$0x1F440] =	vst v63  }
0x4bd: {  	_ =	swait.ge [sflag:s16], $0x2000  }
0x4be: {  	[sflag:s16] =	ssyncset.done $0x0;
	v8 =	vbroadcast v3, $0x0  }
0x4bf: {  	s23 =	simm.s32 $0x1B460;
	v3 =	vadd.s32 $0x60D, v0;
	[sflag:s16] =	ssyncadd.s32 $0xFFFFE000  }
0x4c0: {  	v4 =	vld [tilespmem:s23+$0xFFFFFFE0];
	v5 =	vadd.s32 v3, v8;
	_ =	sdelay $0x4  }
0x4c1: {  	[tilespmem:v5+s11+$0x0] =	vst.idx.msk $0xffff, v4;
	v4 =	vadd.s32 $0x61D, v0  }
0x4c2: {  	v5 =	vld [tilespmem:s23+$0xFFFFFFF0];
	v6 =	vadd.s32 v4, v8;
	_ =	sdelay $0x4  }
0x4c3: {  	[tilespmem:v6+s11+$0x0] =	vst.idx.msk $0xffff, v5;
	v5 =	vadd.s32 $0x62D, v0  }
0x4c4: {  	v6 =	vld [tilespmem:s23+$0x0];
	v7 =	vadd.s32 v5, v8;
	_ =	sdelay $0x4  }
0x4c5: {  	[tilespmem:v7+s11+$0x0] =	vst.idx.msk $0xffff, v6;
	v6 =	vadd.s32 $0x63D, v0  }
0x4c6: {  	s24 =	simm.s32 $0x1;
	v7 =	vld [tilespmem:s23+$0x10];
	v8 =	vadd.s32 v6, v8  }
0x4c7: {  	v9 =	vmov s24;
	s24 =	simm.s32 $0x2  }
.LBB2_51:
0x4c8: {  	p0 =	sne.s32 s24, $0x3F;
	v9 =	vmul.u32 $0x690, v9;
	_ =	sdelay $0x1  }
0x4c9: {  	v9 =	vbroadcast v9, $0x0  }
0x4ca: {  	s23 =	sadd.s32 $0x80, s23;
	[tilespmem:v8+s11+$0x0] =	vst.idx.msk $0xffff, v7  }
0x4cb: {  	v7 =	vld [tilespmem:s23+$0xFFFFFFE0];
	v8 =	vadd.s32 v3, v9;
	_ =	sdelay $0x4  }
0x4cc: {  	[tilespmem:v8+s11+$0x0] =	vst.idx.msk $0xffff, v7  }
0x4cd: {  	v8 =	vadd.s32 v4, v9;
	v7 =	vld [tilespmem:s23+$0xFFFFFFF0];
	_ =	sdelay $0x4  }
0x4ce: {  	[tilespmem:v8+s11+$0x0] =	vst.idx.msk $0xffff, v7  }
0x4cf: {  	v8 =	vadd.s32 v5, v9;
	v7 =	vld [tilespmem:s23+$0x0];
	_ =	sdelay $0x2  }
.Ltmp24:
0x4d0: {  	(pc) =	sbr.rel @p0 .LBB2_51-.Ltmp24, $4  }
0x4d1: {  	_ = 	snop  }
0x4d2: {  	[tilespmem:v8+s11+$0x0] =	vst.idx.msk $0xffff, v7  }
0x4d3: {  	v8 =	vadd.s32 v6, v9;
	v7 =	vld [tilespmem:s23+$0x10]  }
0x4d4: {  	v9 =	vmov s24;
	s24 =	sadd.s32 $0x1, s24  }
0x4d5: {  	_ = 	snop  }
0x4d6: {  	v9 =	vmul.u32 $0x690, v9;
	_ =	sdelay $0x1  }
0x4d7: {  	v9 =	vbroadcast v9, $0x0  }
0x4d8: {  	s23 =	sadd.s32 $0x80, s23;
	[tilespmem:v8+s11+$0x0] =	vst.idx.msk $0xffff, v7  }
0x4d9: {  	v7 =	vld [tilespmem:s23+$0xFFFFFFE0];
	v3 =	vadd.s32 v3, v9;
	_ =	sdelay $0x4  }
0x4da: {  	[tilespmem:v3+s11+$0x0] =	vst.idx.msk $0xffff, v7  }
0x4db: {  	v4 =	vadd.s32 v4, v9;
	v3 =	vld [tilespmem:s23+$0xFFFFFFF0];
	_ =	sdelay $0x4  }
0x4dc: {  	[tilespmem:v4+s11+$0x0] =	vst.idx.msk $0xffff, v3  }
0x4dd: {  	v4 =	vadd.s32 v5, v9;
	v3 =	vld [tilespmem:s23+$0x0];
	_ =	sdelay $0x4  }
0x4de: {  	[tilespmem:v4+s11+$0x0] =	vst.idx.msk $0xffff, v3  }
0x4df: {  	v4 =	vadd.s32 v6, v9;
	v3 =	vld [tilespmem:s23+$0x10];
	_ =	sdelay $0x2  }
0x4e0: {  	s24 =	simm.s32 $0x0  }
0x4e1: {  	v5 =	vmov s24  }
0x4e2: {  	[tilespmem:v4+s11+$0x0] =	vst.idx.msk $0xffff, v3;
	v3 =	vmul.u32 $0x690, v5  }
0x4e3: {  	_ =	swait.ge [sflag:s18], $0x2000  }
0x4e4: {  	[sflag:s18] =	ssyncset.done $0x0;
	v8 =	vbroadcast v3, $0x0  }
0x4e5: {  	s23 =	simm.s32 $0x1D460;
	v3 =	vadd.s32 $0x64D, v0;
	[sflag:s18] =	ssyncadd.s32 $0xFFFFE000  }
0x4e6: {  	v4 =	vld [tilespmem:s23+$0xFFFFFFE0];
	v5 =	vadd.s32 v3, v8;
	_ =	sdelay $0x4  }
0x4e7: {  	[tilespmem:v5+s11+$0x0] =	vst.idx.msk $0xffff, v4;
	v4 =	vadd.s32 $0x65D, v0  }
0x4e8: {  	v5 =	vld [tilespmem:s23+$0xFFFFFFF0];
	v6 =	vadd.s32 v4, v8;
	_ =	sdelay $0x4  }
0x4e9: {  	[tilespmem:v6+s11+$0x0] =	vst.idx.msk $0xffff, v5;
	v5 =	vadd.s32 $0x66D, v0  }
0x4ea: {  	v6 =	vld [tilespmem:s23+$0x0];
	v7 =	vadd.s32 v5, v8;
	_ =	sdelay $0x4  }
0x4eb: {  	[tilespmem:v7+s11+$0x0] =	vst.idx.msk $0xffff, v6;
	v6 =	vadd.s32 $0x67D, v0  }
0x4ec: {  	s24 =	simm.s32 $0x1;
	v7 =	vld [tilespmem:s23+$0x10];
	v8 =	vadd.s32 v6, v8  }
0x4ed: {  	v9 =	vmov s24;
	s24 =	simm.s32 $0x2  }
.LBB2_53:
0x4ee: {  	p0 =	sne.s32 s24, $0x3F;
	v9 =	vmul.u32 $0x690, v9;
	_ =	sdelay $0x1  }
0x4ef: {  	v9 =	vbroadcast v9, $0x0  }
0x4f0: {  	s23 =	sadd.s32 $0x80, s23;
	[tilespmem:v8+s11+$0x0] =	vst.idx.msk $0xffff, v7  }
0x4f1: {  	v7 =	vld [tilespmem:s23+$0xFFFFFFE0];
	v8 =	vadd.s32 v3, v9;
	_ =	sdelay $0x4  }
0x4f2: {  	[tilespmem:v8+s11+$0x0] =	vst.idx.msk $0xffff, v7  }
0x4f3: {  	v8 =	vadd.s32 v4, v9;
	v7 =	vld [tilespmem:s23+$0xFFFFFFF0];
	_ =	sdelay $0x4  }
0x4f4: {  	[tilespmem:v8+s11+$0x0] =	vst.idx.msk $0xffff, v7  }
0x4f5: {  	v8 =	vadd.s32 v5, v9;
	v7 =	vld [tilespmem:s23+$0x0];
	_ =	sdelay $0x2  }
.Ltmp25:
0x4f6: {  	(pc) =	sbr.rel @p0 .LBB2_53-.Ltmp25, $4  }
0x4f7: {  	_ = 	snop  }
0x4f8: {  	[tilespmem:v8+s11+$0x0] =	vst.idx.msk $0xffff, v7  }
0x4f9: {  	v8 =	vadd.s32 v6, v9;
	v7 =	vld [tilespmem:s23+$0x10]  }
0x4fa: {  	v9 =	vmov s24;
	s24 =	sadd.s32 $0x1, s24  }
0x4fb: {  	_ = 	snop  }
0x4fc: {  	v9 =	vmul.u32 $0x690, v9;
	_ =	sdelay $0x1  }
0x4fd: {  	v9 =	vbroadcast v9, $0x0  }
0x4fe: {  	s23 =	sadd.s32 $0x80, s23;
	[tilespmem:v8+s11+$0x0] =	vst.idx.msk $0xffff, v7  }
0x4ff: {  	v7 =	vld [tilespmem:s23+$0xFFFFFFE0];
	v3 =	vadd.s32 v3, v9;
	_ =	sdelay $0x4  }
0x500: {  	[tilespmem:v3+s11+$0x0] =	vst.idx.msk $0xffff, v7  }
0x501: {  	v4 =	vadd.s32 v4, v9;
	v3 =	vld [tilespmem:s23+$0xFFFFFFF0];
	_ =	sdelay $0x4  }
0x502: {  	[tilespmem:v4+s11+$0x0] =	vst.idx.msk $0xffff, v3  }
0x503: {  	v4 =	vadd.s32 v5, v9;
	v3 =	vld [tilespmem:s23+$0x0];
	_ =	sdelay $0x4  }
0x504: {  	[tilespmem:v4+s11+$0x0] =	vst.idx.msk $0xffff, v3  }
0x505: {  	v4 =	vadd.s32 v6, v9;
	v3 =	vld [tilespmem:s23+$0x10];
	_ =	sdelay $0x2  }
0x506: {  	s22 =	smul.u32 $0xD2, s22;
	s21 =	sadd.s32 $0x1, s21  }
0x507: {  	s24 =	rddreg [dreg:$0x2];
	p0 =	sne.s32 s21, $0x8  }
.Ltmp26:
0x508: {  	s22 =	sadd.s32 s24, s22;
	s24 =	simm.s32 $0x0;
	[tilespmem:v4+s11+$0x0] =	vst.idx.msk $0xffff, v3;
	(pc) =	sbr.rel @p0 .LBB2_2-.Ltmp26, $4  }
0x509: {  	[hbm4b:s22+s24] =	stream.linear.scatter [tilespmem:s11], [sflag:$0x3], $0x1A400, $0x38;
	[tilespmem:$0x1F440] =	vst v63  }
0x50a: {  	_ =	swait.ge [sflag:s10], $0x1A400  }
0x50b: {  	[sflag:s10] =	ssyncset.done $0x0  }
0x50c: {  	[sflag:s10] =	ssyncadd.s32 $0xFFFE5C00  }
0x50d: {  	s22 =	rddreg [dreg:$0x5]  }
0x50e: {  	s21 =	rddreg [dreg:$0x4];
	s22 =	sadd.s32 $0x1, s22  }
0x50f: {  	p0 =	sne.s32 s22, s21  }
.Ltmp27:
0x510: {  	_ = 	snop;
	(pc) =	sbr.rel @p0 .LBB2_1-.Ltmp27, $1  }
0x511: {  	_ =	sdelay $0x3  }
0x512: {  	_ =	sfence.sel $0x180000  }
0x513: {  	[bflag:$0x0] =	sbarrier.arrive $0xFFFF  }
0x514: {  	_ =	strace $0x90000047  }
0x515: {  	s0 =	stileid.u32;
	[bflag:$0x2] =	sbarrier.arrive $0xFFFF  }
0x516: {  	p0 =	sne.s32 s0, $0x0;
	s0 =	rddreg [dreg:$0x3]  }
0x517: {  	s0 =	sadd.s32 @!p0 $0x100000, s0  }
0x518: {  	[sflag:s0] =	ssyncadd.tile.s32 @!p0 $0x1;
	_ =	shalt  }
.Lfunc_end2:
_tile_overlayer_lowered:
.L_overlay_start_2:
0x519: {  	(tag) =	ssettag $0x2  }
0x51a: {  	s0 =	rddreg [dreg:$0x0];
	s2 =	stileid.u32  }
0x51b: {  	s1 =	rddreg [dreg:$0x1];
	p0 =	sne.s32 s2, $0x0  }
0x51c: {  	s3 =	rddreg [dreg:$0x2];
	[bflag:$0x3] =	sbarrier.arrive $0xFFFF;
	s2 =	simm.s32 @!p0 $0x1C03  }
0x51d: {  	[timem:s3], [sflag:s2] =	dma.local @!p0 [hbm:s0], s1  }
0x51e: {  	s0 =	simm.s32 @!p0 $0x3  }
0x51f: {  	_ =	swait.ge @!p0 [sflag:s0], s1  }
0x520: {  	s1 =	ssub.s32 @!p0 $0x0, s1;
	[sflag:s0] =	ssyncset.done @!p0 $0x0  }
0x521: {  	[sflag:s0] =	ssyncadd.s32 @!p0 s1  }
0x522: {  	[bflag:$0x3] =	sbarrier.arrive $0xFFFF  }
0x523: {  	_ =	shalt  }

// kernel: sparse-core-data-format-call.cloned.1.call-start
scs
called_computation_lowered:
.L_overlay_start_0:
0x0: {  	s2 =	sld [smem:$0x3FD9]  }
0x1: {  	s3 =	sld [smem:$0x3FFE];
	_ =	sdelay $0x1  }
0x2: {  	s1 =	srdreg.scid  }
0x3: {  	s0 =	sand.u32 $0x1, s1  }
0x4: {  	s18 =	sshll.u32 s0, $0xA;
	s2 =	sadd.s32 s3, s2  }
0x5: {  	s2 =	sadd.s32 s2, s18  }
0x6: {  	[smem:$0x3FC6] =	sst s2  }
0x7: {  	_ = 	snop  }
0x8: {  	s2 =	sld [smem:$0x3FD0];
	(tm) =	ssettm $0x1  }
0x9: {  	s19 =	sld [smem:$0x3FFB];
	_ =	sdelay $0x3  }
0xa: {  	_ =	strace s19  }
0xb: {  	s3 =	sld [smem:$0x3FFC];
	_ =	sdelay $0x3  }
0xc: {  	_ =	strace s3  }
0xd: {  	s3 =	sld [smem:$0x3FFD];
	_ =	sdelay $0x3  }
0xe: {  	_ =	strace s3  }
0xf: {  	_ =	strace $0x8FFFFFFF  }
0x10: {  	s20 =	sld [smem:$0x3FDB];
	_ =	sdelay $0x1  }
0x11: {  	s4 =	simm.s32 $_scs_section_size  }
0x12: {  	s5 =	simm.s32 $_size__tile_overlayer_lowered;
	s6 =	simm.s32 $_tile_overlayer_lowered  }
0x13: {  	s23 =	simm.s32 $0x1BFF;
	s22 =	sshll.u32 s6, $0x1;
	s3 =	sadd.s32 s4, s20  }
0x14: {  	s7 =	simm.s32 $0x0;
	s21 =	sshll.u32 s5, $0x1;
	s5 =	sadd.s32 s22, s3  }
0x15: {  	[timem:s7], [sflag:s23] =	dma.local [hbm:s5], s21  }
0x16: {  	_ =	swait.ge [sflag:s23], s21  }
0x17: {  	s4 =	ssub.s32 $0x0, s21;
	[sflag:s23] =	ssyncset.done $0x0  }
0x18: {  	[sflag:s23] =	ssyncadd.s32 s4;
	_ =	sdelay $0x1  }
0x19: {  	s24 =	simm.s32 $0x1B8B  }
0x1a: {  	_ =	swait.ge [sflag:s24], $0x1  }
0x1b: {  	[sflag:s24] =	ssyncset.done $0x0  }
0x1c: {  	s26 =	simm.s32 $0x1B8E;
	s25 =	sld [smem:$0x3FFE];
	[sflag:s24] =	ssyncadd.s32 $0xFFFFFFFF  }
0x1d: {  	s27 =	simm.s32 $execute0_lowered;
	[smem:$0x3FD2] =	sst s26  }
0x1e: {  	s5 =	sshll.u32 s27, $0x1;
	_ =	strace $0x80000049;
	[dreg:$0x1] =	wrdreg $0xFFFFFFFF  }
0x1f: {  	s28 =	simm.s32 $_size_execute0_lowered;
	s3 =	sadd.s32 s3, s5;
	[dreg:$0x0] =	wrdreg $0x0  }
0x20: {  	s5 =	sshll.u32 s28, $0x1;
	[dreg:$0x2] =	wrdreg s3  }
0x21: {  	[dreg:$0x3] =	wrdreg s5  }
0x22: {  	[dreg:$0x4] =	wrdreg $0xC0  }
0x23: {  	_ =	task [dreg:s7], $0x5FFFF  }
0x24: {  	[dreg:$0x1] =	wrdreg $0xFFFFFFFF  }
0x25: {  	[dreg:$0x0] =	wrdreg $0x60  }
0x26: {  	[dreg:$0x2] =	wrdreg s25  }
0x27: {  	[dreg:$0x3] =	wrdreg s2  }
0x28: {  	[dreg:$0x4] =	wrdreg $0x9  }
0x29: {  	_ =	task.clear_ibuf [dreg:s7], $0x5FFFF;
	_ =	strace $0x90000049  }
0x2a: {  	s29 =	simm.s32 $0x9;
	_ =	strace $0x8000004B  }
0x2b: {  	_ =	swait.ge [sflag:s29], $0x1  }
0x2c: {  	[sflag:s29] =	ssyncadd.s32 $0xFFFFFFFF  }
0x2d: {  	_ =	strace $0x9000004B  }
0x2e: {  	_ =	sfence  }
0x2f: {  	s30 =	sld [smem:$0x0];
	_ =	sdelay $0x2  }
0x30: {  	s31 =	sshll.u32 s1, $0xD;
	s1 =	sshrl.u32 s1, $0x2  }
0x31: {  	s3 =	sand.u32 $0x4000, s31;
	s1 =	sadd.s32 s1, s30  }
0x32: {  	s0 =	sor.u32 s3, s0;
	s1 =	sshll.u32 s1, $0x11  }
0x33: {  	s0 =	sor.u32 s1, s0  }
0x34: {  	s0 =	sadd.s32 $0x8F2B, s0  }
0x35: {  	[sflag:s0] =	ssyncadd.remote.s32 $0x1  }
0x36: {  	_ =	sfence.sel $0xFFFF  }
0x37: {  	[dreg:$0x0] =	wrdreg $0xFFFFFFFF;
	(pc) =	sbr.abs _section_cstart, $3  }
0x38: {  	[dreg:$0x1] =	wrdreg $0xFFFFFFFF  }
0x39: {  	_ =	task.clear_ibuf [dreg:s7], $0x2FFFF;
	_ =	strace $0x9FFFFFFF  }
0x3a: {  	(tm) =	ssettm $0x7FFFFFFF  }
0x3b: {  	_ =	shalt  }
tec
execute0_lowered:
.L_overlay_start_1:
0x0: {  	(tag) =	ssettag $0x1  }
0x1: {  	s0 =	srdreg.scid  }
0x2: {  	s1 =	sshll.u32 s0, $0x4  }
0x3: {  	s6 =	rddreg [dreg:$0x0];
	s0 =	stileid.u32;
	s1 =	sand.u32 $0x10, s1  }
0x4: {  	s3 =	rddreg [dreg:$0x1];
	s1 =	sor.u32 s0, s1  }
0x5: {  	s5 =	simm.s32 $0x1;
	s31 =	simm.s32 $0x2;
	s2 =	sshll.u32 s1, $0x7  }
0x6: {  	s15 =	simm.s32 $0x0;
	s8 =	simm.s32 $0x20000;
	s4 =	ssub.s32 $0x4000, s2  }
0x7: {  	s14 =	simm.s32 $0x0;
	s9 =	simm.s32 $0x0;
	s30 =	sand.u32 $0xF80, s4  }
0x8: {  	s10 =	simm.s32 $0x0;
	s11 =	simm.s32 $0x0;
	p0 =	sne.s32 s30, $0x0  }
.Ltmp0:
0x9: {  	s7 =	sshrl.u32 s4, $0xC;
	s5 =	simm.s32 @!p0 $0x0;
	(pc) =	sbr.rel .LBB1_1-.Ltmp0, $4  }
0xa: {  	s13 =	simm.s32 $0x0;
	s1 =	rddreg [dreg:$0x2];
	s5 =	sadd.s32 s5, s7  }
0xb: {  	_ =	strace $0x8000004A;
	s4 =	simm.s32 $0x1;
	s5 =	smul.u32 $0xE, s5  }
0xc: {  	s6 =	sadd.s32 $0x800, s6;
	s12 =	smov.u32 s2;
	[sflag:s4] =	ssyncpa.u1 $0x0  }
0xd: {  	[sflag:s31] =	ssyncpa.u1 $0x0;
	p0 =	por $0x0, $0x0;
	s7 =	sor.u32 $0x1, s5  }
.LBB1_4:
0xe: {  	s20 =	sshra.s32 s20, $0x2  }
0xf: {  	s28 =	sand.u32 $0x78, s10;
	s21 =	sshll.u32 s9, $0xE;
	s22 =	sshll.u32 s10, $0x3  }
0x10: {  	s24 =	sshll.u32 s9, $0x7;
	p1 =	sgt.s32 s9, $0x610;
	s30 =	sshra.s32 s9, $0x1F  }
0x11: {  	s26 =	sshra.s32 s10, $0x1F;
	s19 =	sadd.s32 s20, s19;
	s21 =	sand.u32 $0xFFFE0000, s21  }
0x12: {  	v5 =	vld [tilespmem:s17+$0xFFFFFFD0];
	[tilespmem:s18+$0x2040 ss:$0x81] =	vst.msk $0xffff, v4;
	s23 =	sand.u32 $0xFFFFFC00, s22;
	s29 =	sand.u32 $0x380, s24;
	s22 =	sand.u32 $0x3C00, s22  }
0x13: {  	v58 =	vld [tilespmem:s17+$0xFFFFFFE0];
	[tilespmem:s18+$0x2850 ss:$0x81] =	vst.msk $0xffff, v3;
	s21 =	sadd.s32 s23, s21;
	s20 =	sor.u32 s28, s22;
	s22 =	smov.u32 s9  }
0x14: {  	v59 =	vld [tilespmem:s17+$0xFFFFFFF0];
	[tilespmem:s18+$0x3060 ss:$0x81] =	vst.msk $0xffff, v2;
	s24 =	sand.u32 s30, s9;
	s21 =	sshrl.u32 s21, $0xE;
	s22 =	simm.s32 @!p1 $0x610  }
0x15: {  	v60 =	vld [tilespmem:s17+$0x0];
	[tilespmem:s18+$0x0 ss:$0x81] =	vst.msk $0xffff, v1;
	p1 =	sgt.s32 s10, $0x3F80;
	s31 =	ssub.s32 s22, s24;
	s22 =	smov.u32 s10  }
0x16: {  	v61 =	vld [tilespmem:s17+$0x10];
	[tilespmem:s19+$0x3870 ss:$0x81] =	vst.msk $0xffff, v0;
	s25 =	smulhi.u32 $0x270271, s21;
	s24 =	sand.u32 s26, s10;
	s22 =	simm.s32 @!p1 $0x3F80  }
0x17: {  	v62 =	vld [tilespmem:s17+$0x20];
	s20 =	sor.u32 s29, s20;
	[tilespmem:s19+$0x810 ss:$0x81] =	vst.msk $0xffff, v5;
	s27 =	sadd.s32 $0xFFFFF9F0, s31;
	s22 =	ssub.s32 s22, s24  }
0x18: {  	v63 =	vld [tilespmem:s17+$0xFFFFFFC0];
	[tilespmem:s19+$0x1020 ss:$0x81] =	vst.msk $0xffff, v58;
	s18 =	ssub.s32 $0x690, s31;
	s28 =	smul.u32 $0x690, s25;
	s29 =	sadd.s32 $0xFFFFC080, s22  }
0x19: {  	[tilespmem:s19+$0x1830 ss:$0x81] =	vst.msk $0xffff, v59;
	p1 =	sgt.s32 s27, $0x7F;
	s22 =	ssub.s32 $0x4000, s22;
	p2 =	sgt.s32 s29, $0x7F  }
0x1a: {  	s30 =	sand.u32 $0x7, s10;
	[tilespmem:s19+$0x2040 ss:$0x81] =	vst.msk $0xffff, v60;
	s18 =	simm.s32 @p1 $0x0;
	s22 =	simm.s32 @p2 $0x0  }
0x1b: {  	s20 =	sshrl.u32 s20, $0x3;
	[tilespmem:s19+$0x2850 ss:$0x81] =	vst.msk $0xffff, v61;
	s17 =	ssub.s32 s21, s28;
	s18 =	smul.u32 s22, s18  }
0x1c: {  	[tilespmem:s19+$0x3060 ss:$0x81] =	vst.msk $0xffff, v62;
	s20 =	sadd.s32 s3, s20;
	s21 =	sshll.u32 s30, $0x12;
	s17 =	sshll.u32 s17, $0xB  }
0x1d: {  	[tilespmem:s19+$0x0 ss:$0x81] =	vst.msk $0xffff, v63;
	s31 =	sor.u32 $0x400, s21;
	s17 =	sadd.s32 s17, s20;
	s18 =	sand.u32 $0x3FFFFFFF, s18  }
0x1e: {  	[hbm4b:s17+s31] =	stream.strided.scatter [tilespmem:s16], [sflag:$0x2], s18, s8, s31, $0x20;
	[tilespmem:$0x10100] =	vst v63  }
.LBB1_5:
0x1f: {  	p1 =	slt.u32 s13, $0x2  }
0x20: {  	s17 =	smov.u32 s15;
	p2 =	sgt.s32 @!p1 s15, $0x610;
	s16 =	sshra.s32 @!p1 s15, $0x1F  }
0x21: {  	p3 =	sgt.s32 @!p1 s14, $0x3F80;
	s18 =	sshra.s32 @!p1 s14, $0x1F;
	p2 =	por !p2, p1  }
0x22: {  	s15 =	sand.u32 @!p1 s16, s15;
	p3 =	por !p3, p1;
	s16 =	smov.u32 s14  }
0x23: {  	s14 =	sand.u32 @!p1 s18, s14;
	s17 =	simm.s32 @p2 $0x610;
	s16 =	simm.s32 @p3 $0x3F80  }
0x24: {  	s15 =	ssub.s32 @!p1 s17, s15;
	s14 =	ssub.s32 @!p1 s16, s14  }
0x25: {  	s18 =	smov.u32 s12;
	s16 =	sadd.s32 @!p1 $0xFFFFF9F0, s15;
	s17 =	sadd.s32 @!p1 $0xFFFFC080, s14  }
0x26: {  	s15 =	ssub.s32 @!p1 $0x690, s15;
	p2 =	sgt.s32 @!p1 s16, $0x7F;
	p3 =	sgt.s32 @!p1 s17, $0x7F  }
0x27: {  	s14 =	ssub.s32 @!p1 $0x4000, s14;
	p2 =	por !p2, p1;
	p3 =	por !p3, p1  }
0x28: {  	s16 =	sadd.s32 $0x80, s11;
	s15 =	simm.s32 @!p2 $0x0;
	s14 =	simm.s32 @!p3 $0x0  }
0x29: {  	p2 =	sgt.s32 s16, $0x68C;
	s14 =	smul.u32 @!p1 s14, s15;
	s15 =	sadd.s32 $0x1000, s12  }
0x2a: {  	s18 =	smov.u32 @p2 s15  }
0x2b: {  	s16 =	simm.s32 @p2 $0x0;
	p2 =	sgt.s32 s18, $0x3FFF  }
0x2c: {  	s18 =	smov.u32 @p2 s2;
	p2 =	sne.s32 s13, s7  }
.Ltmp1:
0x2d: {  	p0 =	por !p0, !p0;
	s17 =	simm.s32 @!p1 $0x2;
	(pc) =	sbr.rel @!p2 .LBB1_6-.Ltmp1, $4  }
0x2e: {  	s15 =	smov.u32 s9;
	s9 =	smov.u32 s11;
	s14 =	sand.u32 @!p1 $0x3FFFFFFF, s14  }
0x2f: {  	s11 =	smov.u32 s16;
	_ =	swait.ge @!p1 [sflag:s17], s14;
	s19 =	ssub.s32 @!p1 $0x0, s14  }
0x30: {  	s14 =	smov.u32 s10;
	s13 =	sadd.s32 $0x1, s13;
	[sflag:s17] =	ssyncset.done @!p1 $0x0  }
0x31: {  	s10 =	smov.u32 s12;
	s12 =	smov.u32 s18;
	[sflag:s17] =	ssyncadd.s32 @!p1 s19  }
.LBB1_1:
0x32: {  	p1 =	sge.u32 s13, s5  }
0x33: {  	s16 =	sshrl.u32 @!p1 s12, $0x3  }
0x34: {  	s17 =	sshll.u32 @!p1 s11, $0x3;
	s16 =	smul.u32 @!p1 $0x3800, s16  }
0x35: {  	s18 =	sshll.u32 @!p1 s12, $0x7;
	s17 =	sand.u32 @!p1 $0xFFFFFC00, s17  }
0x36: {  	s16 =	sadd.s32 @!p1 s16, s17;
	s17 =	sand.u32 @!p1 $0x380, s18  }
0x37: {  	s16 =	sor.u32 @!p1 s17, s16  }
0x38: {  	s17 =	sshrl.u32 @!p1 s16, $0x8  }
0x39: {  	s17 =	smulhi.u32 @!p1 $0x24924925, s17;
	_ =	sdelay $0x1  }
0x3a: {  	s18 =	sand.u32 @!p1 $0x7F, s11;
	s19 =	smul.u32 @!p1 $0x700, s17  }
0x3b: {  	s31 =	sadd.s32 $0xFFFFFFFF, s13;
	s16 =	sor.u32 @!p1 s18, s16;
	s18 =	sxor.u32 @!p1 $0xFFFFFFFF, s13  }
0x3c: {  	s18 =	sshll.u32 @!p1 s18, $0xE;
	s17 =	sand.u32 @!p1 $0x3FFF, s17;
	s16 =	ssub.s32 @!p1 s16, s19  }
0x3d: {  	s17 =	smul.u32 @!p1 $0xE0, s17;
	s19 =	sshrl.u32 @!p1 s16, $0x3;
	s16 =	sand.u32 @!p1 $0x7, s16  }
0x3e: {  	s18 =	sand.u32 @!p1 $0x4000, s18;
	s19 =	sadd.s32 @!p1 s6, s19;
	s16 =	sshll.u32 @!p1 s16, $0x12  }
0x3f: {  	s17 =	sadd.s32 @!p1 s17, s19;
	s16 =	sor.u32 @!p1 $0x400, s16;
	s19 =	simm.s32 @!p1 $0x3800  }
0x40: {  	[tilespmem:s18], [sflag:$0x1] =	stream.strided.gather @!p1 [hbm4b:s17+s16], $0x4000, s19, s16, $0x38;
	[tilespmem:$0x10100] =	vst v63  }
0x41: {  	p1 =	sge.u32 s31, s5  }
.Ltmp2:
0x42: {  	_ = 	snop;
	(pc) =	sbr.rel @p1 .LBB1_5-.Ltmp2, $1  }
0x43: {  	_ =	sdelay $0x3  }
0x44: {  	s16 =	simm.s32 $0x1  }
0x45: {  	_ =	swait.ge [sflag:s4], $0x4000;
	s16 =	simm.s32 @!p0 $0x0  }
0x46: {  	[sflag:s4] =	ssyncset.done $0x0;
	s17 =	sshll.u32 s16, $0xE  }
0x47: {  	[sflag:s4] =	ssyncadd.s32 $0xFFFFC000;
	s17 =	sor.u32 $0x40, s17  }
0x48: {  	s16 =	smul.u32 $0x10200, s16;
	v0 =	vld [tilespmem:s17+$0x30]  }
0x49: {  	v1 =	vld [tilespmem:s17+$0xFFFFFFD0]  }
0x4a: {  	s16 =	sshrl.u32 s16, $0x2;
	v5 =	vld [tilespmem:s17+$0xFFFFFFE0]  }
0x4b: {  	v6 =	vld [tilespmem:s17+$0xFFFFFFF0];
	s19 =	sor.u32 $0x8000, s16  }
0x4c: {  	s31 =	sand.u32 $0x1, s13;
	v4 =	vld [tilespmem:s17+$0x0];
	s18 =	sadd.s32 $0x0, s19  }
0x4d: {  	v3 =	vld [tilespmem:s17+$0x10];
	s16 =	smul.u32 $0x10200, s31;
	[tilespmem:s18+$0x3870 ss:$0x81] =	vst.msk $0xffff, v0  }
0x4e: {  	v2 =	vld [tilespmem:s17+$0x20];
	[tilespmem:s18+$0x810 ss:$0x81] =	vst.msk $0xffff, v1  }
0x4f: {  	s16 =	sshrl.u32 s16, $0x2;
	v1 =	vld [tilespmem:s17+$0xFFFFFFC0];
	[tilespmem:s18+$0x1020 ss:$0x81] =	vst.msk $0xffff, v5;
	s17 =	sadd.s32 $0x80, s17  }
0x50: {  	s20 =	simm.s32 $0x4;
	s21 =	simm.s32 $0x8;
	s16 =	sor.u32 $0x8000, s16;
	[tilespmem:s18+$0x1830 ss:$0x81] =	vst.msk $0xffff, v6;
	v0 =	vld [tilespmem:s17+$0x30]  }
.LBB1_3:
0x51: {  	p1 =	sne.s32 s21, $0x1FC;
	v5 =	vld [tilespmem:s17+$0xFFFFFFD0];
	[tilespmem:s18+$0x2040 ss:$0x81] =	vst.msk $0xffff, v4  }
0x52: {  	v6 =	vld [tilespmem:s17+$0xFFFFFFE0];
	[tilespmem:s18+$0x2850 ss:$0x81] =	vst.msk $0xffff, v3  }
0x53: {  	s22 =	sshra.s32 s20, $0x2;
	s20 =	smov.u32 s21;
	v7 =	vld [tilespmem:s17+$0xFFFFFFF0];
	[tilespmem:s18+$0x3060 ss:$0x81] =	vst.msk $0xffff, v2  }
.Ltmp3:
0x54: {  	v4 =	vld [tilespmem:s17+$0x0];
	[tilespmem:s18+$0x0 ss:$0x81] =	vst.msk $0xffff, v1;
	s18 =	sadd.s32 s22, s19;
	(pc) =	sbr.rel @p1 .LBB1_3-.Ltmp3, $4  }
0x55: {  	v3 =	vld [tilespmem:s17+$0x10];
	[tilespmem:s18+$0x3870 ss:$0x81] =	vst.msk $0xffff, v0  }
0x56: {  	[tilespmem:s18+$0x810 ss:$0x81] =	vst.msk $0xffff, v5;
	v2 =	vld [tilespmem:s17+$0x20]  }
0x57: {  	v1 =	vld [tilespmem:s17+$0xFFFFFFC0];
	[tilespmem:s18+$0x1020 ss:$0x81] =	vst.msk $0xffff, v6;
	s17 =	sadd.s32 $0x80, s17  }
0x58: {  	s21 =	sadd.s32 $0x4, s21;
	v0 =	vld [tilespmem:s17+$0x30];
	[tilespmem:s18+$0x1830 ss:$0x81] =	vst.msk $0xffff, v7  }
.Ltmp4:
0x59: {  	_ = 	snop;
	(pc) =	sbr.rel .LBB1_4-.Ltmp4, $1  }
0x5a: {  	_ =	sdelay $0x3  }
.LBB1_6:
0x5b: {  	_ =	sfence.sel $0x180000  }
0x5c: {  	s2 =	simm.s32 $0x1;
	[bflag:$0x0] =	sbarrier.arrive $0xFFFF  }
0x5d: {  	s31 =	simm.s32 $0x2;
	[sflag:s2] =	ssyncpa.u1 $0x1  }
0x5e: {  	[sflag:s31] =	ssyncpa.u1 $0x1  }
0x5f: {  	p0 =	sne.s32 s0, $0x0;
	_ =	strace $0x9000004A  }
0x60: {  	s0 =	sadd.s32 @!p0 $0x100000, s1;
	[bflag:$0x2] =	sbarrier.arrive $0xFFFF  }
0x61: {  	[sflag:s0] =	ssyncadd.tile.s32 @!p0 $0x1;
	_ =	shalt  }
.Lfunc_end1:
_tile_overlayer_lowered:
.L_overlay_start_2:
0x62: {  	(tag) =	ssettag $0x2  }
0x63: {  	s0 =	rddreg [dreg:$0x0];
	s2 =	stileid.u32  }
0x64: {  	s1 =	rddreg [dreg:$0x1];
	p0 =	sne.s32 s2, $0x0  }
0x65: {  	s3 =	rddreg [dreg:$0x2];
	[bflag:$0x3] =	sbarrier.arrive $0xFFFF;
	s2 =	simm.s32 @!p0 $0x1C01  }
0x66: {  	[timem:s3], [sflag:s2] =	dma.local @!p0 [hbm:s0], s1  }
0x67: {  	s0 =	simm.s32 @!p0 $0x1  }
0x68: {  	_ =	swait.ge @!p0 [sflag:s0], s1  }
0x69: {  	s1 =	ssub.s32 @!p0 $0x0, s1;
	[sflag:s0] =	ssyncset.done @!p0 $0x0  }
0x6a: {  	[sflag:s0] =	ssyncadd.s32 @!p0 s1  }
0x6b: {  	[bflag:$0x3] =	sbarrier.arrive $0xFFFF  }
0x6c: {  	_ =	shalt  }

</sc_bundles>
